<compile_context>
chip_gen: v7x
topology: tpu7x:2x2x1
jax: 0.10.2.dev20260603
libtpu: 0.0.44.dev20260713+nightly
codegen_flags: <defaults>
</compile_context>

<pallas_src>
import jax
import jax.numpy as jnp
from jax import lax
from jax.experimental import pallas as pl
from jax.experimental.pallas import tpu as pltpu
from jax.experimental.pallas import tpu_sc as plsc

B = 1024
H = 50
HP = 56
EMB = 64
NV = 100000
NC = 2
NS = 16
NW = NC * NS
BPW = B // NW
HALF = BPW // 2
GRP = 8
_sc_params = pltpu.CompilerParams(use_tc_tiling_on_sc=False)


def _sc_body(uid_hbm, iid_hbm, hii_hbm, hiv_hbm, hui_hbm, huv_hbm,
             wu_hbm, wi_hbm,
             ids_u_out, vals_u_out, rows_u_out,
             ids_i_out, vals_i_out, rows_i_out,
             bidx_v, ids_v, vals_v, rows_v, sem):
  wid = lax.axis_index("s") * NC + lax.axis_index("c")
  base = wid * BPW

  def one_side(id_src, hid_hbm, hval_hbm, w_hbm, ids_out, vals_out, rows_out):
    pltpu.sync_copy(id_src.at[pl.ds(base, BPW)], bidx_v)
    pltpu.async_copy(hid_hbm.at[bidx_v], ids_v, sem).wait()
    pltpu.async_copy(hval_hbm.at[bidx_v], vals_v, sem).wait()
    pltpu.sync_copy(ids_v, ids_out.at[pl.ds(base, BPW)])
    pltpu.sync_copy(vals_v, vals_out.at[pl.ds(base, BPW)])
    for half in range(2):
      for g in range(HALF // GRP):
        k0 = half * HALF + g * GRP
        cps = [pltpu.async_copy(
            w_hbm.at[ids_v.at[k0 + j]],
            rows_v.at[g * GRP + j], sem)
            for j in range(GRP)]
        for cp in cps:
          cp.wait()
      pltpu.sync_copy(rows_v,
                      rows_out.at[pl.ds(base + half * HALF, HALF)])

  one_side(uid_hbm, hii_hbm, hiv_hbm, wu_hbm, ids_u_out, vals_u_out,
           rows_u_out)
  one_side(iid_hbm, hui_hbm, huv_hbm, wi_hbm, ids_i_out, vals_i_out,
           rows_i_out)


def _sc_gather(user_ids, item_ids, hii, hiv, hui, huv, wu, wi):
  mesh = plsc.VectorSubcoreMesh(core_axis_name="c", subcore_axis_name="s")
  out_type = (
      jax.ShapeDtypeStruct((B, HP), jnp.int32),
      jax.ShapeDtypeStruct((B, HP), jnp.float32),
      jax.ShapeDtypeStruct((B, HP, EMB), jnp.float32),
      jax.ShapeDtypeStruct((B, HP), jnp.int32),
      jax.ShapeDtypeStruct((B, HP), jnp.float32),
      jax.ShapeDtypeStruct((B, HP, EMB), jnp.float32),
  )
  scratch = [
      pltpu.VMEM((BPW,), jnp.int32),
      pltpu.VMEM((BPW, HP), jnp.int32),
      pltpu.VMEM((BPW, HP), jnp.float32),
      pltpu.VMEM((HALF, HP, EMB), jnp.float32),
      pltpu.SemaphoreType.DMA,
  ]
  fn = pl.kernel(_sc_body, out_type=out_type, mesh=mesh,
                 scratch_types=scratch, compiler_params=_sc_params)
  return fn(user_ids, item_ids, hii, hiv, hui, huv, wu, wi)


BB = 128


def _tc_body(ids_u_ref, vals_u_ref, rows_u_ref, ids_i_ref, vals_i_ref,
             rows_i_ref, wufc_ref, bufc_ref, wifc_ref, bifc_ref, out_ref):
  def side_emb(ids, vals, rows):
    dup = jnp.zeros(ids.shape, jnp.bool_)
    col = lax.broadcasted_iota(jnp.int32, ids.shape, 1)
    for hp in range(1, H):
      dup = dup | ((ids == ids[:, hp:hp + 1]) & (col < hp))
    veff = jnp.where(dup, 0.0, vals)
    return jnp.sum(veff[:, :, None] * rows, axis=1)

  emb_u = side_emb(ids_u_ref[...], vals_u_ref[...], rows_u_ref[...])
  emb_i = side_emb(ids_i_ref[...], vals_i_ref[...], rows_i_ref[...])
  user = jnp.dot(emb_u, wufc_ref[...],
                 preferred_element_type=jnp.float32) + bufc_ref[...]
  item = jnp.dot(emb_i, wifc_ref[...],
                 preferred_element_type=jnp.float32) + bifc_ref[...]
  s = jnp.sum(user * item, axis=1)
  out_ref[0, :] = jax.nn.sigmoid(s)


def _tc_dense(ids_u, vals_u, rows_u, ids_i, vals_i, rows_i,
              w_ufc, b_ufc, w_ifc, b_ifc):
  grid = (B // BB,)
  bhp = pl.BlockSpec((BB, HP), lambda i: (i, 0))
  bhe = pl.BlockSpec((BB, HP, EMB), lambda i: (i, 0, 0))
  full = pl.BlockSpec((EMB, EMB), lambda i: (0, 0))
  bias = pl.BlockSpec((1, EMB), lambda i: (0, 0))
  out = pl.pallas_call(
      _tc_body,
      grid=grid,
      in_specs=[bhp, bhp, bhe, bhp, bhp, bhe, full, bias, full, bias],
      out_specs=pl.BlockSpec((1, BB), lambda i: (0, i)),
      out_shape=jax.ShapeDtypeStruct((1, B), jnp.float32),
  )(ids_u, vals_u, rows_u, ids_i, vals_i, rows_i,
    w_ufc, b_ufc.reshape(1, EMB), w_ifc, b_ifc.reshape(1, EMB))
  return out.reshape(B)


def _pad_val_table(t):
  return jnp.concatenate([t, jnp.zeros((NV, HP - H), jnp.float32)], axis=1)


def _pad_id_table(t, base):
  r = jnp.arange(NV, dtype=jnp.int32)[:, None]
  c = jnp.arange(HP - H, dtype=jnp.int32)[None, :]
  return jnp.concatenate(
      [t.astype(jnp.int32) + base, (r * 7 + c * 131 + 1) % NV + base],
      axis=1)


@jax.jit
def kernel(X, history_item_id, history_item_value, history_user_id,
           history_user_value, W_user, W_item, W_ufc, b_ufc, W_ifc, b_ifc):
  user_ids = X[:, 0].astype(jnp.int32)
  item_ids = X[:, 1].astype(jnp.int32)
  ids_u, vals_u, rows_u, ids_i, vals_i, rows_i = _sc_gather(
      user_ids, item_ids,
      _pad_id_table(history_item_id, 0), _pad_val_table(history_item_value),
      _pad_id_table(history_user_id, 0), _pad_val_table(history_user_value),
      W_user, W_item)
  return _tc_dense(ids_u, vals_u, rows_u, ids_i, vals_i, rows_i,
                   W_ufc, b_ufc, W_ifc, b_ifc)

# --- scband reference (transcript-rebuilt; emitter-appended) ---
"""Pipeline reference for scband-dmf-56427280334932 (READ-ONLY COPY).

The authoritative reference and input builder live on the scoring server;
editing this copy changes nothing except your own understanding.
"""

import jax, jax.numpy as jnp
import numpy as np

B = 1024
N_USERS = 100000
N_ITEMS = 100000
H = 50
EMB = 64
HID = 64


def setup_inputs(seed: int = 0) -> dict:
    key = jax.random.key(seed)
    ks = jax.random.split(key, 11)
    X = jax.random.randint(ks[0], (B, 2), 0, min(N_USERS, N_ITEMS))
    history_item_id = jax.random.randint(ks[1], (N_USERS, H), 0, N_ITEMS)
    history_item_value = jax.random.uniform(ks[2], (N_USERS, H), dtype=jnp.float32) * 5.0
    history_user_id = jax.random.randint(ks[3], (N_ITEMS, H), 0, N_USERS)
    history_user_value = jax.random.uniform(ks[4], (N_ITEMS, H), dtype=jnp.float32) * 5.0
    W_user = jax.random.normal(ks[5], (N_ITEMS, EMB), dtype=jnp.float32) * 0.01
    W_item = jax.random.normal(ks[6], (N_USERS, EMB), dtype=jnp.float32) * 0.01
    W_ufc = jax.random.normal(ks[7], (EMB, HID), dtype=jnp.float32) * 0.05
    b_ufc = jnp.zeros((HID,), dtype=jnp.float32)
    W_ifc = jax.random.normal(ks[8], (EMB, HID), dtype=jnp.float32) * 0.05
    b_ifc = jnp.zeros((HID,), dtype=jnp.float32)
    return {
        'X': X,
        'history_item_id': history_item_id,
        'history_item_value': history_item_value,
        'history_user_id': history_user_id,
        'history_user_value': history_user_value,
        'W_user': W_user,
        'W_item': W_item,
        'W_ufc': W_ufc,
        'b_ufc': b_ufc,
        'W_ifc': W_ifc,
        'b_ifc': b_ifc,
    }


def reference(X, history_item_id, history_item_value, history_user_id,
              history_user_value, W_user, W_item, W_ufc, b_ufc, W_ifc, b_ifc):
    user_id = X[:, 0]
    item_id = X[:, 1]
    bsz = X.shape[0]

    # --- get_user_embedding: scatter user's item-rating history into a dense [B, n_items] row ---
    cols_u = jnp.take(history_item_id, user_id, axis=0).reshape(-1)
    vals_u = jnp.take(history_item_value, user_id, axis=0).reshape(-1)
    rows_u = jnp.repeat(jnp.arange(bsz), history_item_id.shape[1])
    matrix_01_u = jnp.zeros((bsz, W_user.shape[0]), dtype=jnp.float32)
    matrix_01_u = matrix_01_u.at[rows_u, cols_u].set(vals_u)  # index_put_ (overwrite)
    user = matrix_01_u @ W_user  # user_linear, no bias

    # --- item embedding: scatter item's user-rating history into a dense [B, n_users] row ---
    cols_i = jnp.take(history_user_id, item_id, axis=0).reshape(-1)
    vals_i = jnp.take(history_user_value, item_id, axis=0).reshape(-1)
    rows_i = jnp.repeat(jnp.arange(bsz), history_user_id.shape[1])
    matrix_01_i = jnp.zeros((bsz, W_item.shape[0]), dtype=jnp.float32)
    matrix_01_i = matrix_01_i.at[rows_i, cols_i].set(vals_i)
    item = matrix_01_i @ W_item  # item_linear, no bias

    # --- fc layers (Dense with bias, linear activation) ---
    user = user @ W_ufc + b_ufc
    item = item @ W_ifc + b_ifc

    vector = jnp.sum(user * item, axis=1)
    return jax.nn.sigmoid(vector)

if __name__ == "__main__":
    import jax
    _d = setup_inputs()
    print(jax.jit(kernel)(*tuple(_d.values())))

</pallas_src>

<mosaic_0001>
#map = affine_map<(d0, d1) -> (0)>
#map1 = affine_map<(d0, d1) -> (0, 0)>
#map2 = affine_map<(d0, d1) -> (0, 0, 0)>
module attributes {stable_mosaic.version = 14 : i64} {
  func.func @_sc_body(%arg0: i32, %arg1: i32, %arg2: memref<1024xi32, #tpu.memory_space<hbm>>, %arg3: memref<1024xi32, #tpu.memory_space<hbm>>, %arg4: memref<100000x56xi32, #tpu.memory_space<hbm>>, %arg5: memref<100000x56xf32, #tpu.memory_space<hbm>>, %arg6: memref<100000x56xi32, #tpu.memory_space<hbm>>, %arg7: memref<100000x56xf32, #tpu.memory_space<hbm>>, %arg8: memref<100000x64xf32, #tpu.memory_space<hbm>>, %arg9: memref<100000x64xf32, #tpu.memory_space<hbm>>, %arg10: memref<1024x56xi32, #tpu.memory_space<hbm>>, %arg11: memref<1024x56xf32, #tpu.memory_space<hbm>>, %arg12: memref<1024x56x64xf32, #tpu.memory_space<hbm>>, %arg13: memref<1024x56xi32, #tpu.memory_space<hbm>>, %arg14: memref<1024x56xf32, #tpu.memory_space<hbm>>, %arg15: memref<1024x56x64xf32, #tpu.memory_space<hbm>>, %arg16: memref<32xi32, #tpu.memory_space<vmem>>, %arg17: memref<32x56xi32, #tpu.memory_space<vmem>>, %arg18: memref<32x56xf32, #tpu.memory_space<vmem>>, %arg19: memref<16x56x64xf32, #tpu.memory_space<vmem>>, %arg20: memref<!tpu.dma_semaphore, #tpu.memory_space<semaphore_mem>>) attributes {dimension_semantics = [#tpu.dimension_semantics<core_parallel>, #tpu.dimension_semantics<subcore_parallel>], iteration_bounds = array<i64: 2, 16>, scalar_prefetch = 0 : i64, scratch_operands = 5 : i64, tpu.core_type = #tpu.core_type<sc_vector_subcore>, window_params = [{transform_indices = #map}, {transform_indices = #map}, {transform_indices = #map1}, {transform_indices = #map1}, {transform_indices = #map1}, {transform_indices = #map1}, {transform_indices = #map1}, {transform_indices = #map1}, {transform_indices = #map1}, {transform_indices = #map1}, {transform_indices = #map2}, {transform_indices = #map1}, {transform_indices = #map1}, {transform_indices = #map2}]} {
    %mul3A = arith.constant 2 : i32
    %mul3A_0 = arith.muli %arg1, %mul3A : i32
    %add3A = arith.addi %mul3A_0, %arg0 : i32
    %mul3A_1 = arith.constant 32 : i32
    %mul3A_2 = arith.muli %add3A, %mul3A_1 : i32
    "tpu.region"() ({
      %run_scoped3A = tpu.sem_alloc : memref<!tpu.dma_semaphore, #tpu.memory_space<semaphore_mem>>
      %dma_start3A_1569 = tpu.memref_slice %arg2[%mul3A_2] : memref<1024xi32, #tpu.memory_space<hbm>> -> memref<32xi32, #tpu.memory_space<hbm>>
      %dma_start3A_1570 = tpu.memref_slice %arg2[%mul3A_2] : memref<1024xi32, #tpu.memory_space<hbm>> -> memref<32xi32, #tpu.memory_space<hbm>>
      tpu.enqueue_dma source(%dma_start3A_1570 : memref<32xi32, #tpu.memory_space<hbm>>) target(%arg16 : memref<32xi32, #tpu.memory_space<vmem>>) target_semaphore(%run_scoped3A : memref<!tpu.dma_semaphore, #tpu.memory_space<semaphore_mem>>)
      %dma_wait3A_1571 = tpu.memref_slice %arg2[%mul3A_2] : memref<1024xi32, #tpu.memory_space<hbm>> -> memref<32xi32, #tpu.memory_space<hbm>>
      %dma_wait3A_1572 = tpu.memref_slice %arg2[%mul3A_2] : memref<1024xi32, #tpu.memory_space<hbm>> -> memref<32xi32, #tpu.memory_space<hbm>>
      tpu.wait_dma2 semaphore(%run_scoped3A : memref<!tpu.dma_semaphore, #tpu.memory_space<semaphore_mem>>) src(%dma_wait3A_1572 : memref<32xi32, #tpu.memory_space<hbm>>) dst(%arg16 : memref<32xi32, #tpu.memory_space<vmem>>)
      tpu.yield
    }) : () -> ()
    %dma_start3A = arith.constant 0 : i32
    %dma_start3A_3 = arith.constant 0 : i32
    %dma_start3A_4 = tpu.memref_slice %arg4[%dma_start3A, %dma_start3A_3] : memref<100000x56xi32, #tpu.memory_space<hbm>> -> memref<100000x56xi32, #tpu.memory_space<hbm>>
    tpu.enqueue_indirect_dma source(%dma_start3A_4 : memref<100000x56xi32, #tpu.memory_space<hbm>>) target(%arg17 : memref<32x56xi32, #tpu.memory_space<vmem>>) offsets(%arg16 : memref<32xi32, #tpu.memory_space<vmem>>) semaphore(%arg20 : memref<!tpu.dma_semaphore, #tpu.memory_space<semaphore_mem>>)
    %dma_wait3A = arith.constant 0 : i32
    %dma_wait3A_5 = arith.constant 0 : i32
    %dma_wait3A_6 = tpu.memref_slice %arg4[%dma_wait3A, %dma_wait3A_5] : memref<100000x56xi32, #tpu.memory_space<hbm>> -> memref<100000x56xi32, #tpu.memory_space<hbm>>
    tpu.wait_indirect_dma semaphore(%arg20 : memref<!tpu.dma_semaphore, #tpu.memory_space<semaphore_mem>>) src(%dma_wait3A_6 : memref<100000x56xi32, #tpu.memory_space<hbm>>) dst(%arg17 : memref<32x56xi32, #tpu.memory_space<vmem>>)
    %dma_start3A_7 = arith.constant 0 : i32
    %dma_start3A_8 = arith.constant 0 : i32
    %dma_start3A_9 = tpu.memref_slice %arg5[%dma_start3A_7, %dma_start3A_8] : memref<100000x56xf32, #tpu.memory_space<hbm>> -> memref<100000x56xf32, #tpu.memory_space<hbm>>
    tpu.enqueue_indirect_dma source(%dma_start3A_9 : memref<100000x56xf32, #tpu.memory_space<hbm>>) target(%arg18 : memref<32x56xf32, #tpu.memory_space<vmem>>) offsets(%arg16 : memref<32xi32, #tpu.memory_space<vmem>>) semaphore(%arg20 : memref<!tpu.dma_semaphore, #tpu.memory_space<semaphore_mem>>)
    %dma_wait3A_10 = arith.constant 0 : i32
    %dma_wait3A_11 = arith.constant 0 : i32
    %dma_wait3A_12 = tpu.memref_slice %arg5[%dma_wait3A_10, %dma_wait3A_11] : memref<100000x56xf32, #tpu.memory_space<hbm>> -> memref<100000x56xf32, #tpu.memory_space<hbm>>
    tpu.wait_indirect_dma semaphore(%arg20 : memref<!tpu.dma_semaphore, #tpu.memory_space<semaphore_mem>>) src(%dma_wait3A_12 : memref<100000x56xf32, #tpu.memory_space<hbm>>) dst(%arg18 : memref<32x56xf32, #tpu.memory_space<vmem>>)
    "tpu.region"() ({
      %run_scoped3A = tpu.sem_alloc : memref<!tpu.dma_semaphore, #tpu.memory_space<semaphore_mem>>
      %dma_start3A_1569 = arith.constant 0 : i32
      %dma_start3A_1570 = tpu.memref_slice %arg10[%mul3A_2, %dma_start3A_1569] : memref<1024x56xi32, #tpu.memory_space<hbm>> -> memref<32x56xi32, #tpu.memory_space<hbm>>
      %dma_start3A_1571 = arith.constant 0 : i32
      %dma_start3A_1572 = tpu.memref_slice %arg10[%mul3A_2, %dma_start3A_1571] : memref<1024x56xi32, #tpu.memory_space<hbm>> -> memref<32x56xi32, #tpu.memory_space<hbm>>
      tpu.enqueue_dma source(%arg17 : memref<32x56xi32, #tpu.memory_space<vmem>>) target(%dma_start3A_1572 : memref<32x56xi32, #tpu.memory_space<hbm>>) target_semaphore(%run_scoped3A : memref<!tpu.dma_semaphore, #tpu.memory_space<semaphore_mem>>)
      %dma_wait3A_1573 = arith.constant 0 : i32
      %dma_wait3A_1574 = tpu.memref_slice %arg10[%mul3A_2, %dma_wait3A_1573] : memref<1024x56xi32, #tpu.memory_space<hbm>> -> memref<32x56xi32, #tpu.memory_space<hbm>>
      %dma_wait3A_1575 = arith.constant 0 : i32
      %dma_wait3A_1576 = tpu.memref_slice %arg10[%mul3A_2, %dma_wait3A_1575] : memref<1024x56xi32, #tpu.memory_space<hbm>> -> memref<32x56xi32, #tpu.memory_space<hbm>>
      tpu.wait_dma2 semaphore(%run_scoped3A : memref<!tpu.dma_semaphore, #tpu.memory_space<semaphore_mem>>) src(%arg17 : memref<32x56xi32, #tpu.memory_space<vmem>>) dst(%dma_wait3A_1576 : memref<32x56xi32, #tpu.memory_space<hbm>>)
      tpu.yield
    }) : () -> ()
    "tpu.region"() ({
      %run_scoped3A = tpu.sem_alloc : memref<!tpu.dma_semaphore, #tpu.memory_space<semaphore_mem>>
      %dma_start3A_1569 = arith.constant 0 : i32
      %dma_start3A_1570 = tpu.memref_slice %arg11[%mul3A_2, %dma_start3A_1569] : memref<1024x56xf32, #tpu.memory_space<hbm>> -> memref<32x56xf32, #tpu.memory_space<hbm>>
      %dma_start3A_1571 = arith.constant 0 : i32
      %dma_start3A_1572 = tpu.memref_slice %arg11[%mul3A_2, %dma_start3A_1571] : memref<1024x56xf32, #tpu.memory_space<hbm>> -> memref<32x56xf32, #tpu.memory_space<hbm>>
      tpu.enqueue_dma source(%arg18 : memref<32x56xf32, #tpu.memory_space<vmem>>) target(%dma_start3A_1572 : memref<32x56xf32, #tpu.memory_space<hbm>>) target_semaphore(%run_scoped3A : memref<!tpu.dma_semaphore, #tpu.memory_space<semaphore_mem>>)
      %dma_wait3A_1573 = arith.constant 0 : i32
      %dma_wait3A_1574 = tpu.memref_slice %arg11[%mul3A_2, %dma_wait3A_1573] : memref<1024x56xf32, #tpu.memory_space<hbm>> -> memref<32x56xf32, #tpu.memory_space<hbm>>
      %dma_wait3A_1575 = arith.constant 0 : i32
      %dma_wait3A_1576 = tpu.memref_slice %arg11[%mul3A_2, %dma_wait3A_1575] : memref<1024x56xf32, #tpu.memory_space<hbm>> -> memref<32x56xf32, #tpu.memory_space<hbm>>
      tpu.wait_dma2 semaphore(%run_scoped3A : memref<!tpu.dma_semaphore, #tpu.memory_space<semaphore_mem>>) src(%arg18 : memref<32x56xf32, #tpu.memory_space<vmem>>) dst(%dma_wait3A_1576 : memref<32x56xf32, #tpu.memory_space<hbm>>)
      tpu.yield
    }) : () -> ()
    %dma_start3A_13 = arith.constant 0 : i32
    %dma_start3A_14 = arith.constant 0 : i32
    %dma_start3A_15 = arith.constant 0 : i32
    %dma_start3A_16 = arith.constant 0 : i32
    %dma_start3A_17 = tpu.memref_slice %arg19[%dma_start3A_14, %dma_start3A_15, %dma_start3A_16] : memref<16x56x64xf32, #tpu.memory_space<vmem>> -> memref<1x56x64xf32, #tpu.memory_space<vmem>>
    %dma_start3A_18 = tpu.memref_squeeze %dma_start3A_17 : memref<1x56x64xf32, #tpu.memory_space<vmem>> -> memref<56x64xf32, #tpu.memory_space<vmem>>
    %dma_start3A_19 = arith.constant 0 : i32
    %dma_start3A_20 = tpu.memref_slice %arg17[%dma_start3A_13, %dma_start3A_19] : memref<32x56xi32, #tpu.memory_space<vmem>> -> memref<1x56xi32, #tpu.memory_space<vmem>>
    %dma_start3A_21 = tpu.memref_squeeze %dma_start3A_20 : memref<1x56xi32, #tpu.memory_space<vmem>> -> memref<56xi32, #tpu.memory_space<vmem>>
    %dma_start3A_22 = arith.constant 0 : i32
    %dma_start3A_23 = arith.constant 0 : i32
    %dma_start3A_24 = tpu.memref_slice %arg8[%dma_start3A_22, %dma_start3A_23] : memref<100000x64xf32, #tpu.memory_space<hbm>> -> memref<100000x64xf32, #tpu.memory_space<hbm>>
    tpu.enqueue_indirect_dma source(%dma_start3A_24 : memref<100000x64xf32, #tpu.memory_space<hbm>>) target(%dma_start3A_18 : memref<56x64xf32, #tpu.memory_space<vmem>>) offsets(%dma_start3A_21 : memref<56xi32, #tpu.memory_space<vmem>>) semaphore(%arg20 : memref<!tpu.dma_semaphore, #tpu.memory_space<semaphore_mem>>)
    %dma_start3A_25 = arith.constant 1 : i32
    %dma_start3A_26 = arith.constant 1 : i32
    %dma_start3A_27 = arith.constant 0 : i32
    %dma_start3A_28 = arith.constant 0 : i32
    %dma_start3A_29 = tpu.memref_slice %arg19[%dma_start3A_26, %dma_start3A_27, %dma_start3A_28] : memref<16x56x64xf32, #tpu.memory_space<vmem>> -> memref<1x56x64xf32, #tpu.memory_space<vmem>>
    %dma_start3A_30 = tpu.memref_squeeze %dma_start3A_29 : memref<1x56x64xf32, #tpu.memory_space<vmem>> -> memref<56x64xf32, #tpu.memory_space<vmem>>
    %dma_start3A_31 = arith.constant 0 : i32
    %dma_start3A_32 = tpu.memref_slice %arg17[%dma_start3A_25, %dma_start3A_31] : memref<32x56xi32, #tpu.memory_space<vmem>> -> memref<1x56xi32, #tpu.memory_space<vmem>>
    %dma_start3A_33 = tpu.memref_squeeze %dma_start3A_32 : memref<1x56xi32, #tpu.memory_space<vmem>> -> memref<56xi32, #tpu.memory_space<vmem>>
    %dma_start3A_34 = arith.constant 0 : i32
    %dma_start3A_35 = arith.constant 0 : i32
    %dma_start3A_36 = tpu.memref_slice %arg8[%dma_start3A_34, %dma_start3A_35] : memref<100000x64xf32, #tpu.memory_space<hbm>> -> memref<100000x64xf32, #tpu.memory_space<hbm>>
    tpu.enqueue_indirect_dma source(%dma_start3A_36 : memref<100000x64xf32, #tpu.memory_space<hbm>>) target(%dma_start3A_30 : memref<56x64xf32, #tpu.memory_space<vmem>>) offsets(%dma_start3A_33 : memref<56xi32, #tpu.memory_space<vmem>>) semaphore(%arg20 : memref<!tpu.dma_semaphore, #tpu.memory_space<semaphore_mem>>)
    %dma_start3A_37 = arith.constant 2 : i32
    %dma_start3A_38 = arith.constant 2 : i32
    %dma_start3A_39 = arith.constant 0 : i32
    %dma_start3A_40 = arith.constant 0 : i32
    %dma_start3A_41 = tpu.memref_slice %arg19[%dma_start3A_38, %dma_start3A_39, %dma_start3A_40] : memref<16x56x64xf32, #tpu.memory_space<vmem>> -> memref<1x56x64xf32, #tpu.memory_space<vmem>>
    %dma_start3A_42 = tpu.memref_squeeze %dma_start3A_41 : memref<1x56x64xf32, #tpu.memory_space<vmem>> -> memref<56x64xf32, #tpu.memory_space<vmem>>
    %dma_start3A_43 = arith.constant 0 : i32
    %dma_start3A_44 = tpu.memref_slice %arg17[%dma_start3A_37, %dma_start3A_43] : memref<32x56xi32, #tpu.memory_space<vmem>> -> memref<1x56xi32, #tpu.memory_space<vmem>>
    %dma_start3A_45 = tpu.memref_squeeze %dma_start3A_44 : memref<1x56xi32, #tpu.memory_space<vmem>> -> memref<56xi32, #tpu.memory_space<vmem>>
    %dma_start3A_46 = arith.constant 0 : i32
    %dma_start3A_47 = arith.constant 0 : i32
    %dma_start3A_48 = tpu.memref_slice %arg8[%dma_start3A_46, %dma_start3A_47] : memref<100000x64xf32, #tpu.memory_space<hbm>> -> memref<100000x64xf32, #tpu.memory_space<hbm>>
    tpu.enqueue_indirect_dma source(%dma_start3A_48 : memref<100000x64xf32, #tpu.memory_space<hbm>>) target(%dma_start3A_42 : memref<56x64xf32, #tpu.memory_space<vmem>>) offsets(%dma_start3A_45 : memref<56xi32, #tpu.memory_space<vmem>>) semaphore(%arg20 : memref<!tpu.dma_semaphore, #tpu.memory_space<semaphore_mem>>)
    %dma_start3A_49 = arith.constant 3 : i32
    %dma_start3A_50 = arith.constant 3 : i32
    %dma_start3A_51 = arith.constant 0 : i32
    %dma_start3A_52 = arith.constant 0 : i32
    %dma_start3A_53 = tpu.memref_slice %arg19[%dma_start3A_50, %dma_start3A_51, %dma_start3A_52] : memref<16x56x64xf32, #tpu.memory_space<vmem>> -> memref<1x56x64xf32, #tpu.memory_space<vmem>>
    %dma_start3A_54 = tpu.memref_squeeze %dma_start3A_53 : memref<1x56x64xf32, #tpu.memory_space<vmem>> -> memref<56x64xf32, #tpu.memory_space<vmem>>
    %dma_start3A_55 = arith.constant 0 : i32
    %dma_start3A_56 = tpu.memref_slice %arg17[%dma_start3A_49, %dma_start3A_55] : memref<32x56xi32, #tpu.memory_space<vmem>> -> memref<1x56xi32, #tpu.memory_space<vmem>>
    %dma_start3A_57 = tpu.memref_squeeze %dma_start3A_56 : memref<1x56xi32, #tpu.memory_space<vmem>> -> memref<56xi32, #tpu.memory_space<vmem>>
    %dma_start3A_58 = arith.constant 0 : i32
    %dma_start3A_59 = arith.constant 0 : i32
    %dma_start3A_60 = tpu.memref_slice %arg8[%dma_start3A_58, %dma_start3A_59] : memref<100000x64xf32, #tpu.memory_space<hbm>> -> memref<100000x64xf32, #tpu.memory_space<hbm>>
    tpu.enqueue_indirect_dma source(%dma_start3A_60 : memref<100000x64xf32, #tpu.memory_space<hbm>>) target(%dma_start3A_54 : memref<56x64xf32, #tpu.memory_space<vmem>>) offsets(%dma_start3A_57 : memref<56xi32, #tpu.memory_space<vmem>>) semaphore(%arg20 : memref<!tpu.dma_semaphore, #tpu.memory_space<semaphore_mem>>)
    %dma_start3A_61 = arith.constant 4 : i32
    %dma_start3A_62 = arith.constant 4 : i32
    %dma_start3A_63 = arith.constant 0 : i32
    %dma_start3A_64 = arith.constant 0 : i32
    %dma_start3A_65 = tpu.memref_slice %arg19[%dma_start3A_62, %dma_start3A_63, %dma_start3A_64] : memref<16x56x64xf32, #tpu.memory_space<vmem>> -> memref<1x56x64xf32, #tpu.memory_space<vmem>>
    %dma_start3A_66 = tpu.memref_squeeze %dma_start3A_65 : memref<1x56x64xf32, #tpu.memory_space<vmem>> -> memref<56x64xf32, #tpu.memory_space<vmem>>
    %dma_start3A_67 = arith.constant 0 : i32
    %dma_start3A_68 = tpu.memref_slice %arg17[%dma_start3A_61, %dma_start3A_67] : memref<32x56xi32, #tpu.memory_space<vmem>> -> memref<1x56xi32, #tpu.memory_space<vmem>>
    %dma_start3A_69 = tpu.memref_squeeze %dma_start3A_68 : memref<1x56xi32, #tpu.memory_space<vmem>> -> memref<56xi32, #tpu.memory_space<vmem>>
    %dma_start3A_70 = arith.constant 0 : i32
    %dma_start3A_71 = arith.constant 0 : i32
    %dma_start3A_72 = tpu.memref_slice %arg8[%dma_start3A_70, %dma_start3A_71] : memref<100000x64xf32, #tpu.memory_space<hbm>> -> memref<100000x64xf32, #tpu.memory_space<hbm>>
    tpu.enqueue_indirect_dma source(%dma_start3A_72 : memref<100000x64xf32, #tpu.memory_space<hbm>>) target(%dma_start3A_66 : memref<56x64xf32, #tpu.memory_space<vmem>>) offsets(%dma_start3A_69 : memref<56xi32, #tpu.memory_space<vmem>>) semaphore(%arg20 : memref<!tpu.dma_semaphore, #tpu.memory_space<semaphore_mem>>)
    %dma_start3A_73 = arith.constant 5 : i32
    %dma_start3A_74 = arith.constant 5 : i32
    %dma_start3A_75 = arith.constant 0 : i32
    %dma_start3A_76 = arith.constant 0 : i32
    %dma_start3A_77 = tpu.memref_slice %arg19[%dma_start3A_74, %dma_start3A_75, %dma_start3A_76] : memref<16x56x64xf32, #tpu.memory_space<vmem>> -> memref<1x56x64xf32, #tpu.memory_space<vmem>>
    %dma_start3A_78 = tpu.memref_squeeze %dma_start3A_77 : memref<1x56x64xf32, #tpu.memory_space<vmem>> -> memref<56x64xf32, #tpu.memory_space<vmem>>
    %dma_start3A_79 = arith.constant 0 : i32
    %dma_start3A_80 = tpu.memref_slice %arg17[%dma_start3A_73, %dma_start3A_79] : memref<32x56xi32, #tpu.memory_space<vmem>> -> memref<1x56xi32, #tpu.memory_space<vmem>>
    %dma_start3A_81 = tpu.memref_squeeze %dma_start3A_80 : memref<1x56xi32, #tpu.memory_space<vmem>> -> memref<56xi32, #tpu.memory_space<vmem>>
    %dma_start3A_82 = arith.constant 0 : i32
    %dma_start3A_83 = arith.constant 0 : i32
    %dma_start3A_84 = tpu.memref_slice %arg8[%dma_start3A_82, %dma_start3A_83] : memref<100000x64xf32, #tpu.memory_space<hbm>> -> memref<100000x64xf32, #tpu.memory_space<hbm>>
    tpu.enqueue_indirect_dma source(%dma_start3A_84 : memref<100000x64xf32, #tpu.memory_space<hbm>>) target(%dma_start3A_78 : memref<56x64xf32, #tpu.memory_space<vmem>>) offsets(%dma_start3A_81 : memref<56xi32, #tpu.memory_space<vmem>>) semaphore(%arg20 : memref<!tpu.dma_semaphore, #tpu.memory_space<semaphore_mem>>)
    %dma_start3A_85 = arith.constant 6 : i32
    %dma_start3A_86 = arith.constant 6 : i32
    %dma_start3A_87 = arith.constant 0 : i32
    %dma_start3A_88 = arith.constant 0 : i32
    %dma_start3A_89 = tpu.memref_slice %arg19[%dma_start3A_86, %dma_start3A_87, %dma_start3A_88] : memref<16x56x64xf32, #tpu.memory_space<vmem>> -> memref<1x56x64xf32, #tpu.memory_space<vmem>>
    %dma_start3A_90 = tpu.memref_squeeze %dma_start3A_89 : memref<1x56x64xf32, #tpu.memory_space<vmem>> -> memref<56x64xf32, #tpu.memory_space<vmem>>
    %dma_start3A_91 = arith.constant 0 : i32
    %dma_start3A_92 = tpu.memref_slice %arg17[%dma_start3A_85, %dma_start3A_91] : memref<32x56xi32, #tpu.memory_space<vmem>> -> memref<1x56xi32, #tpu.memory_space<vmem>>
    %dma_start3A_93 = tpu.memref_squeeze %dma_start3A_92 : memref<1x56xi32, #tpu.memory_space<vmem>> -> memref<56xi32, #tpu.memory_space<vmem>>
    %dma_start3A_94 = arith.constant 0 : i32
    %dma_start3A_95 = arith.constant 0 : i32
    %dma_start3A_96 = tpu.memref_slice %arg8[%dma_start3A_94, %dma_start3A_95] : memref<100000x64xf32, #tpu.memory_space<hbm>> -> memref<100000x64xf32, #tpu.memory_space<hbm>>
    tpu.enqueue_indirect_dma source(%dma_start3A_96 : memref<100000x64xf32, #tpu.memory_space<hbm>>) target(%dma_start3A_90 : memref<56x64xf32, #tpu.memory_space<vmem>>) offsets(%dma_start3A_93 : memref<56xi32, #tpu.memory_space<vmem>>) semaphore(%arg20 : memref<!tpu.dma_semaphore, #tpu.memory_space<semaphore_mem>>)
    %dma_start3A_97 = arith.constant 7 : i32
    %dma_start3A_98 = arith.constant 7 : i32
    %dma_start3A_99 = arith.constant 0 : i32
    %dma_start3A_100 = arith.constant 0 : i32
    %dma_start3A_101 = tpu.memref_slice %arg19[%dma_start3A_98, %dma_start3A_99, %dma_start3A_100] : memref<16x56x64xf32, #tpu.memory_space<vmem>> -> memref<1x56x64xf32, #tpu.memory_space<vmem>>
    %dma_start3A_102 = tpu.memref_squeeze %dma_start3A_101 : memref<1x56x64xf32, #tpu.memory_space<vmem>> -> memref<56x64xf32, #tpu.memory_space<vmem>>
    %dma_start3A_103 = arith.constant 0 : i32
    %dma_start3A_104 = tpu.memref_slice %arg17[%dma_start3A_97, %dma_start3A_103] : memref<32x56xi32, #tpu.memory_space<vmem>> -> memref<1x56xi32, #tpu.memory_space<vmem>>
    %dma_start3A_105 = tpu.memref_squeeze %dma_start3A_104 : memref<1x56xi32, #tpu.memory_space<vmem>> -> memref<56xi32, #tpu.memory_space<vmem>>
    %dma_start3A_106 = arith.constant 0 : i32
    %dma_start3A_107 = arith.constant 0 : i32
    %dma_start3A_108 = tpu.memref_slice %arg8[%dma_start3A_106, %dma_start3A_107] : memref<100000x64xf32, #tpu.memory_space<hbm>> -> memref<100000x64xf32, #tpu.memory_space<hbm>>
    tpu.enqueue_indirect_dma source(%dma_start3A_108 : memref<100000x64xf32, #tpu.memory_space<hbm>>) target(%dma_start3A_102 : memref<56x64xf32, #tpu.memory_space<vmem>>) offsets(%dma_start3A_105 : memref<56xi32, #tpu.memory_space<vmem>>) semaphore(%arg20 : memref<!tpu.dma_semaphore, #tpu.memory_space<semaphore_mem>>)
    %dma_wait3A_109 = arith.constant 0 : i32
    %dma_wait3A_110 = arith.constant 0 : i32
    %dma_wait3A_111 = arith.constant 0 : i32
    %dma_wait3A_112 = arith.constant 0 : i32
    %dma_wait3A_113 = tpu.memref_slice %arg19[%dma_wait3A_110, %dma_wait3A_111, %dma_wait3A_112] : memref<16x56x64xf32, #tpu.memory_space<vmem>> -> memref<1x56x64xf32, #tpu.memory_space<vmem>>
    %dma_wait3A_114 = tpu.memref_squeeze %dma_wait3A_113 : memref<1x56x64xf32, #tpu.memory_space<vmem>> -> memref<56x64xf32, #tpu.memory_space<vmem>>
    %dma_wait3A_115 = arith.constant 0 : i32
    %dma_wait3A_116 = tpu.memref_slice %arg17[%dma_wait3A_109, %dma_wait3A_115] : memref<32x56xi32, #tpu.memory_space<vmem>> -> memref<1x56xi32, #tpu.memory_space<vmem>>
    %dma_wait3A_117 = tpu.memref_squeeze %dma_wait3A_116 : memref<1x56xi32, #tpu.memory_space<vmem>> -> memref<56xi32, #tpu.memory_space<vmem>>
    %dma_wait3A_118 = arith.constant 0 : i32
    %dma_wait3A_119 = arith.constant 0 : i32
    %dma_wait3A_120 = tpu.memref_slice %arg8[%dma_wait3A_118, %dma_wait3A_119] : memref<100000x64xf32, #tpu.memory_space<hbm>> -> memref<100000x64xf32, #tpu.memory_space<hbm>>
    tpu.wait_indirect_dma semaphore(%arg20 : memref<!tpu.dma_semaphore, #tpu.memory_space<semaphore_mem>>) src(%dma_wait3A_120 : memref<100000x64xf32, #tpu.memory_space<hbm>>) dst(%dma_wait3A_114 : memref<56x64xf32, #tpu.memory_space<vmem>>)
    %dma_wait3A_121 = arith.constant 1 : i32
    %dma_wait3A_122 = arith.constant 1 : i32
    %dma_wait3A_123 = arith.constant 0 : i32
    %dma_wait3A_124 = arith.constant 0 : i32
    %dma_wait3A_125 = tpu.memref_slice %arg19[%dma_wait3A_122, %dma_wait3A_123, %dma_wait3A_124] : memref<16x56x64xf32, #tpu.memory_space<vmem>> -> memref<1x56x64xf32, #tpu.memory_space<vmem>>
    %dma_wait3A_126 = tpu.memref_squeeze %dma_wait3A_125 : memref<1x56x64xf32, #tpu.memory_space<vmem>> -> memref<56x64xf32, #tpu.memory_space<vmem>>
    %dma_wait3A_127 = arith.constant 0 : i32
    %dma_wait3A_128 = tpu.memref_slice %arg17[%dma_wait3A_121, %dma_wait3A_127] : memref<32x56xi32, #tpu.memory_space<vmem>> -> memref<1x56xi32, #tpu.memory_space<vmem>>
    %dma_wait3A_129 = tpu.memref_squeeze %dma_wait3A_128 : memref<1x56xi32, #tpu.memory_space<vmem>> -> memref<56xi32, #tpu.memory_space<vmem>>
    %dma_wait3A_130 = arith.constant 0 : i32
    %dma_wait3A_131 = arith.constant 0 : i32
    %dma_wait3A_132 = tpu.memref_slice %arg8[%dma_wait3A_130, %dma_wait3A_131] : memref<100000x64xf32, #tpu.memory_space<hbm>> -> memref<100000x64xf32, #tpu.memory_space<hbm>>
    tpu.wait_indirect_dma semaphore(%arg20 : memref<!tpu.dma_semaphore, #tpu.memory_space<semaphore_mem>>) src(%dma_wait3A_132 : memref<100000x64xf32, #tpu.memory_space<hbm>>) dst(%dma_wait3A_126 : memref<56x64xf32, #tpu.memory_space<vmem>>)
    %dma_wait3A_133 = arith.constant 2 : i32
    %dma_wait3A_134 = arith.constant 2 : i32
    %dma_wait3A_135 = arith.constant 0 : i32
    %dma_wait3A_136 = arith.constant 0 : i32
    %dma_wait3A_137 = tpu.memref_slice %arg19[%dma_wait3A_134, %dma_wait3A_135, %dma_wait3A_136] : memref<16x56x64xf32, #tpu.memory_space<vmem>> -> memref<1x56x64xf32, #tpu.memory_space<vmem>>
    %dma_wait3A_138 = tpu.memref_squeeze %dma_wait3A_137 : memref<1x56x64xf32, #tpu.memory_space<vmem>> -> memref<56x64xf32, #tpu.memory_space<vmem>>
    %dma_wait3A_139 = arith.constant 0 : i32
    %dma_wait3A_140 = tpu.memref_slice %arg17[%dma_wait3A_133, %dma_wait3A_139] : memref<32x56xi32, #tpu.memory_space<vmem>> -> memref<1x56xi32, #tpu.memory_space<vmem>>
    %dma_wait3A_141 = tpu.memref_squeeze %dma_wait3A_140 : memref<1x56xi32, #tpu.memory_space<vmem>> -> memref<56xi32, #tpu.memory_space<vmem>>
    %dma_wait3A_142 = arith.constant 0 : i32
    %dma_wait3A_143 = arith.constant 0 : i32
    %dma_wait3A_144 = tpu.memref_slice %arg8[%dma_wait3A_142, %dma_wait3A_143] : memref<100000x64xf32, #tpu.memory_space<hbm>> -> memref<100000x64xf32, #tpu.memory_space<hbm>>
    tpu.wait_indirect_dma semaphore(%arg20 : memref<!tpu.dma_semaphore, #tpu.memory_space<semaphore_mem>>) src(%dma_wait3A_144 : memref<100000x64xf32, #tpu.memory_space<hbm>>) dst(%dma_wait3A_138 : memref<56x64xf32, #tpu.memory_space<vmem>>)
    %dma_wait3A_145 = arith.constant 3 : i32
    %dma_wait3A_146 = arith.constant 3 : i32
    %dma_wait3A_147 = arith.constant 0 : i32
    %dma_wait3A_148 = arith.constant 0 : i32
    %dma_wait3A_149 = tpu.memref_slice %arg19[%dma_wait3A_146, %dma_wait3A_147, %dma_wait3A_148] : memref<16x56x64xf32, #tpu.memory_space<vmem>> -> memref<1x56x64xf32, #tpu.memory_space<vmem>>
    %dma_wait3A_150 = tpu.memref_squeeze %dma_wait3A_149 : memref<1x56x64xf32, #tpu.memory_space<vmem>> -> memref<56x64xf32, #tpu.memory_space<vmem>>
    %dma_wait3A_151 = arith.constant 0 : i32
    %dma_wait3A_152 = tpu.memref_slice %arg17[%dma_wait3A_145, %dma_wait3A_151] : memref<32x56xi32, #tpu.memory_space<vmem>> -> memref<1x56xi32, #tpu.memory_space<vmem>>
    %dma_wait3A_153 = tpu.memref_squeeze %dma_wait3A_152 : memref<1x56xi32, #tpu.memory_space<vmem>> -> memref<56xi32, #tpu.memory_space<vmem>>
    %dma_wait3A_154 = arith.constant 0 : i32
    %dma_wait3A_155 = arith.constant 0 : i32
    %dma_wait3A_156 = tpu.memref_slice %arg8[%dma_wait3A_154, %dma_wait3A_155] : memref<100000x64xf32, #tpu.memory_space<hbm>> -> memref<100000x64xf32, #tpu.memory_space<hbm>>
    tpu.wait_indirect_dma semaphore(%arg20 : memref<!tpu.dma_semaphore, #tpu.memory_space<semaphore_mem>>) src(%dma_wait3A_156 : memref<100000x64xf32, #tpu.memory_space<hbm>>) dst(%dma_wait3A_150 : memref<56x64xf32, #tpu.memory_space<vmem>>)
    %dma_wait3A_157 = arith.constant 4 : i32
    %dma_wait3A_158 = arith.constant 4 : i32
    %dma_wait3A_159 = arith.constant 0 : i32
    %dma_wait3A_160 = arith.constant 0 : i32
    %dma_wait3A_161 = tpu.memref_slice %arg19[%dma_wait3A_158, %dma_wait3A_159, %dma_wait3A_160] : memref<16x56x64xf32, #tpu.memory_space<vmem>> -> memref<1x56x64xf32, #tpu.memory_space<vmem>>
    %dma_wait3A_162 = tpu.memref_squeeze %dma_wait3A_161 : memref<1x56x64xf32, #tpu.memory_space<vmem>> -> memref<56x64xf32, #tpu.memory_space<vmem>>
    %dma_wait3A_163 = arith.constant 0 : i32
    %dma_wait3A_164 = tpu.memref_slice %arg17[%dma_wait3A_157, %dma_wait3A_163] : memref<32x56xi32, #tpu.memory_space<vmem>> -> memref<1x56xi32, #tpu.memory_space<vmem>>
    %dma_wait3A_165 = tpu.memref_squeeze %dma_wait3A_164 : memref<1x56xi32, #tpu.memory_space<vmem>> -> memref<56xi32, #tpu.memory_space<vmem>>
    %dma_wait3A_166 = arith.constant 0 : i32
    %dma_wait3A_167 = arith.constant 0 : i32
    %dma_wait3A_168 = tpu.memref_slice %arg8[%dma_wait3A_166, %dma_wait3A_167] : memref<100000x64xf32, #tpu.memory_space<hbm>> -> memref<100000x64xf32, #tpu.memory_space<hbm>>
    tpu.wait_indirect_dma semaphore(%arg20 : memref<!tpu.dma_semaphore, #tpu.memory_space<semaphore_mem>>) src(%dma_wait3A_168 : memref<100000x64xf32, #tpu.memory_space<hbm>>) dst(%dma_wait3A_162 : memref<56x64xf32, #tpu.memory_space<vmem>>)
    %dma_wait3A_169 = arith.constant 5 : i32
    %dma_wait3A_170 = arith.constant 5 : i32
    %dma_wait3A_171 = arith.constant 0 : i32
    %dma_wait3A_172 = arith.constant 0 : i32
    %dma_wait3A_173 = tpu.memref_slice %arg19[%dma_wait3A_170, %dma_wait3A_171, %dma_wait3A_172] : memref<16x56x64xf32, #tpu.memory_space<vmem>> -> memref<1x56x64xf32, #tpu.memory_space<vmem>>
    %dma_wait3A_174 = tpu.memref_squeeze %dma_wait3A_173 : memref<1x56x64xf32, #tpu.memory_space<vmem>> -> memref<56x64xf32, #tpu.memory_space<vmem>>
    %dma_wait3A_175 = arith.constant 0 : i32
    %dma_wait3A_176 = tpu.memref_slice %arg17[%dma_wait3A_169, %dma_wait3A_175] : memref<32x56xi32, #tpu.memory_space<vmem>> -> memref<1x56xi32, #tpu.memory_space<vmem>>
    %dma_wait3A_177 = tpu.memref_squeeze %dma_wait3A_176 : memref<1x56xi32, #tpu.memory_space<vmem>> -> memref<56xi32, #tpu.memory_space<vmem>>
    %dma_wait3A_178 = arith.constant 0 : i32
    %dma_wait3A_179 = arith.constant 0 : i32
    %dma_wait3A_180 = tpu.memref_slice %arg8[%dma_wait3A_178, %dma_wait3A_179] : memref<100000x64xf32, #tpu.memory_space<hbm>> -> memref<100000x64xf32, #tpu.memory_space<hbm>>
    tpu.wait_indirect_dma semaphore(%arg20 : memref<!tpu.dma_semaphore, #tpu.memory_space<semaphore_mem>>) src(%dma_wait3A_180 : memref<100000x64xf32, #tpu.memory_space<hbm>>) dst(%dma_wait3A_174 : memref<56x64xf32, #tpu.memory_space<vmem>>)
    %dma_wait3A_181 = arith.constant 6 : i32
    %dma_wait3A_182 = arith.constant 6 : i32
    %dma_wait3A_183 = arith.constant 0 : i32
    %dma_wait3A_184 = arith.constant 0 : i32
    %dma_wait3A_185 = tpu.memref_slice %arg19[%dma_wait3A_182, %dma_wait3A_183, %dma_wait3A_184] : memref<16x56x64xf32, #tpu.memory_space<vmem>> -> memref<1x56x64xf32, #tpu.memory_space<vmem>>
    %dma_wait3A_186 = tpu.memref_squeeze %dma_wait3A_185 : memref<1x56x64xf32, #tpu.memory_space<vmem>> -> memref<56x64xf32, #tpu.memory_space<vmem>>
    %dma_wait3A_187 = arith.constant 0 : i32
    %dma_wait3A_188 = tpu.memref_slice %arg17[%dma_wait3A_181, %dma_wait3A_187] : memref<32x56xi32, #tpu.memory_space<vmem>> -> memref<1x56xi32, #tpu.memory_space<vmem>>
    %dma_wait3A_189 = tpu.memref_squeeze %dma_wait3A_188 : memref<1x56xi32, #tpu.memory_space<vmem>> -> memref<56xi32, #tpu.memory_space<vmem>>
    %dma_wait3A_190 = arith.constant 0 : i32
    %dma_wait3A_191 = arith.constant 0 : i32
    %dma_wait3A_192 = tpu.memref_slice %arg8[%dma_wait3A_190, %dma_wait3A_191] : memref<100000x64xf32, #tpu.memory_space<hbm>> -> memref<100000x64xf32, #tpu.memory_space<hbm>>
    tpu.wait_indirect_dma semaphore(%arg20 : memref<!tpu.dma_semaphore, #tpu.memory_space<semaphore_mem>>) src(%dma_wait3A_192 : memref<100000x64xf32, #tpu.memory_space<hbm>>) dst(%dma_wait3A_186 : memref<56x64xf32, #tpu.memory_space<vmem>>)
    %dma_wait3A_193 = arith.constant 7 : i32
    %dma_wait3A_194 = arith.constant 7 : i32
    %dma_wait3A_195 = arith.constant 0 : i32
    %dma_wait3A_196 = arith.constant 0 : i32
    %dma_wait3A_197 = tpu.memref_slice %arg19[%dma_wait3A_194, %dma_wait3A_195, %dma_wait3A_196] : memref<16x56x64xf32, #tpu.memory_space<vmem>> -> memref<1x56x64xf32, #tpu.memory_space<vmem>>
    %dma_wait3A_198 = tpu.memref_squeeze %dma_wait3A_197 : memref<1x56x64xf32, #tpu.memory_space<vmem>> -> memref<56x64xf32, #tpu.memory_space<vmem>>
    %dma_wait3A_199 = arith.constant 0 : i32
    %dma_wait3A_200 = tpu.memref_slice %arg17[%dma_wait3A_193, %dma_wait3A_199] : memref<32x56xi32, #tpu.memory_space<vmem>> -> memref<1x56xi32, #tpu.memory_space<vmem>>
    %dma_wait3A_201 = tpu.memref_squeeze %dma_wait3A_200 : memref<1x56xi32, #tpu.memory_space<vmem>> -> memref<56xi32, #tpu.memory_space<vmem>>
    %dma_wait3A_202 = arith.constant 0 : i32
    %dma_wait3A_203 = arith.constant 0 : i32
    %dma_wait3A_204 = tpu.memref_slice %arg8[%dma_wait3A_202, %dma_wait3A_203] : memref<100000x64xf32, #tpu.memory_space<hbm>> -> memref<100000x64xf32, #tpu.memory_space<hbm>>
    tpu.wait_indirect_dma semaphore(%arg20 : memref<!tpu.dma_semaphore, #tpu.memory_space<semaphore_mem>>) src(%dma_wait3A_204 : memref<100000x64xf32, #tpu.memory_space<hbm>>) dst(%dma_wait3A_198 : memref<56x64xf32, #tpu.memory_space<vmem>>)
    %dma_start3A_205 = arith.constant 8 : i32
    %dma_start3A_206 = arith.constant 8 : i32
    %dma_start3A_207 = arith.constant 0 : i32
    %dma_start3A_208 = arith.constant 0 : i32
    %dma_start3A_209 = tpu.memref_slice %arg19[%dma_start3A_206, %dma_start3A_207, %dma_start3A_208] : memref<16x56x64xf32, #tpu.memory_space<vmem>> -> memref<1x56x64xf32, #tpu.memory_space<vmem>>
    %dma_start3A_210 = tpu.memref_squeeze %dma_start3A_209 : memref<1x56x64xf32, #tpu.memory_space<vmem>> -> memref<56x64xf32, #tpu.memory_space<vmem>>
    %dma_start3A_211 = arith.constant 0 : i32
    %dma_start3A_212 = tpu.memref_slice %arg17[%dma_start3A_205, %dma_start3A_211] : memref<32x56xi32, #tpu.memory_space<vmem>> -> memref<1x56xi32, #tpu.memory_space<vmem>>
    %dma_start3A_213 = tpu.memref_squeeze %dma_start3A_212 : memref<1x56xi32, #tpu.memory_space<vmem>> -> memref<56xi32, #tpu.memory_space<vmem>>
    %dma_start3A_214 = arith.constant 0 : i32
    %dma_start3A_215 = arith.constant 0 : i32
    %dma_start3A_216 = tpu.memref_slice %arg8[%dma_start3A_214, %dma_start3A_215] : memref<100000x64xf32, #tpu.memory_space<hbm>> -> memref<100000x64xf32, #tpu.memory_space<hbm>>
    tpu.enqueue_indirect_dma source(%dma_start3A_216 : memref<100000x64xf32, #tpu.memory_space<hbm>>) target(%dma_start3A_210 : memref<56x64xf32, #tpu.memory_space<vmem>>) offsets(%dma_start3A_213 : memref<56xi32, #tpu.memory_space<vmem>>) semaphore(%arg20 : memref<!tpu.dma_semaphore, #tpu.memory_space<semaphore_mem>>)
    %dma_start3A_217 = arith.constant 9 : i32
    %dma_start3A_218 = arith.constant 9 : i32
    %dma_start3A_219 = arith.constant 0 : i32
    %dma_start3A_220 = arith.constant 0 : i32
    %dma_start3A_221 = tpu.memref_slice %arg19[%dma_start3A_218, %dma_start3A_219, %dma_start3A_220] : memref<16x56x64xf32, #tpu.memory_space<vmem>> -> memref<1x56x64xf32, #tpu.memory_space<vmem>>
    %dma_start3A_222 = tpu.memref_squeeze %dma_start3A_221 : memref<1x56x64xf32, #tpu.memory_space<vmem>> -> memref<56x64xf32, #tpu.memory_space<vmem>>
    %dma_start3A_223 = arith.constant 0 : i32
    %dma_start3A_224 = tpu.memref_slice %arg17[%dma_start3A_217, %dma_start3A_223] : memref<32x56xi32, #tpu.memory_space<vmem>> -> memref<1x56xi32, #tpu.memory_space<vmem>>
    %dma_start3A_225 = tpu.memref_squeeze %dma_start3A_224 : memref<1x56xi32, #tpu.memory_space<vmem>> -> memref<56xi32, #tpu.memory_space<vmem>>
    %dma_start3A_226 = arith.constant 0 : i32
    %dma_start3A_227 = arith.constant 0 : i32
    %dma_start3A_228 = tpu.memref_slice %arg8[%dma_start3A_226, %dma_start3A_227] : memref<100000x64xf32, #tpu.memory_space<hbm>> -> memref<100000x64xf32, #tpu.memory_space<hbm>>
    tpu.enqueue_indirect_dma source(%dma_start3A_228 : memref<100000x64xf32, #tpu.memory_space<hbm>>) target(%dma_start3A_222 : memref<56x64xf32, #tpu.memory_space<vmem>>) offsets(%dma_start3A_225 : memref<56xi32, #tpu.memory_space<vmem>>) semaphore(%arg20 : memref<!tpu.dma_semaphore, #tpu.memory_space<semaphore_mem>>)
    %dma_start3A_229 = arith.constant 10 : i32
    %dma_start3A_230 = arith.constant 10 : i32
    %dma_start3A_231 = arith.constant 0 : i32
    %dma_start3A_232 = arith.constant 0 : i32
    %dma_start3A_233 = tpu.memref_slice %arg19[%dma_start3A_230, %dma_start3A_231, %dma_start3A_232] : memref<16x56x64xf32, #tpu.memory_space<vmem>> -> memref<1x56x64xf32, #tpu.memory_space<vmem>>
    %dma_start3A_234 = tpu.memref_squeeze %dma_start3A_233 : memref<1x56x64xf32, #tpu.memory_space<vmem>> -> memref<56x64xf32, #tpu.memory_space<vmem>>
    %dma_start3A_235 = arith.constant 0 : i32
    %dma_start3A_236 = tpu.memref_slice %arg17[%dma_start3A_229, %dma_start3A_235] : memref<32x56xi32, #tpu.memory_space<vmem>> -> memref<1x56xi32, #tpu.memory_space<vmem>>
    %dma_start3A_237 = tpu.memref_squeeze %dma_start3A_236 : memref<1x56xi32, #tpu.memory_space<vmem>> -> memref<56xi32, #tpu.memory_space<vmem>>
    %dma_start3A_238 = arith.constant 0 : i32
    %dma_start3A_239 = arith.constant 0 : i32
    %dma_start3A_240 = tpu.memref_slice %arg8[%dma_start3A_238, %dma_start3A_239] : memref<100000x64xf32, #tpu.memory_space<hbm>> -> memref<100000x64xf32, #tpu.memory_space<hbm>>
    tpu.enqueue_indirect_dma source(%dma_start3A_240 : memref<100000x64xf32, #tpu.memory_space<hbm>>) target(%dma_start3A_234 : memref<56x64xf32, #tpu.memory_space<vmem>>) offsets(%dma_start3A_237 : memref<56xi32, #tpu.memory_space<vmem>>) semaphore(%arg20 : memref<!tpu.dma_semaphore, #tpu.memory_space<semaphore_mem>>)
    %dma_start3A_241 = arith.constant 11 : i32
    %dma_start3A_242 = arith.constant 11 : i32
    %dma_start3A_243 = arith.constant 0 : i32
    %dma_start3A_244 = arith.constant 0 : i32
    %dma_start3A_245 = tpu.memref_slice %arg19[%dma_start3A_242, %dma_start3A_243, %dma_start3A_244] : memref<16x56x64xf32, #tpu.memory_space<vmem>> -> memref<1x56x64xf32, #tpu.memory_space<vmem>>
    %dma_start3A_246 = tpu.memref_squeeze %dma_start3A_245 : memref<1x56x64xf32, #tpu.memory_space<vmem>> -> memref<56x64xf32, #tpu.memory_space<vmem>>
    %dma_start3A_247 = arith.constant 0 : i32
    %dma_start3A_248 = tpu.memref_slice %arg17[%dma_start3A_241, %dma_start3A_247] : memref<32x56xi32, #tpu.memory_space<vmem>> -> memref<1x56xi32, #tpu.memory_space<vmem>>
    %dma_start3A_249 = tpu.memref_squeeze %dma_start3A_248 : memref<1x56xi32, #tpu.memory_space<vmem>> -> memref<56xi32, #tpu.memory_space<vmem>>
    %dma_start3A_250 = arith.constant 0 : i32
    %dma_start3A_251 = arith.constant 0 : i32
    %dma_start3A_252 = tpu.memref_slice %arg8[%dma_start3A_250, %dma_start3A_251] : memref<100000x64xf32, #tpu.memory_space<hbm>> -> memref<100000x64xf32, #tpu.memory_space<hbm>>
    tpu.enqueue_indirect_dma source(%dma_start3A_252 : memref<100000x64xf32, #tpu.memory_space<hbm>>) target(%dma_start3A_246 : memref<56x64xf32, #tpu.memory_space<vmem>>) offsets(%dma_start3A_249 : memref<56xi32, #tpu.memory_space<vmem>>) semaphore(%arg20 : memref<!tpu.dma_semaphore, #tpu.memory_space<semaphore_mem>>)
    %dma_start3A_253 = arith.constant 12 : i32
    %dma_start3A_254 = arith.constant 12 : i32
    %dma_start3A_255 = arith.constant 0 : i32
    %dma_start3A_256 = arith.constant 0 : i32
    %dma_start3A_257 = tpu.memref_slice %arg19[%dma_start3A_254, %dma_start3A_255, %dma_start3A_256] : memref<16x56x64xf32, #tpu.memory_space<vmem>> -> memref<1x56x64xf32, #tpu.memory_space<vmem>>
    %dma_start3A_258 = tpu.memref_squeeze %dma_start3A_257 : memref<1x56x64xf32, #tpu.memory_space<vmem>> -> memref<56x64xf32, #tpu.memory_space<vmem>>
    %dma_start3A_259 = arith.constant 0 : i32
    %dma_start3A_260 = tpu.memref_slice %arg17[%dma_start3A_253, %dma_start3A_259] : memref<32x56xi32, #tpu.memory_space<vmem>> -> memref<1x56xi32, #tpu.memory_space<vmem>>
    %dma_start3A_261 = tpu.memref_squeeze %dma_start3A_260 : memref<1x56xi32, #tpu.memory_space<vmem>> -> memref<56xi32, #tpu.memory_space<vmem>>
    %dma_start3A_262 = arith.constant 0 : i32
    %dma_start3A_263 = arith.constant 0 : i32
    %dma_start3A_264 = tpu.memref_slice %arg8[%dma_start3A_262, %dma_start3A_263] : memref<100000x64xf32, #tpu.memory_space<hbm>> -> memref<100000x64xf32, #tpu.memory_space<hbm>>
    tpu.enqueue_indirect_dma source(%dma_start3A_264 : memref<100000x64xf32, #tpu.memory_space<hbm>>) target(%dma_start3A_258 : memref<56x64xf32, #tpu.memory_space<vmem>>) offsets(%dma_start3A_261 : memref<56xi32, #tpu.memory_space<vmem>>) semaphore(%arg20 : memref<!tpu.dma_semaphore, #tpu.memory_space<semaphore_mem>>)
    %dma_start3A_265 = arith.constant 13 : i32
    %dma_start3A_266 = arith.constant 13 : i32
    %dma_start3A_267 = arith.constant 0 : i32
    %dma_start3A_268 = arith.constant 0 : i32
    %dma_start3A_269 = tpu.memref_slice %arg19[%dma_start3A_266, %dma_start3A_267, %dma_start3A_268] : memref<16x56x64xf32, #tpu.memory_space<vmem>> -> memref<1x56x64xf32, #tpu.memory_space<vmem>>
    %dma_start3A_270 = tpu.memref_squeeze %dma_start3A_269 : memref<1x56x64xf32, #tpu.memory_space<vmem>> -> memref<56x64xf32, #tpu.memory_space<vmem>>
    %dma_start3A_271 = arith.constant 0 : i32
    %dma_start3A_272 = tpu.memref_slice %arg17[%dma_start3A_265, %dma_start3A_271] : memref<32x56xi32, #tpu.memory_space<vmem>> -> memref<1x56xi32, #tpu.memory_space<vmem>>
    %dma_start3A_273 = tpu.memref_squeeze %dma_start3A_272 : memref<1x56xi32, #tpu.memory_space<vmem>> -> memref<56xi32, #tpu.memory_space<vmem>>
    %dma_start3A_274 = arith.constant 0 : i32
    %dma_start3A_275 = arith.constant 0 : i32
    %dma_start3A_276 = tpu.memref_slice %arg8[%dma_start3A_274, %dma_start3A_275] : memref<100000x64xf32, #tpu.memory_space<hbm>> -> memref<100000x64xf32, #tpu.memory_space<hbm>>
    tpu.enqueue_indirect_dma source(%dma_start3A_276 : memref<100000x64xf32, #tpu.memory_space<hbm>>) target(%dma_start3A_270 : memref<56x64xf32, #tpu.memory_space<vmem>>) offsets(%dma_start3A_273 : memref<56xi32, #tpu.memory_space<vmem>>) semaphore(%arg20 : memref<!tpu.dma_semaphore, #tpu.memory_space<semaphore_mem>>)
    %dma_start3A_277 = arith.constant 14 : i32
    %dma_start3A_278 = arith.constant 14 : i32
    %dma_start3A_279 = arith.constant 0 : i32
    %dma_start3A_280 = arith.constant 0 : i32
    %dma_start3A_281 = tpu.memref_slice %arg19[%dma_start3A_278, %dma_start3A_279, %dma_start3A_280] : memref<16x56x64xf32, #tpu.memory_space<vmem>> -> memref<1x56x64xf32, #tpu.memory_space<vmem>>
    %dma_start3A_282 = tpu.memref_squeeze %dma_start3A_281 : memref<1x56x64xf32, #tpu.memory_space<vmem>> -> memref<56x64xf32, #tpu.memory_space<vmem>>
    %dma_start3A_283 = arith.constant 0 : i32
    %dma_start3A_284 = tpu.memref_slice %arg17[%dma_start3A_277, %dma_start3A_283] : memref<32x56xi32, #tpu.memory_space<vmem>> -> memref<1x56xi32, #tpu.memory_space<vmem>>
    %dma_start3A_285 = tpu.memref_squeeze %dma_start3A_284 : memref<1x56xi32, #tpu.memory_space<vmem>> -> memref<56xi32, #tpu.memory_space<vmem>>
    %dma_start3A_286 = arith.constant 0 : i32
    %dma_start3A_287 = arith.constant 0 : i32
    %dma_start3A_288 = tpu.memref_slice %arg8[%dma_start3A_286, %dma_start3A_287] : memref<100000x64xf32, #tpu.memory_space<hbm>> -> memref<100000x64xf32, #tpu.memory_space<hbm>>
    tpu.enqueue_indirect_dma source(%dma_start3A_288 : memref<100000x64xf32, #tpu.memory_space<hbm>>) target(%dma_start3A_282 : memref<56x64xf32, #tpu.memory_space<vmem>>) offsets(%dma_start3A_285 : memref<56xi32, #tpu.memory_space<vmem>>) semaphore(%arg20 : memref<!tpu.dma_semaphore, #tpu.memory_space<semaphore_mem>>)
    %dma_start3A_289 = arith.constant 15 : i32
    %dma_start3A_290 = arith.constant 15 : i32
    %dma_start3A_291 = arith.constant 0 : i32
    %dma_start3A_292 = arith.constant 0 : i32
    %dma_start3A_293 = tpu.memref_slice %arg19[%dma_start3A_290, %dma_start3A_291, %dma_start3A_292] : memref<16x56x64xf32, #tpu.memory_space<vmem>> -> memref<1x56x64xf32, #tpu.memory_space<vmem>>
    %dma_start3A_294 = tpu.memref_squeeze %dma_start3A_293 : memref<1x56x64xf32, #tpu.memory_space<vmem>> -> memref<56x64xf32, #tpu.memory_space<vmem>>
    %dma_start3A_295 = arith.constant 0 : i32
    %dma_start3A_296 = tpu.memref_slice %arg17[%dma_start3A_289, %dma_start3A_295] : memref<32x56xi32, #tpu.memory_space<vmem>> -> memref<1x56xi32, #tpu.memory_space<vmem>>
    %dma_start3A_297 = tpu.memref_squeeze %dma_start3A_296 : memref<1x56xi32, #tpu.memory_space<vmem>> -> memref<56xi32, #tpu.memory_space<vmem>>
    %dma_start3A_298 = arith.constant 0 : i32
    %dma_start3A_299 = arith.constant 0 : i32
    %dma_start3A_300 = tpu.memref_slice %arg8[%dma_start3A_298, %dma_start3A_299] : memref<100000x64xf32, #tpu.memory_space<hbm>> -> memref<100000x64xf32, #tpu.memory_space<hbm>>
    tpu.enqueue_indirect_dma source(%dma_start3A_300 : memref<100000x64xf32, #tpu.memory_space<hbm>>) target(%dma_start3A_294 : memref<56x64xf32, #tpu.memory_space<vmem>>) offsets(%dma_start3A_297 : memref<56xi32, #tpu.memory_space<vmem>>) semaphore(%arg20 : memref<!tpu.dma_semaphore, #tpu.memory_space<semaphore_mem>>)
    %dma_wait3A_301 = arith.constant 8 : i32
    %dma_wait3A_302 = arith.constant 8 : i32
    %dma_wait3A_303 = arith.constant 0 : i32
    %dma_wait3A_304 = arith.constant 0 : i32
    %dma_wait3A_305 = tpu.memref_slice %arg19[%dma_wait3A_302, %dma_wait3A_303, %dma_wait3A_304] : memref<16x56x64xf32, #tpu.memory_space<vmem>> -> memref<1x56x64xf32, #tpu.memory_space<vmem>>
    %dma_wait3A_306 = tpu.memref_squeeze %dma_wait3A_305 : memref<1x56x64xf32, #tpu.memory_space<vmem>> -> memref<56x64xf32, #tpu.memory_space<vmem>>
    %dma_wait3A_307 = arith.constant 0 : i32
    %dma_wait3A_308 = tpu.memref_slice %arg17[%dma_wait3A_301, %dma_wait3A_307] : memref<32x56xi32, #tpu.memory_space<vmem>> -> memref<1x56xi32, #tpu.memory_space<vmem>>
    %dma_wait3A_309 = tpu.memref_squeeze %dma_wait3A_308 : memref<1x56xi32, #tpu.memory_space<vmem>> -> memref<56xi32, #tpu.memory_space<vmem>>
    %dma_wait3A_310 = arith.constant 0 : i32
    %dma_wait3A_311 = arith.constant 0 : i32
    %dma_wait3A_312 = tpu.memref_slice %arg8[%dma_wait3A_310, %dma_wait3A_311] : memref<100000x64xf32, #tpu.memory_space<hbm>> -> memref<100000x64xf32, #tpu.memory_space<hbm>>
    tpu.wait_indirect_dma semaphore(%arg20 : memref<!tpu.dma_semaphore, #tpu.memory_space<semaphore_mem>>) src(%dma_wait3A_312 : memref<100000x64xf32, #tpu.memory_space<hbm>>) dst(%dma_wait3A_306 : memref<56x64xf32, #tpu.memory_space<vmem>>)
    %dma_wait3A_313 = arith.constant 9 : i32
    %dma_wait3A_314 = arith.constant 9 : i32
    %dma_wait3A_315 = arith.constant 0 : i32
    %dma_wait3A_316 = arith.constant 0 : i32
    %dma_wait3A_317 = tpu.memref_slice %arg19[%dma_wait3A_314, %dma_wait3A_315, %dma_wait3A_316] : memref<16x56x64xf32, #tpu.memory_space<vmem>> -> memref<1x56x64xf32, #tpu.memory_space<vmem>>
    %dma_wait3A_318 = tpu.memref_squeeze %dma_wait3A_317 : memref<1x56x64xf32, #tpu.memory_space<vmem>> -> memref<56x64xf32, #tpu.memory_space<vmem>>
    %dma_wait3A_319 = arith.constant 0 : i32
    %dma_wait3A_320 = tpu.memref_slice %arg17[%dma_wait3A_313, %dma_wait3A_319] : memref<32x56xi32, #tpu.memory_space<vmem>> -> memref<1x56xi32, #tpu.memory_space<vmem>>
    %dma_wait3A_321 = tpu.memref_squeeze %dma_wait3A_320 : memref<1x56xi32, #tpu.memory_space<vmem>> -> memref<56xi32, #tpu.memory_space<vmem>>
    %dma_wait3A_322 = arith.constant 0 : i32
    %dma_wait3A_323 = arith.constant 0 : i32
    %dma_wait3A_324 = tpu.memref_slice %arg8[%dma_wait3A_322, %dma_wait3A_323] : memref<100000x64xf32, #tpu.memory_space<hbm>> -> memref<100000x64xf32, #tpu.memory_space<hbm>>
    tpu.wait_indirect_dma semaphore(%arg20 : memref<!tpu.dma_semaphore, #tpu.memory_space<semaphore_mem>>) src(%dma_wait3A_324 : memref<100000x64xf32, #tpu.memory_space<hbm>>) dst(%dma_wait3A_318 : memref<56x64xf32, #tpu.memory_space<vmem>>)
    %dma_wait3A_325 = arith.constant 10 : i32
    %dma_wait3A_326 = arith.constant 10 : i32
    %dma_wait3A_327 = arith.constant 0 : i32
    %dma_wait3A_328 = arith.constant 0 : i32
    %dma_wait3A_329 = tpu.memref_slice %arg19[%dma_wait3A_326, %dma_wait3A_327, %dma_wait3A_328] : memref<16x56x64xf32, #tpu.memory_space<vmem>> -> memref<1x56x64xf32, #tpu.memory_space<vmem>>
    %dma_wait3A_330 = tpu.memref_squeeze %dma_wait3A_329 : memref<1x56x64xf32, #tpu.memory_space<vmem>> -> memref<56x64xf32, #tpu.memory_space<vmem>>
    %dma_wait3A_331 = arith.constant 0 : i32
    %dma_wait3A_332 = tpu.memref_slice %arg17[%dma_wait3A_325, %dma_wait3A_331] : memref<32x56xi32, #tpu.memory_space<vmem>> -> memref<1x56xi32, #tpu.memory_space<vmem>>
    %dma_wait3A_333 = tpu.memref_squeeze %dma_wait3A_332 : memref<1x56xi32, #tpu.memory_space<vmem>> -> memref<56xi32, #tpu.memory_space<vmem>>
    %dma_wait3A_334 = arith.constant 0 : i32
    %dma_wait3A_335 = arith.constant 0 : i32
    %dma_wait3A_336 = tpu.memref_slice %arg8[%dma_wait3A_334, %dma_wait3A_335] : memref<100000x64xf32, #tpu.memory_space<hbm>> -> memref<100000x64xf32, #tpu.memory_space<hbm>>
    tpu.wait_indirect_dma semaphore(%arg20 : memref<!tpu.dma_semaphore, #tpu.memory_space<semaphore_mem>>) src(%dma_wait3A_336 : memref<100000x64xf32, #tpu.memory_space<hbm>>) dst(%dma_wait3A_330 : memref<56x64xf32, #tpu.memory_space<vmem>>)
    %dma_wait3A_337 = arith.constant 11 : i32
    %dma_wait3A_338 = arith.constant 11 : i32
    %dma_wait3A_339 = arith.constant 0 : i32
    %dma_wait3A_340 = arith.constant 0 : i32
    %dma_wait3A_341 = tpu.memref_slice %arg19[%dma_wait3A_338, %dma_wait3A_339, %dma_wait3A_340] : memref<16x56x64xf32, #tpu.memory_space<vmem>> -> memref<1x56x64xf32, #tpu.memory_space<vmem>>
    %dma_wait3A_342 = tpu.memref_squeeze %dma_wait3A_341 : memref<1x56x64xf32, #tpu.memory_space<vmem>> -> memref<56x64xf32, #tpu.memory_space<vmem>>
    %dma_wait3A_343 = arith.constant 0 : i32
    %dma_wait3A_344 = tpu.memref_slice %arg17[%dma_wait3A_337, %dma_wait3A_343] : memref<32x56xi32, #tpu.memory_space<vmem>> -> memref<1x56xi32, #tpu.memory_space<vmem>>
    %dma_wait3A_345 = tpu.memref_squeeze %dma_wait3A_344 : memref<1x56xi32, #tpu.memory_space<vmem>> -> memref<56xi32, #tpu.memory_space<vmem>>
    %dma_wait3A_346 = arith.constant 0 : i32
    %dma_wait3A_347 = arith.constant 0 : i32
    %dma_wait3A_348 = tpu.memref_slice %arg8[%dma_wait3A_346, %dma_wait3A_347] : memref<100000x64xf32, #tpu.memory_space<hbm>> -> memref<100000x64xf32, #tpu.memory_space<hbm>>
    tpu.wait_indirect_dma semaphore(%arg20 : memref<!tpu.dma_semaphore, #tpu.memory_space<semaphore_mem>>) src(%dma_wait3A_348 : memref<100000x64xf32, #tpu.memory_space<hbm>>) dst(%dma_wait3A_342 : memref<56x64xf32, #tpu.memory_space<vmem>>)
    %dma_wait3A_349 = arith.constant 12 : i32
    %dma_wait3A_350 = arith.constant 12 : i32
    %dma_wait3A_351 = arith.constant 0 : i32
    %dma_wait3A_352 = arith.constant 0 : i32
    %dma_wait3A_353 = tpu.memref_slice %arg19[%dma_wait3A_350, %dma_wait3A_351, %dma_wait3A_352] : memref<16x56x64xf32, #tpu.memory_space<vmem>> -> memref<1x56x64xf32, #tpu.memory_space<vmem>>
    %dma_wait3A_354 = tpu.memref_squeeze %dma_wait3A_353 : memref<1x56x64xf32, #tpu.memory_space<vmem>> -> memref<56x64xf32, #tpu.memory_space<vmem>>
    %dma_wait3A_355 = arith.constant 0 : i32
    %dma_wait3A_356 = tpu.memref_slice %arg17[%dma_wait3A_349, %dma_wait3A_355] : memref<32x56xi32, #tpu.memory_space<vmem>> -> memref<1x56xi32, #tpu.memory_space<vmem>>
    %dma_wait3A_357 = tpu.memref_squeeze %dma_wait3A_356 : memref<1x56xi32, #tpu.memory_space<vmem>> -> memref<56xi32, #tpu.memory_space<vmem>>
    %dma_wait3A_358 = arith.constant 0 : i32
    %dma_wait3A_359 = arith.constant 0 : i32
    %dma_wait3A_360 = tpu.memref_slice %arg8[%dma_wait3A_358, %dma_wait3A_359] : memref<100000x64xf32, #tpu.memory_space<hbm>> -> memref<100000x64xf32, #tpu.memory_space<hbm>>
    tpu.wait_indirect_dma semaphore(%arg20 : memref<!tpu.dma_semaphore, #tpu.memory_space<semaphore_mem>>) src(%dma_wait3A_360 : memref<100000x64xf32, #tpu.memory_space<hbm>>) dst(%dma_wait3A_354 : memref<56x64xf32, #tpu.memory_space<vmem>>)
    %dma_wait3A_361 = arith.constant 13 : i32
    %dma_wait3A_362 = arith.constant 13 : i32
    %dma_wait3A_363 = arith.constant 0 : i32
    %dma_wait3A_364 = arith.constant 0 : i32
    %dma_wait3A_365 = tpu.memref_slice %arg19[%dma_wait3A_362, %dma_wait3A_363, %dma_wait3A_364] : memref<16x56x64xf32, #tpu.memory_space<vmem>> -> memref<1x56x64xf32, #tpu.memory_space<vmem>>
    %dma_wait3A_366 = tpu.memref_squeeze %dma_wait3A_365 : memref<1x56x64xf32, #tpu.memory_space<vmem>> -> memref<56x64xf32, #tpu.memory_space<vmem>>
    %dma_wait3A_367 = arith.constant 0 : i32
    %dma_wait3A_368 = tpu.memref_slice %arg17[%dma_wait3A_361, %dma_wait3A_367] : memref<32x56xi32, #tpu.memory_space<vmem>> -> memref<1x56xi32, #tpu.memory_space<vmem>>
    %dma_wait3A_369 = tpu.memref_squeeze %dma_wait3A_368 : memref<1x56xi32, #tpu.memory_space<vmem>> -> memref<56xi32, #tpu.memory_space<vmem>>
    %dma_wait3A_370 = arith.constant 0 : i32
    %dma_wait3A_371 = arith.constant 0 : i32
    %dma_wait3A_372 = tpu.memref_slice %arg8[%dma_wait3A_370, %dma_wait3A_371] : memref<100000x64xf32, #tpu.memory_space<hbm>> -> memref<100000x64xf32, #tpu.memory_space<hbm>>
    tpu.wait_indirect_dma semaphore(%arg20 : memref<!tpu.dma_semaphore, #tpu.memory_space<semaphore_mem>>) src(%dma_wait3A_372 : memref<100000x64xf32, #tpu.memory_space<hbm>>) dst(%dma_wait3A_366 : memref<56x64xf32, #tpu.memory_space<vmem>>)
    %dma_wait3A_373 = arith.constant 14 : i32
    %dma_wait3A_374 = arith.constant 14 : i32
    %dma_wait3A_375 = arith.constant 0 : i32
    %dma_wait3A_376 = arith.constant 0 : i32
    %dma_wait3A_377 = tpu.memref_slice %arg19[%dma_wait3A_374, %dma_wait3A_375, %dma_wait3A_376] : memref<16x56x64xf32, #tpu.memory_space<vmem>> -> memref<1x56x64xf32, #tpu.memory_space<vmem>>
    %dma_wait3A_378 = tpu.memref_squeeze %dma_wait3A_377 : memref<1x56x64xf32, #tpu.memory_space<vmem>> -> memref<56x64xf32, #tpu.memory_space<vmem>>
    %dma_wait3A_379 = arith.constant 0 : i32
    %dma_wait3A_380 = tpu.memref_slice %arg17[%dma_wait3A_373, %dma_wait3A_379] : memref<32x56xi32, #tpu.memory_space<vmem>> -> memref<1x56xi32, #tpu.memory_space<vmem>>
    %dma_wait3A_381 = tpu.memref_squeeze %dma_wait3A_380 : memref<1x56xi32, #tpu.memory_space<vmem>> -> memref<56xi32, #tpu.memory_space<vmem>>
    %dma_wait3A_382 = arith.constant 0 : i32
    %dma_wait3A_383 = arith.constant 0 : i32
    %dma_wait3A_384 = tpu.memref_slice %arg8[%dma_wait3A_382, %dma_wait3A_383] : memref<100000x64xf32, #tpu.memory_space<hbm>> -> memref<100000x64xf32, #tpu.memory_space<hbm>>
    tpu.wait_indirect_dma semaphore(%arg20 : memref<!tpu.dma_semaphore, #tpu.memory_space<semaphore_mem>>) src(%dma_wait3A_384 : memref<100000x64xf32, #tpu.memory_space<hbm>>) dst(%dma_wait3A_378 : memref<56x64xf32, #tpu.memory_space<vmem>>)
    %dma_wait3A_385 = arith.constant 15 : i32
    %dma_wait3A_386 = arith.constant 15 : i32
    %dma_wait3A_387 = arith.constant 0 : i32
    %dma_wait3A_388 = arith.constant 0 : i32
    %dma_wait3A_389 = tpu.memref_slice %arg19[%dma_wait3A_386, %dma_wait3A_387, %dma_wait3A_388] : memref<16x56x64xf32, #tpu.memory_space<vmem>> -> memref<1x56x64xf32, #tpu.memory_space<vmem>>
    %dma_wait3A_390 = tpu.memref_squeeze %dma_wait3A_389 : memref<1x56x64xf32, #tpu.memory_space<vmem>> -> memref<56x64xf32, #tpu.memory_space<vmem>>
    %dma_wait3A_391 = arith.constant 0 : i32
    %dma_wait3A_392 = tpu.memref_slice %arg17[%dma_wait3A_385, %dma_wait3A_391] : memref<32x56xi32, #tpu.memory_space<vmem>> -> memref<1x56xi32, #tpu.memory_space<vmem>>
    %dma_wait3A_393 = tpu.memref_squeeze %dma_wait3A_392 : memref<1x56xi32, #tpu.memory_space<vmem>> -> memref<56xi32, #tpu.memory_space<vmem>>
    %dma_wait3A_394 = arith.constant 0 : i32
    %dma_wait3A_395 = arith.constant 0 : i32
    %dma_wait3A_396 = tpu.memref_slice %arg8[%dma_wait3A_394, %dma_wait3A_395] : memref<100000x64xf32, #tpu.memory_space<hbm>> -> memref<100000x64xf32, #tpu.memory_space<hbm>>
    tpu.wait_indirect_dma semaphore(%arg20 : memref<!tpu.dma_semaphore, #tpu.memory_space<semaphore_mem>>) src(%dma_wait3A_396 : memref<100000x64xf32, #tpu.memory_space<hbm>>) dst(%dma_wait3A_390 : memref<56x64xf32, #tpu.memory_space<vmem>>)
    %add3A_397 = arith.constant 0 : i32
    %add3A_398 = arith.addi %mul3A_2, %add3A_397 : i32
    "tpu.region"() ({
      %run_scoped3A = tpu.sem_alloc : memref<!tpu.dma_semaphore, #tpu.memory_space<semaphore_mem>>
      %dma_start3A_1569 = arith.constant 0 : i32
      %dma_start3A_1570 = arith.constant 0 : i32
      %dma_start3A_1571 = tpu.memref_slice %arg12[%add3A_398, %dma_start3A_1569, %dma_start3A_1570] : memref<1024x56x64xf32, #tpu.memory_space<hbm>> -> memref<16x56x64xf32, #tpu.memory_space<hbm>>
      %dma_start3A_1572 = arith.constant 0 : i32
      %dma_start3A_1573 = arith.constant 0 : i32
      %dma_start3A_1574 = tpu.memref_slice %arg12[%add3A_398, %dma_start3A_1572, %dma_start3A_1573] : memref<1024x56x64xf32, #tpu.memory_space<hbm>> -> memref<16x56x64xf32, #tpu.memory_space<hbm>>
      tpu.enqueue_dma source(%arg19 : memref<16x56x64xf32, #tpu.memory_space<vmem>>) target(%dma_start3A_1574 : memref<16x56x64xf32, #tpu.memory_space<hbm>>) target_semaphore(%run_scoped3A : memref<!tpu.dma_semaphore, #tpu.memory_space<semaphore_mem>>)
      %dma_wait3A_1575 = arith.constant 0 : i32
      %dma_wait3A_1576 = arith.constant 0 : i32
      %dma_wait3A_1577 = tpu.memref_slice %arg12[%add3A_398, %dma_wait3A_1575, %dma_wait3A_1576] : memref<1024x56x64xf32, #tpu.memory_space<hbm>> -> memref<16x56x64xf32, #tpu.memory_space<hbm>>
      %dma_wait3A_1578 = arith.constant 0 : i32
      %dma_wait3A_1579 = arith.constant 0 : i32
      %dma_wait3A_1580 = tpu.memref_slice %arg12[%add3A_398, %dma_wait3A_1578, %dma_wait3A_1579] : memref<1024x56x64xf32, #tpu.memory_space<hbm>> -> memref<16x56x64xf32, #tpu.memory_space<hbm>>
      tpu.wait_dma2 semaphore(%run_scoped3A : memref<!tpu.dma_semaphore, #tpu.memory_space<semaphore_mem>>) src(%arg19 : memref<16x56x64xf32, #tpu.memory_space<vmem>>) dst(%dma_wait3A_1580 : memref<16x56x64xf32, #tpu.memory_space<hbm>>)
      tpu.yield
    }) : () -> ()
    %dma_start3A_399 = arith.constant 16 : i32
    %dma_start3A_400 = arith.constant 0 : i32
    %dma_start3A_401 = arith.constant 0 : i32
    %dma_start3A_402 = arith.constant 0 : i32
    %dma_start3A_403 = tpu.memref_slice %arg19[%dma_start3A_400, %dma_start3A_401, %dma_start3A_402] : memref<16x56x64xf32, #tpu.memory_space<vmem>> -> memref<1x56x64xf32, #tpu.memory_space<vmem>>
    %dma_start3A_404 = tpu.memref_squeeze %dma_start3A_403 : memref<1x56x64xf32, #tpu.memory_space<vmem>> -> memref<56x64xf32, #tpu.memory_space<vmem>>
    %dma_start3A_405 = arith.constant 0 : i32
    %dma_start3A_406 = tpu.memref_slice %arg17[%dma_start3A_399, %dma_start3A_405] : memref<32x56xi32, #tpu.memory_space<vmem>> -> memref<1x56xi32, #tpu.memory_space<vmem>>
    %dma_start3A_407 = tpu.memref_squeeze %dma_start3A_406 : memref<1x56xi32, #tpu.memory_space<vmem>> -> memref<56xi32, #tpu.memory_space<vmem>>
    %dma_start3A_408 = arith.constant 0 : i32
    %dma_start3A_409 = arith.constant 0 : i32
    %dma_start3A_410 = tpu.memref_slice %arg8[%dma_start3A_408, %dma_start3A_409] : memref<100000x64xf32, #tpu.memory_space<hbm>> -> memref<100000x64xf32, #tpu.memory_space<hbm>>
    tpu.enqueue_indirect_dma source(%dma_start3A_410 : memref<100000x64xf32, #tpu.memory_space<hbm>>) target(%dma_start3A_404 : memref<56x64xf32, #tpu.memory_space<vmem>>) offsets(%dma_start3A_407 : memref<56xi32, #tpu.memory_space<vmem>>) semaphore(%arg20 : memref<!tpu.dma_semaphore, #tpu.memory_space<semaphore_mem>>)
    %dma_start3A_411 = arith.constant 17 : i32
    %dma_start3A_412 = arith.constant 1 : i32
    %dma_start3A_413 = arith.constant 0 : i32
    %dma_start3A_414 = arith.constant 0 : i32
    %dma_start3A_415 = tpu.memref_slice %arg19[%dma_start3A_412, %dma_start3A_413, %dma_start3A_414] : memref<16x56x64xf32, #tpu.memory_space<vmem>> -> memref<1x56x64xf32, #tpu.memory_space<vmem>>
    %dma_start3A_416 = tpu.memref_squeeze %dma_start3A_415 : memref<1x56x64xf32, #tpu.memory_space<vmem>> -> memref<56x64xf32, #tpu.memory_space<vmem>>
    %dma_start3A_417 = arith.constant 0 : i32
    %dma_start3A_418 = tpu.memref_slice %arg17[%dma_start3A_411, %dma_start3A_417] : memref<32x56xi32, #tpu.memory_space<vmem>> -> memref<1x56xi32, #tpu.memory_space<vmem>>
    %dma_start3A_419 = tpu.memref_squeeze %dma_start3A_418 : memref<1x56xi32, #tpu.memory_space<vmem>> -> memref<56xi32, #tpu.memory_space<vmem>>
    %dma_start3A_420 = arith.constant 0 : i32
    %dma_start3A_421 = arith.constant 0 : i32
    %dma_start3A_422 = tpu.memref_slice %arg8[%dma_start3A_420, %dma_start3A_421] : memref<100000x64xf32, #tpu.memory_space<hbm>> -> memref<100000x64xf32, #tpu.memory_space<hbm>>
    tpu.enqueue_indirect_dma source(%dma_start3A_422 : memref<100000x64xf32, #tpu.memory_space<hbm>>) target(%dma_start3A_416 : memref<56x64xf32, #tpu.memory_space<vmem>>) offsets(%dma_start3A_419 : memref<56xi32, #tpu.memory_space<vmem>>) semaphore(%arg20 : memref<!tpu.dma_semaphore, #tpu.memory_space<semaphore_mem>>)
    %dma_start3A_423 = arith.constant 18 : i32
    %dma_start3A_424 = arith.constant 2 : i32
    %dma_start3A_425 = arith.constant 0 : i32
    %dma_start3A_426 = arith.constant 0 : i32
    %dma_start3A_427 = tpu.memref_slice %arg19[%dma_start3A_424, %dma_start3A_425, %dma_start3A_426] : memref<16x56x64xf32, #tpu.memory_space<vmem>> -> memref<1x56x64xf32, #tpu.memory_space<vmem>>
    %dma_start3A_428 = tpu.memref_squeeze %dma_start3A_427 : memref<1x56x64xf32, #tpu.memory_space<vmem>> -> memref<56x64xf32, #tpu.memory_space<vmem>>
    %dma_start3A_429 = arith.constant 0 : i32
    %dma_start3A_430 = tpu.memref_slice %arg17[%dma_start3A_423, %dma_start3A_429] : memref<32x56xi32, #tpu.memory_space<vmem>> -> memref<1x56xi32, #tpu.memory_space<vmem>>
    %dma_start3A_431 = tpu.memref_squeeze %dma_start3A_430 : memref<1x56xi32, #tpu.memory_space<vmem>> -> memref<56xi32, #tpu.memory_space<vmem>>
    %dma_start3A_432 = arith.constant 0 : i32
    %dma_start3A_433 = arith.constant 0 : i32
    %dma_start3A_434 = tpu.memref_slice %arg8[%dma_start3A_432, %dma_start3A_433] : memref<100000x64xf32, #tpu.memory_space<hbm>> -> memref<100000x64xf32, #tpu.memory_space<hbm>>
    tpu.enqueue_indirect_dma source(%dma_start3A_434 : memref<100000x64xf32, #tpu.memory_space<hbm>>) target(%dma_start3A_428 : memref<56x64xf32, #tpu.memory_space<vmem>>) offsets(%dma_start3A_431 : memref<56xi32, #tpu.memory_space<vmem>>) semaphore(%arg20 : memref<!tpu.dma_semaphore, #tpu.memory_space<semaphore_mem>>)
    %dma_start3A_435 = arith.constant 19 : i32
    %dma_start3A_436 = arith.constant 3 : i32
    %dma_start3A_437 = arith.constant 0 : i32
    %dma_start3A_438 = arith.constant 0 : i32
    %dma_start3A_439 = tpu.memref_slice %arg19[%dma_start3A_436, %dma_start3A_437, %dma_start3A_438] : memref<16x56x64xf32, #tpu.memory_space<vmem>> -> memref<1x56x64xf32, #tpu.memory_space<vmem>>
    %dma_start3A_440 = tpu.memref_squeeze %dma_start3A_439 : memref<1x56x64xf32, #tpu.memory_space<vmem>> -> memref<56x64xf32, #tpu.memory_space<vmem>>
    %dma_start3A_441 = arith.constant 0 : i32
    %dma_start3A_442 = tpu.memref_slice %arg17[%dma_start3A_435, %dma_start3A_441] : memref<32x56xi32, #tpu.memory_space<vmem>> -> memref<1x56xi32, #tpu.memory_space<vmem>>
    %dma_start3A_443 = tpu.memref_squeeze %dma_start3A_442 : memref<1x56xi32, #tpu.memory_space<vmem>> -> memref<56xi32, #tpu.memory_space<vmem>>
    %dma_start3A_444 = arith.constant 0 : i32
    %dma_start3A_445 = arith.constant 0 : i32
    %dma_start3A_446 = tpu.memref_slice %arg8[%dma_start3A_444, %dma_start3A_445] : memref<100000x64xf32, #tpu.memory_space<hbm>> -> memref<100000x64xf32, #tpu.memory_space<hbm>>
    tpu.enqueue_indirect_dma source(%dma_start3A_446 : memref<100000x64xf32, #tpu.memory_space<hbm>>) target(%dma_start3A_440 : memref<56x64xf32, #tpu.memory_space<vmem>>) offsets(%dma_start3A_443 : memref<56xi32, #tpu.memory_space<vmem>>) semaphore(%arg20 : memref<!tpu.dma_semaphore, #tpu.memory_space<semaphore_mem>>)
    %dma_start3A_447 = arith.constant 20 : i32
    %dma_start3A_448 = arith.constant 4 : i32
    %dma_start3A_449 = arith.constant 0 : i32
    %dma_start3A_450 = arith.constant 0 : i32
    %dma_start3A_451 = tpu.memref_slice %arg19[%dma_start3A_448, %dma_start3A_449, %dma_start3A_450] : memref<16x56x64xf32, #tpu.memory_space<vmem>> -> memref<1x56x64xf32, #tpu.memory_space<vmem>>
    %dma_start3A_452 = tpu.memref_squeeze %dma_start3A_451 : memref<1x56x64xf32, #tpu.memory_space<vmem>> -> memref<56x64xf32, #tpu.memory_space<vmem>>
    %dma_start3A_453 = arith.constant 0 : i32
    %dma_start3A_454 = tpu.memref_slice %arg17[%dma_start3A_447, %dma_start3A_453] : memref<32x56xi32, #tpu.memory_space<vmem>> -> memref<1x56xi32, #tpu.memory_space<vmem>>
    %dma_start3A_455 = tpu.memref_squeeze %dma_start3A_454 : memref<1x56xi32, #tpu.memory_space<vmem>> -> memref<56xi32, #tpu.memory_space<vmem>>
    %dma_start3A_456 = arith.constant 0 : i32
    %dma_start3A_457 = arith.constant 0 : i32
    %dma_start3A_458 = tpu.memref_slice %arg8[%dma_start3A_456, %dma_start3A_457] : memref<100000x64xf32, #tpu.memory_space<hbm>> -> memref<100000x64xf32, #tpu.memory_space<hbm>>
    tpu.enqueue_indirect_dma source(%dma_start3A_458 : memref<100000x64xf32, #tpu.memory_space<hbm>>) target(%dma_start3A_452 : memref<56x64xf32, #tpu.memory_space<vmem>>) offsets(%dma_start3A_455 : memref<56xi32, #tpu.memory_space<vmem>>) semaphore(%arg20 : memref<!tpu.dma_semaphore, #tpu.memory_space<semaphore_mem>>)
    %dma_start3A_459 = arith.constant 21 : i32
    %dma_start3A_460 = arith.constant 5 : i32
    %dma_start3A_461 = arith.constant 0 : i32
    %dma_start3A_462 = arith.constant 0 : i32
    %dma_start3A_463 = tpu.memref_slice %arg19[%dma_start3A_460, %dma_start3A_461, %dma_start3A_462] : memref<16x56x64xf32, #tpu.memory_space<vmem>> -> memref<1x56x64xf32, #tpu.memory_space<vmem>>
    %dma_start3A_464 = tpu.memref_squeeze %dma_start3A_463 : memref<1x56x64xf32, #tpu.memory_space<vmem>> -> memref<56x64xf32, #tpu.memory_space<vmem>>
    %dma_start3A_465 = arith.constant 0 : i32
    %dma_start3A_466 = tpu.memref_slice %arg17[%dma_start3A_459, %dma_start3A_465] : memref<32x56xi32, #tpu.memory_space<vmem>> -> memref<1x56xi32, #tpu.memory_space<vmem>>
    %dma_start3A_467 = tpu.memref_squeeze %dma_start3A_466 : memref<1x56xi32, #tpu.memory_space<vmem>> -> memref<56xi32, #tpu.memory_space<vmem>>
    %dma_start3A_468 = arith.constant 0 : i32
    %dma_start3A_469 = arith.constant 0 : i32
    %dma_start3A_470 = tpu.memref_slice %arg8[%dma_start3A_468, %dma_start3A_469] : memref<100000x64xf32, #tpu.memory_space<hbm>> -> memref<100000x64xf32, #tpu.memory_space<hbm>>
    tpu.enqueue_indirect_dma source(%dma_start3A_470 : memref<100000x64xf32, #tpu.memory_space<hbm>>) target(%dma_start3A_464 : memref<56x64xf32, #tpu.memory_space<vmem>>) offsets(%dma_start3A_467 : memref<56xi32, #tpu.memory_space<vmem>>) semaphore(%arg20 : memref<!tpu.dma_semaphore, #tpu.memory_space<semaphore_mem>>)
    %dma_start3A_471 = arith.constant 22 : i32
    %dma_start3A_472 = arith.constant 6 : i32
    %dma_start3A_473 = arith.constant 0 : i32
    %dma_start3A_474 = arith.constant 0 : i32
    %dma_start3A_475 = tpu.memref_slice %arg19[%dma_start3A_472, %dma_start3A_473, %dma_start3A_474] : memref<16x56x64xf32, #tpu.memory_space<vmem>> -> memref<1x56x64xf32, #tpu.memory_space<vmem>>
    %dma_start3A_476 = tpu.memref_squeeze %dma_start3A_475 : memref<1x56x64xf32, #tpu.memory_space<vmem>> -> memref<56x64xf32, #tpu.memory_space<vmem>>
    %dma_start3A_477 = arith.constant 0 : i32
    %dma_start3A_478 = tpu.memref_slice %arg17[%dma_start3A_471, %dma_start3A_477] : memref<32x56xi32, #tpu.memory_space<vmem>> -> memref<1x56xi32, #tpu.memory_space<vmem>>
    %dma_start3A_479 = tpu.memref_squeeze %dma_start3A_478 : memref<1x56xi32, #tpu.memory_space<vmem>> -> memref<56xi32, #tpu.memory_space<vmem>>
    %dma_start3A_480 = arith.constant 0 : i32
    %dma_start3A_481 = arith.constant 0 : i32
    %dma_start3A_482 = tpu.memref_slice %arg8[%dma_start3A_480, %dma_start3A_481] : memref<100000x64xf32, #tpu.memory_space<hbm>> -> memref<100000x64xf32, #tpu.memory_space<hbm>>
    tpu.enqueue_indirect_dma source(%dma_start3A_482 : memref<100000x64xf32, #tpu.memory_space<hbm>>) target(%dma_start3A_476 : memref<56x64xf32, #tpu.memory_space<vmem>>) offsets(%dma_start3A_479 : memref<56xi32, #tpu.memory_space<vmem>>) semaphore(%arg20 : memref<!tpu.dma_semaphore, #tpu.memory_space<semaphore_mem>>)
    %dma_start3A_483 = arith.constant 23 : i32
    %dma_start3A_484 = arith.constant 7 : i32
    %dma_start3A_485 = arith.constant 0 : i32
    %dma_start3A_486 = arith.constant 0 : i32
    %dma_start3A_487 = tpu.memref_slice %arg19[%dma_start3A_484, %dma_start3A_485, %dma_start3A_486] : memref<16x56x64xf32, #tpu.memory_space<vmem>> -> memref<1x56x64xf32, #tpu.memory_space<vmem>>
    %dma_start3A_488 = tpu.memref_squeeze %dma_start3A_487 : memref<1x56x64xf32, #tpu.memory_space<vmem>> -> memref<56x64xf32, #tpu.memory_space<vmem>>
    %dma_start3A_489 = arith.constant 0 : i32
    %dma_start3A_490 = tpu.memref_slice %arg17[%dma_start3A_483, %dma_start3A_489] : memref<32x56xi32, #tpu.memory_space<vmem>> -> memref<1x56xi32, #tpu.memory_space<vmem>>
    %dma_start3A_491 = tpu.memref_squeeze %dma_start3A_490 : memref<1x56xi32, #tpu.memory_space<vmem>> -> memref<56xi32, #tpu.memory_space<vmem>>
    %dma_start3A_492 = arith.constant 0 : i32
    %dma_start3A_493 = arith.constant 0 : i32
    %dma_start3A_494 = tpu.memref_slice %arg8[%dma_start3A_492, %dma_start3A_493] : memref<100000x64xf32, #tpu.memory_space<hbm>> -> memref<100000x64xf32, #tpu.memory_space<hbm>>
    tpu.enqueue_indirect_dma source(%dma_start3A_494 : memref<100000x64xf32, #tpu.memory_space<hbm>>) target(%dma_start3A_488 : memref<56x64xf32, #tpu.memory_space<vmem>>) offsets(%dma_start3A_491 : memref<56xi32, #tpu.memory_space<vmem>>) semaphore(%arg20 : memref<!tpu.dma_semaphore, #tpu.memory_space<semaphore_mem>>)
    %dma_wait3A_495 = arith.constant 16 : i32
    %dma_wait3A_496 = arith.constant 0 : i32
    %dma_wait3A_497 = arith.constant 0 : i32
    %dma_wait3A_498 = arith.constant 0 : i32
    %dma_wait3A_499 = tpu.memref_slice %arg19[%dma_wait3A_496, %dma_wait3A_497, %dma_wait3A_498] : memref<16x56x64xf32, #tpu.memory_space<vmem>> -> memref<1x56x64xf32, #tpu.memory_space<vmem>>
    %dma_wait3A_500 = tpu.memref_squeeze %dma_wait3A_499 : memref<1x56x64xf32, #tpu.memory_space<vmem>> -> memref<56x64xf32, #tpu.memory_space<vmem>>
    %dma_wait3A_501 = arith.constant 0 : i32
    %dma_wait3A_502 = tpu.memref_slice %arg17[%dma_wait3A_495, %dma_wait3A_501] : memref<32x56xi32, #tpu.memory_space<vmem>> -> memref<1x56xi32, #tpu.memory_space<vmem>>
    %dma_wait3A_503 = tpu.memref_squeeze %dma_wait3A_502 : memref<1x56xi32, #tpu.memory_space<vmem>> -> memref<56xi32, #tpu.memory_space<vmem>>
    %dma_wait3A_504 = arith.constant 0 : i32
    %dma_wait3A_505 = arith.constant 0 : i32
    %dma_wait3A_506 = tpu.memref_slice %arg8[%dma_wait3A_504, %dma_wait3A_505] : memref<100000x64xf32, #tpu.memory_space<hbm>> -> memref<100000x64xf32, #tpu.memory_space<hbm>>
    tpu.wait_indirect_dma semaphore(%arg20 : memref<!tpu.dma_semaphore, #tpu.memory_space<semaphore_mem>>) src(%dma_wait3A_506 : memref<100000x64xf32, #tpu.memory_space<hbm>>) dst(%dma_wait3A_500 : memref<56x64xf32, #tpu.memory_space<vmem>>)
    %dma_wait3A_507 = arith.constant 17 : i32
    %dma_wait3A_508 = arith.constant 1 : i32
    %dma_wait3A_509 = arith.constant 0 : i32
    %dma_wait3A_510 = arith.constant 0 : i32
    %dma_wait3A_511 = tpu.memref_slice %arg19[%dma_wait3A_508, %dma_wait3A_509, %dma_wait3A_510] : memref<16x56x64xf32, #tpu.memory_space<vmem>> -> memref<1x56x64xf32, #tpu.memory_space<vmem>>
    %dma_wait3A_512 = tpu.memref_squeeze %dma_wait3A_511 : memref<1x56x64xf32, #tpu.memory_space<vmem>> -> memref<56x64xf32, #tpu.memory_space<vmem>>
    %dma_wait3A_513 = arith.constant 0 : i32
    %dma_wait3A_514 = tpu.memref_slice %arg17[%dma_wait3A_507, %dma_wait3A_513] : memref<32x56xi32, #tpu.memory_space<vmem>> -> memref<1x56xi32, #tpu.memory_space<vmem>>
    %dma_wait3A_515 = tpu.memref_squeeze %dma_wait3A_514 : memref<1x56xi32, #tpu.memory_space<vmem>> -> memref<56xi32, #tpu.memory_space<vmem>>
    %dma_wait3A_516 = arith.constant 0 : i32
    %dma_wait3A_517 = arith.constant 0 : i32
    %dma_wait3A_518 = tpu.memref_slice %arg8[%dma_wait3A_516, %dma_wait3A_517] : memref<100000x64xf32, #tpu.memory_space<hbm>> -> memref<100000x64xf32, #tpu.memory_space<hbm>>
    tpu.wait_indirect_dma semaphore(%arg20 : memref<!tpu.dma_semaphore, #tpu.memory_space<semaphore_mem>>) src(%dma_wait3A_518 : memref<100000x64xf32, #tpu.memory_space<hbm>>) dst(%dma_wait3A_512 : memref<56x64xf32, #tpu.memory_space<vmem>>)
    %dma_wait3A_519 = arith.constant 18 : i32
    %dma_wait3A_520 = arith.constant 2 : i32
    %dma_wait3A_521 = arith.constant 0 : i32
    %dma_wait3A_522 = arith.constant 0 : i32
    %dma_wait3A_523 = tpu.memref_slice %arg19[%dma_wait3A_520, %dma_wait3A_521, %dma_wait3A_522] : memref<16x56x64xf32, #tpu.memory_space<vmem>> -> memref<1x56x64xf32, #tpu.memory_space<vmem>>
    %dma_wait3A_524 = tpu.memref_squeeze %dma_wait3A_523 : memref<1x56x64xf32, #tpu.memory_space<vmem>> -> memref<56x64xf32, #tpu.memory_space<vmem>>
    %dma_wait3A_525 = arith.constant 0 : i32
    %dma_wait3A_526 = tpu.memref_slice %arg17[%dma_wait3A_519, %dma_wait3A_525] : memref<32x56xi32, #tpu.memory_space<vmem>> -> memref<1x56xi32, #tpu.memory_space<vmem>>
    %dma_wait3A_527 = tpu.memref_squeeze %dma_wait3A_526 : memref<1x56xi32, #tpu.memory_space<vmem>> -> memref<56xi32, #tpu.memory_space<vmem>>
    %dma_wait3A_528 = arith.constant 0 : i32
    %dma_wait3A_529 = arith.constant 0 : i32
    %dma_wait3A_530 = tpu.memref_slice %arg8[%dma_wait3A_528, %dma_wait3A_529] : memref<100000x64xf32, #tpu.memory_space<hbm>> -> memref<100000x64xf32, #tpu.memory_space<hbm>>
    tpu.wait_indirect_dma semaphore(%arg20 : memref<!tpu.dma_semaphore, #tpu.memory_space<semaphore_mem>>) src(%dma_wait3A_530 : memref<100000x64xf32, #tpu.memory_space<hbm>>) dst(%dma_wait3A_524 : memref<56x64xf32, #tpu.memory_space<vmem>>)
    %dma_wait3A_531 = arith.constant 19 : i32
    %dma_wait3A_532 = arith.constant 3 : i32
    %dma_wait3A_533 = arith.constant 0 : i32
    %dma_wait3A_534 = arith.constant 0 : i32
    %dma_wait3A_535 = tpu.memref_slice %arg19[%dma_wait3A_532, %dma_wait3A_533, %dma_wait3A_534] : memref<16x56x64xf32, #tpu.memory_space<vmem>> -> memref<1x56x64xf32, #tpu.memory_space<vmem>>
    %dma_wait3A_536 = tpu.memref_squeeze %dma_wait3A_535 : memref<1x56x64xf32, #tpu.memory_space<vmem>> -> memref<56x64xf32, #tpu.memory_space<vmem>>
    %dma_wait3A_537 = arith.constant 0 : i32
    %dma_wait3A_538 = tpu.memref_slice %arg17[%dma_wait3A_531, %dma_wait3A_537] : memref<32x56xi32, #tpu.memory_space<vmem>> -> memref<1x56xi32, #tpu.memory_space<vmem>>
    %dma_wait3A_539 = tpu.memref_squeeze %dma_wait3A_538 : memref<1x56xi32, #tpu.memory_space<vmem>> -> memref<56xi32, #tpu.memory_space<vmem>>
    %dma_wait3A_540 = arith.constant 0 : i32
    %dma_wait3A_541 = arith.constant 0 : i32
    %dma_wait3A_542 = tpu.memref_slice %arg8[%dma_wait3A_540, %dma_wait3A_541] : memref<100000x64xf32, #tpu.memory_space<hbm>> -> memref<100000x64xf32, #tpu.memory_space<hbm>>
    tpu.wait_indirect_dma semaphore(%arg20 : memref<!tpu.dma_semaphore, #tpu.memory_space<semaphore_mem>>) src(%dma_wait3A_542 : memref<100000x64xf32, #tpu.memory_space<hbm>>) dst(%dma_wait3A_536 : memref<56x64xf32, #tpu.memory_space<vmem>>)
    %dma_wait3A_543 = arith.constant 20 : i32
    %dma_wait3A_544 = arith.constant 4 : i32
    %dma_wait3A_545 = arith.constant 0 : i32
    %dma_wait3A_546 = arith.constant 0 : i32
    %dma_wait3A_547 = tpu.memref_slice %arg19[%dma_wait3A_544, %dma_wait3A_545, %dma_wait3A_546] : memref<16x56x64xf32, #tpu.memory_space<vmem>> -> memref<1x56x64xf32, #tpu.memory_space<vmem>>
    %dma_wait3A_548 = tpu.memref_squeeze %dma_wait3A_547 : memref<1x56x64xf32, #tpu.memory_space<vmem>> -> memref<56x64xf32, #tpu.memory_space<vmem>>
    %dma_wait3A_549 = arith.constant 0 : i32
    %dma_wait3A_550 = tpu.memref_slice %arg17[%dma_wait3A_543, %dma_wait3A_549] : memref<32x56xi32, #tpu.memory_space<vmem>> -> memref<1x56xi32, #tpu.memory_space<vmem>>
    %dma_wait3A_551 = tpu.memref_squeeze %dma_wait3A_550 : memref<1x56xi32, #tpu.memory_space<vmem>> -> memref<56xi32, #tpu.memory_space<vmem>>
    %dma_wait3A_552 = arith.constant 0 : i32
    %dma_wait3A_553 = arith.constant 0 : i32
    %dma_wait3A_554 = tpu.memref_slice %arg8[%dma_wait3A_552, %dma_wait3A_553] : memref<100000x64xf32, #tpu.memory_space<hbm>> -> memref<100000x64xf32, #tpu.memory_space<hbm>>
    tpu.wait_indirect_dma semaphore(%arg20 : memref<!tpu.dma_semaphore, #tpu.memory_space<semaphore_mem>>) src(%dma_wait3A_554 : memref<100000x64xf32, #tpu.memory_space<hbm>>) dst(%dma_wait3A_548 : memref<56x64xf32, #tpu.memory_space<vmem>>)
    %dma_wait3A_555 = arith.constant 21 : i32
    %dma_wait3A_556 = arith.constant 5 : i32
    %dma_wait3A_557 = arith.constant 0 : i32
    %dma_wait3A_558 = arith.constant 0 : i32
    %dma_wait3A_559 = tpu.memref_slice %arg19[%dma_wait3A_556, %dma_wait3A_557, %dma_wait3A_558] : memref<16x56x64xf32, #tpu.memory_space<vmem>> -> memref<1x56x64xf32, #tpu.memory_space<vmem>>
    %dma_wait3A_560 = tpu.memref_squeeze %dma_wait3A_559 : memref<1x56x64xf32, #tpu.memory_space<vmem>> -> memref<56x64xf32, #tpu.memory_space<vmem>>
    %dma_wait3A_561 = arith.constant 0 : i32
    %dma_wait3A_562 = tpu.memref_slice %arg17[%dma_wait3A_555, %dma_wait3A_561] : memref<32x56xi32, #tpu.memory_space<vmem>> -> memref<1x56xi32, #tpu.memory_space<vmem>>
    %dma_wait3A_563 = tpu.memref_squeeze %dma_wait3A_562 : memref<1x56xi32, #tpu.memory_space<vmem>> -> memref<56xi32, #tpu.memory_space<vmem>>
    %dma_wait3A_564 = arith.constant 0 : i32
    %dma_wait3A_565 = arith.constant 0 : i32
    %dma_wait3A_566 = tpu.memref_slice %arg8[%dma_wait3A_564, %dma_wait3A_565] : memref<100000x64xf32, #tpu.memory_space<hbm>> -> memref<100000x64xf32, #tpu.memory_space<hbm>>
    tpu.wait_indirect_dma semaphore(%arg20 : memref<!tpu.dma_semaphore, #tpu.memory_space<semaphore_mem>>) src(%dma_wait3A_566 : memref<100000x64xf32, #tpu.memory_space<hbm>>) dst(%dma_wait3A_560 : memref<56x64xf32, #tpu.memory_space<vmem>>)
    %dma_wait3A_567 = arith.constant 22 : i32
    %dma_wait3A_568 = arith.constant 6 : i32
    %dma_wait3A_569 = arith.constant 0 : i32
    %dma_wait3A_570 = arith.constant 0 : i32
    %dma_wait3A_571 = tpu.memref_slice %arg19[%dma_wait3A_568, %dma_wait3A_569, %dma_wait3A_570] : memref<16x56x64xf32, #tpu.memory_space<vmem>> -> memref<1x56x64xf32, #tpu.memory_space<vmem>>
    %dma_wait3A_572 = tpu.memref_squeeze %dma_wait3A_571 : memref<1x56x64xf32, #tpu.memory_space<vmem>> -> memref<56x64xf32, #tpu.memory_space<vmem>>
    %dma_wait3A_573 = arith.constant 0 : i32
    %dma_wait3A_574 = tpu.memref_slice %arg17[%dma_wait3A_567, %dma_wait3A_573] : memref<32x56xi32, #tpu.memory_space<vmem>> -> memref<1x56xi32, #tpu.memory_space<vmem>>
    %dma_wait3A_575 = tpu.memref_squeeze %dma_wait3A_574 : memref<1x56xi32, #tpu.memory_space<vmem>> -> memref<56xi32, #tpu.memory_space<vmem>>
    %dma_wait3A_576 = arith.constant 0 : i32
    %dma_wait3A_577 = arith.constant 0 : i32
    %dma_wait3A_578 = tpu.memref_slice %arg8[%dma_wait3A_576, %dma_wait3A_577] : memref<100000x64xf32, #tpu.memory_space<hbm>> -> memref<100000x64xf32, #tpu.memory_space<hbm>>
    tpu.wait_indirect_dma semaphore(%arg20 : memref<!tpu.dma_semaphore, #tpu.memory_space<semaphore_mem>>) src(%dma_wait3A_578 : memref<100000x64xf32, #tpu.memory_space<hbm>>) dst(%dma_wait3A_572 : memref<56x64xf32, #tpu.memory_space<vmem>>)
    %dma_wait3A_579 = arith.constant 23 : i32
    %dma_wait3A_580 = arith.constant 7 : i32
    %dma_wait3A_581 = arith.constant 0 : i32
    %dma_wait3A_582 = arith.constant 0 : i32
    %dma_wait3A_583 = tpu.memref_slice %arg19[%dma_wait3A_580, %dma_wait3A_581, %dma_wait3A_582] : memref<16x56x64xf32, #tpu.memory_space<vmem>> -> memref<1x56x64xf32, #tpu.memory_space<vmem>>
    %dma_wait3A_584 = tpu.memref_squeeze %dma_wait3A_583 : memref<1x56x64xf32, #tpu.memory_space<vmem>> -> memref<56x64xf32, #tpu.memory_space<vmem>>
    %dma_wait3A_585 = arith.constant 0 : i32
    %dma_wait3A_586 = tpu.memref_slice %arg17[%dma_wait3A_579, %dma_wait3A_585] : memref<32x56xi32, #tpu.memory_space<vmem>> -> memref<1x56xi32, #tpu.memory_space<vmem>>
    %dma_wait3A_587 = tpu.memref_squeeze %dma_wait3A_586 : memref<1x56xi32, #tpu.memory_space<vmem>> -> memref<56xi32, #tpu.memory_space<vmem>>
    %dma_wait3A_588 = arith.constant 0 : i32
    %dma_wait3A_589 = arith.constant 0 : i32
    %dma_wait3A_590 = tpu.memref_slice %arg8[%dma_wait3A_588, %dma_wait3A_589] : memref<100000x64xf32, #tpu.memory_space<hbm>> -> memref<100000x64xf32, #tpu.memory_space<hbm>>
    tpu.wait_indirect_dma semaphore(%arg20 : memref<!tpu.dma_semaphore, #tpu.memory_space<semaphore_mem>>) src(%dma_wait3A_590 : memref<100000x64xf32, #tpu.memory_space<hbm>>) dst(%dma_wait3A_584 : memref<56x64xf32, #tpu.memory_space<vmem>>)
    %dma_start3A_591 = arith.constant 24 : i32
    %dma_start3A_592 = arith.constant 8 : i32
    %dma_start3A_593 = arith.constant 0 : i32
    %dma_start3A_594 = arith.constant 0 : i32
    %dma_start3A_595 = tpu.memref_slice %arg19[%dma_start3A_592, %dma_start3A_593, %dma_start3A_594] : memref<16x56x64xf32, #tpu.memory_space<vmem>> -> memref<1x56x64xf32, #tpu.memory_space<vmem>>
    %dma_start3A_596 = tpu.memref_squeeze %dma_start3A_595 : memref<1x56x64xf32, #tpu.memory_space<vmem>> -> memref<56x64xf32, #tpu.memory_space<vmem>>
    %dma_start3A_597 = arith.constant 0 : i32
    %dma_start3A_598 = tpu.memref_slice %arg17[%dma_start3A_591, %dma_start3A_597] : memref<32x56xi32, #tpu.memory_space<vmem>> -> memref<1x56xi32, #tpu.memory_space<vmem>>
    %dma_start3A_599 = tpu.memref_squeeze %dma_start3A_598 : memref<1x56xi32, #tpu.memory_space<vmem>> -> memref<56xi32, #tpu.memory_space<vmem>>
    %dma_start3A_600 = arith.constant 0 : i32
    %dma_start3A_601 = arith.constant 0 : i32
    %dma_start3A_602 = tpu.memref_slice %arg8[%dma_start3A_600, %dma_start3A_601] : memref<100000x64xf32, #tpu.memory_space<hbm>> -> memref<100000x64xf32, #tpu.memory_space<hbm>>
    tpu.enqueue_indirect_dma source(%dma_start3A_602 : memref<100000x64xf32, #tpu.memory_space<hbm>>) target(%dma_start3A_596 : memref<56x64xf32, #tpu.memory_space<vmem>>) offsets(%dma_start3A_599 : memref<56xi32, #tpu.memory_space<vmem>>) semaphore(%arg20 : memref<!tpu.dma_semaphore, #tpu.memory_space<semaphore_mem>>)
    %dma_start3A_603 = arith.constant 25 : i32
    %dma_start3A_604 = arith.constant 9 : i32
    %dma_start3A_605 = arith.constant 0 : i32
    %dma_start3A_606 = arith.constant 0 : i32
    %dma_start3A_607 = tpu.memref_slice %arg19[%dma_start3A_604, %dma_start3A_605, %dma_start3A_606] : memref<16x56x64xf32, #tpu.memory_space<vmem>> -> memref<1x56x64xf32, #tpu.memory_space<vmem>>
    %dma_start3A_608 = tpu.memref_squeeze %dma_start3A_607 : memref<1x56x64xf32, #tpu.memory_space<vmem>> -> memref<56x64xf32, #tpu.memory_space<vmem>>
    %dma_start3A_609 = arith.constant 0 : i32
    %dma_start3A_610 = tpu.memref_slice %arg17[%dma_start3A_603, %dma_start3A_609] : memref<32x56xi32, #tpu.memory_space<vmem>> -> memref<1x56xi32, #tpu.memory_space<vmem>>
    %dma_start3A_611 = tpu.memref_squeeze %dma_start3A_610 : memref<1x56xi32, #tpu.memory_space<vmem>> -> memref<56xi32, #tpu.memory_space<vmem>>
    %dma_start3A_612 = arith.constant 0 : i32
    %dma_start3A_613 = arith.constant 0 : i32
    %dma_start3A_614 = tpu.memref_slice %arg8[%dma_start3A_612, %dma_start3A_613] : memref<100000x64xf32, #tpu.memory_space<hbm>> -> memref<100000x64xf32, #tpu.memory_space<hbm>>
    tpu.enqueue_indirect_dma source(%dma_start3A_614 : memref<100000x64xf32, #tpu.memory_space<hbm>>) target(%dma_start3A_608 : memref<56x64xf32, #tpu.memory_space<vmem>>) offsets(%dma_start3A_611 : memref<56xi32, #tpu.memory_space<vmem>>) semaphore(%arg20 : memref<!tpu.dma_semaphore, #tpu.memory_space<semaphore_mem>>)
    %dma_start3A_615 = arith.constant 26 : i32
    %dma_start3A_616 = arith.constant 10 : i32
    %dma_start3A_617 = arith.constant 0 : i32
    %dma_start3A_618 = arith.constant 0 : i32
    %dma_start3A_619 = tpu.memref_slice %arg19[%dma_start3A_616, %dma_start3A_617, %dma_start3A_618] : memref<16x56x64xf32, #tpu.memory_space<vmem>> -> memref<1x56x64xf32, #tpu.memory_space<vmem>>
    %dma_start3A_620 = tpu.memref_squeeze %dma_start3A_619 : memref<1x56x64xf32, #tpu.memory_space<vmem>> -> memref<56x64xf32, #tpu.memory_space<vmem>>
    %dma_start3A_621 = arith.constant 0 : i32
    %dma_start3A_622 = tpu.memref_slice %arg17[%dma_start3A_615, %dma_start3A_621] : memref<32x56xi32, #tpu.memory_space<vmem>> -> memref<1x56xi32, #tpu.memory_space<vmem>>
    %dma_start3A_623 = tpu.memref_squeeze %dma_start3A_622 : memref<1x56xi32, #tpu.memory_space<vmem>> -> memref<56xi32, #tpu.memory_space<vmem>>
    %dma_start3A_624 = arith.constant 0 : i32
    %dma_start3A_625 = arith.constant 0 : i32
    %dma_start3A_626 = tpu.memref_slice %arg8[%dma_start3A_624, %dma_start3A_625] : memref<100000x64xf32, #tpu.memory_space<hbm>> -> memref<100000x64xf32, #tpu.memory_space<hbm>>
    tpu.enqueue_indirect_dma source(%dma_start3A_626 : memref<100000x64xf32, #tpu.memory_space<hbm>>) target(%dma_start3A_620 : memref<56x64xf32, #tpu.memory_space<vmem>>) offsets(%dma_start3A_623 : memref<56xi32, #tpu.memory_space<vmem>>) semaphore(%arg20 : memref<!tpu.dma_semaphore, #tpu.memory_space<semaphore_mem>>)
    %dma_start3A_627 = arith.constant 27 : i32
    %dma_start3A_628 = arith.constant 11 : i32
    %dma_start3A_629 = arith.constant 0 : i32
    %dma_start3A_630 = arith.constant 0 : i32
    %dma_start3A_631 = tpu.memref_slice %arg19[%dma_start3A_628, %dma_start3A_629, %dma_start3A_630] : memref<16x56x64xf32, #tpu.memory_space<vmem>> -> memref<1x56x64xf32, #tpu.memory_space<vmem>>
    %dma_start3A_632 = tpu.memref_squeeze %dma_start3A_631 : memref<1x56x64xf32, #tpu.memory_space<vmem>> -> memref<56x64xf32, #tpu.memory_space<vmem>>
    %dma_start3A_633 = arith.constant 0 : i32
    %dma_start3A_634 = tpu.memref_slice %arg17[%dma_start3A_627, %dma_start3A_633] : memref<32x56xi32, #tpu.memory_space<vmem>> -> memref<1x56xi32, #tpu.memory_space<vmem>>
    %dma_start3A_635 = tpu.memref_squeeze %dma_start3A_634 : memref<1x56xi32, #tpu.memory_space<vmem>> -> memref<56xi32, #tpu.memory_space<vmem>>
    %dma_start3A_636 = arith.constant 0 : i32
    %dma_start3A_637 = arith.constant 0 : i32
    %dma_start3A_638 = tpu.memref_slice %arg8[%dma_start3A_636, %dma_start3A_637] : memref<100000x64xf32, #tpu.memory_space<hbm>> -> memref<100000x64xf32, #tpu.memory_space<hbm>>
    tpu.enqueue_indirect_dma source(%dma_start3A_638 : memref<100000x64xf32, #tpu.memory_space<hbm>>) target(%dma_start3A_632 : memref<56x64xf32, #tpu.memory_space<vmem>>) offsets(%dma_start3A_635 : memref<56xi32, #tpu.memory_space<vmem>>) semaphore(%arg20 : memref<!tpu.dma_semaphore, #tpu.memory_space<semaphore_mem>>)
    %dma_start3A_639 = arith.constant 28 : i32
    %dma_start3A_640 = arith.constant 12 : i32
    %dma_start3A_641 = arith.constant 0 : i32
    %dma_start3A_642 = arith.constant 0 : i32
    %dma_start3A_643 = tpu.memref_slice %arg19[%dma_start3A_640, %dma_start3A_641, %dma_start3A_642] : memref<16x56x64xf32, #tpu.memory_space<vmem>> -> memref<1x56x64xf32, #tpu.memory_space<vmem>>
    %dma_start3A_644 = tpu.memref_squeeze %dma_start3A_643 : memref<1x56x64xf32, #tpu.memory_space<vmem>> -> memref<56x64xf32, #tpu.memory_space<vmem>>
    %dma_start3A_645 = arith.constant 0 : i32
    %dma_start3A_646 = tpu.memref_slice %arg17[%dma_start3A_639, %dma_start3A_645] : memref<32x56xi32, #tpu.memory_space<vmem>> -> memref<1x56xi32, #tpu.memory_space<vmem>>
    %dma_start3A_647 = tpu.memref_squeeze %dma_start3A_646 : memref<1x56xi32, #tpu.memory_space<vmem>> -> memref<56xi32, #tpu.memory_space<vmem>>
    %dma_start3A_648 = arith.constant 0 : i32
    %dma_start3A_649 = arith.constant 0 : i32
    %dma_start3A_650 = tpu.memref_slice %arg8[%dma_start3A_648, %dma_start3A_649] : memref<100000x64xf32, #tpu.memory_space<hbm>> -> memref<100000x64xf32, #tpu.memory_space<hbm>>
    tpu.enqueue_indirect_dma source(%dma_start3A_650 : memref<100000x64xf32, #tpu.memory_space<hbm>>) target(%dma_start3A_644 : memref<56x64xf32, #tpu.memory_space<vmem>>) offsets(%dma_start3A_647 : memref<56xi32, #tpu.memory_space<vmem>>) semaphore(%arg20 : memref<!tpu.dma_semaphore, #tpu.memory_space<semaphore_mem>>)
    %dma_start3A_651 = arith.constant 29 : i32
    %dma_start3A_652 = arith.constant 13 : i32
    %dma_start3A_653 = arith.constant 0 : i32
    %dma_start3A_654 = arith.constant 0 : i32
    %dma_start3A_655 = tpu.memref_slice %arg19[%dma_start3A_652, %dma_start3A_653, %dma_start3A_654] : memref<16x56x64xf32, #tpu.memory_space<vmem>> -> memref<1x56x64xf32, #tpu.memory_space<vmem>>
    %dma_start3A_656 = tpu.memref_squeeze %dma_start3A_655 : memref<1x56x64xf32, #tpu.memory_space<vmem>> -> memref<56x64xf32, #tpu.memory_space<vmem>>
    %dma_start3A_657 = arith.constant 0 : i32
    %dma_start3A_658 = tpu.memref_slice %arg17[%dma_start3A_651, %dma_start3A_657] : memref<32x56xi32, #tpu.memory_space<vmem>> -> memref<1x56xi32, #tpu.memory_space<vmem>>
    %dma_start3A_659 = tpu.memref_squeeze %dma_start3A_658 : memref<1x56xi32, #tpu.memory_space<vmem>> -> memref<56xi32, #tpu.memory_space<vmem>>
    %dma_start3A_660 = arith.constant 0 : i32
    %dma_start3A_661 = arith.constant 0 : i32
    %dma_start3A_662 = tpu.memref_slice %arg8[%dma_start3A_660, %dma_start3A_661] : memref<100000x64xf32, #tpu.memory_space<hbm>> -> memref<100000x64xf32, #tpu.memory_space<hbm>>
    tpu.enqueue_indirect_dma source(%dma_start3A_662 : memref<100000x64xf32, #tpu.memory_space<hbm>>) target(%dma_start3A_656 : memref<56x64xf32, #tpu.memory_space<vmem>>) offsets(%dma_start3A_659 : memref<56xi32, #tpu.memory_space<vmem>>) semaphore(%arg20 : memref<!tpu.dma_semaphore, #tpu.memory_space<semaphore_mem>>)
    %dma_start3A_663 = arith.constant 30 : i32
    %dma_start3A_664 = arith.constant 14 : i32
    %dma_start3A_665 = arith.constant 0 : i32
    %dma_start3A_666 = arith.constant 0 : i32
    %dma_start3A_667 = tpu.memref_slice %arg19[%dma_start3A_664, %dma_start3A_665, %dma_start3A_666] : memref<16x56x64xf32, #tpu.memory_space<vmem>> -> memref<1x56x64xf32, #tpu.memory_space<vmem>>
    %dma_start3A_668 = tpu.memref_squeeze %dma_start3A_667 : memref<1x56x64xf32, #tpu.memory_space<vmem>> -> memref<56x64xf32, #tpu.memory_space<vmem>>
    %dma_start3A_669 = arith.constant 0 : i32
    %dma_start3A_670 = tpu.memref_slice %arg17[%dma_start3A_663, %dma_start3A_669] : memref<32x56xi32, #tpu.memory_space<vmem>> -> memref<1x56xi32, #tpu.memory_space<vmem>>
    %dma_start3A_671 = tpu.memref_squeeze %dma_start3A_670 : memref<1x56xi32, #tpu.memory_space<vmem>> -> memref<56xi32, #tpu.memory_space<vmem>>
    %dma_start3A_672 = arith.constant 0 : i32
    %dma_start3A_673 = arith.constant 0 : i32
    %dma_start3A_674 = tpu.memref_slice %arg8[%dma_start3A_672, %dma_start3A_673] : memref<100000x64xf32, #tpu.memory_space<hbm>> -> memref<100000x64xf32, #tpu.memory_space<hbm>>
    tpu.enqueue_indirect_dma source(%dma_start3A_674 : memref<100000x64xf32, #tpu.memory_space<hbm>>) target(%dma_start3A_668 : memref<56x64xf32, #tpu.memory_space<vmem>>) offsets(%dma_start3A_671 : memref<56xi32, #tpu.memory_space<vmem>>) semaphore(%arg20 : memref<!tpu.dma_semaphore, #tpu.memory_space<semaphore_mem>>)
    %dma_start3A_675 = arith.constant 31 : i32
    %dma_start3A_676 = arith.constant 15 : i32
    %dma_start3A_677 = arith.constant 0 : i32
    %dma_start3A_678 = arith.constant 0 : i32
    %dma_start3A_679 = tpu.memref_slice %arg19[%dma_start3A_676, %dma_start3A_677, %dma_start3A_678] : memref<16x56x64xf32, #tpu.memory_space<vmem>> -> memref<1x56x64xf32, #tpu.memory_space<vmem>>
    %dma_start3A_680 = tpu.memref_squeeze %dma_start3A_679 : memref<1x56x64xf32, #tpu.memory_space<vmem>> -> memref<56x64xf32, #tpu.memory_space<vmem>>
    %dma_start3A_681 = arith.constant 0 : i32
    %dma_start3A_682 = tpu.memref_slice %arg17[%dma_start3A_675, %dma_start3A_681] : memref<32x56xi32, #tpu.memory_space<vmem>> -> memref<1x56xi32, #tpu.memory_space<vmem>>
    %dma_start3A_683 = tpu.memref_squeeze %dma_start3A_682 : memref<1x56xi32, #tpu.memory_space<vmem>> -> memref<56xi32, #tpu.memory_space<vmem>>
    %dma_start3A_684 = arith.constant 0 : i32
    %dma_start3A_685 = arith.constant 0 : i32
    %dma_start3A_686 = tpu.memref_slice %arg8[%dma_start3A_684, %dma_start3A_685] : memref<100000x64xf32, #tpu.memory_space<hbm>> -> memref<100000x64xf32, #tpu.memory_space<hbm>>
    tpu.enqueue_indirect_dma source(%dma_start3A_686 : memref<100000x64xf32, #tpu.memory_space<hbm>>) target(%dma_start3A_680 : memref<56x64xf32, #tpu.memory_space<vmem>>) offsets(%dma_start3A_683 : memref<56xi32, #tpu.memory_space<vmem>>) semaphore(%arg20 : memref<!tpu.dma_semaphore, #tpu.memory_space<semaphore_mem>>)
    %dma_wait3A_687 = arith.constant 24 : i32
    %dma_wait3A_688 = arith.constant 8 : i32
    %dma_wait3A_689 = arith.constant 0 : i32
    %dma_wait3A_690 = arith.constant 0 : i32
    %dma_wait3A_691 = tpu.memref_slice %arg19[%dma_wait3A_688, %dma_wait3A_689, %dma_wait3A_690] : memref<16x56x64xf32, #tpu.memory_space<vmem>> -> memref<1x56x64xf32, #tpu.memory_space<vmem>>
    %dma_wait3A_692 = tpu.memref_squeeze %dma_wait3A_691 : memref<1x56x64xf32, #tpu.memory_space<vmem>> -> memref<56x64xf32, #tpu.memory_space<vmem>>
    %dma_wait3A_693 = arith.constant 0 : i32
    %dma_wait3A_694 = tpu.memref_slice %arg17[%dma_wait3A_687, %dma_wait3A_693] : memref<32x56xi32, #tpu.memory_space<vmem>> -> memref<1x56xi32, #tpu.memory_space<vmem>>
    %dma_wait3A_695 = tpu.memref_squeeze %dma_wait3A_694 : memref<1x56xi32, #tpu.memory_space<vmem>> -> memref<56xi32, #tpu.memory_space<vmem>>
    %dma_wait3A_696 = arith.constant 0 : i32
    %dma_wait3A_697 = arith.constant 0 : i32
    %dma_wait3A_698 = tpu.memref_slice %arg8[%dma_wait3A_696, %dma_wait3A_697] : memref<100000x64xf32, #tpu.memory_space<hbm>> -> memref<100000x64xf32, #tpu.memory_space<hbm>>
    tpu.wait_indirect_dma semaphore(%arg20 : memref<!tpu.dma_semaphore, #tpu.memory_space<semaphore_mem>>) src(%dma_wait3A_698 : memref<100000x64xf32, #tpu.memory_space<hbm>>) dst(%dma_wait3A_692 : memref<56x64xf32, #tpu.memory_space<vmem>>)
    %dma_wait3A_699 = arith.constant 25 : i32
    %dma_wait3A_700 = arith.constant 9 : i32
    %dma_wait3A_701 = arith.constant 0 : i32
    %dma_wait3A_702 = arith.constant 0 : i32
    %dma_wait3A_703 = tpu.memref_slice %arg19[%dma_wait3A_700, %dma_wait3A_701, %dma_wait3A_702] : memref<16x56x64xf32, #tpu.memory_space<vmem>> -> memref<1x56x64xf32, #tpu.memory_space<vmem>>
    %dma_wait3A_704 = tpu.memref_squeeze %dma_wait3A_703 : memref<1x56x64xf32, #tpu.memory_space<vmem>> -> memref<56x64xf32, #tpu.memory_space<vmem>>
    %dma_wait3A_705 = arith.constant 0 : i32
    %dma_wait3A_706 = tpu.memref_slice %arg17[%dma_wait3A_699, %dma_wait3A_705] : memref<32x56xi32, #tpu.memory_space<vmem>> -> memref<1x56xi32, #tpu.memory_space<vmem>>
    %dma_wait3A_707 = tpu.memref_squeeze %dma_wait3A_706 : memref<1x56xi32, #tpu.memory_space<vmem>> -> memref<56xi32, #tpu.memory_space<vmem>>
    %dma_wait3A_708 = arith.constant 0 : i32
    %dma_wait3A_709 = arith.constant 0 : i32
    %dma_wait3A_710 = tpu.memref_slice %arg8[%dma_wait3A_708, %dma_wait3A_709] : memref<100000x64xf32, #tpu.memory_space<hbm>> -> memref<100000x64xf32, #tpu.memory_space<hbm>>
    tpu.wait_indirect_dma semaphore(%arg20 : memref<!tpu.dma_semaphore, #tpu.memory_space<semaphore_mem>>) src(%dma_wait3A_710 : memref<100000x64xf32, #tpu.memory_space<hbm>>) dst(%dma_wait3A_704 : memref<56x64xf32, #tpu.memory_space<vmem>>)
    %dma_wait3A_711 = arith.constant 26 : i32
    %dma_wait3A_712 = arith.constant 10 : i32
    %dma_wait3A_713 = arith.constant 0 : i32
    %dma_wait3A_714 = arith.constant 0 : i32
    %dma_wait3A_715 = tpu.memref_slice %arg19[%dma_wait3A_712, %dma_wait3A_713, %dma_wait3A_714] : memref<16x56x64xf32, #tpu.memory_space<vmem>> -> memref<1x56x64xf32, #tpu.memory_space<vmem>>
    %dma_wait3A_716 = tpu.memref_squeeze %dma_wait3A_715 : memref<1x56x64xf32, #tpu.memory_space<vmem>> -> memref<56x64xf32, #tpu.memory_space<vmem>>
    %dma_wait3A_717 = arith.constant 0 : i32
    %dma_wait3A_718 = tpu.memref_slice %arg17[%dma_wait3A_711, %dma_wait3A_717] : memref<32x56xi32, #tpu.memory_space<vmem>> -> memref<1x56xi32, #tpu.memory_space<vmem>>
    %dma_wait3A_719 = tpu.memref_squeeze %dma_wait3A_718 : memref<1x56xi32, #tpu.memory_space<vmem>> -> memref<56xi32, #tpu.memory_space<vmem>>
    %dma_wait3A_720 = arith.constant 0 : i32
    %dma_wait3A_721 = arith.constant 0 : i32
    %dma_wait3A_722 = tpu.memref_slice %arg8[%dma_wait3A_720, %dma_wait3A_721] : memref<100000x64xf32, #tpu.memory_space<hbm>> -> memref<100000x64xf32, #tpu.memory_space<hbm>>
    tpu.wait_indirect_dma semaphore(%arg20 : memref<!tpu.dma_semaphore, #tpu.memory_space<semaphore_mem>>) src(%dma_wait3A_722 : memref<100000x64xf32, #tpu.memory_space<hbm>>) dst(%dma_wait3A_716 : memref<56x64xf32, #tpu.memory_space<vmem>>)
    %dma_wait3A_723 = arith.constant 27 : i32
    %dma_wait3A_724 = arith.constant 11 : i32
    %dma_wait3A_725 = arith.constant 0 : i32
    %dma_wait3A_726 = arith.constant 0 : i32
    %dma_wait3A_727 = tpu.memref_slice %arg19[%dma_wait3A_724, %dma_wait3A_725, %dma_wait3A_726] : memref<16x56x64xf32, #tpu.memory_space<vmem>> -> memref<1x56x64xf32, #tpu.memory_space<vmem>>
    %dma_wait3A_728 = tpu.memref_squeeze %dma_wait3A_727 : memref<1x56x64xf32, #tpu.memory_space<vmem>> -> memref<56x64xf32, #tpu.memory_space<vmem>>
    %dma_wait3A_729 = arith.constant 0 : i32
    %dma_wait3A_730 = tpu.memref_slice %arg17[%dma_wait3A_723, %dma_wait3A_729] : memref<32x56xi32, #tpu.memory_space<vmem>> -> memref<1x56xi32, #tpu.memory_space<vmem>>
    %dma_wait3A_731 = tpu.memref_squeeze %dma_wait3A_730 : memref<1x56xi32, #tpu.memory_space<vmem>> -> memref<56xi32, #tpu.memory_space<vmem>>
    %dma_wait3A_732 = arith.constant 0 : i32
    %dma_wait3A_733 = arith.constant 0 : i32
    %dma_wait3A_734 = tpu.memref_slice %arg8[%dma_wait3A_732, %dma_wait3A_733] : memref<100000x64xf32, #tpu.memory_space<hbm>> -> memref<100000x64xf32, #tpu.memory_space<hbm>>
    tpu.wait_indirect_dma semaphore(%arg20 : memref<!tpu.dma_semaphore, #tpu.memory_space<semaphore_mem>>) src(%dma_wait3A_734 : memref<100000x64xf32, #tpu.memory_space<hbm>>) dst(%dma_wait3A_728 : memref<56x64xf32, #tpu.memory_space<vmem>>)
    %dma_wait3A_735 = arith.constant 28 : i32
    %dma_wait3A_736 = arith.constant 12 : i32
    %dma_wait3A_737 = arith.constant 0 : i32
    %dma_wait3A_738 = arith.constant 0 : i32
    %dma_wait3A_739 = tpu.memref_slice %arg19[%dma_wait3A_736, %dma_wait3A_737, %dma_wait3A_738] : memref<16x56x64xf32, #tpu.memory_space<vmem>> -> memref<1x56x64xf32, #tpu.memory_space<vmem>>
    %dma_wait3A_740 = tpu.memref_squeeze %dma_wait3A_739 : memref<1x56x64xf32, #tpu.memory_space<vmem>> -> memref<56x64xf32, #tpu.memory_space<vmem>>
    %dma_wait3A_741 = arith.constant 0 : i32
    %dma_wait3A_742 = tpu.memref_slice %arg17[%dma_wait3A_735, %dma_wait3A_741] : memref<32x56xi32, #tpu.memory_space<vmem>> -> memref<1x56xi32, #tpu.memory_space<vmem>>
    %dma_wait3A_743 = tpu.memref_squeeze %dma_wait3A_742 : memref<1x56xi32, #tpu.memory_space<vmem>> -> memref<56xi32, #tpu.memory_space<vmem>>
    %dma_wait3A_744 = arith.constant 0 : i32
    %dma_wait3A_745 = arith.constant 0 : i32
    %dma_wait3A_746 = tpu.memref_slice %arg8[%dma_wait3A_744, %dma_wait3A_745] : memref<100000x64xf32, #tpu.memory_space<hbm>> -> memref<100000x64xf32, #tpu.memory_space<hbm>>
    tpu.wait_indirect_dma semaphore(%arg20 : memref<!tpu.dma_semaphore, #tpu.memory_space<semaphore_mem>>) src(%dma_wait3A_746 : memref<100000x64xf32, #tpu.memory_space<hbm>>) dst(%dma_wait3A_740 : memref<56x64xf32, #tpu.memory_space<vmem>>)
    %dma_wait3A_747 = arith.constant 29 : i32
    %dma_wait3A_748 = arith.constant 13 : i32
    %dma_wait3A_749 = arith.constant 0 : i32
    %dma_wait3A_750 = arith.constant 0 : i32
    %dma_wait3A_751 = tpu.memref_slice %arg19[%dma_wait3A_748, %dma_wait3A_749, %dma_wait3A_750] : memref<16x56x64xf32, #tpu.memory_space<vmem>> -> memref<1x56x64xf32, #tpu.memory_space<vmem>>
    %dma_wait3A_752 = tpu.memref_squeeze %dma_wait3A_751 : memref<1x56x64xf32, #tpu.memory_space<vmem>> -> memref<56x64xf32, #tpu.memory_space<vmem>>
    %dma_wait3A_753 = arith.constant 0 : i32
    %dma_wait3A_754 = tpu.memref_slice %arg17[%dma_wait3A_747, %dma_wait3A_753] : memref<32x56xi32, #tpu.memory_space<vmem>> -> memref<1x56xi32, #tpu.memory_space<vmem>>
    %dma_wait3A_755 = tpu.memref_squeeze %dma_wait3A_754 : memref<1x56xi32, #tpu.memory_space<vmem>> -> memref<56xi32, #tpu.memory_space<vmem>>
    %dma_wait3A_756 = arith.constant 0 : i32
    %dma_wait3A_757 = arith.constant 0 : i32
    %dma_wait3A_758 = tpu.memref_slice %arg8[%dma_wait3A_756, %dma_wait3A_757] : memref<100000x64xf32, #tpu.memory_space<hbm>> -> memref<100000x64xf32, #tpu.memory_space<hbm>>
    tpu.wait_indirect_dma semaphore(%arg20 : memref<!tpu.dma_semaphore, #tpu.memory_space<semaphore_mem>>) src(%dma_wait3A_758 : memref<100000x64xf32, #tpu.memory_space<hbm>>) dst(%dma_wait3A_752 : memref<56x64xf32, #tpu.memory_space<vmem>>)
    %dma_wait3A_759 = arith.constant 30 : i32
    %dma_wait3A_760 = arith.constant 14 : i32
    %dma_wait3A_761 = arith.constant 0 : i32
    %dma_wait3A_762 = arith.constant 0 : i32
    %dma_wait3A_763 = tpu.memref_slice %arg19[%dma_wait3A_760, %dma_wait3A_761, %dma_wait3A_762] : memref<16x56x64xf32, #tpu.memory_space<vmem>> -> memref<1x56x64xf32, #tpu.memory_space<vmem>>
    %dma_wait3A_764 = tpu.memref_squeeze %dma_wait3A_763 : memref<1x56x64xf32, #tpu.memory_space<vmem>> -> memref<56x64xf32, #tpu.memory_space<vmem>>
    %dma_wait3A_765 = arith.constant 0 : i32
    %dma_wait3A_766 = tpu.memref_slice %arg17[%dma_wait3A_759, %dma_wait3A_765] : memref<32x56xi32, #tpu.memory_space<vmem>> -> memref<1x56xi32, #tpu.memory_space<vmem>>
    %dma_wait3A_767 = tpu.memref_squeeze %dma_wait3A_766 : memref<1x56xi32, #tpu.memory_space<vmem>> -> memref<56xi32, #tpu.memory_space<vmem>>
    %dma_wait3A_768 = arith.constant 0 : i32
    %dma_wait3A_769 = arith.constant 0 : i32
    %dma_wait3A_770 = tpu.memref_slice %arg8[%dma_wait3A_768, %dma_wait3A_769] : memref<100000x64xf32, #tpu.memory_space<hbm>> -> memref<100000x64xf32, #tpu.memory_space<hbm>>
    tpu.wait_indirect_dma semaphore(%arg20 : memref<!tpu.dma_semaphore, #tpu.memory_space<semaphore_mem>>) src(%dma_wait3A_770 : memref<100000x64xf32, #tpu.memory_space<hbm>>) dst(%dma_wait3A_764 : memref<56x64xf32, #tpu.memory_space<vmem>>)
    %dma_wait3A_771 = arith.constant 31 : i32
    %dma_wait3A_772 = arith.constant 15 : i32
    %dma_wait3A_773 = arith.constant 0 : i32
    %dma_wait3A_774 = arith.constant 0 : i32
    %dma_wait3A_775 = tpu.memref_slice %arg19[%dma_wait3A_772, %dma_wait3A_773, %dma_wait3A_774] : memref<16x56x64xf32, #tpu.memory_space<vmem>> -> memref<1x56x64xf32, #tpu.memory_space<vmem>>
    %dma_wait3A_776 = tpu.memref_squeeze %dma_wait3A_775 : memref<1x56x64xf32, #tpu.memory_space<vmem>> -> memref<56x64xf32, #tpu.memory_space<vmem>>
    %dma_wait3A_777 = arith.constant 0 : i32
    %dma_wait3A_778 = tpu.memref_slice %arg17[%dma_wait3A_771, %dma_wait3A_777] : memref<32x56xi32, #tpu.memory_space<vmem>> -> memref<1x56xi32, #tpu.memory_space<vmem>>
    %dma_wait3A_779 = tpu.memref_squeeze %dma_wait3A_778 : memref<1x56xi32, #tpu.memory_space<vmem>> -> memref<56xi32, #tpu.memory_space<vmem>>
    %dma_wait3A_780 = arith.constant 0 : i32
    %dma_wait3A_781 = arith.constant 0 : i32
    %dma_wait3A_782 = tpu.memref_slice %arg8[%dma_wait3A_780, %dma_wait3A_781] : memref<100000x64xf32, #tpu.memory_space<hbm>> -> memref<100000x64xf32, #tpu.memory_space<hbm>>
    tpu.wait_indirect_dma semaphore(%arg20 : memref<!tpu.dma_semaphore, #tpu.memory_space<semaphore_mem>>) src(%dma_wait3A_782 : memref<100000x64xf32, #tpu.memory_space<hbm>>) dst(%dma_wait3A_776 : memref<56x64xf32, #tpu.memory_space<vmem>>)
    %add3A_783 = arith.constant 16 : i32
    %add3A_784 = arith.addi %mul3A_2, %add3A_783 : i32
    "tpu.region"() ({
      %run_scoped3A = tpu.sem_alloc : memref<!tpu.dma_semaphore, #tpu.memory_space<semaphore_mem>>
      %dma_start3A_1569 = arith.constant 0 : i32
      %dma_start3A_1570 = arith.constant 0 : i32
      %dma_start3A_1571 = tpu.memref_slice %arg12[%add3A_784, %dma_start3A_1569, %dma_start3A_1570] : memref<1024x56x64xf32, #tpu.memory_space<hbm>> -> memref<16x56x64xf32, #tpu.memory_space<hbm>>
      %dma_start3A_1572 = arith.constant 0 : i32
      %dma_start3A_1573 = arith.constant 0 : i32
      %dma_start3A_1574 = tpu.memref_slice %arg12[%add3A_784, %dma_start3A_1572, %dma_start3A_1573] : memref<1024x56x64xf32, #tpu.memory_space<hbm>> -> memref<16x56x64xf32, #tpu.memory_space<hbm>>
      tpu.enqueue_dma source(%arg19 : memref<16x56x64xf32, #tpu.memory_space<vmem>>) target(%dma_start3A_1574 : memref<16x56x64xf32, #tpu.memory_space<hbm>>) target_semaphore(%run_scoped3A : memref<!tpu.dma_semaphore, #tpu.memory_space<semaphore_mem>>)
      %dma_wait3A_1575 = arith.constant 0 : i32
      %dma_wait3A_1576 = arith.constant 0 : i32
      %dma_wait3A_1577 = tpu.memref_slice %arg12[%add3A_784, %dma_wait3A_1575, %dma_wait3A_1576] : memref<1024x56x64xf32, #tpu.memory_space<hbm>> -> memref<16x56x64xf32, #tpu.memory_space<hbm>>
      %dma_wait3A_1578 = arith.constant 0 : i32
      %dma_wait3A_1579 = arith.constant 0 : i32
      %dma_wait3A_1580 = tpu.memref_slice %arg12[%add3A_784, %dma_wait3A_1578, %dma_wait3A_1579] : memref<1024x56x64xf32, #tpu.memory_space<hbm>> -> memref<16x56x64xf32, #tpu.memory_space<hbm>>
      tpu.wait_dma2 semaphore(%run_scoped3A : memref<!tpu.dma_semaphore, #tpu.memory_space<semaphore_mem>>) src(%arg19 : memref<16x56x64xf32, #tpu.memory_space<vmem>>) dst(%dma_wait3A_1580 : memref<16x56x64xf32, #tpu.memory_space<hbm>>)
      tpu.yield
    }) : () -> ()
    "tpu.region"() ({
      %run_scoped3A = tpu.sem_alloc : memref<!tpu.dma_semaphore, #tpu.memory_space<semaphore_mem>>
      %dma_start3A_1569 = tpu.memref_slice %arg3[%mul3A_2] : memref<1024xi32, #tpu.memory_space<hbm>> -> memref<32xi32, #tpu.memory_space<hbm>>
      %dma_start3A_1570 = tpu.memref_slice %arg3[%mul3A_2] : memref<1024xi32, #tpu.memory_space<hbm>> -> memref<32xi32, #tpu.memory_space<hbm>>
      tpu.enqueue_dma source(%dma_start3A_1570 : memref<32xi32, #tpu.memory_space<hbm>>) target(%arg16 : memref<32xi32, #tpu.memory_space<vmem>>) target_semaphore(%run_scoped3A : memref<!tpu.dma_semaphore, #tpu.memory_space<semaphore_mem>>)
      %dma_wait3A_1571 = tpu.memref_slice %arg3[%mul3A_2] : memref<1024xi32, #tpu.memory_space<hbm>> -> memref<32xi32, #tpu.memory_space<hbm>>
      %dma_wait3A_1572 = tpu.memref_slice %arg3[%mul3A_2] : memref<1024xi32, #tpu.memory_space<hbm>> -> memref<32xi32, #tpu.memory_space<hbm>>
      tpu.wait_dma2 semaphore(%run_scoped3A : memref<!tpu.dma_semaphore, #tpu.memory_space<semaphore_mem>>) src(%dma_wait3A_1572 : memref<32xi32, #tpu.memory_space<hbm>>) dst(%arg16 : memref<32xi32, #tpu.memory_space<vmem>>)
      tpu.yield
    }) : () -> ()
    %dma_start3A_785 = arith.constant 0 : i32
    %dma_start3A_786 = arith.constant 0 : i32
    %dma_start3A_787 = tpu.memref_slice %arg6[%dma_start3A_785, %dma_start3A_786] : memref<100000x56xi32, #tpu.memory_space<hbm>> -> memref<100000x56xi32, #tpu.memory_space<hbm>>
    tpu.enqueue_indirect_dma source(%dma_start3A_787 : memref<100000x56xi32, #tpu.memory_space<hbm>>) target(%arg17 : memref<32x56xi32, #tpu.memory_space<vmem>>) offsets(%arg16 : memref<32xi32, #tpu.memory_space<vmem>>) semaphore(%arg20 : memref<!tpu.dma_semaphore, #tpu.memory_space<semaphore_mem>>)
    %dma_wait3A_788 = arith.constant 0 : i32
    %dma_wait3A_789 = arith.constant 0 : i32
    %dma_wait3A_790 = tpu.memref_slice %arg6[%dma_wait3A_788, %dma_wait3A_789] : memref<100000x56xi32, #tpu.memory_space<hbm>> -> memref<100000x56xi32, #tpu.memory_space<hbm>>
    tpu.wait_indirect_dma semaphore(%arg20 : memref<!tpu.dma_semaphore, #tpu.memory_space<semaphore_mem>>) src(%dma_wait3A_790 : memref<100000x56xi32, #tpu.memory_space<hbm>>) dst(%arg17 : memref<32x56xi32, #tpu.memory_space<vmem>>)
    %dma_start3A_791 = arith.constant 0 : i32
    %dma_start3A_792 = arith.constant 0 : i32
    %dma_start3A_793 = tpu.memref_slice %arg7[%dma_start3A_791, %dma_start3A_792] : memref<100000x56xf32, #tpu.memory_space<hbm>> -> memref<100000x56xf32, #tpu.memory_space<hbm>>
    tpu.enqueue_indirect_dma source(%dma_start3A_793 : memref<100000x56xf32, #tpu.memory_space<hbm>>) target(%arg18 : memref<32x56xf32, #tpu.memory_space<vmem>>) offsets(%arg16 : memref<32xi32, #tpu.memory_space<vmem>>) semaphore(%arg20 : memref<!tpu.dma_semaphore, #tpu.memory_space<semaphore_mem>>)
    %dma_wait3A_794 = arith.constant 0 : i32
    %dma_wait3A_795 = arith.constant 0 : i32
    %dma_wait3A_796 = tpu.memref_slice %arg7[%dma_wait3A_794, %dma_wait3A_795] : memref<100000x56xf32, #tpu.memory_space<hbm>> -> memref<100000x56xf32, #tpu.memory_space<hbm>>
    tpu.wait_indirect_dma semaphore(%arg20 : memref<!tpu.dma_semaphore, #tpu.memory_space<semaphore_mem>>) src(%dma_wait3A_796 : memref<100000x56xf32, #tpu.memory_space<hbm>>) dst(%arg18 : memref<32x56xf32, #tpu.memory_space<vmem>>)
    "tpu.region"() ({
      %run_scoped3A = tpu.sem_alloc : memref<!tpu.dma_semaphore, #tpu.memory_space<semaphore_mem>>
      %dma_start3A_1569 = arith.constant 0 : i32
      %dma_start3A_1570 = tpu.memref_slice %arg13[%mul3A_2, %dma_start3A_1569] : memref<1024x56xi32, #tpu.memory_space<hbm>> -> memref<32x56xi32, #tpu.memory_space<hbm>>
      %dma_start3A_1571 = arith.constant 0 : i32
      %dma_start3A_1572 = tpu.memref_slice %arg13[%mul3A_2, %dma_start3A_1571] : memref<1024x56xi32, #tpu.memory_space<hbm>> -> memref<32x56xi32, #tpu.memory_space<hbm>>
      tpu.enqueue_dma source(%arg17 : memref<32x56xi32, #tpu.memory_space<vmem>>) target(%dma_start3A_1572 : memref<32x56xi32, #tpu.memory_space<hbm>>) target_semaphore(%run_scoped3A : memref<!tpu.dma_semaphore, #tpu.memory_space<semaphore_mem>>)
      %dma_wait3A_1573 = arith.constant 0 : i32
      %dma_wait3A_1574 = tpu.memref_slice %arg13[%mul3A_2, %dma_wait3A_1573] : memref<1024x56xi32, #tpu.memory_space<hbm>> -> memref<32x56xi32, #tpu.memory_space<hbm>>
      %dma_wait3A_1575 = arith.constant 0 : i32
      %dma_wait3A_1576 = tpu.memref_slice %arg13[%mul3A_2, %dma_wait3A_1575] : memref<1024x56xi32, #tpu.memory_space<hbm>> -> memref<32x56xi32, #tpu.memory_space<hbm>>
      tpu.wait_dma2 semaphore(%run_scoped3A : memref<!tpu.dma_semaphore, #tpu.memory_space<semaphore_mem>>) src(%arg17 : memref<32x56xi32, #tpu.memory_space<vmem>>) dst(%dma_wait3A_1576 : memref<32x56xi32, #tpu.memory_space<hbm>>)
      tpu.yield
    }) : () -> ()
    "tpu.region"() ({
      %run_scoped3A = tpu.sem_alloc : memref<!tpu.dma_semaphore, #tpu.memory_space<semaphore_mem>>
      %dma_start3A_1569 = arith.constant 0 : i32
      %dma_start3A_1570 = tpu.memref_slice %arg14[%mul3A_2, %dma_start3A_1569] : memref<1024x56xf32, #tpu.memory_space<hbm>> -> memref<32x56xf32, #tpu.memory_space<hbm>>
      %dma_start3A_1571 = arith.constant 0 : i32
      %dma_start3A_1572 = tpu.memref_slice %arg14[%mul3A_2, %dma_start3A_1571] : memref<1024x56xf32, #tpu.memory_space<hbm>> -> memref<32x56xf32, #tpu.memory_space<hbm>>
      tpu.enqueue_dma source(%arg18 : memref<32x56xf32, #tpu.memory_space<vmem>>) target(%dma_start3A_1572 : memref<32x56xf32, #tpu.memory_space<hbm>>) target_semaphore(%run_scoped3A : memref<!tpu.dma_semaphore, #tpu.memory_space<semaphore_mem>>)
      %dma_wait3A_1573 = arith.constant 0 : i32
      %dma_wait3A_1574 = tpu.memref_slice %arg14[%mul3A_2, %dma_wait3A_1573] : memref<1024x56xf32, #tpu.memory_space<hbm>> -> memref<32x56xf32, #tpu.memory_space<hbm>>
      %dma_wait3A_1575 = arith.constant 0 : i32
      %dma_wait3A_1576 = tpu.memref_slice %arg14[%mul3A_2, %dma_wait3A_1575] : memref<1024x56xf32, #tpu.memory_space<hbm>> -> memref<32x56xf32, #tpu.memory_space<hbm>>
      tpu.wait_dma2 semaphore(%run_scoped3A : memref<!tpu.dma_semaphore, #tpu.memory_space<semaphore_mem>>) src(%arg18 : memref<32x56xf32, #tpu.memory_space<vmem>>) dst(%dma_wait3A_1576 : memref<32x56xf32, #tpu.memory_space<hbm>>)
      tpu.yield
    }) : () -> ()
    %dma_start3A_797 = arith.constant 0 : i32
    %dma_start3A_798 = arith.constant 0 : i32
    %dma_start3A_799 = arith.constant 0 : i32
    %dma_start3A_800 = arith.constant 0 : i32
    %dma_start3A_801 = tpu.memref_slice %arg19[%dma_start3A_798, %dma_start3A_799, %dma_start3A_800] : memref<16x56x64xf32, #tpu.memory_space<vmem>> -> memref<1x56x64xf32, #tpu.memory_space<vmem>>
    %dma_start3A_802 = tpu.memref_squeeze %dma_start3A_801 : memref<1x56x64xf32, #tpu.memory_space<vmem>> -> memref<56x64xf32, #tpu.memory_space<vmem>>
    %dma_start3A_803 = arith.constant 0 : i32
    %dma_start3A_804 = tpu.memref_slice %arg17[%dma_start3A_797, %dma_start3A_803] : memref<32x56xi32, #tpu.memory_space<vmem>> -> memref<1x56xi32, #tpu.memory_space<vmem>>
    %dma_start3A_805 = tpu.memref_squeeze %dma_start3A_804 : memref<1x56xi32, #tpu.memory_space<vmem>> -> memref<56xi32, #tpu.memory_space<vmem>>
    %dma_start3A_806 = arith.constant 0 : i32
    %dma_start3A_807 = arith.constant 0 : i32
    %dma_start3A_808 = tpu.memref_slice %arg9[%dma_start3A_806, %dma_start3A_807] : memref<100000x64xf32, #tpu.memory_space<hbm>> -> memref<100000x64xf32, #tpu.memory_space<hbm>>
    tpu.enqueue_indirect_dma source(%dma_start3A_808 : memref<100000x64xf32, #tpu.memory_space<hbm>>) target(%dma_start3A_802 : memref<56x64xf32, #tpu.memory_space<vmem>>) offsets(%dma_start3A_805 : memref<56xi32, #tpu.memory_space<vmem>>) semaphore(%arg20 : memref<!tpu.dma_semaphore, #tpu.memory_space<semaphore_mem>>)
    %dma_start3A_809 = arith.constant 1 : i32
    %dma_start3A_810 = arith.constant 1 : i32
    %dma_start3A_811 = arith.constant 0 : i32
    %dma_start3A_812 = arith.constant 0 : i32
    %dma_start3A_813 = tpu.memref_slice %arg19[%dma_start3A_810, %dma_start3A_811, %dma_start3A_812] : memref<16x56x64xf32, #tpu.memory_space<vmem>> -> memref<1x56x64xf32, #tpu.memory_space<vmem>>
    %dma_start3A_814 = tpu.memref_squeeze %dma_start3A_813 : memref<1x56x64xf32, #tpu.memory_space<vmem>> -> memref<56x64xf32, #tpu.memory_space<vmem>>
    %dma_start3A_815 = arith.constant 0 : i32
    %dma_start3A_816 = tpu.memref_slice %arg17[%dma_start3A_809, %dma_start3A_815] : memref<32x56xi32, #tpu.memory_space<vmem>> -> memref<1x56xi32, #tpu.memory_space<vmem>>
    %dma_start3A_817 = tpu.memref_squeeze %dma_start3A_816 : memref<1x56xi32, #tpu.memory_space<vmem>> -> memref<56xi32, #tpu.memory_space<vmem>>
    %dma_start3A_818 = arith.constant 0 : i32
    %dma_start3A_819 = arith.constant 0 : i32
    %dma_start3A_820 = tpu.memref_slice %arg9[%dma_start3A_818, %dma_start3A_819] : memref<100000x64xf32, #tpu.memory_space<hbm>> -> memref<100000x64xf32, #tpu.memory_space<hbm>>
    tpu.enqueue_indirect_dma source(%dma_start3A_820 : memref<100000x64xf32, #tpu.memory_space<hbm>>) target(%dma_start3A_814 : memref<56x64xf32, #tpu.memory_space<vmem>>) offsets(%dma_start3A_817 : memref<56xi32, #tpu.memory_space<vmem>>) semaphore(%arg20 : memref<!tpu.dma_semaphore, #tpu.memory_space<semaphore_mem>>)
    %dma_start3A_821 = arith.constant 2 : i32
    %dma_start3A_822 = arith.constant 2 : i32
    %dma_start3A_823 = arith.constant 0 : i32
    %dma_start3A_824 = arith.constant 0 : i32
    %dma_start3A_825 = tpu.memref_slice %arg19[%dma_start3A_822, %dma_start3A_823, %dma_start3A_824] : memref<16x56x64xf32, #tpu.memory_space<vmem>> -> memref<1x56x64xf32, #tpu.memory_space<vmem>>
    %dma_start3A_826 = tpu.memref_squeeze %dma_start3A_825 : memref<1x56x64xf32, #tpu.memory_space<vmem>> -> memref<56x64xf32, #tpu.memory_space<vmem>>
    %dma_start3A_827 = arith.constant 0 : i32
    %dma_start3A_828 = tpu.memref_slice %arg17[%dma_start3A_821, %dma_start3A_827] : memref<32x56xi32, #tpu.memory_space<vmem>> -> memref<1x56xi32, #tpu.memory_space<vmem>>
    %dma_start3A_829 = tpu.memref_squeeze %dma_start3A_828 : memref<1x56xi32, #tpu.memory_space<vmem>> -> memref<56xi32, #tpu.memory_space<vmem>>
    %dma_start3A_830 = arith.constant 0 : i32
    %dma_start3A_831 = arith.constant 0 : i32
    %dma_start3A_832 = tpu.memref_slice %arg9[%dma_start3A_830, %dma_start3A_831] : memref<100000x64xf32, #tpu.memory_space<hbm>> -> memref<100000x64xf32, #tpu.memory_space<hbm>>
    tpu.enqueue_indirect_dma source(%dma_start3A_832 : memref<100000x64xf32, #tpu.memory_space<hbm>>) target(%dma_start3A_826 : memref<56x64xf32, #tpu.memory_space<vmem>>) offsets(%dma_start3A_829 : memref<56xi32, #tpu.memory_space<vmem>>) semaphore(%arg20 : memref<!tpu.dma_semaphore, #tpu.memory_space<semaphore_mem>>)
    %dma_start3A_833 = arith.constant 3 : i32
    %dma_start3A_834 = arith.constant 3 : i32
    %dma_start3A_835 = arith.constant 0 : i32
    %dma_start3A_836 = arith.constant 0 : i32
    %dma_start3A_837 = tpu.memref_slice %arg19[%dma_start3A_834, %dma_start3A_835, %dma_start3A_836] : memref<16x56x64xf32, #tpu.memory_space<vmem>> -> memref<1x56x64xf32, #tpu.memory_space<vmem>>
    %dma_start3A_838 = tpu.memref_squeeze %dma_start3A_837 : memref<1x56x64xf32, #tpu.memory_space<vmem>> -> memref<56x64xf32, #tpu.memory_space<vmem>>
    %dma_start3A_839 = arith.constant 0 : i32
    %dma_start3A_840 = tpu.memref_slice %arg17[%dma_start3A_833, %dma_start3A_839] : memref<32x56xi32, #tpu.memory_space<vmem>> -> memref<1x56xi32, #tpu.memory_space<vmem>>
    %dma_start3A_841 = tpu.memref_squeeze %dma_start3A_840 : memref<1x56xi32, #tpu.memory_space<vmem>> -> memref<56xi32, #tpu.memory_space<vmem>>
    %dma_start3A_842 = arith.constant 0 : i32
    %dma_start3A_843 = arith.constant 0 : i32
    %dma_start3A_844 = tpu.memref_slice %arg9[%dma_start3A_842, %dma_start3A_843] : memref<100000x64xf32, #tpu.memory_space<hbm>> -> memref<100000x64xf32, #tpu.memory_space<hbm>>
    tpu.enqueue_indirect_dma source(%dma_start3A_844 : memref<100000x64xf32, #tpu.memory_space<hbm>>) target(%dma_start3A_838 : memref<56x64xf32, #tpu.memory_space<vmem>>) offsets(%dma_start3A_841 : memref<56xi32, #tpu.memory_space<vmem>>) semaphore(%arg20 : memref<!tpu.dma_semaphore, #tpu.memory_space<semaphore_mem>>)
    %dma_start3A_845 = arith.constant 4 : i32
    %dma_start3A_846 = arith.constant 4 : i32
    %dma_start3A_847 = arith.constant 0 : i32
    %dma_start3A_848 = arith.constant 0 : i32
    %dma_start3A_849 = tpu.memref_slice %arg19[%dma_start3A_846, %dma_start3A_847, %dma_start3A_848] : memref<16x56x64xf32, #tpu.memory_space<vmem>> -> memref<1x56x64xf32, #tpu.memory_space<vmem>>
    %dma_start3A_850 = tpu.memref_squeeze %dma_start3A_849 : memref<1x56x64xf32, #tpu.memory_space<vmem>> -> memref<56x64xf32, #tpu.memory_space<vmem>>
    %dma_start3A_851 = arith.constant 0 : i32
    %dma_start3A_852 = tpu.memref_slice %arg17[%dma_start3A_845, %dma_start3A_851] : memref<32x56xi32, #tpu.memory_space<vmem>> -> memref<1x56xi32, #tpu.memory_space<vmem>>
    %dma_start3A_853 = tpu.memref_squeeze %dma_start3A_852 : memref<1x56xi32, #tpu.memory_space<vmem>> -> memref<56xi32, #tpu.memory_space<vmem>>
    %dma_start3A_854 = arith.constant 0 : i32
    %dma_start3A_855 = arith.constant 0 : i32
    %dma_start3A_856 = tpu.memref_slice %arg9[%dma_start3A_854, %dma_start3A_855] : memref<100000x64xf32, #tpu.memory_space<hbm>> -> memref<100000x64xf32, #tpu.memory_space<hbm>>
    tpu.enqueue_indirect_dma source(%dma_start3A_856 : memref<100000x64xf32, #tpu.memory_space<hbm>>) target(%dma_start3A_850 : memref<56x64xf32, #tpu.memory_space<vmem>>) offsets(%dma_start3A_853 : memref<56xi32, #tpu.memory_space<vmem>>) semaphore(%arg20 : memref<!tpu.dma_semaphore, #tpu.memory_space<semaphore_mem>>)
    %dma_start3A_857 = arith.constant 5 : i32
    %dma_start3A_858 = arith.constant 5 : i32
    %dma_start3A_859 = arith.constant 0 : i32
    %dma_start3A_860 = arith.constant 0 : i32
    %dma_start3A_861 = tpu.memref_slice %arg19[%dma_start3A_858, %dma_start3A_859, %dma_start3A_860] : memref<16x56x64xf32, #tpu.memory_space<vmem>> -> memref<1x56x64xf32, #tpu.memory_space<vmem>>
    %dma_start3A_862 = tpu.memref_squeeze %dma_start3A_861 : memref<1x56x64xf32, #tpu.memory_space<vmem>> -> memref<56x64xf32, #tpu.memory_space<vmem>>
    %dma_start3A_863 = arith.constant 0 : i32
    %dma_start3A_864 = tpu.memref_slice %arg17[%dma_start3A_857, %dma_start3A_863] : memref<32x56xi32, #tpu.memory_space<vmem>> -> memref<1x56xi32, #tpu.memory_space<vmem>>
    %dma_start3A_865 = tpu.memref_squeeze %dma_start3A_864 : memref<1x56xi32, #tpu.memory_space<vmem>> -> memref<56xi32, #tpu.memory_space<vmem>>
    %dma_start3A_866 = arith.constant 0 : i32
    %dma_start3A_867 = arith.constant 0 : i32
    %dma_start3A_868 = tpu.memref_slice %arg9[%dma_start3A_866, %dma_start3A_867] : memref<100000x64xf32, #tpu.memory_space<hbm>> -> memref<100000x64xf32, #tpu.memory_space<hbm>>
    tpu.enqueue_indirect_dma source(%dma_start3A_868 : memref<100000x64xf32, #tpu.memory_space<hbm>>) target(%dma_start3A_862 : memref<56x64xf32, #tpu.memory_space<vmem>>) offsets(%dma_start3A_865 : memref<56xi32, #tpu.memory_space<vmem>>) semaphore(%arg20 : memref<!tpu.dma_semaphore, #tpu.memory_space<semaphore_mem>>)
    %dma_start3A_869 = arith.constant 6 : i32
    %dma_start3A_870 = arith.constant 6 : i32
    %dma_start3A_871 = arith.constant 0 : i32
    %dma_start3A_872 = arith.constant 0 : i32
    %dma_start3A_873 = tpu.memref_slice %arg19[%dma_start3A_870, %dma_start3A_871, %dma_start3A_872] : memref<16x56x64xf32, #tpu.memory_space<vmem>> -> memref<1x56x64xf32, #tpu.memory_space<vmem>>
    %dma_start3A_874 = tpu.memref_squeeze %dma_start3A_873 : memref<1x56x64xf32, #tpu.memory_space<vmem>> -> memref<56x64xf32, #tpu.memory_space<vmem>>
    %dma_start3A_875 = arith.constant 0 : i32
    %dma_start3A_876 = tpu.memref_slice %arg17[%dma_start3A_869, %dma_start3A_875] : memref<32x56xi32, #tpu.memory_space<vmem>> -> memref<1x56xi32, #tpu.memory_space<vmem>>
    %dma_start3A_877 = tpu.memref_squeeze %dma_start3A_876 : memref<1x56xi32, #tpu.memory_space<vmem>> -> memref<56xi32, #tpu.memory_space<vmem>>
    %dma_start3A_878 = arith.constant 0 : i32
    %dma_start3A_879 = arith.constant 0 : i32
    %dma_start3A_880 = tpu.memref_slice %arg9[%dma_start3A_878, %dma_start3A_879] : memref<100000x64xf32, #tpu.memory_space<hbm>> -> memref<100000x64xf32, #tpu.memory_space<hbm>>
    tpu.enqueue_indirect_dma source(%dma_start3A_880 : memref<100000x64xf32, #tpu.memory_space<hbm>>) target(%dma_start3A_874 : memref<56x64xf32, #tpu.memory_space<vmem>>) offsets(%dma_start3A_877 : memref<56xi32, #tpu.memory_space<vmem>>) semaphore(%arg20 : memref<!tpu.dma_semaphore, #tpu.memory_space<semaphore_mem>>)
    %dma_start3A_881 = arith.constant 7 : i32
    %dma_start3A_882 = arith.constant 7 : i32
    %dma_start3A_883 = arith.constant 0 : i32
    %dma_start3A_884 = arith.constant 0 : i32
    %dma_start3A_885 = tpu.memref_slice %arg19[%dma_start3A_882, %dma_start3A_883, %dma_start3A_884] : memref<16x56x64xf32, #tpu.memory_space<vmem>> -> memref<1x56x64xf32, #tpu.memory_space<vmem>>
    %dma_start3A_886 = tpu.memref_squeeze %dma_start3A_885 : memref<1x56x64xf32, #tpu.memory_space<vmem>> -> memref<56x64xf32, #tpu.memory_space<vmem>>
    %dma_start3A_887 = arith.constant 0 : i32
    %dma_start3A_888 = tpu.memref_slice %arg17[%dma_start3A_881, %dma_start3A_887] : memref<32x56xi32, #tpu.memory_space<vmem>> -> memref<1x56xi32, #tpu.memory_space<vmem>>
    %dma_start3A_889 = tpu.memref_squeeze %dma_start3A_888 : memref<1x56xi32, #tpu.memory_space<vmem>> -> memref<56xi32, #tpu.memory_space<vmem>>
    %dma_start3A_890 = arith.constant 0 : i32
    %dma_start3A_891 = arith.constant 0 : i32
    %dma_start3A_892 = tpu.memref_slice %arg9[%dma_start3A_890, %dma_start3A_891] : memref<100000x64xf32, #tpu.memory_space<hbm>> -> memref<100000x64xf32, #tpu.memory_space<hbm>>
    tpu.enqueue_indirect_dma source(%dma_start3A_892 : memref<100000x64xf32, #tpu.memory_space<hbm>>) target(%dma_start3A_886 : memref<56x64xf32, #tpu.memory_space<vmem>>) offsets(%dma_start3A_889 : memref<56xi32, #tpu.memory_space<vmem>>) semaphore(%arg20 : memref<!tpu.dma_semaphore, #tpu.memory_space<semaphore_mem>>)
    %dma_wait3A_893 = arith.constant 0 : i32
    %dma_wait3A_894 = arith.constant 0 : i32
    %dma_wait3A_895 = arith.constant 0 : i32
    %dma_wait3A_896 = arith.constant 0 : i32
    %dma_wait3A_897 = tpu.memref_slice %arg19[%dma_wait3A_894, %dma_wait3A_895, %dma_wait3A_896] : memref<16x56x64xf32, #tpu.memory_space<vmem>> -> memref<1x56x64xf32, #tpu.memory_space<vmem>>
    %dma_wait3A_898 = tpu.memref_squeeze %dma_wait3A_897 : memref<1x56x64xf32, #tpu.memory_space<vmem>> -> memref<56x64xf32, #tpu.memory_space<vmem>>
    %dma_wait3A_899 = arith.constant 0 : i32
    %dma_wait3A_900 = tpu.memref_slice %arg17[%dma_wait3A_893, %dma_wait3A_899] : memref<32x56xi32, #tpu.memory_space<vmem>> -> memref<1x56xi32, #tpu.memory_space<vmem>>
    %dma_wait3A_901 = tpu.memref_squeeze %dma_wait3A_900 : memref<1x56xi32, #tpu.memory_space<vmem>> -> memref<56xi32, #tpu.memory_space<vmem>>
    %dma_wait3A_902 = arith.constant 0 : i32
    %dma_wait3A_903 = arith.constant 0 : i32
    %dma_wait3A_904 = tpu.memref_slice %arg9[%dma_wait3A_902, %dma_wait3A_903] : memref<100000x64xf32, #tpu.memory_space<hbm>> -> memref<100000x64xf32, #tpu.memory_space<hbm>>
    tpu.wait_indirect_dma semaphore(%arg20 : memref<!tpu.dma_semaphore, #tpu.memory_space<semaphore_mem>>) src(%dma_wait3A_904 : memref<100000x64xf32, #tpu.memory_space<hbm>>) dst(%dma_wait3A_898 : memref<56x64xf32, #tpu.memory_space<vmem>>)
    %dma_wait3A_905 = arith.constant 1 : i32
    %dma_wait3A_906 = arith.constant 1 : i32
    %dma_wait3A_907 = arith.constant 0 : i32
    %dma_wait3A_908 = arith.constant 0 : i32
    %dma_wait3A_909 = tpu.memref_slice %arg19[%dma_wait3A_906, %dma_wait3A_907, %dma_wait3A_908] : memref<16x56x64xf32, #tpu.memory_space<vmem>> -> memref<1x56x64xf32, #tpu.memory_space<vmem>>
    %dma_wait3A_910 = tpu.memref_squeeze %dma_wait3A_909 : memref<1x56x64xf32, #tpu.memory_space<vmem>> -> memref<56x64xf32, #tpu.memory_space<vmem>>
    %dma_wait3A_911 = arith.constant 0 : i32
    %dma_wait3A_912 = tpu.memref_slice %arg17[%dma_wait3A_905, %dma_wait3A_911] : memref<32x56xi32, #tpu.memory_space<vmem>> -> memref<1x56xi32, #tpu.memory_space<vmem>>
    %dma_wait3A_913 = tpu.memref_squeeze %dma_wait3A_912 : memref<1x56xi32, #tpu.memory_space<vmem>> -> memref<56xi32, #tpu.memory_space<vmem>>
    %dma_wait3A_914 = arith.constant 0 : i32
    %dma_wait3A_915 = arith.constant 0 : i32
    %dma_wait3A_916 = tpu.memref_slice %arg9[%dma_wait3A_914, %dma_wait3A_915] : memref<100000x64xf32, #tpu.memory_space<hbm>> -> memref<100000x64xf32, #tpu.memory_space<hbm>>
    tpu.wait_indirect_dma semaphore(%arg20 : memref<!tpu.dma_semaphore, #tpu.memory_space<semaphore_mem>>) src(%dma_wait3A_916 : memref<100000x64xf32, #tpu.memory_space<hbm>>) dst(%dma_wait3A_910 : memref<56x64xf32, #tpu.memory_space<vmem>>)
    %dma_wait3A_917 = arith.constant 2 : i32
    %dma_wait3A_918 = arith.constant 2 : i32
    %dma_wait3A_919 = arith.constant 0 : i32
    %dma_wait3A_920 = arith.constant 0 : i32
    %dma_wait3A_921 = tpu.memref_slice %arg19[%dma_wait3A_918, %dma_wait3A_919, %dma_wait3A_920] : memref<16x56x64xf32, #tpu.memory_space<vmem>> -> memref<1x56x64xf32, #tpu.memory_space<vmem>>
    %dma_wait3A_922 = tpu.memref_squeeze %dma_wait3A_921 : memref<1x56x64xf32, #tpu.memory_space<vmem>> -> memref<56x64xf32, #tpu.memory_space<vmem>>
    %dma_wait3A_923 = arith.constant 0 : i32
    %dma_wait3A_924 = tpu.memref_slice %arg17[%dma_wait3A_917, %dma_wait3A_923] : memref<32x56xi32, #tpu.memory_space<vmem>> -> memref<1x56xi32, #tpu.memory_space<vmem>>
    %dma_wait3A_925 = tpu.memref_squeeze %dma_wait3A_924 : memref<1x56xi32, #tpu.memory_space<vmem>> -> memref<56xi32, #tpu.memory_space<vmem>>
    %dma_wait3A_926 = arith.constant 0 : i32
    %dma_wait3A_927 = arith.constant 0 : i32
    %dma_wait3A_928 = tpu.memref_slice %arg9[%dma_wait3A_926, %dma_wait3A_927] : memref<100000x64xf32, #tpu.memory_space<hbm>> -> memref<100000x64xf32, #tpu.memory_space<hbm>>
    tpu.wait_indirect_dma semaphore(%arg20 : memref<!tpu.dma_semaphore, #tpu.memory_space<semaphore_mem>>) src(%dma_wait3A_928 : memref<100000x64xf32, #tpu.memory_space<hbm>>) dst(%dma_wait3A_922 : memref<56x64xf32, #tpu.memory_space<vmem>>)
    %dma_wait3A_929 = arith.constant 3 : i32
    %dma_wait3A_930 = arith.constant 3 : i32
    %dma_wait3A_931 = arith.constant 0 : i32
    %dma_wait3A_932 = arith.constant 0 : i32
    %dma_wait3A_933 = tpu.memref_slice %arg19[%dma_wait3A_930, %dma_wait3A_931, %dma_wait3A_932] : memref<16x56x64xf32, #tpu.memory_space<vmem>> -> memref<1x56x64xf32, #tpu.memory_space<vmem>>
    %dma_wait3A_934 = tpu.memref_squeeze %dma_wait3A_933 : memref<1x56x64xf32, #tpu.memory_space<vmem>> -> memref<56x64xf32, #tpu.memory_space<vmem>>
    %dma_wait3A_935 = arith.constant 0 : i32
    %dma_wait3A_936 = tpu.memref_slice %arg17[%dma_wait3A_929, %dma_wait3A_935] : memref<32x56xi32, #tpu.memory_space<vmem>> -> memref<1x56xi32, #tpu.memory_space<vmem>>
    %dma_wait3A_937 = tpu.memref_squeeze %dma_wait3A_936 : memref<1x56xi32, #tpu.memory_space<vmem>> -> memref<56xi32, #tpu.memory_space<vmem>>
    %dma_wait3A_938 = arith.constant 0 : i32
    %dma_wait3A_939 = arith.constant 0 : i32
    %dma_wait3A_940 = tpu.memref_slice %arg9[%dma_wait3A_938, %dma_wait3A_939] : memref<100000x64xf32, #tpu.memory_space<hbm>> -> memref<100000x64xf32, #tpu.memory_space<hbm>>
    tpu.wait_indirect_dma semaphore(%arg20 : memref<!tpu.dma_semaphore, #tpu.memory_space<semaphore_mem>>) src(%dma_wait3A_940 : memref<100000x64xf32, #tpu.memory_space<hbm>>) dst(%dma_wait3A_934 : memref<56x64xf32, #tpu.memory_space<vmem>>)
    %dma_wait3A_941 = arith.constant 4 : i32
    %dma_wait3A_942 = arith.constant 4 : i32
    %dma_wait3A_943 = arith.constant 0 : i32
    %dma_wait3A_944 = arith.constant 0 : i32
    %dma_wait3A_945 = tpu.memref_slice %arg19[%dma_wait3A_942, %dma_wait3A_943, %dma_wait3A_944] : memref<16x56x64xf32, #tpu.memory_space<vmem>> -> memref<1x56x64xf32, #tpu.memory_space<vmem>>
    %dma_wait3A_946 = tpu.memref_squeeze %dma_wait3A_945 : memref<1x56x64xf32, #tpu.memory_space<vmem>> -> memref<56x64xf32, #tpu.memory_space<vmem>>
    %dma_wait3A_947 = arith.constant 0 : i32
    %dma_wait3A_948 = tpu.memref_slice %arg17[%dma_wait3A_941, %dma_wait3A_947] : memref<32x56xi32, #tpu.memory_space<vmem>> -> memref<1x56xi32, #tpu.memory_space<vmem>>
    %dma_wait3A_949 = tpu.memref_squeeze %dma_wait3A_948 : memref<1x56xi32, #tpu.memory_space<vmem>> -> memref<56xi32, #tpu.memory_space<vmem>>
    %dma_wait3A_950 = arith.constant 0 : i32
    %dma_wait3A_951 = arith.constant 0 : i32
    %dma_wait3A_952 = tpu.memref_slice %arg9[%dma_wait3A_950, %dma_wait3A_951] : memref<100000x64xf32, #tpu.memory_space<hbm>> -> memref<100000x64xf32, #tpu.memory_space<hbm>>
    tpu.wait_indirect_dma semaphore(%arg20 : memref<!tpu.dma_semaphore, #tpu.memory_space<semaphore_mem>>) src(%dma_wait3A_952 : memref<100000x64xf32, #tpu.memory_space<hbm>>) dst(%dma_wait3A_946 : memref<56x64xf32, #tpu.memory_space<vmem>>)
    %dma_wait3A_953 = arith.constant 5 : i32
    %dma_wait3A_954 = arith.constant 5 : i32
    %dma_wait3A_955 = arith.constant 0 : i32
    %dma_wait3A_956 = arith.constant 0 : i32
    %dma_wait3A_957 = tpu.memref_slice %arg19[%dma_wait3A_954, %dma_wait3A_955, %dma_wait3A_956] : memref<16x56x64xf32, #tpu.memory_space<vmem>> -> memref<1x56x64xf32, #tpu.memory_space<vmem>>
    %dma_wait3A_958 = tpu.memref_squeeze %dma_wait3A_957 : memref<1x56x64xf32, #tpu.memory_space<vmem>> -> memref<56x64xf32, #tpu.memory_space<vmem>>
    %dma_wait3A_959 = arith.constant 0 : i32
    %dma_wait3A_960 = tpu.memref_slice %arg17[%dma_wait3A_953, %dma_wait3A_959] : memref<32x56xi32, #tpu.memory_space<vmem>> -> memref<1x56xi32, #tpu.memory_space<vmem>>
    %dma_wait3A_961 = tpu.memref_squeeze %dma_wait3A_960 : memref<1x56xi32, #tpu.memory_space<vmem>> -> memref<56xi32, #tpu.memory_space<vmem>>
    %dma_wait3A_962 = arith.constant 0 : i32
    %dma_wait3A_963 = arith.constant 0 : i32
    %dma_wait3A_964 = tpu.memref_slice %arg9[%dma_wait3A_962, %dma_wait3A_963] : memref<100000x64xf32, #tpu.memory_space<hbm>> -> memref<100000x64xf32, #tpu.memory_space<hbm>>
    tpu.wait_indirect_dma semaphore(%arg20 : memref<!tpu.dma_semaphore, #tpu.memory_space<semaphore_mem>>) src(%dma_wait3A_964 : memref<100000x64xf32, #tpu.memory_space<hbm>>) dst(%dma_wait3A_958 : memref<56x64xf32, #tpu.memory_space<vmem>>)
    %dma_wait3A_965 = arith.constant 6 : i32
    %dma_wait3A_966 = arith.constant 6 : i32
    %dma_wait3A_967 = arith.constant 0 : i32
    %dma_wait3A_968 = arith.constant 0 : i32
    %dma_wait3A_969 = tpu.memref_slice %arg19[%dma_wait3A_966, %dma_wait3A_967, %dma_wait3A_968] : memref<16x56x64xf32, #tpu.memory_space<vmem>> -> memref<1x56x64xf32, #tpu.memory_space<vmem>>
    %dma_wait3A_970 = tpu.memref_squeeze %dma_wait3A_969 : memref<1x56x64xf32, #tpu.memory_space<vmem>> -> memref<56x64xf32, #tpu.memory_space<vmem>>
    %dma_wait3A_971 = arith.constant 0 : i32
    %dma_wait3A_972 = tpu.memref_slice %arg17[%dma_wait3A_965, %dma_wait3A_971] : memref<32x56xi32, #tpu.memory_space<vmem>> -> memref<1x56xi32, #tpu.memory_space<vmem>>
    %dma_wait3A_973 = tpu.memref_squeeze %dma_wait3A_972 : memref<1x56xi32, #tpu.memory_space<vmem>> -> memref<56xi32, #tpu.memory_space<vmem>>
    %dma_wait3A_974 = arith.constant 0 : i32
    %dma_wait3A_975 = arith.constant 0 : i32
    %dma_wait3A_976 = tpu.memref_slice %arg9[%dma_wait3A_974, %dma_wait3A_975] : memref<100000x64xf32, #tpu.memory_space<hbm>> -> memref<100000x64xf32, #tpu.memory_space<hbm>>
    tpu.wait_indirect_dma semaphore(%arg20 : memref<!tpu.dma_semaphore, #tpu.memory_space<semaphore_mem>>) src(%dma_wait3A_976 : memref<100000x64xf32, #tpu.memory_space<hbm>>) dst(%dma_wait3A_970 : memref<56x64xf32, #tpu.memory_space<vmem>>)
    %dma_wait3A_977 = arith.constant 7 : i32
    %dma_wait3A_978 = arith.constant 7 : i32
    %dma_wait3A_979 = arith.constant 0 : i32
    %dma_wait3A_980 = arith.constant 0 : i32
    %dma_wait3A_981 = tpu.memref_slice %arg19[%dma_wait3A_978, %dma_wait3A_979, %dma_wait3A_980] : memref<16x56x64xf32, #tpu.memory_space<vmem>> -> memref<1x56x64xf32, #tpu.memory_space<vmem>>
    %dma_wait3A_982 = tpu.memref_squeeze %dma_wait3A_981 : memref<1x56x64xf32, #tpu.memory_space<vmem>> -> memref<56x64xf32, #tpu.memory_space<vmem>>
    %dma_wait3A_983 = arith.constant 0 : i32
    %dma_wait3A_984 = tpu.memref_slice %arg17[%dma_wait3A_977, %dma_wait3A_983] : memref<32x56xi32, #tpu.memory_space<vmem>> -> memref<1x56xi32, #tpu.memory_space<vmem>>
    %dma_wait3A_985 = tpu.memref_squeeze %dma_wait3A_984 : memref<1x56xi32, #tpu.memory_space<vmem>> -> memref<56xi32, #tpu.memory_space<vmem>>
    %dma_wait3A_986 = arith.constant 0 : i32
    %dma_wait3A_987 = arith.constant 0 : i32
    %dma_wait3A_988 = tpu.memref_slice %arg9[%dma_wait3A_986, %dma_wait3A_987] : memref<100000x64xf32, #tpu.memory_space<hbm>> -> memref<100000x64xf32, #tpu.memory_space<hbm>>
    tpu.wait_indirect_dma semaphore(%arg20 : memref<!tpu.dma_semaphore, #tpu.memory_space<semaphore_mem>>) src(%dma_wait3A_988 : memref<100000x64xf32, #tpu.memory_space<hbm>>) dst(%dma_wait3A_982 : memref<56x64xf32, #tpu.memory_space<vmem>>)
    %dma_start3A_989 = arith.constant 8 : i32
    %dma_start3A_990 = arith.constant 8 : i32
    %dma_start3A_991 = arith.constant 0 : i32
    %dma_start3A_992 = arith.constant 0 : i32
    %dma_start3A_993 = tpu.memref_slice %arg19[%dma_start3A_990, %dma_start3A_991, %dma_start3A_992] : memref<16x56x64xf32, #tpu.memory_space<vmem>> -> memref<1x56x64xf32, #tpu.memory_space<vmem>>
    %dma_start3A_994 = tpu.memref_squeeze %dma_start3A_993 : memref<1x56x64xf32, #tpu.memory_space<vmem>> -> memref<56x64xf32, #tpu.memory_space<vmem>>
    %dma_start3A_995 = arith.constant 0 : i32
    %dma_start3A_996 = tpu.memref_slice %arg17[%dma_start3A_989, %dma_start3A_995] : memref<32x56xi32, #tpu.memory_space<vmem>> -> memref<1x56xi32, #tpu.memory_space<vmem>>
    %dma_start3A_997 = tpu.memref_squeeze %dma_start3A_996 : memref<1x56xi32, #tpu.memory_space<vmem>> -> memref<56xi32, #tpu.memory_space<vmem>>
    %dma_start3A_998 = arith.constant 0 : i32
    %dma_start3A_999 = arith.constant 0 : i32
    %dma_start3A_1000 = tpu.memref_slice %arg9[%dma_start3A_998, %dma_start3A_999] : memref<100000x64xf32, #tpu.memory_space<hbm>> -> memref<100000x64xf32, #tpu.memory_space<hbm>>
    tpu.enqueue_indirect_dma source(%dma_start3A_1000 : memref<100000x64xf32, #tpu.memory_space<hbm>>) target(%dma_start3A_994 : memref<56x64xf32, #tpu.memory_space<vmem>>) offsets(%dma_start3A_997 : memref<56xi32, #tpu.memory_space<vmem>>) semaphore(%arg20 : memref<!tpu.dma_semaphore, #tpu.memory_space<semaphore_mem>>)
    %dma_start3A_1001 = arith.constant 9 : i32
    %dma_start3A_1002 = arith.constant 9 : i32
    %dma_start3A_1003 = arith.constant 0 : i32
    %dma_start3A_1004 = arith.constant 0 : i32
    %dma_start3A_1005 = tpu.memref_slice %arg19[%dma_start3A_1002, %dma_start3A_1003, %dma_start3A_1004] : memref<16x56x64xf32, #tpu.memory_space<vmem>> -> memref<1x56x64xf32, #tpu.memory_space<vmem>>
    %dma_start3A_1006 = tpu.memref_squeeze %dma_start3A_1005 : memref<1x56x64xf32, #tpu.memory_space<vmem>> -> memref<56x64xf32, #tpu.memory_space<vmem>>
    %dma_start3A_1007 = arith.constant 0 : i32
    %dma_start3A_1008 = tpu.memref_slice %arg17[%dma_start3A_1001, %dma_start3A_1007] : memref<32x56xi32, #tpu.memory_space<vmem>> -> memref<1x56xi32, #tpu.memory_space<vmem>>
    %dma_start3A_1009 = tpu.memref_squeeze %dma_start3A_1008 : memref<1x56xi32, #tpu.memory_space<vmem>> -> memref<56xi32, #tpu.memory_space<vmem>>
    %dma_start3A_1010 = arith.constant 0 : i32
    %dma_start3A_1011 = arith.constant 0 : i32
    %dma_start3A_1012 = tpu.memref_slice %arg9[%dma_start3A_1010, %dma_start3A_1011] : memref<100000x64xf32, #tpu.memory_space<hbm>> -> memref<100000x64xf32, #tpu.memory_space<hbm>>
    tpu.enqueue_indirect_dma source(%dma_start3A_1012 : memref<100000x64xf32, #tpu.memory_space<hbm>>) target(%dma_start3A_1006 : memref<56x64xf32, #tpu.memory_space<vmem>>) offsets(%dma_start3A_1009 : memref<56xi32, #tpu.memory_space<vmem>>) semaphore(%arg20 : memref<!tpu.dma_semaphore, #tpu.memory_space<semaphore_mem>>)
    %dma_start3A_1013 = arith.constant 10 : i32
    %dma_start3A_1014 = arith.constant 10 : i32
    %dma_start3A_1015 = arith.constant 0 : i32
    %dma_start3A_1016 = arith.constant 0 : i32
    %dma_start3A_1017 = tpu.memref_slice %arg19[%dma_start3A_1014, %dma_start3A_1015, %dma_start3A_1016] : memref<16x56x64xf32, #tpu.memory_space<vmem>> -> memref<1x56x64xf32, #tpu.memory_space<vmem>>
    %dma_start3A_1018 = tpu.memref_squeeze %dma_start3A_1017 : memref<1x56x64xf32, #tpu.memory_space<vmem>> -> memref<56x64xf32, #tpu.memory_space<vmem>>
    %dma_start3A_1019 = arith.constant 0 : i32
    %dma_start3A_1020 = tpu.memref_slice %arg17[%dma_start3A_1013, %dma_start3A_1019] : memref<32x56xi32, #tpu.memory_space<vmem>> -> memref<1x56xi32, #tpu.memory_space<vmem>>
    %dma_start3A_1021 = tpu.memref_squeeze %dma_start3A_1020 : memref<1x56xi32, #tpu.memory_space<vmem>> -> memref<56xi32, #tpu.memory_space<vmem>>
    %dma_start3A_1022 = arith.constant 0 : i32
    %dma_start3A_1023 = arith.constant 0 : i32
    %dma_start3A_1024 = tpu.memref_slice %arg9[%dma_start3A_1022, %dma_start3A_1023] : memref<100000x64xf32, #tpu.memory_space<hbm>> -> memref<100000x64xf32, #tpu.memory_space<hbm>>
    tpu.enqueue_indirect_dma source(%dma_start3A_1024 : memref<100000x64xf32, #tpu.memory_space<hbm>>) target(%dma_start3A_1018 : memref<56x64xf32, #tpu.memory_space<vmem>>) offsets(%dma_start3A_1021 : memref<56xi32, #tpu.memory_space<vmem>>) semaphore(%arg20 : memref<!tpu.dma_semaphore, #tpu.memory_space<semaphore_mem>>)
    %dma_start3A_1025 = arith.constant 11 : i32
    %dma_start3A_1026 = arith.constant 11 : i32
    %dma_start3A_1027 = arith.constant 0 : i32
    %dma_start3A_1028 = arith.constant 0 : i32
    %dma_start3A_1029 = tpu.memref_slice %arg19[%dma_start3A_1026, %dma_start3A_1027, %dma_start3A_1028] : memref<16x56x64xf32, #tpu.memory_space<vmem>> -> memref<1x56x64xf32, #tpu.memory_space<vmem>>
    %dma_start3A_1030 = tpu.memref_squeeze %dma_start3A_1029 : memref<1x56x64xf32, #tpu.memory_space<vmem>> -> memref<56x64xf32, #tpu.memory_space<vmem>>
    %dma_start3A_1031 = arith.constant 0 : i32
    %dma_start3A_1032 = tpu.memref_slice %arg17[%dma_start3A_1025, %dma_start3A_1031] : memref<32x56xi32, #tpu.memory_space<vmem>> -> memref<1x56xi32, #tpu.memory_space<vmem>>
    %dma_start3A_1033 = tpu.memref_squeeze %dma_start3A_1032 : memref<1x56xi32, #tpu.memory_space<vmem>> -> memref<56xi32, #tpu.memory_space<vmem>>
    %dma_start3A_1034 = arith.constant 0 : i32
    %dma_start3A_1035 = arith.constant 0 : i32
    %dma_start3A_1036 = tpu.memref_slice %arg9[%dma_start3A_1034, %dma_start3A_1035] : memref<100000x64xf32, #tpu.memory_space<hbm>> -> memref<100000x64xf32, #tpu.memory_space<hbm>>
    tpu.enqueue_indirect_dma source(%dma_start3A_1036 : memref<100000x64xf32, #tpu.memory_space<hbm>>) target(%dma_start3A_1030 : memref<56x64xf32, #tpu.memory_space<vmem>>) offsets(%dma_start3A_1033 : memref<56xi32, #tpu.memory_space<vmem>>) semaphore(%arg20 : memref<!tpu.dma_semaphore, #tpu.memory_space<semaphore_mem>>)
    %dma_start3A_1037 = arith.constant 12 : i32
    %dma_start3A_1038 = arith.constant 12 : i32
    %dma_start3A_1039 = arith.constant 0 : i32
    %dma_start3A_1040 = arith.constant 0 : i32
    %dma_start3A_1041 = tpu.memref_slice %arg19[%dma_start3A_1038, %dma_start3A_1039, %dma_start3A_1040] : memref<16x56x64xf32, #tpu.memory_space<vmem>> -> memref<1x56x64xf32, #tpu.memory_space<vmem>>
    %dma_start3A_1042 = tpu.memref_squeeze %dma_start3A_1041 : memref<1x56x64xf32, #tpu.memory_space<vmem>> -> memref<56x64xf32, #tpu.memory_space<vmem>>
    %dma_start3A_1043 = arith.constant 0 : i32
    %dma_start3A_1044 = tpu.memref_slice %arg17[%dma_start3A_1037, %dma_start3A_1043] : memref<32x56xi32, #tpu.memory_space<vmem>> -> memref<1x56xi32, #tpu.memory_space<vmem>>
    %dma_start3A_1045 = tpu.memref_squeeze %dma_start3A_1044 : memref<1x56xi32, #tpu.memory_space<vmem>> -> memref<56xi32, #tpu.memory_space<vmem>>
    %dma_start3A_1046 = arith.constant 0 : i32
    %dma_start3A_1047 = arith.constant 0 : i32
    %dma_start3A_1048 = tpu.memref_slice %arg9[%dma_start3A_1046, %dma_start3A_1047] : memref<100000x64xf32, #tpu.memory_space<hbm>> -> memref<100000x64xf32, #tpu.memory_space<hbm>>
    tpu.enqueue_indirect_dma source(%dma_start3A_1048 : memref<100000x64xf32, #tpu.memory_space<hbm>>) target(%dma_start3A_1042 : memref<56x64xf32, #tpu.memory_space<vmem>>) offsets(%dma_start3A_1045 : memref<56xi32, #tpu.memory_space<vmem>>) semaphore(%arg20 : memref<!tpu.dma_semaphore, #tpu.memory_space<semaphore_mem>>)
    %dma_start3A_1049 = arith.constant 13 : i32
    %dma_start3A_1050 = arith.constant 13 : i32
    %dma_start3A_1051 = arith.constant 0 : i32
    %dma_start3A_1052 = arith.constant 0 : i32
    %dma_start3A_1053 = tpu.memref_slice %arg19[%dma_start3A_1050, %dma_start3A_1051, %dma_start3A_1052] : memref<16x56x64xf32, #tpu.memory_space<vmem>> -> memref<1x56x64xf32, #tpu.memory_space<vmem>>
    %dma_start3A_1054 = tpu.memref_squeeze %dma_start3A_1053 : memref<1x56x64xf32, #tpu.memory_space<vmem>> -> memref<56x64xf32, #tpu.memory_space<vmem>>
    %dma_start3A_1055 = arith.constant 0 : i32
    %dma_start3A_1056 = tpu.memref_slice %arg17[%dma_start3A_1049, %dma_start3A_1055] : memref<32x56xi32, #tpu.memory_space<vmem>> -> memref<1x56xi32, #tpu.memory_space<vmem>>
    %dma_start3A_1057 = tpu.memref_squeeze %dma_start3A_1056 : memref<1x56xi32, #tpu.memory_space<vmem>> -> memref<56xi32, #tpu.memory_space<vmem>>
    %dma_start3A_1058 = arith.constant 0 : i32
    %dma_start3A_1059 = arith.constant 0 : i32
    %dma_start3A_1060 = tpu.memref_slice %arg9[%dma_start3A_1058, %dma_start3A_1059] : memref<100000x64xf32, #tpu.memory_space<hbm>> -> memref<100000x64xf32, #tpu.memory_space<hbm>>
    tpu.enqueue_indirect_dma source(%dma_start3A_1060 : memref<100000x64xf32, #tpu.memory_space<hbm>>) target(%dma_start3A_1054 : memref<56x64xf32, #tpu.memory_space<vmem>>) offsets(%dma_start3A_1057 : memref<56xi32, #tpu.memory_space<vmem>>) semaphore(%arg20 : memref<!tpu.dma_semaphore, #tpu.memory_space<semaphore_mem>>)
    %dma_start3A_1061 = arith.constant 14 : i32
    %dma_start3A_1062 = arith.constant 14 : i32
    %dma_start3A_1063 = arith.constant 0 : i32
    %dma_start3A_1064 = arith.constant 0 : i32
    %dma_start3A_1065 = tpu.memref_slice %arg19[%dma_start3A_1062, %dma_start3A_1063, %dma_start3A_1064] : memref<16x56x64xf32, #tpu.memory_space<vmem>> -> memref<1x56x64xf32, #tpu.memory_space<vmem>>
    %dma_start3A_1066 = tpu.memref_squeeze %dma_start3A_1065 : memref<1x56x64xf32, #tpu.memory_space<vmem>> -> memref<56x64xf32, #tpu.memory_space<vmem>>
    %dma_start3A_1067 = arith.constant 0 : i32
    %dma_start3A_1068 = tpu.memref_slice %arg17[%dma_start3A_1061, %dma_start3A_1067] : memref<32x56xi32, #tpu.memory_space<vmem>> -> memref<1x56xi32, #tpu.memory_space<vmem>>
    %dma_start3A_1069 = tpu.memref_squeeze %dma_start3A_1068 : memref<1x56xi32, #tpu.memory_space<vmem>> -> memref<56xi32, #tpu.memory_space<vmem>>
    %dma_start3A_1070 = arith.constant 0 : i32
    %dma_start3A_1071 = arith.constant 0 : i32
    %dma_start3A_1072 = tpu.memref_slice %arg9[%dma_start3A_1070, %dma_start3A_1071] : memref<100000x64xf32, #tpu.memory_space<hbm>> -> memref<100000x64xf32, #tpu.memory_space<hbm>>
    tpu.enqueue_indirect_dma source(%dma_start3A_1072 : memref<100000x64xf32, #tpu.memory_space<hbm>>) target(%dma_start3A_1066 : memref<56x64xf32, #tpu.memory_space<vmem>>) offsets(%dma_start3A_1069 : memref<56xi32, #tpu.memory_space<vmem>>) semaphore(%arg20 : memref<!tpu.dma_semaphore, #tpu.memory_space<semaphore_mem>>)
    %dma_start3A_1073 = arith.constant 15 : i32
    %dma_start3A_1074 = arith.constant 15 : i32
    %dma_start3A_1075 = arith.constant 0 : i32
    %dma_start3A_1076 = arith.constant 0 : i32
    %dma_start3A_1077 = tpu.memref_slice %arg19[%dma_start3A_1074, %dma_start3A_1075, %dma_start3A_1076] : memref<16x56x64xf32, #tpu.memory_space<vmem>> -> memref<1x56x64xf32, #tpu.memory_space<vmem>>
    %dma_start3A_1078 = tpu.memref_squeeze %dma_start3A_1077 : memref<1x56x64xf32, #tpu.memory_space<vmem>> -> memref<56x64xf32, #tpu.memory_space<vmem>>
    %dma_start3A_1079 = arith.constant 0 : i32
    %dma_start3A_1080 = tpu.memref_slice %arg17[%dma_start3A_1073, %dma_start3A_1079] : memref<32x56xi32, #tpu.memory_space<vmem>> -> memref<1x56xi32, #tpu.memory_space<vmem>>
    %dma_start3A_1081 = tpu.memref_squeeze %dma_start3A_1080 : memref<1x56xi32, #tpu.memory_space<vmem>> -> memref<56xi32, #tpu.memory_space<vmem>>
    %dma_start3A_1082 = arith.constant 0 : i32
    %dma_start3A_1083 = arith.constant 0 : i32
    %dma_start3A_1084 = tpu.memref_slice %arg9[%dma_start3A_1082, %dma_start3A_1083] : memref<100000x64xf32, #tpu.memory_space<hbm>> -> memref<100000x64xf32, #tpu.memory_space<hbm>>
    tpu.enqueue_indirect_dma source(%dma_start3A_1084 : memref<100000x64xf32, #tpu.memory_space<hbm>>) target(%dma_start3A_1078 : memref<56x64xf32, #tpu.memory_space<vmem>>) offsets(%dma_start3A_1081 : memref<56xi32, #tpu.memory_space<vmem>>) semaphore(%arg20 : memref<!tpu.dma_semaphore, #tpu.memory_space<semaphore_mem>>)
    %dma_wait3A_1085 = arith.constant 8 : i32
    %dma_wait3A_1086 = arith.constant 8 : i32
    %dma_wait3A_1087 = arith.constant 0 : i32
    %dma_wait3A_1088 = arith.constant 0 : i32
    %dma_wait3A_1089 = tpu.memref_slice %arg19[%dma_wait3A_1086, %dma_wait3A_1087, %dma_wait3A_1088] : memref<16x56x64xf32, #tpu.memory_space<vmem>> -> memref<1x56x64xf32, #tpu.memory_space<vmem>>
    %dma_wait3A_1090 = tpu.memref_squeeze %dma_wait3A_1089 : memref<1x56x64xf32, #tpu.memory_space<vmem>> -> memref<56x64xf32, #tpu.memory_space<vmem>>
    %dma_wait3A_1091 = arith.constant 0 : i32
    %dma_wait3A_1092 = tpu.memref_slice %arg17[%dma_wait3A_1085, %dma_wait3A_1091] : memref<32x56xi32, #tpu.memory_space<vmem>> -> memref<1x56xi32, #tpu.memory_space<vmem>>
    %dma_wait3A_1093 = tpu.memref_squeeze %dma_wait3A_1092 : memref<1x56xi32, #tpu.memory_space<vmem>> -> memref<56xi32, #tpu.memory_space<vmem>>
    %dma_wait3A_1094 = arith.constant 0 : i32
    %dma_wait3A_1095 = arith.constant 0 : i32
    %dma_wait3A_1096 = tpu.memref_slice %arg9[%dma_wait3A_1094, %dma_wait3A_1095] : memref<100000x64xf32, #tpu.memory_space<hbm>> -> memref<100000x64xf32, #tpu.memory_space<hbm>>
    tpu.wait_indirect_dma semaphore(%arg20 : memref<!tpu.dma_semaphore, #tpu.memory_space<semaphore_mem>>) src(%dma_wait3A_1096 : memref<100000x64xf32, #tpu.memory_space<hbm>>) dst(%dma_wait3A_1090 : memref<56x64xf32, #tpu.memory_space<vmem>>)
    %dma_wait3A_1097 = arith.constant 9 : i32
    %dma_wait3A_1098 = arith.constant 9 : i32
    %dma_wait3A_1099 = arith.constant 0 : i32
    %dma_wait3A_1100 = arith.constant 0 : i32
    %dma_wait3A_1101 = tpu.memref_slice %arg19[%dma_wait3A_1098, %dma_wait3A_1099, %dma_wait3A_1100] : memref<16x56x64xf32, #tpu.memory_space<vmem>> -> memref<1x56x64xf32, #tpu.memory_space<vmem>>
    %dma_wait3A_1102 = tpu.memref_squeeze %dma_wait3A_1101 : memref<1x56x64xf32, #tpu.memory_space<vmem>> -> memref<56x64xf32, #tpu.memory_space<vmem>>
    %dma_wait3A_1103 = arith.constant 0 : i32
    %dma_wait3A_1104 = tpu.memref_slice %arg17[%dma_wait3A_1097, %dma_wait3A_1103] : memref<32x56xi32, #tpu.memory_space<vmem>> -> memref<1x56xi32, #tpu.memory_space<vmem>>
    %dma_wait3A_1105 = tpu.memref_squeeze %dma_wait3A_1104 : memref<1x56xi32, #tpu.memory_space<vmem>> -> memref<56xi32, #tpu.memory_space<vmem>>
    %dma_wait3A_1106 = arith.constant 0 : i32
    %dma_wait3A_1107 = arith.constant 0 : i32
    %dma_wait3A_1108 = tpu.memref_slice %arg9[%dma_wait3A_1106, %dma_wait3A_1107] : memref<100000x64xf32, #tpu.memory_space<hbm>> -> memref<100000x64xf32, #tpu.memory_space<hbm>>
    tpu.wait_indirect_dma semaphore(%arg20 : memref<!tpu.dma_semaphore, #tpu.memory_space<semaphore_mem>>) src(%dma_wait3A_1108 : memref<100000x64xf32, #tpu.memory_space<hbm>>) dst(%dma_wait3A_1102 : memref<56x64xf32, #tpu.memory_space<vmem>>)
    %dma_wait3A_1109 = arith.constant 10 : i32
    %dma_wait3A_1110 = arith.constant 10 : i32
    %dma_wait3A_1111 = arith.constant 0 : i32
    %dma_wait3A_1112 = arith.constant 0 : i32
    %dma_wait3A_1113 = tpu.memref_slice %arg19[%dma_wait3A_1110, %dma_wait3A_1111, %dma_wait3A_1112] : memref<16x56x64xf32, #tpu.memory_space<vmem>> -> memref<1x56x64xf32, #tpu.memory_space<vmem>>
    %dma_wait3A_1114 = tpu.memref_squeeze %dma_wait3A_1113 : memref<1x56x64xf32, #tpu.memory_space<vmem>> -> memref<56x64xf32, #tpu.memory_space<vmem>>
    %dma_wait3A_1115 = arith.constant 0 : i32
    %dma_wait3A_1116 = tpu.memref_slice %arg17[%dma_wait3A_1109, %dma_wait3A_1115] : memref<32x56xi32, #tpu.memory_space<vmem>> -> memref<1x56xi32, #tpu.memory_space<vmem>>
    %dma_wait3A_1117 = tpu.memref_squeeze %dma_wait3A_1116 : memref<1x56xi32, #tpu.memory_space<vmem>> -> memref<56xi32, #tpu.memory_space<vmem>>
    %dma_wait3A_1118 = arith.constant 0 : i32
    %dma_wait3A_1119 = arith.constant 0 : i32
    %dma_wait3A_1120 = tpu.memref_slice %arg9[%dma_wait3A_1118, %dma_wait3A_1119] : memref<100000x64xf32, #tpu.memory_space<hbm>> -> memref<100000x64xf32, #tpu.memory_space<hbm>>
    tpu.wait_indirect_dma semaphore(%arg20 : memref<!tpu.dma_semaphore, #tpu.memory_space<semaphore_mem>>) src(%dma_wait3A_1120 : memref<100000x64xf32, #tpu.memory_space<hbm>>) dst(%dma_wait3A_1114 : memref<56x64xf32, #tpu.memory_space<vmem>>)
    %dma_wait3A_1121 = arith.constant 11 : i32
    %dma_wait3A_1122 = arith.constant 11 : i32
    %dma_wait3A_1123 = arith.constant 0 : i32
    %dma_wait3A_1124 = arith.constant 0 : i32
    %dma_wait3A_1125 = tpu.memref_slice %arg19[%dma_wait3A_1122, %dma_wait3A_1123, %dma_wait3A_1124] : memref<16x56x64xf32, #tpu.memory_space<vmem>> -> memref<1x56x64xf32, #tpu.memory_space<vmem>>
    %dma_wait3A_1126 = tpu.memref_squeeze %dma_wait3A_1125 : memref<1x56x64xf32, #tpu.memory_space<vmem>> -> memref<56x64xf32, #tpu.memory_space<vmem>>
    %dma_wait3A_1127 = arith.constant 0 : i32
    %dma_wait3A_1128 = tpu.memref_slice %arg17[%dma_wait3A_1121, %dma_wait3A_1127] : memref<32x56xi32, #tpu.memory_space<vmem>> -> memref<1x56xi32, #tpu.memory_space<vmem>>
    %dma_wait3A_1129 = tpu.memref_squeeze %dma_wait3A_1128 : memref<1x56xi32, #tpu.memory_space<vmem>> -> memref<56xi32, #tpu.memory_space<vmem>>
    %dma_wait3A_1130 = arith.constant 0 : i32
    %dma_wait3A_1131 = arith.constant 0 : i32
    %dma_wait3A_1132 = tpu.memref_slice %arg9[%dma_wait3A_1130, %dma_wait3A_1131] : memref<100000x64xf32, #tpu.memory_space<hbm>> -> memref<100000x64xf32, #tpu.memory_space<hbm>>
    tpu.wait_indirect_dma semaphore(%arg20 : memref<!tpu.dma_semaphore, #tpu.memory_space<semaphore_mem>>) src(%dma_wait3A_1132 : memref<100000x64xf32, #tpu.memory_space<hbm>>) dst(%dma_wait3A_1126 : memref<56x64xf32, #tpu.memory_space<vmem>>)
    %dma_wait3A_1133 = arith.constant 12 : i32
    %dma_wait3A_1134 = arith.constant 12 : i32
    %dma_wait3A_1135 = arith.constant 0 : i32
    %dma_wait3A_1136 = arith.constant 0 : i32
    %dma_wait3A_1137 = tpu.memref_slice %arg19[%dma_wait3A_1134, %dma_wait3A_1135, %dma_wait3A_1136] : memref<16x56x64xf32, #tpu.memory_space<vmem>> -> memref<1x56x64xf32, #tpu.memory_space<vmem>>
    %dma_wait3A_1138 = tpu.memref_squeeze %dma_wait3A_1137 : memref<1x56x64xf32, #tpu.memory_space<vmem>> -> memref<56x64xf32, #tpu.memory_space<vmem>>
    %dma_wait3A_1139 = arith.constant 0 : i32
    %dma_wait3A_1140 = tpu.memref_slice %arg17[%dma_wait3A_1133, %dma_wait3A_1139] : memref<32x56xi32, #tpu.memory_space<vmem>> -> memref<1x56xi32, #tpu.memory_space<vmem>>
    %dma_wait3A_1141 = tpu.memref_squeeze %dma_wait3A_1140 : memref<1x56xi32, #tpu.memory_space<vmem>> -> memref<56xi32, #tpu.memory_space<vmem>>
    %dma_wait3A_1142 = arith.constant 0 : i32
    %dma_wait3A_1143 = arith.constant 0 : i32
    %dma_wait3A_1144 = tpu.memref_slice %arg9[%dma_wait3A_1142, %dma_wait3A_1143] : memref<100000x64xf32, #tpu.memory_space<hbm>> -> memref<100000x64xf32, #tpu.memory_space<hbm>>
    tpu.wait_indirect_dma semaphore(%arg20 : memref<!tpu.dma_semaphore, #tpu.memory_space<semaphore_mem>>) src(%dma_wait3A_1144 : memref<100000x64xf32, #tpu.memory_space<hbm>>) dst(%dma_wait3A_1138 : memref<56x64xf32, #tpu.memory_space<vmem>>)
    %dma_wait3A_1145 = arith.constant 13 : i32
    %dma_wait3A_1146 = arith.constant 13 : i32
    %dma_wait3A_1147 = arith.constant 0 : i32
    %dma_wait3A_1148 = arith.constant 0 : i32
    %dma_wait3A_1149 = tpu.memref_slice %arg19[%dma_wait3A_1146, %dma_wait3A_1147, %dma_wait3A_1148] : memref<16x56x64xf32, #tpu.memory_space<vmem>> -> memref<1x56x64xf32, #tpu.memory_space<vmem>>
    %dma_wait3A_1150 = tpu.memref_squeeze %dma_wait3A_1149 : memref<1x56x64xf32, #tpu.memory_space<vmem>> -> memref<56x64xf32, #tpu.memory_space<vmem>>
    %dma_wait3A_1151 = arith.constant 0 : i32
    %dma_wait3A_1152 = tpu.memref_slice %arg17[%dma_wait3A_1145, %dma_wait3A_1151] : memref<32x56xi32, #tpu.memory_space<vmem>> -> memref<1x56xi32, #tpu.memory_space<vmem>>
    %dma_wait3A_1153 = tpu.memref_squeeze %dma_wait3A_1152 : memref<1x56xi32, #tpu.memory_space<vmem>> -> memref<56xi32, #tpu.memory_space<vmem>>
    %dma_wait3A_1154 = arith.constant 0 : i32
    %dma_wait3A_1155 = arith.constant 0 : i32
    %dma_wait3A_1156 = tpu.memref_slice %arg9[%dma_wait3A_1154, %dma_wait3A_1155] : memref<100000x64xf32, #tpu.memory_space<hbm>> -> memref<100000x64xf32, #tpu.memory_space<hbm>>
    tpu.wait_indirect_dma semaphore(%arg20 : memref<!tpu.dma_semaphore, #tpu.memory_space<semaphore_mem>>) src(%dma_wait3A_1156 : memref<100000x64xf32, #tpu.memory_space<hbm>>) dst(%dma_wait3A_1150 : memref<56x64xf32, #tpu.memory_space<vmem>>)
    %dma_wait3A_1157 = arith.constant 14 : i32
    %dma_wait3A_1158 = arith.constant 14 : i32
    %dma_wait3A_1159 = arith.constant 0 : i32
    %dma_wait3A_1160 = arith.constant 0 : i32
    %dma_wait3A_1161 = tpu.memref_slice %arg19[%dma_wait3A_1158, %dma_wait3A_1159, %dma_wait3A_1160] : memref<16x56x64xf32, #tpu.memory_space<vmem>> -> memref<1x56x64xf32, #tpu.memory_space<vmem>>
    %dma_wait3A_1162 = tpu.memref_squeeze %dma_wait3A_1161 : memref<1x56x64xf32, #tpu.memory_space<vmem>> -> memref<56x64xf32, #tpu.memory_space<vmem>>
    %dma_wait3A_1163 = arith.constant 0 : i32
    %dma_wait3A_1164 = tpu.memref_slice %arg17[%dma_wait3A_1157, %dma_wait3A_1163] : memref<32x56xi32, #tpu.memory_space<vmem>> -> memref<1x56xi32, #tpu.memory_space<vmem>>
    %dma_wait3A_1165 = tpu.memref_squeeze %dma_wait3A_1164 : memref<1x56xi32, #tpu.memory_space<vmem>> -> memref<56xi32, #tpu.memory_space<vmem>>
    %dma_wait3A_1166 = arith.constant 0 : i32
    %dma_wait3A_1167 = arith.constant 0 : i32
    %dma_wait3A_1168 = tpu.memref_slice %arg9[%dma_wait3A_1166, %dma_wait3A_1167] : memref<100000x64xf32, #tpu.memory_space<hbm>> -> memref<100000x64xf32, #tpu.memory_space<hbm>>
    tpu.wait_indirect_dma semaphore(%arg20 : memref<!tpu.dma_semaphore, #tpu.memory_space<semaphore_mem>>) src(%dma_wait3A_1168 : memref<100000x64xf32, #tpu.memory_space<hbm>>) dst(%dma_wait3A_1162 : memref<56x64xf32, #tpu.memory_space<vmem>>)
    %dma_wait3A_1169 = arith.constant 15 : i32
    %dma_wait3A_1170 = arith.constant 15 : i32
    %dma_wait3A_1171 = arith.constant 0 : i32
    %dma_wait3A_1172 = arith.constant 0 : i32
    %dma_wait3A_1173 = tpu.memref_slice %arg19[%dma_wait3A_1170, %dma_wait3A_1171, %dma_wait3A_1172] : memref<16x56x64xf32, #tpu.memory_space<vmem>> -> memref<1x56x64xf32, #tpu.memory_space<vmem>>
    %dma_wait3A_1174 = tpu.memref_squeeze %dma_wait3A_1173 : memref<1x56x64xf32, #tpu.memory_space<vmem>> -> memref<56x64xf32, #tpu.memory_space<vmem>>
    %dma_wait3A_1175 = arith.constant 0 : i32
    %dma_wait3A_1176 = tpu.memref_slice %arg17[%dma_wait3A_1169, %dma_wait3A_1175] : memref<32x56xi32, #tpu.memory_space<vmem>> -> memref<1x56xi32, #tpu.memory_space<vmem>>
    %dma_wait3A_1177 = tpu.memref_squeeze %dma_wait3A_1176 : memref<1x56xi32, #tpu.memory_space<vmem>> -> memref<56xi32, #tpu.memory_space<vmem>>
    %dma_wait3A_1178 = arith.constant 0 : i32
    %dma_wait3A_1179 = arith.constant 0 : i32
    %dma_wait3A_1180 = tpu.memref_slice %arg9[%dma_wait3A_1178, %dma_wait3A_1179] : memref<100000x64xf32, #tpu.memory_space<hbm>> -> memref<100000x64xf32, #tpu.memory_space<hbm>>
    tpu.wait_indirect_dma semaphore(%arg20 : memref<!tpu.dma_semaphore, #tpu.memory_space<semaphore_mem>>) src(%dma_wait3A_1180 : memref<100000x64xf32, #tpu.memory_space<hbm>>) dst(%dma_wait3A_1174 : memref<56x64xf32, #tpu.memory_space<vmem>>)
    %add3A_1181 = arith.constant 0 : i32
    %add3A_1182 = arith.addi %mul3A_2, %add3A_1181 : i32
    "tpu.region"() ({
      %run_scoped3A = tpu.sem_alloc : memref<!tpu.dma_semaphore, #tpu.memory_space<semaphore_mem>>
      %dma_start3A_1569 = arith.constant 0 : i32
      %dma_start3A_1570 = arith.constant 0 : i32
      %dma_start3A_1571 = tpu.memref_slice %arg15[%add3A_1182, %dma_start3A_1569, %dma_start3A_1570] : memref<1024x56x64xf32, #tpu.memory_space<hbm>> -> memref<16x56x64xf32, #tpu.memory_space<hbm>>
      %dma_start3A_1572 = arith.constant 0 : i32
      %dma_start3A_1573 = arith.constant 0 : i32
      %dma_start3A_1574 = tpu.memref_slice %arg15[%add3A_1182, %dma_start3A_1572, %dma_start3A_1573] : memref<1024x56x64xf32, #tpu.memory_space<hbm>> -> memref<16x56x64xf32, #tpu.memory_space<hbm>>
      tpu.enqueue_dma source(%arg19 : memref<16x56x64xf32, #tpu.memory_space<vmem>>) target(%dma_start3A_1574 : memref<16x56x64xf32, #tpu.memory_space<hbm>>) target_semaphore(%run_scoped3A : memref<!tpu.dma_semaphore, #tpu.memory_space<semaphore_mem>>)
      %dma_wait3A_1575 = arith.constant 0 : i32
      %dma_wait3A_1576 = arith.constant 0 : i32
      %dma_wait3A_1577 = tpu.memref_slice %arg15[%add3A_1182, %dma_wait3A_1575, %dma_wait3A_1576] : memref<1024x56x64xf32, #tpu.memory_space<hbm>> -> memref<16x56x64xf32, #tpu.memory_space<hbm>>
      %dma_wait3A_1578 = arith.constant 0 : i32
      %dma_wait3A_1579 = arith.constant 0 : i32
      %dma_wait3A_1580 = tpu.memref_slice %arg15[%add3A_1182, %dma_wait3A_1578, %dma_wait3A_1579] : memref<1024x56x64xf32, #tpu.memory_space<hbm>> -> memref<16x56x64xf32, #tpu.memory_space<hbm>>
      tpu.wait_dma2 semaphore(%run_scoped3A : memref<!tpu.dma_semaphore, #tpu.memory_space<semaphore_mem>>) src(%arg19 : memref<16x56x64xf32, #tpu.memory_space<vmem>>) dst(%dma_wait3A_1580 : memref<16x56x64xf32, #tpu.memory_space<hbm>>)
      tpu.yield
    }) : () -> ()
    %dma_start3A_1183 = arith.constant 16 : i32
    %dma_start3A_1184 = arith.constant 0 : i32
    %dma_start3A_1185 = arith.constant 0 : i32
    %dma_start3A_1186 = arith.constant 0 : i32
    %dma_start3A_1187 = tpu.memref_slice %arg19[%dma_start3A_1184, %dma_start3A_1185, %dma_start3A_1186] : memref<16x56x64xf32, #tpu.memory_space<vmem>> -> memref<1x56x64xf32, #tpu.memory_space<vmem>>
    %dma_start3A_1188 = tpu.memref_squeeze %dma_start3A_1187 : memref<1x56x64xf32, #tpu.memory_space<vmem>> -> memref<56x64xf32, #tpu.memory_space<vmem>>
    %dma_start3A_1189 = arith.constant 0 : i32
    %dma_start3A_1190 = tpu.memref_slice %arg17[%dma_start3A_1183, %dma_start3A_1189] : memref<32x56xi32, #tpu.memory_space<vmem>> -> memref<1x56xi32, #tpu.memory_space<vmem>>
    %dma_start3A_1191 = tpu.memref_squeeze %dma_start3A_1190 : memref<1x56xi32, #tpu.memory_space<vmem>> -> memref<56xi32, #tpu.memory_space<vmem>>
    %dma_start3A_1192 = arith.constant 0 : i32
    %dma_start3A_1193 = arith.constant 0 : i32
    %dma_start3A_1194 = tpu.memref_slice %arg9[%dma_start3A_1192, %dma_start3A_1193] : memref<100000x64xf32, #tpu.memory_space<hbm>> -> memref<100000x64xf32, #tpu.memory_space<hbm>>
    tpu.enqueue_indirect_dma source(%dma_start3A_1194 : memref<100000x64xf32, #tpu.memory_space<hbm>>) target(%dma_start3A_1188 : memref<56x64xf32, #tpu.memory_space<vmem>>) offsets(%dma_start3A_1191 : memref<56xi32, #tpu.memory_space<vmem>>) semaphore(%arg20 : memref<!tpu.dma_semaphore, #tpu.memory_space<semaphore_mem>>)
    %dma_start3A_1195 = arith.constant 17 : i32
    %dma_start3A_1196 = arith.constant 1 : i32
    %dma_start3A_1197 = arith.constant 0 : i32
    %dma_start3A_1198 = arith.constant 0 : i32
    %dma_start3A_1199 = tpu.memref_slice %arg19[%dma_start3A_1196, %dma_start3A_1197, %dma_start3A_1198] : memref<16x56x64xf32, #tpu.memory_space<vmem>> -> memref<1x56x64xf32, #tpu.memory_space<vmem>>
    %dma_start3A_1200 = tpu.memref_squeeze %dma_start3A_1199 : memref<1x56x64xf32, #tpu.memory_space<vmem>> -> memref<56x64xf32, #tpu.memory_space<vmem>>
    %dma_start3A_1201 = arith.constant 0 : i32
    %dma_start3A_1202 = tpu.memref_slice %arg17[%dma_start3A_1195, %dma_start3A_1201] : memref<32x56xi32, #tpu.memory_space<vmem>> -> memref<1x56xi32, #tpu.memory_space<vmem>>
    %dma_start3A_1203 = tpu.memref_squeeze %dma_start3A_1202 : memref<1x56xi32, #tpu.memory_space<vmem>> -> memref<56xi32, #tpu.memory_space<vmem>>
    %dma_start3A_1204 = arith.constant 0 : i32
    %dma_start3A_1205 = arith.constant 0 : i32
    %dma_start3A_1206 = tpu.memref_slice %arg9[%dma_start3A_1204, %dma_start3A_1205] : memref<100000x64xf32, #tpu.memory_space<hbm>> -> memref<100000x64xf32, #tpu.memory_space<hbm>>
    tpu.enqueue_indirect_dma source(%dma_start3A_1206 : memref<100000x64xf32, #tpu.memory_space<hbm>>) target(%dma_start3A_1200 : memref<56x64xf32, #tpu.memory_space<vmem>>) offsets(%dma_start3A_1203 : memref<56xi32, #tpu.memory_space<vmem>>) semaphore(%arg20 : memref<!tpu.dma_semaphore, #tpu.memory_space<semaphore_mem>>)
    %dma_start3A_1207 = arith.constant 18 : i32
    %dma_start3A_1208 = arith.constant 2 : i32
    %dma_start3A_1209 = arith.constant 0 : i32
    %dma_start3A_1210 = arith.constant 0 : i32
    %dma_start3A_1211 = tpu.memref_slice %arg19[%dma_start3A_1208, %dma_start3A_1209, %dma_start3A_1210] : memref<16x56x64xf32, #tpu.memory_space<vmem>> -> memref<1x56x64xf32, #tpu.memory_space<vmem>>
    %dma_start3A_1212 = tpu.memref_squeeze %dma_start3A_1211 : memref<1x56x64xf32, #tpu.memory_space<vmem>> -> memref<56x64xf32, #tpu.memory_space<vmem>>
    %dma_start3A_1213 = arith.constant 0 : i32
    %dma_start3A_1214 = tpu.memref_slice %arg17[%dma_start3A_1207, %dma_start3A_1213] : memref<32x56xi32, #tpu.memory_space<vmem>> -> memref<1x56xi32, #tpu.memory_space<vmem>>
    %dma_start3A_1215 = tpu.memref_squeeze %dma_start3A_1214 : memref<1x56xi32, #tpu.memory_space<vmem>> -> memref<56xi32, #tpu.memory_space<vmem>>
    %dma_start3A_1216 = arith.constant 0 : i32
    %dma_start3A_1217 = arith.constant 0 : i32
    %dma_start3A_1218 = tpu.memref_slice %arg9[%dma_start3A_1216, %dma_start3A_1217] : memref<100000x64xf32, #tpu.memory_space<hbm>> -> memref<100000x64xf32, #tpu.memory_space<hbm>>
    tpu.enqueue_indirect_dma source(%dma_start3A_1218 : memref<100000x64xf32, #tpu.memory_space<hbm>>) target(%dma_start3A_1212 : memref<56x64xf32, #tpu.memory_space<vmem>>) offsets(%dma_start3A_1215 : memref<56xi32, #tpu.memory_space<vmem>>) semaphore(%arg20 : memref<!tpu.dma_semaphore, #tpu.memory_space<semaphore_mem>>)
    %dma_start3A_1219 = arith.constant 19 : i32
    %dma_start3A_1220 = arith.constant 3 : i32
    %dma_start3A_1221 = arith.constant 0 : i32
    %dma_start3A_1222 = arith.constant 0 : i32
    %dma_start3A_1223 = tpu.memref_slice %arg19[%dma_start3A_1220, %dma_start3A_1221, %dma_start3A_1222] : memref<16x56x64xf32, #tpu.memory_space<vmem>> -> memref<1x56x64xf32, #tpu.memory_space<vmem>>
    %dma_start3A_1224 = tpu.memref_squeeze %dma_start3A_1223 : memref<1x56x64xf32, #tpu.memory_space<vmem>> -> memref<56x64xf32, #tpu.memory_space<vmem>>
    %dma_start3A_1225 = arith.constant 0 : i32
    %dma_start3A_1226 = tpu.memref_slice %arg17[%dma_start3A_1219, %dma_start3A_1225] : memref<32x56xi32, #tpu.memory_space<vmem>> -> memref<1x56xi32, #tpu.memory_space<vmem>>
    %dma_start3A_1227 = tpu.memref_squeeze %dma_start3A_1226 : memref<1x56xi32, #tpu.memory_space<vmem>> -> memref<56xi32, #tpu.memory_space<vmem>>
    %dma_start3A_1228 = arith.constant 0 : i32
    %dma_start3A_1229 = arith.constant 0 : i32
    %dma_start3A_1230 = tpu.memref_slice %arg9[%dma_start3A_1228, %dma_start3A_1229] : memref<100000x64xf32, #tpu.memory_space<hbm>> -> memref<100000x64xf32, #tpu.memory_space<hbm>>
    tpu.enqueue_indirect_dma source(%dma_start3A_1230 : memref<100000x64xf32, #tpu.memory_space<hbm>>) target(%dma_start3A_1224 : memref<56x64xf32, #tpu.memory_space<vmem>>) offsets(%dma_start3A_1227 : memref<56xi32, #tpu.memory_space<vmem>>) semaphore(%arg20 : memref<!tpu.dma_semaphore, #tpu.memory_space<semaphore_mem>>)
    %dma_start3A_1231 = arith.constant 20 : i32
    %dma_start3A_1232 = arith.constant 4 : i32
    %dma_start3A_1233 = arith.constant 0 : i32
    %dma_start3A_1234 = arith.constant 0 : i32
    %dma_start3A_1235 = tpu.memref_slice %arg19[%dma_start3A_1232, %dma_start3A_1233, %dma_start3A_1234] : memref<16x56x64xf32, #tpu.memory_space<vmem>> -> memref<1x56x64xf32, #tpu.memory_space<vmem>>
    %dma_start3A_1236 = tpu.memref_squeeze %dma_start3A_1235 : memref<1x56x64xf32, #tpu.memory_space<vmem>> -> memref<56x64xf32, #tpu.memory_space<vmem>>
    %dma_start3A_1237 = arith.constant 0 : i32
    %dma_start3A_1238 = tpu.memref_slice %arg17[%dma_start3A_1231, %dma_start3A_1237] : memref<32x56xi32, #tpu.memory_space<vmem>> -> memref<1x56xi32, #tpu.memory_space<vmem>>
    %dma_start3A_1239 = tpu.memref_squeeze %dma_start3A_1238 : memref<1x56xi32, #tpu.memory_space<vmem>> -> memref<56xi32, #tpu.memory_space<vmem>>
    %dma_start3A_1240 = arith.constant 0 : i32
    %dma_start3A_1241 = arith.constant 0 : i32
    %dma_start3A_1242 = tpu.memref_slice %arg9[%dma_start3A_1240, %dma_start3A_1241] : memref<100000x64xf32, #tpu.memory_space<hbm>> -> memref<100000x64xf32, #tpu.memory_space<hbm>>
    tpu.enqueue_indirect_dma source(%dma_start3A_1242 : memref<100000x64xf32, #tpu.memory_space<hbm>>) target(%dma_start3A_1236 : memref<56x64xf32, #tpu.memory_space<vmem>>) offsets(%dma_start3A_1239 : memref<56xi32, #tpu.memory_space<vmem>>) semaphore(%arg20 : memref<!tpu.dma_semaphore, #tpu.memory_space<semaphore_mem>>)
    %dma_start3A_1243 = arith.constant 21 : i32
    %dma_start3A_1244 = arith.constant 5 : i32
    %dma_start3A_1245 = arith.constant 0 : i32
    %dma_start3A_1246 = arith.constant 0 : i32
    %dma_start3A_1247 = tpu.memref_slice %arg19[%dma_start3A_1244, %dma_start3A_1245, %dma_start3A_1246] : memref<16x56x64xf32, #tpu.memory_space<vmem>> -> memref<1x56x64xf32, #tpu.memory_space<vmem>>
    %dma_start3A_1248 = tpu.memref_squeeze %dma_start3A_1247 : memref<1x56x64xf32, #tpu.memory_space<vmem>> -> memref<56x64xf32, #tpu.memory_space<vmem>>
    %dma_start3A_1249 = arith.constant 0 : i32
    %dma_start3A_1250 = tpu.memref_slice %arg17[%dma_start3A_1243, %dma_start3A_1249] : memref<32x56xi32, #tpu.memory_space<vmem>> -> memref<1x56xi32, #tpu.memory_space<vmem>>
    %dma_start3A_1251 = tpu.memref_squeeze %dma_start3A_1250 : memref<1x56xi32, #tpu.memory_space<vmem>> -> memref<56xi32, #tpu.memory_space<vmem>>
    %dma_start3A_1252 = arith.constant 0 : i32
    %dma_start3A_1253 = arith.constant 0 : i32
    %dma_start3A_1254 = tpu.memref_slice %arg9[%dma_start3A_1252, %dma_start3A_1253] : memref<100000x64xf32, #tpu.memory_space<hbm>> -> memref<100000x64xf32, #tpu.memory_space<hbm>>
    tpu.enqueue_indirect_dma source(%dma_start3A_1254 : memref<100000x64xf32, #tpu.memory_space<hbm>>) target(%dma_start3A_1248 : memref<56x64xf32, #tpu.memory_space<vmem>>) offsets(%dma_start3A_1251 : memref<56xi32, #tpu.memory_space<vmem>>) semaphore(%arg20 : memref<!tpu.dma_semaphore, #tpu.memory_space<semaphore_mem>>)
    %dma_start3A_1255 = arith.constant 22 : i32
    %dma_start3A_1256 = arith.constant 6 : i32
    %dma_start3A_1257 = arith.constant 0 : i32
    %dma_start3A_1258 = arith.constant 0 : i32
    %dma_start3A_1259 = tpu.memref_slice %arg19[%dma_start3A_1256, %dma_start3A_1257, %dma_start3A_1258] : memref<16x56x64xf32, #tpu.memory_space<vmem>> -> memref<1x56x64xf32, #tpu.memory_space<vmem>>
    %dma_start3A_1260 = tpu.memref_squeeze %dma_start3A_1259 : memref<1x56x64xf32, #tpu.memory_space<vmem>> -> memref<56x64xf32, #tpu.memory_space<vmem>>
    %dma_start3A_1261 = arith.constant 0 : i32
    %dma_start3A_1262 = tpu.memref_slice %arg17[%dma_start3A_1255, %dma_start3A_1261] : memref<32x56xi32, #tpu.memory_space<vmem>> -> memref<1x56xi32, #tpu.memory_space<vmem>>
    %dma_start3A_1263 = tpu.memref_squeeze %dma_start3A_1262 : memref<1x56xi32, #tpu.memory_space<vmem>> -> memref<56xi32, #tpu.memory_space<vmem>>
    %dma_start3A_1264 = arith.constant 0 : i32
    %dma_start3A_1265 = arith.constant 0 : i32
    %dma_start3A_1266 = tpu.memref_slice %arg9[%dma_start3A_1264, %dma_start3A_1265] : memref<100000x64xf32, #tpu.memory_space<hbm>> -> memref<100000x64xf32, #tpu.memory_space<hbm>>
    tpu.enqueue_indirect_dma source(%dma_start3A_1266 : memref<100000x64xf32, #tpu.memory_space<hbm>>) target(%dma_start3A_1260 : memref<56x64xf32, #tpu.memory_space<vmem>>) offsets(%dma_start3A_1263 : memref<56xi32, #tpu.memory_space<vmem>>) semaphore(%arg20 : memref<!tpu.dma_semaphore, #tpu.memory_space<semaphore_mem>>)
    %dma_start3A_1267 = arith.constant 23 : i32
    %dma_start3A_1268 = arith.constant 7 : i32
    %dma_start3A_1269 = arith.constant 0 : i32
    %dma_start3A_1270 = arith.constant 0 : i32
    %dma_start3A_1271 = tpu.memref_slice %arg19[%dma_start3A_1268, %dma_start3A_1269, %dma_start3A_1270] : memref<16x56x64xf32, #tpu.memory_space<vmem>> -> memref<1x56x64xf32, #tpu.memory_space<vmem>>
    %dma_start3A_1272 = tpu.memref_squeeze %dma_start3A_1271 : memref<1x56x64xf32, #tpu.memory_space<vmem>> -> memref<56x64xf32, #tpu.memory_space<vmem>>
    %dma_start3A_1273 = arith.constant 0 : i32
    %dma_start3A_1274 = tpu.memref_slice %arg17[%dma_start3A_1267, %dma_start3A_1273] : memref<32x56xi32, #tpu.memory_space<vmem>> -> memref<1x56xi32, #tpu.memory_space<vmem>>
    %dma_start3A_1275 = tpu.memref_squeeze %dma_start3A_1274 : memref<1x56xi32, #tpu.memory_space<vmem>> -> memref<56xi32, #tpu.memory_space<vmem>>
    %dma_start3A_1276 = arith.constant 0 : i32
    %dma_start3A_1277 = arith.constant 0 : i32
    %dma_start3A_1278 = tpu.memref_slice %arg9[%dma_start3A_1276, %dma_start3A_1277] : memref<100000x64xf32, #tpu.memory_space<hbm>> -> memref<100000x64xf32, #tpu.memory_space<hbm>>
    tpu.enqueue_indirect_dma source(%dma_start3A_1278 : memref<100000x64xf32, #tpu.memory_space<hbm>>) target(%dma_start3A_1272 : memref<56x64xf32, #tpu.memory_space<vmem>>) offsets(%dma_start3A_1275 : memref<56xi32, #tpu.memory_space<vmem>>) semaphore(%arg20 : memref<!tpu.dma_semaphore, #tpu.memory_space<semaphore_mem>>)
    %dma_wait3A_1279 = arith.constant 16 : i32
    %dma_wait3A_1280 = arith.constant 0 : i32
    %dma_wait3A_1281 = arith.constant 0 : i32
    %dma_wait3A_1282 = arith.constant 0 : i32
    %dma_wait3A_1283 = tpu.memref_slice %arg19[%dma_wait3A_1280, %dma_wait3A_1281, %dma_wait3A_1282] : memref<16x56x64xf32, #tpu.memory_space<vmem>> -> memref<1x56x64xf32, #tpu.memory_space<vmem>>
    %dma_wait3A_1284 = tpu.memref_squeeze %dma_wait3A_1283 : memref<1x56x64xf32, #tpu.memory_space<vmem>> -> memref<56x64xf32, #tpu.memory_space<vmem>>
    %dma_wait3A_1285 = arith.constant 0 : i32
    %dma_wait3A_1286 = tpu.memref_slice %arg17[%dma_wait3A_1279, %dma_wait3A_1285] : memref<32x56xi32, #tpu.memory_space<vmem>> -> memref<1x56xi32, #tpu.memory_space<vmem>>
    %dma_wait3A_1287 = tpu.memref_squeeze %dma_wait3A_1286 : memref<1x56xi32, #tpu.memory_space<vmem>> -> memref<56xi32, #tpu.memory_space<vmem>>
    %dma_wait3A_1288 = arith.constant 0 : i32
    %dma_wait3A_1289 = arith.constant 0 : i32
    %dma_wait3A_1290 = tpu.memref_slice %arg9[%dma_wait3A_1288, %dma_wait3A_1289] : memref<100000x64xf32, #tpu.memory_space<hbm>> -> memref<100000x64xf32, #tpu.memory_space<hbm>>
    tpu.wait_indirect_dma semaphore(%arg20 : memref<!tpu.dma_semaphore, #tpu.memory_space<semaphore_mem>>) src(%dma_wait3A_1290 : memref<100000x64xf32, #tpu.memory_space<hbm>>) dst(%dma_wait3A_1284 : memref<56x64xf32, #tpu.memory_space<vmem>>)
    %dma_wait3A_1291 = arith.constant 17 : i32
    %dma_wait3A_1292 = arith.constant 1 : i32
    %dma_wait3A_1293 = arith.constant 0 : i32
    %dma_wait3A_1294 = arith.constant 0 : i32
    %dma_wait3A_1295 = tpu.memref_slice %arg19[%dma_wait3A_1292, %dma_wait3A_1293, %dma_wait3A_1294] : memref<16x56x64xf32, #tpu.memory_space<vmem>> -> memref<1x56x64xf32, #tpu.memory_space<vmem>>
    %dma_wait3A_1296 = tpu.memref_squeeze %dma_wait3A_1295 : memref<1x56x64xf32, #tpu.memory_space<vmem>> -> memref<56x64xf32, #tpu.memory_space<vmem>>
    %dma_wait3A_1297 = arith.constant 0 : i32
    %dma_wait3A_1298 = tpu.memref_slice %arg17[%dma_wait3A_1291, %dma_wait3A_1297] : memref<32x56xi32, #tpu.memory_space<vmem>> -> memref<1x56xi32, #tpu.memory_space<vmem>>
    %dma_wait3A_1299 = tpu.memref_squeeze %dma_wait3A_1298 : memref<1x56xi32, #tpu.memory_space<vmem>> -> memref<56xi32, #tpu.memory_space<vmem>>
    %dma_wait3A_1300 = arith.constant 0 : i32
    %dma_wait3A_1301 = arith.constant 0 : i32
    %dma_wait3A_1302 = tpu.memref_slice %arg9[%dma_wait3A_1300, %dma_wait3A_1301] : memref<100000x64xf32, #tpu.memory_space<hbm>> -> memref<100000x64xf32, #tpu.memory_space<hbm>>
    tpu.wait_indirect_dma semaphore(%arg20 : memref<!tpu.dma_semaphore, #tpu.memory_space<semaphore_mem>>) src(%dma_wait3A_1302 : memref<100000x64xf32, #tpu.memory_space<hbm>>) dst(%dma_wait3A_1296 : memref<56x64xf32, #tpu.memory_space<vmem>>)
    %dma_wait3A_1303 = arith.constant 18 : i32
    %dma_wait3A_1304 = arith.constant 2 : i32
    %dma_wait3A_1305 = arith.constant 0 : i32
    %dma_wait3A_1306 = arith.constant 0 : i32
    %dma_wait3A_1307 = tpu.memref_slice %arg19[%dma_wait3A_1304, %dma_wait3A_1305, %dma_wait3A_1306] : memref<16x56x64xf32, #tpu.memory_space<vmem>> -> memref<1x56x64xf32, #tpu.memory_space<vmem>>
    %dma_wait3A_1308 = tpu.memref_squeeze %dma_wait3A_1307 : memref<1x56x64xf32, #tpu.memory_space<vmem>> -> memref<56x64xf32, #tpu.memory_space<vmem>>
    %dma_wait3A_1309 = arith.constant 0 : i32
    %dma_wait3A_1310 = tpu.memref_slice %arg17[%dma_wait3A_1303, %dma_wait3A_1309] : memref<32x56xi32, #tpu.memory_space<vmem>> -> memref<1x56xi32, #tpu.memory_space<vmem>>
    %dma_wait3A_1311 = tpu.memref_squeeze %dma_wait3A_1310 : memref<1x56xi32, #tpu.memory_space<vmem>> -> memref<56xi32, #tpu.memory_space<vmem>>
    %dma_wait3A_1312 = arith.constant 0 : i32
    %dma_wait3A_1313 = arith.constant 0 : i32
    %dma_wait3A_1314 = tpu.memref_slice %arg9[%dma_wait3A_1312, %dma_wait3A_1313] : memref<100000x64xf32, #tpu.memory_space<hbm>> -> memref<100000x64xf32, #tpu.memory_space<hbm>>
    tpu.wait_indirect_dma semaphore(%arg20 : memref<!tpu.dma_semaphore, #tpu.memory_space<semaphore_mem>>) src(%dma_wait3A_1314 : memref<100000x64xf32, #tpu.memory_space<hbm>>) dst(%dma_wait3A_1308 : memref<56x64xf32, #tpu.memory_space<vmem>>)
    %dma_wait3A_1315 = arith.constant 19 : i32
    %dma_wait3A_1316 = arith.constant 3 : i32
    %dma_wait3A_1317 = arith.constant 0 : i32
    %dma_wait3A_1318 = arith.constant 0 : i32
    %dma_wait3A_1319 = tpu.memref_slice %arg19[%dma_wait3A_1316, %dma_wait3A_1317, %dma_wait3A_1318] : memref<16x56x64xf32, #tpu.memory_space<vmem>> -> memref<1x56x64xf32, #tpu.memory_space<vmem>>
    %dma_wait3A_1320 = tpu.memref_squeeze %dma_wait3A_1319 : memref<1x56x64xf32, #tpu.memory_space<vmem>> -> memref<56x64xf32, #tpu.memory_space<vmem>>
    %dma_wait3A_1321 = arith.constant 0 : i32
    %dma_wait3A_1322 = tpu.memref_slice %arg17[%dma_wait3A_1315, %dma_wait3A_1321] : memref<32x56xi32, #tpu.memory_space<vmem>> -> memref<1x56xi32, #tpu.memory_space<vmem>>
    %dma_wait3A_1323 = tpu.memref_squeeze %dma_wait3A_1322 : memref<1x56xi32, #tpu.memory_space<vmem>> -> memref<56xi32, #tpu.memory_space<vmem>>
    %dma_wait3A_1324 = arith.constant 0 : i32
    %dma_wait3A_1325 = arith.constant 0 : i32
    %dma_wait3A_1326 = tpu.memref_slice %arg9[%dma_wait3A_1324, %dma_wait3A_1325] : memref<100000x64xf32, #tpu.memory_space<hbm>> -> memref<100000x64xf32, #tpu.memory_space<hbm>>
    tpu.wait_indirect_dma semaphore(%arg20 : memref<!tpu.dma_semaphore, #tpu.memory_space<semaphore_mem>>) src(%dma_wait3A_1326 : memref<100000x64xf32, #tpu.memory_space<hbm>>) dst(%dma_wait3A_1320 : memref<56x64xf32, #tpu.memory_space<vmem>>)
    %dma_wait3A_1327 = arith.constant 20 : i32
    %dma_wait3A_1328 = arith.constant 4 : i32
    %dma_wait3A_1329 = arith.constant 0 : i32
    %dma_wait3A_1330 = arith.constant 0 : i32
    %dma_wait3A_1331 = tpu.memref_slice %arg19[%dma_wait3A_1328, %dma_wait3A_1329, %dma_wait3A_1330] : memref<16x56x64xf32, #tpu.memory_space<vmem>> -> memref<1x56x64xf32, #tpu.memory_space<vmem>>
    %dma_wait3A_1332 = tpu.memref_squeeze %dma_wait3A_1331 : memref<1x56x64xf32, #tpu.memory_space<vmem>> -> memref<56x64xf32, #tpu.memory_space<vmem>>
    %dma_wait3A_1333 = arith.constant 0 : i32
    %dma_wait3A_1334 = tpu.memref_slice %arg17[%dma_wait3A_1327, %dma_wait3A_1333] : memref<32x56xi32, #tpu.memory_space<vmem>> -> memref<1x56xi32, #tpu.memory_space<vmem>>
    %dma_wait3A_1335 = tpu.memref_squeeze %dma_wait3A_1334 : memref<1x56xi32, #tpu.memory_space<vmem>> -> memref<56xi32, #tpu.memory_space<vmem>>
    %dma_wait3A_1336 = arith.constant 0 : i32
    %dma_wait3A_1337 = arith.constant 0 : i32
    %dma_wait3A_1338 = tpu.memref_slice %arg9[%dma_wait3A_1336, %dma_wait3A_1337] : memref<100000x64xf32, #tpu.memory_space<hbm>> -> memref<100000x64xf32, #tpu.memory_space<hbm>>
    tpu.wait_indirect_dma semaphore(%arg20 : memref<!tpu.dma_semaphore, #tpu.memory_space<semaphore_mem>>) src(%dma_wait3A_1338 : memref<100000x64xf32, #tpu.memory_space<hbm>>) dst(%dma_wait3A_1332 : memref<56x64xf32, #tpu.memory_space<vmem>>)
    %dma_wait3A_1339 = arith.constant 21 : i32
    %dma_wait3A_1340 = arith.constant 5 : i32
    %dma_wait3A_1341 = arith.constant 0 : i32
    %dma_wait3A_1342 = arith.constant 0 : i32
    %dma_wait3A_1343 = tpu.memref_slice %arg19[%dma_wait3A_1340, %dma_wait3A_1341, %dma_wait3A_1342] : memref<16x56x64xf32, #tpu.memory_space<vmem>> -> memref<1x56x64xf32, #tpu.memory_space<vmem>>
    %dma_wait3A_1344 = tpu.memref_squeeze %dma_wait3A_1343 : memref<1x56x64xf32, #tpu.memory_space<vmem>> -> memref<56x64xf32, #tpu.memory_space<vmem>>
    %dma_wait3A_1345 = arith.constant 0 : i32
    %dma_wait3A_1346 = tpu.memref_slice %arg17[%dma_wait3A_1339, %dma_wait3A_1345] : memref<32x56xi32, #tpu.memory_space<vmem>> -> memref<1x56xi32, #tpu.memory_space<vmem>>
    %dma_wait3A_1347 = tpu.memref_squeeze %dma_wait3A_1346 : memref<1x56xi32, #tpu.memory_space<vmem>> -> memref<56xi32, #tpu.memory_space<vmem>>
    %dma_wait3A_1348 = arith.constant 0 : i32
    %dma_wait3A_1349 = arith.constant 0 : i32
    %dma_wait3A_1350 = tpu.memref_slice %arg9[%dma_wait3A_1348, %dma_wait3A_1349] : memref<100000x64xf32, #tpu.memory_space<hbm>> -> memref<100000x64xf32, #tpu.memory_space<hbm>>
    tpu.wait_indirect_dma semaphore(%arg20 : memref<!tpu.dma_semaphore, #tpu.memory_space<semaphore_mem>>) src(%dma_wait3A_1350 : memref<100000x64xf32, #tpu.memory_space<hbm>>) dst(%dma_wait3A_1344 : memref<56x64xf32, #tpu.memory_space<vmem>>)
    %dma_wait3A_1351 = arith.constant 22 : i32
    %dma_wait3A_1352 = arith.constant 6 : i32
    %dma_wait3A_1353 = arith.constant 0 : i32
    %dma_wait3A_1354 = arith.constant 0 : i32
    %dma_wait3A_1355 = tpu.memref_slice %arg19[%dma_wait3A_1352, %dma_wait3A_1353, %dma_wait3A_1354] : memref<16x56x64xf32, #tpu.memory_space<vmem>> -> memref<1x56x64xf32, #tpu.memory_space<vmem>>
    %dma_wait3A_1356 = tpu.memref_squeeze %dma_wait3A_1355 : memref<1x56x64xf32, #tpu.memory_space<vmem>> -> memref<56x64xf32, #tpu.memory_space<vmem>>
    %dma_wait3A_1357 = arith.constant 0 : i32
    %dma_wait3A_1358 = tpu.memref_slice %arg17[%dma_wait3A_1351, %dma_wait3A_1357] : memref<32x56xi32, #tpu.memory_space<vmem>> -> memref<1x56xi32, #tpu.memory_space<vmem>>
    %dma_wait3A_1359 = tpu.memref_squeeze %dma_wait3A_1358 : memref<1x56xi32, #tpu.memory_space<vmem>> -> memref<56xi32, #tpu.memory_space<vmem>>
    %dma_wait3A_1360 = arith.constant 0 : i32
    %dma_wait3A_1361 = arith.constant 0 : i32
    %dma_wait3A_1362 = tpu.memref_slice %arg9[%dma_wait3A_1360, %dma_wait3A_1361] : memref<100000x64xf32, #tpu.memory_space<hbm>> -> memref<100000x64xf32, #tpu.memory_space<hbm>>
    tpu.wait_indirect_dma semaphore(%arg20 : memref<!tpu.dma_semaphore, #tpu.memory_space<semaphore_mem>>) src(%dma_wait3A_1362 : memref<100000x64xf32, #tpu.memory_space<hbm>>) dst(%dma_wait3A_1356 : memref<56x64xf32, #tpu.memory_space<vmem>>)
    %dma_wait3A_1363 = arith.constant 23 : i32
    %dma_wait3A_1364 = arith.constant 7 : i32
    %dma_wait3A_1365 = arith.constant 0 : i32
    %dma_wait3A_1366 = arith.constant 0 : i32
    %dma_wait3A_1367 = tpu.memref_slice %arg19[%dma_wait3A_1364, %dma_wait3A_1365, %dma_wait3A_1366] : memref<16x56x64xf32, #tpu.memory_space<vmem>> -> memref<1x56x64xf32, #tpu.memory_space<vmem>>
    %dma_wait3A_1368 = tpu.memref_squeeze %dma_wait3A_1367 : memref<1x56x64xf32, #tpu.memory_space<vmem>> -> memref<56x64xf32, #tpu.memory_space<vmem>>
    %dma_wait3A_1369 = arith.constant 0 : i32
    %dma_wait3A_1370 = tpu.memref_slice %arg17[%dma_wait3A_1363, %dma_wait3A_1369] : memref<32x56xi32, #tpu.memory_space<vmem>> -> memref<1x56xi32, #tpu.memory_space<vmem>>
    %dma_wait3A_1371 = tpu.memref_squeeze %dma_wait3A_1370 : memref<1x56xi32, #tpu.memory_space<vmem>> -> memref<56xi32, #tpu.memory_space<vmem>>
    %dma_wait3A_1372 = arith.constant 0 : i32
    %dma_wait3A_1373 = arith.constant 0 : i32
    %dma_wait3A_1374 = tpu.memref_slice %arg9[%dma_wait3A_1372, %dma_wait3A_1373] : memref<100000x64xf32, #tpu.memory_space<hbm>> -> memref<100000x64xf32, #tpu.memory_space<hbm>>
    tpu.wait_indirect_dma semaphore(%arg20 : memref<!tpu.dma_semaphore, #tpu.memory_space<semaphore_mem>>) src(%dma_wait3A_1374 : memref<100000x64xf32, #tpu.memory_space<hbm>>) dst(%dma_wait3A_1368 : memref<56x64xf32, #tpu.memory_space<vmem>>)
    %dma_start3A_1375 = arith.constant 24 : i32
    %dma_start3A_1376 = arith.constant 8 : i32
    %dma_start3A_1377 = arith.constant 0 : i32
    %dma_start3A_1378 = arith.constant 0 : i32
    %dma_start3A_1379 = tpu.memref_slice %arg19[%dma_start3A_1376, %dma_start3A_1377, %dma_start3A_1378] : memref<16x56x64xf32, #tpu.memory_space<vmem>> -> memref<1x56x64xf32, #tpu.memory_space<vmem>>
    %dma_start3A_1380 = tpu.memref_squeeze %dma_start3A_1379 : memref<1x56x64xf32, #tpu.memory_space<vmem>> -> memref<56x64xf32, #tpu.memory_space<vmem>>
    %dma_start3A_1381 = arith.constant 0 : i32
    %dma_start3A_1382 = tpu.memref_slice %arg17[%dma_start3A_1375, %dma_start3A_1381] : memref<32x56xi32, #tpu.memory_space<vmem>> -> memref<1x56xi32, #tpu.memory_space<vmem>>
    %dma_start3A_1383 = tpu.memref_squeeze %dma_start3A_1382 : memref<1x56xi32, #tpu.memory_space<vmem>> -> memref<56xi32, #tpu.memory_space<vmem>>
    %dma_start3A_1384 = arith.constant 0 : i32
    %dma_start3A_1385 = arith.constant 0 : i32
    %dma_start3A_1386 = tpu.memref_slice %arg9[%dma_start3A_1384, %dma_start3A_1385] : memref<100000x64xf32, #tpu.memory_space<hbm>> -> memref<100000x64xf32, #tpu.memory_space<hbm>>
    tpu.enqueue_indirect_dma source(%dma_start3A_1386 : memref<100000x64xf32, #tpu.memory_space<hbm>>) target(%dma_start3A_1380 : memref<56x64xf32, #tpu.memory_space<vmem>>) offsets(%dma_start3A_1383 : memref<56xi32, #tpu.memory_space<vmem>>) semaphore(%arg20 : memref<!tpu.dma_semaphore, #tpu.memory_space<semaphore_mem>>)
    %dma_start3A_1387 = arith.constant 25 : i32
    %dma_start3A_1388 = arith.constant 9 : i32
    %dma_start3A_1389 = arith.constant 0 : i32
    %dma_start3A_1390 = arith.constant 0 : i32
    %dma_start3A_1391 = tpu.memref_slice %arg19[%dma_start3A_1388, %dma_start3A_1389, %dma_start3A_1390] : memref<16x56x64xf32, #tpu.memory_space<vmem>> -> memref<1x56x64xf32, #tpu.memory_space<vmem>>
    %dma_start3A_1392 = tpu.memref_squeeze %dma_start3A_1391 : memref<1x56x64xf32, #tpu.memory_space<vmem>> -> memref<56x64xf32, #tpu.memory_space<vmem>>
    %dma_start3A_1393 = arith.constant 0 : i32
    %dma_start3A_1394 = tpu.memref_slice %arg17[%dma_start3A_1387, %dma_start3A_1393] : memref<32x56xi32, #tpu.memory_space<vmem>> -> memref<1x56xi32, #tpu.memory_space<vmem>>
    %dma_start3A_1395 = tpu.memref_squeeze %dma_start3A_1394 : memref<1x56xi32, #tpu.memory_space<vmem>> -> memref<56xi32, #tpu.memory_space<vmem>>
    %dma_start3A_1396 = arith.constant 0 : i32
    %dma_start3A_1397 = arith.constant 0 : i32
    %dma_start3A_1398 = tpu.memref_slice %arg9[%dma_start3A_1396, %dma_start3A_1397] : memref<100000x64xf32, #tpu.memory_space<hbm>> -> memref<100000x64xf32, #tpu.memory_space<hbm>>
    tpu.enqueue_indirect_dma source(%dma_start3A_1398 : memref<100000x64xf32, #tpu.memory_space<hbm>>) target(%dma_start3A_1392 : memref<56x64xf32, #tpu.memory_space<vmem>>) offsets(%dma_start3A_1395 : memref<56xi32, #tpu.memory_space<vmem>>) semaphore(%arg20 : memref<!tpu.dma_semaphore, #tpu.memory_space<semaphore_mem>>)
    %dma_start3A_1399 = arith.constant 26 : i32
    %dma_start3A_1400 = arith.constant 10 : i32
    %dma_start3A_1401 = arith.constant 0 : i32
    %dma_start3A_1402 = arith.constant 0 : i32
    %dma_start3A_1403 = tpu.memref_slice %arg19[%dma_start3A_1400, %dma_start3A_1401, %dma_start3A_1402] : memref<16x56x64xf32, #tpu.memory_space<vmem>> -> memref<1x56x64xf32, #tpu.memory_space<vmem>>
    %dma_start3A_1404 = tpu.memref_squeeze %dma_start3A_1403 : memref<1x56x64xf32, #tpu.memory_space<vmem>> -> memref<56x64xf32, #tpu.memory_space<vmem>>
    %dma_start3A_1405 = arith.constant 0 : i32
    %dma_start3A_1406 = tpu.memref_slice %arg17[%dma_start3A_1399, %dma_start3A_1405] : memref<32x56xi32, #tpu.memory_space<vmem>> -> memref<1x56xi32, #tpu.memory_space<vmem>>
    %dma_start3A_1407 = tpu.memref_squeeze %dma_start3A_1406 : memref<1x56xi32, #tpu.memory_space<vmem>> -> memref<56xi32, #tpu.memory_space<vmem>>
    %dma_start3A_1408 = arith.constant 0 : i32
    %dma_start3A_1409 = arith.constant 0 : i32
    %dma_start3A_1410 = tpu.memref_slice %arg9[%dma_start3A_1408, %dma_start3A_1409] : memref<100000x64xf32, #tpu.memory_space<hbm>> -> memref<100000x64xf32, #tpu.memory_space<hbm>>
    tpu.enqueue_indirect_dma source(%dma_start3A_1410 : memref<100000x64xf32, #tpu.memory_space<hbm>>) target(%dma_start3A_1404 : memref<56x64xf32, #tpu.memory_space<vmem>>) offsets(%dma_start3A_1407 : memref<56xi32, #tpu.memory_space<vmem>>) semaphore(%arg20 : memref<!tpu.dma_semaphore, #tpu.memory_space<semaphore_mem>>)
    %dma_start3A_1411 = arith.constant 27 : i32
    %dma_start3A_1412 = arith.constant 11 : i32
    %dma_start3A_1413 = arith.constant 0 : i32
    %dma_start3A_1414 = arith.constant 0 : i32
    %dma_start3A_1415 = tpu.memref_slice %arg19[%dma_start3A_1412, %dma_start3A_1413, %dma_start3A_1414] : memref<16x56x64xf32, #tpu.memory_space<vmem>> -> memref<1x56x64xf32, #tpu.memory_space<vmem>>
    %dma_start3A_1416 = tpu.memref_squeeze %dma_start3A_1415 : memref<1x56x64xf32, #tpu.memory_space<vmem>> -> memref<56x64xf32, #tpu.memory_space<vmem>>
    %dma_start3A_1417 = arith.constant 0 : i32
    %dma_start3A_1418 = tpu.memref_slice %arg17[%dma_start3A_1411, %dma_start3A_1417] : memref<32x56xi32, #tpu.memory_space<vmem>> -> memref<1x56xi32, #tpu.memory_space<vmem>>
    %dma_start3A_1419 = tpu.memref_squeeze %dma_start3A_1418 : memref<1x56xi32, #tpu.memory_space<vmem>> -> memref<56xi32, #tpu.memory_space<vmem>>
    %dma_start3A_1420 = arith.constant 0 : i32
    %dma_start3A_1421 = arith.constant 0 : i32
    %dma_start3A_1422 = tpu.memref_slice %arg9[%dma_start3A_1420, %dma_start3A_1421] : memref<100000x64xf32, #tpu.memory_space<hbm>> -> memref<100000x64xf32, #tpu.memory_space<hbm>>
    tpu.enqueue_indirect_dma source(%dma_start3A_1422 : memref<100000x64xf32, #tpu.memory_space<hbm>>) target(%dma_start3A_1416 : memref<56x64xf32, #tpu.memory_space<vmem>>) offsets(%dma_start3A_1419 : memref<56xi32, #tpu.memory_space<vmem>>) semaphore(%arg20 : memref<!tpu.dma_semaphore, #tpu.memory_space<semaphore_mem>>)
    %dma_start3A_1423 = arith.constant 28 : i32
    %dma_start3A_1424 = arith.constant 12 : i32
    %dma_start3A_1425 = arith.constant 0 : i32
    %dma_start3A_1426 = arith.constant 0 : i32
    %dma_start3A_1427 = tpu.memref_slice %arg19[%dma_start3A_1424, %dma_start3A_1425, %dma_start3A_1426] : memref<16x56x64xf32, #tpu.memory_space<vmem>> -> memref<1x56x64xf32, #tpu.memory_space<vmem>>
    %dma_start3A_1428 = tpu.memref_squeeze %dma_start3A_1427 : memref<1x56x64xf32, #tpu.memory_space<vmem>> -> memref<56x64xf32, #tpu.memory_space<vmem>>
    %dma_start3A_1429 = arith.constant 0 : i32
    %dma_start3A_1430 = tpu.memref_slice %arg17[%dma_start3A_1423, %dma_start3A_1429] : memref<32x56xi32, #tpu.memory_space<vmem>> -> memref<1x56xi32, #tpu.memory_space<vmem>>
    %dma_start3A_1431 = tpu.memref_squeeze %dma_start3A_1430 : memref<1x56xi32, #tpu.memory_space<vmem>> -> memref<56xi32, #tpu.memory_space<vmem>>
    %dma_start3A_1432 = arith.constant 0 : i32
    %dma_start3A_1433 = arith.constant 0 : i32
    %dma_start3A_1434 = tpu.memref_slice %arg9[%dma_start3A_1432, %dma_start3A_1433] : memref<100000x64xf32, #tpu.memory_space<hbm>> -> memref<100000x64xf32, #tpu.memory_space<hbm>>
    tpu.enqueue_indirect_dma source(%dma_start3A_1434 : memref<100000x64xf32, #tpu.memory_space<hbm>>) target(%dma_start3A_1428 : memref<56x64xf32, #tpu.memory_space<vmem>>) offsets(%dma_start3A_1431 : memref<56xi32, #tpu.memory_space<vmem>>) semaphore(%arg20 : memref<!tpu.dma_semaphore, #tpu.memory_space<semaphore_mem>>)
    %dma_start3A_1435 = arith.constant 29 : i32
    %dma_start3A_1436 = arith.constant 13 : i32
    %dma_start3A_1437 = arith.constant 0 : i32
    %dma_start3A_1438 = arith.constant 0 : i32
    %dma_start3A_1439 = tpu.memref_slice %arg19[%dma_start3A_1436, %dma_start3A_1437, %dma_start3A_1438] : memref<16x56x64xf32, #tpu.memory_space<vmem>> -> memref<1x56x64xf32, #tpu.memory_space<vmem>>
    %dma_start3A_1440 = tpu.memref_squeeze %dma_start3A_1439 : memref<1x56x64xf32, #tpu.memory_space<vmem>> -> memref<56x64xf32, #tpu.memory_space<vmem>>
    %dma_start3A_1441 = arith.constant 0 : i32
    %dma_start3A_1442 = tpu.memref_slice %arg17[%dma_start3A_1435, %dma_start3A_1441] : memref<32x56xi32, #tpu.memory_space<vmem>> -> memref<1x56xi32, #tpu.memory_space<vmem>>
    %dma_start3A_1443 = tpu.memref_squeeze %dma_start3A_1442 : memref<1x56xi32, #tpu.memory_space<vmem>> -> memref<56xi32, #tpu.memory_space<vmem>>
    %dma_start3A_1444 = arith.constant 0 : i32
    %dma_start3A_1445 = arith.constant 0 : i32
    %dma_start3A_1446 = tpu.memref_slice %arg9[%dma_start3A_1444, %dma_start3A_1445] : memref<100000x64xf32, #tpu.memory_space<hbm>> -> memref<100000x64xf32, #tpu.memory_space<hbm>>
    tpu.enqueue_indirect_dma source(%dma_start3A_1446 : memref<100000x64xf32, #tpu.memory_space<hbm>>) target(%dma_start3A_1440 : memref<56x64xf32, #tpu.memory_space<vmem>>) offsets(%dma_start3A_1443 : memref<56xi32, #tpu.memory_space<vmem>>) semaphore(%arg20 : memref<!tpu.dma_semaphore, #tpu.memory_space<semaphore_mem>>)
    %dma_start3A_1447 = arith.constant 30 : i32
    %dma_start3A_1448 = arith.constant 14 : i32
    %dma_start3A_1449 = arith.constant 0 : i32
    %dma_start3A_1450 = arith.constant 0 : i32
    %dma_start3A_1451 = tpu.memref_slice %arg19[%dma_start3A_1448, %dma_start3A_1449, %dma_start3A_1450] : memref<16x56x64xf32, #tpu.memory_space<vmem>> -> memref<1x56x64xf32, #tpu.memory_space<vmem>>
    %dma_start3A_1452 = tpu.memref_squeeze %dma_start3A_1451 : memref<1x56x64xf32, #tpu.memory_space<vmem>> -> memref<56x64xf32, #tpu.memory_space<vmem>>
    %dma_start3A_1453 = arith.constant 0 : i32
    %dma_start3A_1454 = tpu.memref_slice %arg17[%dma_start3A_1447, %dma_start3A_1453] : memref<32x56xi32, #tpu.memory_space<vmem>> -> memref<1x56xi32, #tpu.memory_space<vmem>>
    %dma_start3A_1455 = tpu.memref_squeeze %dma_start3A_1454 : memref<1x56xi32, #tpu.memory_space<vmem>> -> memref<56xi32, #tpu.memory_space<vmem>>
    %dma_start3A_1456 = arith.constant 0 : i32
    %dma_start3A_1457 = arith.constant 0 : i32
    %dma_start3A_1458 = tpu.memref_slice %arg9[%dma_start3A_1456, %dma_start3A_1457] : memref<100000x64xf32, #tpu.memory_space<hbm>> -> memref<100000x64xf32, #tpu.memory_space<hbm>>
    tpu.enqueue_indirect_dma source(%dma_start3A_1458 : memref<100000x64xf32, #tpu.memory_space<hbm>>) target(%dma_start3A_1452 : memref<56x64xf32, #tpu.memory_space<vmem>>) offsets(%dma_start3A_1455 : memref<56xi32, #tpu.memory_space<vmem>>) semaphore(%arg20 : memref<!tpu.dma_semaphore, #tpu.memory_space<semaphore_mem>>)
    %dma_start3A_1459 = arith.constant 31 : i32
    %dma_start3A_1460 = arith.constant 15 : i32
    %dma_start3A_1461 = arith.constant 0 : i32
    %dma_start3A_1462 = arith.constant 0 : i32
    %dma_start3A_1463 = tpu.memref_slice %arg19[%dma_start3A_1460, %dma_start3A_1461, %dma_start3A_1462] : memref<16x56x64xf32, #tpu.memory_space<vmem>> -> memref<1x56x64xf32, #tpu.memory_space<vmem>>
    %dma_start3A_1464 = tpu.memref_squeeze %dma_start3A_1463 : memref<1x56x64xf32, #tpu.memory_space<vmem>> -> memref<56x64xf32, #tpu.memory_space<vmem>>
    %dma_start3A_1465 = arith.constant 0 : i32
    %dma_start3A_1466 = tpu.memref_slice %arg17[%dma_start3A_1459, %dma_start3A_1465] : memref<32x56xi32, #tpu.memory_space<vmem>> -> memref<1x56xi32, #tpu.memory_space<vmem>>
    %dma_start3A_1467 = tpu.memref_squeeze %dma_start3A_1466 : memref<1x56xi32, #tpu.memory_space<vmem>> -> memref<56xi32, #tpu.memory_space<vmem>>
    %dma_start3A_1468 = arith.constant 0 : i32
    %dma_start3A_1469 = arith.constant 0 : i32
    %dma_start3A_1470 = tpu.memref_slice %arg9[%dma_start3A_1468, %dma_start3A_1469] : memref<100000x64xf32, #tpu.memory_space<hbm>> -> memref<100000x64xf32, #tpu.memory_space<hbm>>
    tpu.enqueue_indirect_dma source(%dma_start3A_1470 : memref<100000x64xf32, #tpu.memory_space<hbm>>) target(%dma_start3A_1464 : memref<56x64xf32, #tpu.memory_space<vmem>>) offsets(%dma_start3A_1467 : memref<56xi32, #tpu.memory_space<vmem>>) semaphore(%arg20 : memref<!tpu.dma_semaphore, #tpu.memory_space<semaphore_mem>>)
    %dma_wait3A_1471 = arith.constant 24 : i32
    %dma_wait3A_1472 = arith.constant 8 : i32
    %dma_wait3A_1473 = arith.constant 0 : i32
    %dma_wait3A_1474 = arith.constant 0 : i32
    %dma_wait3A_1475 = tpu.memref_slice %arg19[%dma_wait3A_1472, %dma_wait3A_1473, %dma_wait3A_1474] : memref<16x56x64xf32, #tpu.memory_space<vmem>> -> memref<1x56x64xf32, #tpu.memory_space<vmem>>
    %dma_wait3A_1476 = tpu.memref_squeeze %dma_wait3A_1475 : memref<1x56x64xf32, #tpu.memory_space<vmem>> -> memref<56x64xf32, #tpu.memory_space<vmem>>
    %dma_wait3A_1477 = arith.constant 0 : i32
    %dma_wait3A_1478 = tpu.memref_slice %arg17[%dma_wait3A_1471, %dma_wait3A_1477] : memref<32x56xi32, #tpu.memory_space<vmem>> -> memref<1x56xi32, #tpu.memory_space<vmem>>
    %dma_wait3A_1479 = tpu.memref_squeeze %dma_wait3A_1478 : memref<1x56xi32, #tpu.memory_space<vmem>> -> memref<56xi32, #tpu.memory_space<vmem>>
    %dma_wait3A_1480 = arith.constant 0 : i32
    %dma_wait3A_1481 = arith.constant 0 : i32
    %dma_wait3A_1482 = tpu.memref_slice %arg9[%dma_wait3A_1480, %dma_wait3A_1481] : memref<100000x64xf32, #tpu.memory_space<hbm>> -> memref<100000x64xf32, #tpu.memory_space<hbm>>
    tpu.wait_indirect_dma semaphore(%arg20 : memref<!tpu.dma_semaphore, #tpu.memory_space<semaphore_mem>>) src(%dma_wait3A_1482 : memref<100000x64xf32, #tpu.memory_space<hbm>>) dst(%dma_wait3A_1476 : memref<56x64xf32, #tpu.memory_space<vmem>>)
    %dma_wait3A_1483 = arith.constant 25 : i32
    %dma_wait3A_1484 = arith.constant 9 : i32
    %dma_wait3A_1485 = arith.constant 0 : i32
    %dma_wait3A_1486 = arith.constant 0 : i32
    %dma_wait3A_1487 = tpu.memref_slice %arg19[%dma_wait3A_1484, %dma_wait3A_1485, %dma_wait3A_1486] : memref<16x56x64xf32, #tpu.memory_space<vmem>> -> memref<1x56x64xf32, #tpu.memory_space<vmem>>
    %dma_wait3A_1488 = tpu.memref_squeeze %dma_wait3A_1487 : memref<1x56x64xf32, #tpu.memory_space<vmem>> -> memref<56x64xf32, #tpu.memory_space<vmem>>
    %dma_wait3A_1489 = arith.constant 0 : i32
    %dma_wait3A_1490 = tpu.memref_slice %arg17[%dma_wait3A_1483, %dma_wait3A_1489] : memref<32x56xi32, #tpu.memory_space<vmem>> -> memref<1x56xi32, #tpu.memory_space<vmem>>
    %dma_wait3A_1491 = tpu.memref_squeeze %dma_wait3A_1490 : memref<1x56xi32, #tpu.memory_space<vmem>> -> memref<56xi32, #tpu.memory_space<vmem>>
    %dma_wait3A_1492 = arith.constant 0 : i32
    %dma_wait3A_1493 = arith.constant 0 : i32
    %dma_wait3A_1494 = tpu.memref_slice %arg9[%dma_wait3A_1492, %dma_wait3A_1493] : memref<100000x64xf32, #tpu.memory_space<hbm>> -> memref<100000x64xf32, #tpu.memory_space<hbm>>
    tpu.wait_indirect_dma semaphore(%arg20 : memref<!tpu.dma_semaphore, #tpu.memory_space<semaphore_mem>>) src(%dma_wait3A_1494 : memref<100000x64xf32, #tpu.memory_space<hbm>>) dst(%dma_wait3A_1488 : memref<56x64xf32, #tpu.memory_space<vmem>>)
    %dma_wait3A_1495 = arith.constant 26 : i32
    %dma_wait3A_1496 = arith.constant 10 : i32
    %dma_wait3A_1497 = arith.constant 0 : i32
    %dma_wait3A_1498 = arith.constant 0 : i32
    %dma_wait3A_1499 = tpu.memref_slice %arg19[%dma_wait3A_1496, %dma_wait3A_1497, %dma_wait3A_1498] : memref<16x56x64xf32, #tpu.memory_space<vmem>> -> memref<1x56x64xf32, #tpu.memory_space<vmem>>
    %dma_wait3A_1500 = tpu.memref_squeeze %dma_wait3A_1499 : memref<1x56x64xf32, #tpu.memory_space<vmem>> -> memref<56x64xf32, #tpu.memory_space<vmem>>
    %dma_wait3A_1501 = arith.constant 0 : i32
    %dma_wait3A_1502 = tpu.memref_slice %arg17[%dma_wait3A_1495, %dma_wait3A_1501] : memref<32x56xi32, #tpu.memory_space<vmem>> -> memref<1x56xi32, #tpu.memory_space<vmem>>
    %dma_wait3A_1503 = tpu.memref_squeeze %dma_wait3A_1502 : memref<1x56xi32, #tpu.memory_space<vmem>> -> memref<56xi32, #tpu.memory_space<vmem>>
    %dma_wait3A_1504 = arith.constant 0 : i32
    %dma_wait3A_1505 = arith.constant 0 : i32
    %dma_wait3A_1506 = tpu.memref_slice %arg9[%dma_wait3A_1504, %dma_wait3A_1505] : memref<100000x64xf32, #tpu.memory_space<hbm>> -> memref<100000x64xf32, #tpu.memory_space<hbm>>
    tpu.wait_indirect_dma semaphore(%arg20 : memref<!tpu.dma_semaphore, #tpu.memory_space<semaphore_mem>>) src(%dma_wait3A_1506 : memref<100000x64xf32, #tpu.memory_space<hbm>>) dst(%dma_wait3A_1500 : memref<56x64xf32, #tpu.memory_space<vmem>>)
    %dma_wait3A_1507 = arith.constant 27 : i32
    %dma_wait3A_1508 = arith.constant 11 : i32
    %dma_wait3A_1509 = arith.constant 0 : i32
    %dma_wait3A_1510 = arith.constant 0 : i32
    %dma_wait3A_1511 = tpu.memref_slice %arg19[%dma_wait3A_1508, %dma_wait3A_1509, %dma_wait3A_1510] : memref<16x56x64xf32, #tpu.memory_space<vmem>> -> memref<1x56x64xf32, #tpu.memory_space<vmem>>
    %dma_wait3A_1512 = tpu.memref_squeeze %dma_wait3A_1511 : memref<1x56x64xf32, #tpu.memory_space<vmem>> -> memref<56x64xf32, #tpu.memory_space<vmem>>
    %dma_wait3A_1513 = arith.constant 0 : i32
    %dma_wait3A_1514 = tpu.memref_slice %arg17[%dma_wait3A_1507, %dma_wait3A_1513] : memref<32x56xi32, #tpu.memory_space<vmem>> -> memref<1x56xi32, #tpu.memory_space<vmem>>
    %dma_wait3A_1515 = tpu.memref_squeeze %dma_wait3A_1514 : memref<1x56xi32, #tpu.memory_space<vmem>> -> memref<56xi32, #tpu.memory_space<vmem>>
    %dma_wait3A_1516 = arith.constant 0 : i32
    %dma_wait3A_1517 = arith.constant 0 : i32
    %dma_wait3A_1518 = tpu.memref_slice %arg9[%dma_wait3A_1516, %dma_wait3A_1517] : memref<100000x64xf32, #tpu.memory_space<hbm>> -> memref<100000x64xf32, #tpu.memory_space<hbm>>
    tpu.wait_indirect_dma semaphore(%arg20 : memref<!tpu.dma_semaphore, #tpu.memory_space<semaphore_mem>>) src(%dma_wait3A_1518 : memref<100000x64xf32, #tpu.memory_space<hbm>>) dst(%dma_wait3A_1512 : memref<56x64xf32, #tpu.memory_space<vmem>>)
    %dma_wait3A_1519 = arith.constant 28 : i32
    %dma_wait3A_1520 = arith.constant 12 : i32
    %dma_wait3A_1521 = arith.constant 0 : i32
    %dma_wait3A_1522 = arith.constant 0 : i32
    %dma_wait3A_1523 = tpu.memref_slice %arg19[%dma_wait3A_1520, %dma_wait3A_1521, %dma_wait3A_1522] : memref<16x56x64xf32, #tpu.memory_space<vmem>> -> memref<1x56x64xf32, #tpu.memory_space<vmem>>
    %dma_wait3A_1524 = tpu.memref_squeeze %dma_wait3A_1523 : memref<1x56x64xf32, #tpu.memory_space<vmem>> -> memref<56x64xf32, #tpu.memory_space<vmem>>
    %dma_wait3A_1525 = arith.constant 0 : i32
    %dma_wait3A_1526 = tpu.memref_slice %arg17[%dma_wait3A_1519, %dma_wait3A_1525] : memref<32x56xi32, #tpu.memory_space<vmem>> -> memref<1x56xi32, #tpu.memory_space<vmem>>
    %dma_wait3A_1527 = tpu.memref_squeeze %dma_wait3A_1526 : memref<1x56xi32, #tpu.memory_space<vmem>> -> memref<56xi32, #tpu.memory_space<vmem>>
    %dma_wait3A_1528 = arith.constant 0 : i32
    %dma_wait3A_1529 = arith.constant 0 : i32
    %dma_wait3A_1530 = tpu.memref_slice %arg9[%dma_wait3A_1528, %dma_wait3A_1529] : memref<100000x64xf32, #tpu.memory_space<hbm>> -> memref<100000x64xf32, #tpu.memory_space<hbm>>
    tpu.wait_indirect_dma semaphore(%arg20 : memref<!tpu.dma_semaphore, #tpu.memory_space<semaphore_mem>>) src(%dma_wait3A_1530 : memref<100000x64xf32, #tpu.memory_space<hbm>>) dst(%dma_wait3A_1524 : memref<56x64xf32, #tpu.memory_space<vmem>>)
    %dma_wait3A_1531 = arith.constant 29 : i32
    %dma_wait3A_1532 = arith.constant 13 : i32
    %dma_wait3A_1533 = arith.constant 0 : i32
    %dma_wait3A_1534 = arith.constant 0 : i32
    %dma_wait3A_1535 = tpu.memref_slice %arg19[%dma_wait3A_1532, %dma_wait3A_1533, %dma_wait3A_1534] : memref<16x56x64xf32, #tpu.memory_space<vmem>> -> memref<1x56x64xf32, #tpu.memory_space<vmem>>
    %dma_wait3A_1536 = tpu.memref_squeeze %dma_wait3A_1535 : memref<1x56x64xf32, #tpu.memory_space<vmem>> -> memref<56x64xf32, #tpu.memory_space<vmem>>
    %dma_wait3A_1537 = arith.constant 0 : i32
    %dma_wait3A_1538 = tpu.memref_slice %arg17[%dma_wait3A_1531, %dma_wait3A_1537] : memref<32x56xi32, #tpu.memory_space<vmem>> -> memref<1x56xi32, #tpu.memory_space<vmem>>
    %dma_wait3A_1539 = tpu.memref_squeeze %dma_wait3A_1538 : memref<1x56xi32, #tpu.memory_space<vmem>> -> memref<56xi32, #tpu.memory_space<vmem>>
    %dma_wait3A_1540 = arith.constant 0 : i32
    %dma_wait3A_1541 = arith.constant 0 : i32
    %dma_wait3A_1542 = tpu.memref_slice %arg9[%dma_wait3A_1540, %dma_wait3A_1541] : memref<100000x64xf32, #tpu.memory_space<hbm>> -> memref<100000x64xf32, #tpu.memory_space<hbm>>
    tpu.wait_indirect_dma semaphore(%arg20 : memref<!tpu.dma_semaphore, #tpu.memory_space<semaphore_mem>>) src(%dma_wait3A_1542 : memref<100000x64xf32, #tpu.memory_space<hbm>>) dst(%dma_wait3A_1536 : memref<56x64xf32, #tpu.memory_space<vmem>>)
    %dma_wait3A_1543 = arith.constant 30 : i32
    %dma_wait3A_1544 = arith.constant 14 : i32
    %dma_wait3A_1545 = arith.constant 0 : i32
    %dma_wait3A_1546 = arith.constant 0 : i32
    %dma_wait3A_1547 = tpu.memref_slice %arg19[%dma_wait3A_1544, %dma_wait3A_1545, %dma_wait3A_1546] : memref<16x56x64xf32, #tpu.memory_space<vmem>> -> memref<1x56x64xf32, #tpu.memory_space<vmem>>
    %dma_wait3A_1548 = tpu.memref_squeeze %dma_wait3A_1547 : memref<1x56x64xf32, #tpu.memory_space<vmem>> -> memref<56x64xf32, #tpu.memory_space<vmem>>
    %dma_wait3A_1549 = arith.constant 0 : i32
    %dma_wait3A_1550 = tpu.memref_slice %arg17[%dma_wait3A_1543, %dma_wait3A_1549] : memref<32x56xi32, #tpu.memory_space<vmem>> -> memref<1x56xi32, #tpu.memory_space<vmem>>
    %dma_wait3A_1551 = tpu.memref_squeeze %dma_wait3A_1550 : memref<1x56xi32, #tpu.memory_space<vmem>> -> memref<56xi32, #tpu.memory_space<vmem>>
    %dma_wait3A_1552 = arith.constant 0 : i32
    %dma_wait3A_1553 = arith.constant 0 : i32
    %dma_wait3A_1554 = tpu.memref_slice %arg9[%dma_wait3A_1552, %dma_wait3A_1553] : memref<100000x64xf32, #tpu.memory_space<hbm>> -> memref<100000x64xf32, #tpu.memory_space<hbm>>
    tpu.wait_indirect_dma semaphore(%arg20 : memref<!tpu.dma_semaphore, #tpu.memory_space<semaphore_mem>>) src(%dma_wait3A_1554 : memref<100000x64xf32, #tpu.memory_space<hbm>>) dst(%dma_wait3A_1548 : memref<56x64xf32, #tpu.memory_space<vmem>>)
    %dma_wait3A_1555 = arith.constant 31 : i32
    %dma_wait3A_1556 = arith.constant 15 : i32
    %dma_wait3A_1557 = arith.constant 0 : i32
    %dma_wait3A_1558 = arith.constant 0 : i32
    %dma_wait3A_1559 = tpu.memref_slice %arg19[%dma_wait3A_1556, %dma_wait3A_1557, %dma_wait3A_1558] : memref<16x56x64xf32, #tpu.memory_space<vmem>> -> memref<1x56x64xf32, #tpu.memory_space<vmem>>
    %dma_wait3A_1560 = tpu.memref_squeeze %dma_wait3A_1559 : memref<1x56x64xf32, #tpu.memory_space<vmem>> -> memref<56x64xf32, #tpu.memory_space<vmem>>
    %dma_wait3A_1561 = arith.constant 0 : i32
    %dma_wait3A_1562 = tpu.memref_slice %arg17[%dma_wait3A_1555, %dma_wait3A_1561] : memref<32x56xi32, #tpu.memory_space<vmem>> -> memref<1x56xi32, #tpu.memory_space<vmem>>
    %dma_wait3A_1563 = tpu.memref_squeeze %dma_wait3A_1562 : memref<1x56xi32, #tpu.memory_space<vmem>> -> memref<56xi32, #tpu.memory_space<vmem>>
    %dma_wait3A_1564 = arith.constant 0 : i32
    %dma_wait3A_1565 = arith.constant 0 : i32
    %dma_wait3A_1566 = tpu.memref_slice %arg9[%dma_wait3A_1564, %dma_wait3A_1565] : memref<100000x64xf32, #tpu.memory_space<hbm>> -> memref<100000x64xf32, #tpu.memory_space<hbm>>
    tpu.wait_indirect_dma semaphore(%arg20 : memref<!tpu.dma_semaphore, #tpu.memory_space<semaphore_mem>>) src(%dma_wait3A_1566 : memref<100000x64xf32, #tpu.memory_space<hbm>>) dst(%dma_wait3A_1560 : memref<56x64xf32, #tpu.memory_space<vmem>>)
    %add3A_1567 = arith.constant 16 : i32
    %add3A_1568 = arith.addi %mul3A_2, %add3A_1567 : i32
    "tpu.region"() ({
      %run_scoped3A = tpu.sem_alloc : memref<!tpu.dma_semaphore, #tpu.memory_space<semaphore_mem>>
      %dma_start3A_1569 = arith.constant 0 : i32
      %dma_start3A_1570 = arith.constant 0 : i32
      %dma_start3A_1571 = tpu.memref_slice %arg15[%add3A_1568, %dma_start3A_1569, %dma_start3A_1570] : memref<1024x56x64xf32, #tpu.memory_space<hbm>> -> memref<16x56x64xf32, #tpu.memory_space<hbm>>
      %dma_start3A_1572 = arith.constant 0 : i32
      %dma_start3A_1573 = arith.constant 0 : i32
      %dma_start3A_1574 = tpu.memref_slice %arg15[%add3A_1568, %dma_start3A_1572, %dma_start3A_1573] : memref<1024x56x64xf32, #tpu.memory_space<hbm>> -> memref<16x56x64xf32, #tpu.memory_space<hbm>>
      tpu.enqueue_dma source(%arg19 : memref<16x56x64xf32, #tpu.memory_space<vmem>>) target(%dma_start3A_1574 : memref<16x56x64xf32, #tpu.memory_space<hbm>>) target_semaphore(%run_scoped3A : memref<!tpu.dma_semaphore, #tpu.memory_space<semaphore_mem>>)
      %dma_wait3A_1575 = arith.constant 0 : i32
      %dma_wait3A_1576 = arith.constant 0 : i32
      %dma_wait3A_1577 = tpu.memref_slice %arg15[%add3A_1568, %dma_wait3A_1575, %dma_wait3A_1576] : memref<1024x56x64xf32, #tpu.memory_space<hbm>> -> memref<16x56x64xf32, #tpu.memory_space<hbm>>
      %dma_wait3A_1578 = arith.constant 0 : i32
      %dma_wait3A_1579 = arith.constant 0 : i32
      %dma_wait3A_1580 = tpu.memref_slice %arg15[%add3A_1568, %dma_wait3A_1578, %dma_wait3A_1579] : memref<1024x56x64xf32, #tpu.memory_space<hbm>> -> memref<16x56x64xf32, #tpu.memory_space<hbm>>
      tpu.wait_dma2 semaphore(%run_scoped3A : memref<!tpu.dma_semaphore, #tpu.memory_space<semaphore_mem>>) src(%arg19 : memref<16x56x64xf32, #tpu.memory_space<vmem>>) dst(%dma_wait3A_1580 : memref<16x56x64xf32, #tpu.memory_space<hbm>>)
      tpu.yield
    }) : () -> ()
    return
  }
}

module attributes {stable_mosaic.version = 14 : i64} {
  func.func @_tc_body(%arg0: i32, %arg1: memref<128x56xi32, #tpu.memory_space<vmem>>, %arg2: memref<128x56xf32, #tpu.memory_space<vmem>>, %arg3: memref<128x56x64xf32, #tpu.memory_space<vmem>>, %arg4: memref<128x56xi32, #tpu.memory_space<vmem>>, %arg5: memref<128x56xf32, #tpu.memory_space<vmem>>, %arg6: memref<128x56x64xf32, #tpu.memory_space<vmem>>, %arg7: memref<64x64xf32, #tpu.memory_space<vmem>>, %arg8: memref<1x64xf32, #tpu.memory_space<vmem>>, %arg9: memref<64x64xf32, #tpu.memory_space<vmem>>, %arg10: memref<1x64xf32, #tpu.memory_space<vmem>>, %arg11: memref<1x128xf32, #tpu.memory_space<vmem>>) attributes {dimension_semantics = [#tpu.dimension_semantics<arbitrary>], iteration_bounds = array<i64: 8>, scalar_prefetch = 0 : i64, scratch_operands = 0 : i64, tpu.core_type = #tpu.core_type<tc>, window_params = [{transform_indices = @transform_0, window_bounds = array<i64: 128, 56>}, {transform_indices = @transform_1, window_bounds = array<i64: 128, 56>}, {transform_indices = @transform_2, window_bounds = array<i64: 128, 56, 64>}, {transform_indices = @transform_3, window_bounds = array<i64: 128, 56>}, {transform_indices = @transform_4, window_bounds = array<i64: 128, 56>}, {transform_indices = @transform_5, window_bounds = array<i64: 128, 56, 64>}, {pipeline_mode = #tpu.pipeline_mode<synchronous>, transform_indices = @transform_6, window_bounds = array<i64: 64, 64>}, {pipeline_mode = #tpu.pipeline_mode<synchronous>, transform_indices = @transform_7, window_bounds = array<i64: 1, 64>}, {pipeline_mode = #tpu.pipeline_mode<synchronous>, transform_indices = @transform_8, window_bounds = array<i64: 64, 64>}, {pipeline_mode = #tpu.pipeline_mode<synchronous>, transform_indices = @transform_9, window_bounds = array<i64: 1, 64>}, {transform_indices = @transform_10, window_bounds = array<i64: 1, 128>}]} {
    %get3A = arith.constant 0 : index
    %get3A_0 = arith.constant 0 : index
    %get3A_1 = vector.load %arg1[%get3A, %get3A_0] : memref<128x56xi32, #tpu.memory_space<vmem>>, vector<128x56xi32>
    %get3A_2 = arith.constant 0 : index
    %get3A_3 = arith.constant 0 : index
    %get3A_4 = vector.load %arg2[%get3A_2, %get3A_3] : memref<128x56xf32, #tpu.memory_space<vmem>>, vector<128x56xf32>
    %get3A_5 = arith.constant 0 : index
    %get3A_6 = arith.constant 0 : index
    %get3A_7 = arith.constant 0 : index
    %get3A_8 = vector.load %arg3[%get3A_5, %get3A_6, %get3A_7] : memref<128x56x64xf32, #tpu.memory_space<vmem>>, vector<128x56x64xf32>
    %broadcast_in_dim3A = arith.constant false
    %broadcast_in_dim3A_9 = vector.broadcast %broadcast_in_dim3A : i1 to vector<128x56xi1>
    %iota3A = tpu.iota {dimensions = array<i32: 1>} : vector<128x56xi32>
    %slice3A = vector.extract_strided_slice %get3A_1 {offsets = [0, 1], sizes = [128, 1], strides = [1, 1]} : vector<128x56xi32> to vector<128x1xi32>
    %eq3A = vector.broadcast %slice3A : vector<128x1xi32> to vector<128x56xi32>
    %eq3A_10 = arith.cmpi eq, %get3A_1, %eq3A : vector<128x56xi32>
    %lt3A = arith.constant 1 : i32
    %lt3A_11 = vector.broadcast %lt3A : i32 to vector<128x56xi32>
    %lt3A_12 = arith.cmpi slt, %iota3A, %lt3A_11 : vector<128x56xi32>
    %and3A = arith.andi %eq3A_10, %lt3A_12 : vector<128x56xi1>
    %or3A = arith.ori %broadcast_in_dim3A_9, %and3A : vector<128x56xi1>
    %slice3A_13 = vector.extract_strided_slice %get3A_1 {offsets = [0, 2], sizes = [128, 1], strides = [1, 1]} : vector<128x56xi32> to vector<128x1xi32>
    %eq3A_14 = vector.broadcast %slice3A_13 : vector<128x1xi32> to vector<128x56xi32>
    %eq3A_15 = arith.cmpi eq, %get3A_1, %eq3A_14 : vector<128x56xi32>
    %lt3A_16 = arith.constant 2 : i32
    %lt3A_17 = vector.broadcast %lt3A_16 : i32 to vector<128x56xi32>
    %lt3A_18 = arith.cmpi slt, %iota3A, %lt3A_17 : vector<128x56xi32>
    %and3A_19 = arith.andi %eq3A_15, %lt3A_18 : vector<128x56xi1>
    %or3A_20 = arith.ori %or3A, %and3A_19 : vector<128x56xi1>
    %slice3A_21 = vector.extract_strided_slice %get3A_1 {offsets = [0, 3], sizes = [128, 1], strides = [1, 1]} : vector<128x56xi32> to vector<128x1xi32>
    %eq3A_22 = vector.broadcast %slice3A_21 : vector<128x1xi32> to vector<128x56xi32>
    %eq3A_23 = arith.cmpi eq, %get3A_1, %eq3A_22 : vector<128x56xi32>
    %lt3A_24 = arith.constant 3 : i32
    %lt3A_25 = vector.broadcast %lt3A_24 : i32 to vector<128x56xi32>
    %lt3A_26 = arith.cmpi slt, %iota3A, %lt3A_25 : vector<128x56xi32>
    %and3A_27 = arith.andi %eq3A_23, %lt3A_26 : vector<128x56xi1>
    %or3A_28 = arith.ori %or3A_20, %and3A_27 : vector<128x56xi1>
    %slice3A_29 = vector.extract_strided_slice %get3A_1 {offsets = [0, 4], sizes = [128, 1], strides = [1, 1]} : vector<128x56xi32> to vector<128x1xi32>
    %eq3A_30 = vector.broadcast %slice3A_29 : vector<128x1xi32> to vector<128x56xi32>
    %eq3A_31 = arith.cmpi eq, %get3A_1, %eq3A_30 : vector<128x56xi32>
    %lt3A_32 = arith.constant 4 : i32
    %lt3A_33 = vector.broadcast %lt3A_32 : i32 to vector<128x56xi32>
    %lt3A_34 = arith.cmpi slt, %iota3A, %lt3A_33 : vector<128x56xi32>
    %and3A_35 = arith.andi %eq3A_31, %lt3A_34 : vector<128x56xi1>
    %or3A_36 = arith.ori %or3A_28, %and3A_35 : vector<128x56xi1>
    %slice3A_37 = vector.extract_strided_slice %get3A_1 {offsets = [0, 5], sizes = [128, 1], strides = [1, 1]} : vector<128x56xi32> to vector<128x1xi32>
    %eq3A_38 = vector.broadcast %slice3A_37 : vector<128x1xi32> to vector<128x56xi32>
    %eq3A_39 = arith.cmpi eq, %get3A_1, %eq3A_38 : vector<128x56xi32>
    %lt3A_40 = arith.constant 5 : i32
    %lt3A_41 = vector.broadcast %lt3A_40 : i32 to vector<128x56xi32>
    %lt3A_42 = arith.cmpi slt, %iota3A, %lt3A_41 : vector<128x56xi32>
    %and3A_43 = arith.andi %eq3A_39, %lt3A_42 : vector<128x56xi1>
    %or3A_44 = arith.ori %or3A_36, %and3A_43 : vector<128x56xi1>
    %slice3A_45 = vector.extract_strided_slice %get3A_1 {offsets = [0, 6], sizes = [128, 1], strides = [1, 1]} : vector<128x56xi32> to vector<128x1xi32>
    %eq3A_46 = vector.broadcast %slice3A_45 : vector<128x1xi32> to vector<128x56xi32>
    %eq3A_47 = arith.cmpi eq, %get3A_1, %eq3A_46 : vector<128x56xi32>
    %lt3A_48 = arith.constant 6 : i32
    %lt3A_49 = vector.broadcast %lt3A_48 : i32 to vector<128x56xi32>
    %lt3A_50 = arith.cmpi slt, %iota3A, %lt3A_49 : vector<128x56xi32>
    %and3A_51 = arith.andi %eq3A_47, %lt3A_50 : vector<128x56xi1>
    %or3A_52 = arith.ori %or3A_44, %and3A_51 : vector<128x56xi1>
    %slice3A_53 = vector.extract_strided_slice %get3A_1 {offsets = [0, 7], sizes = [128, 1], strides = [1, 1]} : vector<128x56xi32> to vector<128x1xi32>
    %eq3A_54 = vector.broadcast %slice3A_53 : vector<128x1xi32> to vector<128x56xi32>
    %eq3A_55 = arith.cmpi eq, %get3A_1, %eq3A_54 : vector<128x56xi32>
    %lt3A_56 = arith.constant 7 : i32
    %lt3A_57 = vector.broadcast %lt3A_56 : i32 to vector<128x56xi32>
    %lt3A_58 = arith.cmpi slt, %iota3A, %lt3A_57 : vector<128x56xi32>
    %and3A_59 = arith.andi %eq3A_55, %lt3A_58 : vector<128x56xi1>
    %or3A_60 = arith.ori %or3A_52, %and3A_59 : vector<128x56xi1>
    %slice3A_61 = vector.extract_strided_slice %get3A_1 {offsets = [0, 8], sizes = [128, 1], strides = [1, 1]} : vector<128x56xi32> to vector<128x1xi32>
    %eq3A_62 = vector.broadcast %slice3A_61 : vector<128x1xi32> to vector<128x56xi32>
    %eq3A_63 = arith.cmpi eq, %get3A_1, %eq3A_62 : vector<128x56xi32>
    %lt3A_64 = arith.constant 8 : i32
    %lt3A_65 = vector.broadcast %lt3A_64 : i32 to vector<128x56xi32>
    %lt3A_66 = arith.cmpi slt, %iota3A, %lt3A_65 : vector<128x56xi32>
    %and3A_67 = arith.andi %eq3A_63, %lt3A_66 : vector<128x56xi1>
    %or3A_68 = arith.ori %or3A_60, %and3A_67 : vector<128x56xi1>
    %slice3A_69 = vector.extract_strided_slice %get3A_1 {offsets = [0, 9], sizes = [128, 1], strides = [1, 1]} : vector<128x56xi32> to vector<128x1xi32>
    %eq3A_70 = vector.broadcast %slice3A_69 : vector<128x1xi32> to vector<128x56xi32>
    %eq3A_71 = arith.cmpi eq, %get3A_1, %eq3A_70 : vector<128x56xi32>
    %lt3A_72 = arith.constant 9 : i32
    %lt3A_73 = vector.broadcast %lt3A_72 : i32 to vector<128x56xi32>
    %lt3A_74 = arith.cmpi slt, %iota3A, %lt3A_73 : vector<128x56xi32>
    %and3A_75 = arith.andi %eq3A_71, %lt3A_74 : vector<128x56xi1>
    %or3A_76 = arith.ori %or3A_68, %and3A_75 : vector<128x56xi1>
    %slice3A_77 = vector.extract_strided_slice %get3A_1 {offsets = [0, 10], sizes = [128, 1], strides = [1, 1]} : vector<128x56xi32> to vector<128x1xi32>
    %eq3A_78 = vector.broadcast %slice3A_77 : vector<128x1xi32> to vector<128x56xi32>
    %eq3A_79 = arith.cmpi eq, %get3A_1, %eq3A_78 : vector<128x56xi32>
    %lt3A_80 = arith.constant 10 : i32
    %lt3A_81 = vector.broadcast %lt3A_80 : i32 to vector<128x56xi32>
    %lt3A_82 = arith.cmpi slt, %iota3A, %lt3A_81 : vector<128x56xi32>
    %and3A_83 = arith.andi %eq3A_79, %lt3A_82 : vector<128x56xi1>
    %or3A_84 = arith.ori %or3A_76, %and3A_83 : vector<128x56xi1>
    %slice3A_85 = vector.extract_strided_slice %get3A_1 {offsets = [0, 11], sizes = [128, 1], strides = [1, 1]} : vector<128x56xi32> to vector<128x1xi32>
    %eq3A_86 = vector.broadcast %slice3A_85 : vector<128x1xi32> to vector<128x56xi32>
    %eq3A_87 = arith.cmpi eq, %get3A_1, %eq3A_86 : vector<128x56xi32>
    %lt3A_88 = arith.constant 11 : i32
    %lt3A_89 = vector.broadcast %lt3A_88 : i32 to vector<128x56xi32>
    %lt3A_90 = arith.cmpi slt, %iota3A, %lt3A_89 : vector<128x56xi32>
    %and3A_91 = arith.andi %eq3A_87, %lt3A_90 : vector<128x56xi1>
    %or3A_92 = arith.ori %or3A_84, %and3A_91 : vector<128x56xi1>
    %slice3A_93 = vector.extract_strided_slice %get3A_1 {offsets = [0, 12], sizes = [128, 1], strides = [1, 1]} : vector<128x56xi32> to vector<128x1xi32>
    %eq3A_94 = vector.broadcast %slice3A_93 : vector<128x1xi32> to vector<128x56xi32>
    %eq3A_95 = arith.cmpi eq, %get3A_1, %eq3A_94 : vector<128x56xi32>
    %lt3A_96 = arith.constant 12 : i32
    %lt3A_97 = vector.broadcast %lt3A_96 : i32 to vector<128x56xi32>
    %lt3A_98 = arith.cmpi slt, %iota3A, %lt3A_97 : vector<128x56xi32>
    %and3A_99 = arith.andi %eq3A_95, %lt3A_98 : vector<128x56xi1>
    %or3A_100 = arith.ori %or3A_92, %and3A_99 : vector<128x56xi1>
    %slice3A_101 = vector.extract_strided_slice %get3A_1 {offsets = [0, 13], sizes = [128, 1], strides = [1, 1]} : vector<128x56xi32> to vector<128x1xi32>
    %eq3A_102 = vector.broadcast %slice3A_101 : vector<128x1xi32> to vector<128x56xi32>
    %eq3A_103 = arith.cmpi eq, %get3A_1, %eq3A_102 : vector<128x56xi32>
    %lt3A_104 = arith.constant 13 : i32
    %lt3A_105 = vector.broadcast %lt3A_104 : i32 to vector<128x56xi32>
    %lt3A_106 = arith.cmpi slt, %iota3A, %lt3A_105 : vector<128x56xi32>
    %and3A_107 = arith.andi %eq3A_103, %lt3A_106 : vector<128x56xi1>
    %or3A_108 = arith.ori %or3A_100, %and3A_107 : vector<128x56xi1>
    %slice3A_109 = vector.extract_strided_slice %get3A_1 {offsets = [0, 14], sizes = [128, 1], strides = [1, 1]} : vector<128x56xi32> to vector<128x1xi32>
    %eq3A_110 = vector.broadcast %slice3A_109 : vector<128x1xi32> to vector<128x56xi32>
    %eq3A_111 = arith.cmpi eq, %get3A_1, %eq3A_110 : vector<128x56xi32>
    %lt3A_112 = arith.constant 14 : i32
    %lt3A_113 = vector.broadcast %lt3A_112 : i32 to vector<128x56xi32>
    %lt3A_114 = arith.cmpi slt, %iota3A, %lt3A_113 : vector<128x56xi32>
    %and3A_115 = arith.andi %eq3A_111, %lt3A_114 : vector<128x56xi1>
    %or3A_116 = arith.ori %or3A_108, %and3A_115 : vector<128x56xi1>
    %slice3A_117 = vector.extract_strided_slice %get3A_1 {offsets = [0, 15], sizes = [128, 1], strides = [1, 1]} : vector<128x56xi32> to vector<128x1xi32>
    %eq3A_118 = vector.broadcast %slice3A_117 : vector<128x1xi32> to vector<128x56xi32>
    %eq3A_119 = arith.cmpi eq, %get3A_1, %eq3A_118 : vector<128x56xi32>
    %lt3A_120 = arith.constant 15 : i32
    %lt3A_121 = vector.broadcast %lt3A_120 : i32 to vector<128x56xi32>
    %lt3A_122 = arith.cmpi slt, %iota3A, %lt3A_121 : vector<128x56xi32>
    %and3A_123 = arith.andi %eq3A_119, %lt3A_122 : vector<128x56xi1>
    %or3A_124 = arith.ori %or3A_116, %and3A_123 : vector<128x56xi1>
    %slice3A_125 = vector.extract_strided_slice %get3A_1 {offsets = [0, 16], sizes = [128, 1], strides = [1, 1]} : vector<128x56xi32> to vector<128x1xi32>
    %eq3A_126 = vector.broadcast %slice3A_125 : vector<128x1xi32> to vector<128x56xi32>
    %eq3A_127 = arith.cmpi eq, %get3A_1, %eq3A_126 : vector<128x56xi32>
    %lt3A_128 = arith.constant 16 : i32
    %lt3A_129 = vector.broadcast %lt3A_128 : i32 to vector<128x56xi32>
    %lt3A_130 = arith.cmpi slt, %iota3A, %lt3A_129 : vector<128x56xi32>
    %and3A_131 = arith.andi %eq3A_127, %lt3A_130 : vector<128x56xi1>
    %or3A_132 = arith.ori %or3A_124, %and3A_131 : vector<128x56xi1>
    %slice3A_133 = vector.extract_strided_slice %get3A_1 {offsets = [0, 17], sizes = [128, 1], strides = [1, 1]} : vector<128x56xi32> to vector<128x1xi32>
    %eq3A_134 = vector.broadcast %slice3A_133 : vector<128x1xi32> to vector<128x56xi32>
    %eq3A_135 = arith.cmpi eq, %get3A_1, %eq3A_134 : vector<128x56xi32>
    %lt3A_136 = arith.constant 17 : i32
    %lt3A_137 = vector.broadcast %lt3A_136 : i32 to vector<128x56xi32>
    %lt3A_138 = arith.cmpi slt, %iota3A, %lt3A_137 : vector<128x56xi32>
    %and3A_139 = arith.andi %eq3A_135, %lt3A_138 : vector<128x56xi1>
    %or3A_140 = arith.ori %or3A_132, %and3A_139 : vector<128x56xi1>
    %slice3A_141 = vector.extract_strided_slice %get3A_1 {offsets = [0, 18], sizes = [128, 1], strides = [1, 1]} : vector<128x56xi32> to vector<128x1xi32>
    %eq3A_142 = vector.broadcast %slice3A_141 : vector<128x1xi32> to vector<128x56xi32>
    %eq3A_143 = arith.cmpi eq, %get3A_1, %eq3A_142 : vector<128x56xi32>
    %lt3A_144 = arith.constant 18 : i32
    %lt3A_145 = vector.broadcast %lt3A_144 : i32 to vector<128x56xi32>
    %lt3A_146 = arith.cmpi slt, %iota3A, %lt3A_145 : vector<128x56xi32>
    %and3A_147 = arith.andi %eq3A_143, %lt3A_146 : vector<128x56xi1>
    %or3A_148 = arith.ori %or3A_140, %and3A_147 : vector<128x56xi1>
    %slice3A_149 = vector.extract_strided_slice %get3A_1 {offsets = [0, 19], sizes = [128, 1], strides = [1, 1]} : vector<128x56xi32> to vector<128x1xi32>
    %eq3A_150 = vector.broadcast %slice3A_149 : vector<128x1xi32> to vector<128x56xi32>
    %eq3A_151 = arith.cmpi eq, %get3A_1, %eq3A_150 : vector<128x56xi32>
    %lt3A_152 = arith.constant 19 : i32
    %lt3A_153 = vector.broadcast %lt3A_152 : i32 to vector<128x56xi32>
    %lt3A_154 = arith.cmpi slt, %iota3A, %lt3A_153 : vector<128x56xi32>
    %and3A_155 = arith.andi %eq3A_151, %lt3A_154 : vector<128x56xi1>
    %or3A_156 = arith.ori %or3A_148, %and3A_155 : vector<128x56xi1>
    %slice3A_157 = vector.extract_strided_slice %get3A_1 {offsets = [0, 20], sizes = [128, 1], strides = [1, 1]} : vector<128x56xi32> to vector<128x1xi32>
    %eq3A_158 = vector.broadcast %slice3A_157 : vector<128x1xi32> to vector<128x56xi32>
    %eq3A_159 = arith.cmpi eq, %get3A_1, %eq3A_158 : vector<128x56xi32>
    %lt3A_160 = arith.constant 20 : i32
    %lt3A_161 = vector.broadcast %lt3A_160 : i32 to vector<128x56xi32>
    %lt3A_162 = arith.cmpi slt, %iota3A, %lt3A_161 : vector<128x56xi32>
    %and3A_163 = arith.andi %eq3A_159, %lt3A_162 : vector<128x56xi1>
    %or3A_164 = arith.ori %or3A_156, %and3A_163 : vector<128x56xi1>
    %slice3A_165 = vector.extract_strided_slice %get3A_1 {offsets = [0, 21], sizes = [128, 1], strides = [1, 1]} : vector<128x56xi32> to vector<128x1xi32>
    %eq3A_166 = vector.broadcast %slice3A_165 : vector<128x1xi32> to vector<128x56xi32>
    %eq3A_167 = arith.cmpi eq, %get3A_1, %eq3A_166 : vector<128x56xi32>
    %lt3A_168 = arith.constant 21 : i32
    %lt3A_169 = vector.broadcast %lt3A_168 : i32 to vector<128x56xi32>
    %lt3A_170 = arith.cmpi slt, %iota3A, %lt3A_169 : vector<128x56xi32>
    %and3A_171 = arith.andi %eq3A_167, %lt3A_170 : vector<128x56xi1>
    %or3A_172 = arith.ori %or3A_164, %and3A_171 : vector<128x56xi1>
    %slice3A_173 = vector.extract_strided_slice %get3A_1 {offsets = [0, 22], sizes = [128, 1], strides = [1, 1]} : vector<128x56xi32> to vector<128x1xi32>
    %eq3A_174 = vector.broadcast %slice3A_173 : vector<128x1xi32> to vector<128x56xi32>
    %eq3A_175 = arith.cmpi eq, %get3A_1, %eq3A_174 : vector<128x56xi32>
    %lt3A_176 = arith.constant 22 : i32
    %lt3A_177 = vector.broadcast %lt3A_176 : i32 to vector<128x56xi32>
    %lt3A_178 = arith.cmpi slt, %iota3A, %lt3A_177 : vector<128x56xi32>
    %and3A_179 = arith.andi %eq3A_175, %lt3A_178 : vector<128x56xi1>
    %or3A_180 = arith.ori %or3A_172, %and3A_179 : vector<128x56xi1>
    %slice3A_181 = vector.extract_strided_slice %get3A_1 {offsets = [0, 23], sizes = [128, 1], strides = [1, 1]} : vector<128x56xi32> to vector<128x1xi32>
    %eq3A_182 = vector.broadcast %slice3A_181 : vector<128x1xi32> to vector<128x56xi32>
    %eq3A_183 = arith.cmpi eq, %get3A_1, %eq3A_182 : vector<128x56xi32>
    %lt3A_184 = arith.constant 23 : i32
    %lt3A_185 = vector.broadcast %lt3A_184 : i32 to vector<128x56xi32>
    %lt3A_186 = arith.cmpi slt, %iota3A, %lt3A_185 : vector<128x56xi32>
    %and3A_187 = arith.andi %eq3A_183, %lt3A_186 : vector<128x56xi1>
    %or3A_188 = arith.ori %or3A_180, %and3A_187 : vector<128x56xi1>
    %slice3A_189 = vector.extract_strided_slice %get3A_1 {offsets = [0, 24], sizes = [128, 1], strides = [1, 1]} : vector<128x56xi32> to vector<128x1xi32>
    %eq3A_190 = vector.broadcast %slice3A_189 : vector<128x1xi32> to vector<128x56xi32>
    %eq3A_191 = arith.cmpi eq, %get3A_1, %eq3A_190 : vector<128x56xi32>
    %lt3A_192 = arith.constant 24 : i32
    %lt3A_193 = vector.broadcast %lt3A_192 : i32 to vector<128x56xi32>
    %lt3A_194 = arith.cmpi slt, %iota3A, %lt3A_193 : vector<128x56xi32>
    %and3A_195 = arith.andi %eq3A_191, %lt3A_194 : vector<128x56xi1>
    %or3A_196 = arith.ori %or3A_188, %and3A_195 : vector<128x56xi1>
    %slice3A_197 = vector.extract_strided_slice %get3A_1 {offsets = [0, 25], sizes = [128, 1], strides = [1, 1]} : vector<128x56xi32> to vector<128x1xi32>
    %eq3A_198 = vector.broadcast %slice3A_197 : vector<128x1xi32> to vector<128x56xi32>
    %eq3A_199 = arith.cmpi eq, %get3A_1, %eq3A_198 : vector<128x56xi32>
    %lt3A_200 = arith.constant 25 : i32
    %lt3A_201 = vector.broadcast %lt3A_200 : i32 to vector<128x56xi32>
    %lt3A_202 = arith.cmpi slt, %iota3A, %lt3A_201 : vector<128x56xi32>
    %and3A_203 = arith.andi %eq3A_199, %lt3A_202 : vector<128x56xi1>
    %or3A_204 = arith.ori %or3A_196, %and3A_203 : vector<128x56xi1>
    %slice3A_205 = vector.extract_strided_slice %get3A_1 {offsets = [0, 26], sizes = [128, 1], strides = [1, 1]} : vector<128x56xi32> to vector<128x1xi32>
    %eq3A_206 = vector.broadcast %slice3A_205 : vector<128x1xi32> to vector<128x56xi32>
    %eq3A_207 = arith.cmpi eq, %get3A_1, %eq3A_206 : vector<128x56xi32>
    %lt3A_208 = arith.constant 26 : i32
    %lt3A_209 = vector.broadcast %lt3A_208 : i32 to vector<128x56xi32>
    %lt3A_210 = arith.cmpi slt, %iota3A, %lt3A_209 : vector<128x56xi32>
    %and3A_211 = arith.andi %eq3A_207, %lt3A_210 : vector<128x56xi1>
    %or3A_212 = arith.ori %or3A_204, %and3A_211 : vector<128x56xi1>
    %slice3A_213 = vector.extract_strided_slice %get3A_1 {offsets = [0, 27], sizes = [128, 1], strides = [1, 1]} : vector<128x56xi32> to vector<128x1xi32>
    %eq3A_214 = vector.broadcast %slice3A_213 : vector<128x1xi32> to vector<128x56xi32>
    %eq3A_215 = arith.cmpi eq, %get3A_1, %eq3A_214 : vector<128x56xi32>
    %lt3A_216 = arith.constant 27 : i32
    %lt3A_217 = vector.broadcast %lt3A_216 : i32 to vector<128x56xi32>
    %lt3A_218 = arith.cmpi slt, %iota3A, %lt3A_217 : vector<128x56xi32>
    %and3A_219 = arith.andi %eq3A_215, %lt3A_218 : vector<128x56xi1>
    %or3A_220 = arith.ori %or3A_212, %and3A_219 : vector<128x56xi1>
    %slice3A_221 = vector.extract_strided_slice %get3A_1 {offsets = [0, 28], sizes = [128, 1], strides = [1, 1]} : vector<128x56xi32> to vector<128x1xi32>
    %eq3A_222 = vector.broadcast %slice3A_221 : vector<128x1xi32> to vector<128x56xi32>
    %eq3A_223 = arith.cmpi eq, %get3A_1, %eq3A_222 : vector<128x56xi32>
    %lt3A_224 = arith.constant 28 : i32
    %lt3A_225 = vector.broadcast %lt3A_224 : i32 to vector<128x56xi32>
    %lt3A_226 = arith.cmpi slt, %iota3A, %lt3A_225 : vector<128x56xi32>
    %and3A_227 = arith.andi %eq3A_223, %lt3A_226 : vector<128x56xi1>
    %or3A_228 = arith.ori %or3A_220, %and3A_227 : vector<128x56xi1>
    %slice3A_229 = vector.extract_strided_slice %get3A_1 {offsets = [0, 29], sizes = [128, 1], strides = [1, 1]} : vector<128x56xi32> to vector<128x1xi32>
    %eq3A_230 = vector.broadcast %slice3A_229 : vector<128x1xi32> to vector<128x56xi32>
    %eq3A_231 = arith.cmpi eq, %get3A_1, %eq3A_230 : vector<128x56xi32>
    %lt3A_232 = arith.constant 29 : i32
    %lt3A_233 = vector.broadcast %lt3A_232 : i32 to vector<128x56xi32>
    %lt3A_234 = arith.cmpi slt, %iota3A, %lt3A_233 : vector<128x56xi32>
    %and3A_235 = arith.andi %eq3A_231, %lt3A_234 : vector<128x56xi1>
    %or3A_236 = arith.ori %or3A_228, %and3A_235 : vector<128x56xi1>
    %slice3A_237 = vector.extract_strided_slice %get3A_1 {offsets = [0, 30], sizes = [128, 1], strides = [1, 1]} : vector<128x56xi32> to vector<128x1xi32>
    %eq3A_238 = vector.broadcast %slice3A_237 : vector<128x1xi32> to vector<128x56xi32>
    %eq3A_239 = arith.cmpi eq, %get3A_1, %eq3A_238 : vector<128x56xi32>
    %lt3A_240 = arith.constant 30 : i32
    %lt3A_241 = vector.broadcast %lt3A_240 : i32 to vector<128x56xi32>
    %lt3A_242 = arith.cmpi slt, %iota3A, %lt3A_241 : vector<128x56xi32>
    %and3A_243 = arith.andi %eq3A_239, %lt3A_242 : vector<128x56xi1>
    %or3A_244 = arith.ori %or3A_236, %and3A_243 : vector<128x56xi1>
    %slice3A_245 = vector.extract_strided_slice %get3A_1 {offsets = [0, 31], sizes = [128, 1], strides = [1, 1]} : vector<128x56xi32> to vector<128x1xi32>
    %eq3A_246 = vector.broadcast %slice3A_245 : vector<128x1xi32> to vector<128x56xi32>
    %eq3A_247 = arith.cmpi eq, %get3A_1, %eq3A_246 : vector<128x56xi32>
    %lt3A_248 = arith.constant 31 : i32
    %lt3A_249 = vector.broadcast %lt3A_248 : i32 to vector<128x56xi32>
    %lt3A_250 = arith.cmpi slt, %iota3A, %lt3A_249 : vector<128x56xi32>
    %and3A_251 = arith.andi %eq3A_247, %lt3A_250 : vector<128x56xi1>
    %or3A_252 = arith.ori %or3A_244, %and3A_251 : vector<128x56xi1>
    %slice3A_253 = vector.extract_strided_slice %get3A_1 {offsets = [0, 32], sizes = [128, 1], strides = [1, 1]} : vector<128x56xi32> to vector<128x1xi32>
    %eq3A_254 = vector.broadcast %slice3A_253 : vector<128x1xi32> to vector<128x56xi32>
    %eq3A_255 = arith.cmpi eq, %get3A_1, %eq3A_254 : vector<128x56xi32>
    %lt3A_256 = arith.constant 32 : i32
    %lt3A_257 = vector.broadcast %lt3A_256 : i32 to vector<128x56xi32>
    %lt3A_258 = arith.cmpi slt, %iota3A, %lt3A_257 : vector<128x56xi32>
    %and3A_259 = arith.andi %eq3A_255, %lt3A_258 : vector<128x56xi1>
    %or3A_260 = arith.ori %or3A_252, %and3A_259 : vector<128x56xi1>
    %slice3A_261 = vector.extract_strided_slice %get3A_1 {offsets = [0, 33], sizes = [128, 1], strides = [1, 1]} : vector<128x56xi32> to vector<128x1xi32>
    %eq3A_262 = vector.broadcast %slice3A_261 : vector<128x1xi32> to vector<128x56xi32>
    %eq3A_263 = arith.cmpi eq, %get3A_1, %eq3A_262 : vector<128x56xi32>
    %lt3A_264 = arith.constant 33 : i32
    %lt3A_265 = vector.broadcast %lt3A_264 : i32 to vector<128x56xi32>
    %lt3A_266 = arith.cmpi slt, %iota3A, %lt3A_265 : vector<128x56xi32>
    %and3A_267 = arith.andi %eq3A_263, %lt3A_266 : vector<128x56xi1>
    %or3A_268 = arith.ori %or3A_260, %and3A_267 : vector<128x56xi1>
    %slice3A_269 = vector.extract_strided_slice %get3A_1 {offsets = [0, 34], sizes = [128, 1], strides = [1, 1]} : vector<128x56xi32> to vector<128x1xi32>
    %eq3A_270 = vector.broadcast %slice3A_269 : vector<128x1xi32> to vector<128x56xi32>
    %eq3A_271 = arith.cmpi eq, %get3A_1, %eq3A_270 : vector<128x56xi32>
    %lt3A_272 = arith.constant 34 : i32
    %lt3A_273 = vector.broadcast %lt3A_272 : i32 to vector<128x56xi32>
    %lt3A_274 = arith.cmpi slt, %iota3A, %lt3A_273 : vector<128x56xi32>
    %and3A_275 = arith.andi %eq3A_271, %lt3A_274 : vector<128x56xi1>
    %or3A_276 = arith.ori %or3A_268, %and3A_275 : vector<128x56xi1>
    %slice3A_277 = vector.extract_strided_slice %get3A_1 {offsets = [0, 35], sizes = [128, 1], strides = [1, 1]} : vector<128x56xi32> to vector<128x1xi32>
    %eq3A_278 = vector.broadcast %slice3A_277 : vector<128x1xi32> to vector<128x56xi32>
    %eq3A_279 = arith.cmpi eq, %get3A_1, %eq3A_278 : vector<128x56xi32>
    %lt3A_280 = arith.constant 35 : i32
    %lt3A_281 = vector.broadcast %lt3A_280 : i32 to vector<128x56xi32>
    %lt3A_282 = arith.cmpi slt, %iota3A, %lt3A_281 : vector<128x56xi32>
    %and3A_283 = arith.andi %eq3A_279, %lt3A_282 : vector<128x56xi1>
    %or3A_284 = arith.ori %or3A_276, %and3A_283 : vector<128x56xi1>
    %slice3A_285 = vector.extract_strided_slice %get3A_1 {offsets = [0, 36], sizes = [128, 1], strides = [1, 1]} : vector<128x56xi32> to vector<128x1xi32>
    %eq3A_286 = vector.broadcast %slice3A_285 : vector<128x1xi32> to vector<128x56xi32>
    %eq3A_287 = arith.cmpi eq, %get3A_1, %eq3A_286 : vector<128x56xi32>
    %lt3A_288 = arith.constant 36 : i32
    %lt3A_289 = vector.broadcast %lt3A_288 : i32 to vector<128x56xi32>
    %lt3A_290 = arith.cmpi slt, %iota3A, %lt3A_289 : vector<128x56xi32>
    %and3A_291 = arith.andi %eq3A_287, %lt3A_290 : vector<128x56xi1>
    %or3A_292 = arith.ori %or3A_284, %and3A_291 : vector<128x56xi1>
    %slice3A_293 = vector.extract_strided_slice %get3A_1 {offsets = [0, 37], sizes = [128, 1], strides = [1, 1]} : vector<128x56xi32> to vector<128x1xi32>
    %eq3A_294 = vector.broadcast %slice3A_293 : vector<128x1xi32> to vector<128x56xi32>
    %eq3A_295 = arith.cmpi eq, %get3A_1, %eq3A_294 : vector<128x56xi32>
    %lt3A_296 = arith.constant 37 : i32
    %lt3A_297 = vector.broadcast %lt3A_296 : i32 to vector<128x56xi32>
    %lt3A_298 = arith.cmpi slt, %iota3A, %lt3A_297 : vector<128x56xi32>
    %and3A_299 = arith.andi %eq3A_295, %lt3A_298 : vector<128x56xi1>
    %or3A_300 = arith.ori %or3A_292, %and3A_299 : vector<128x56xi1>
    %slice3A_301 = vector.extract_strided_slice %get3A_1 {offsets = [0, 38], sizes = [128, 1], strides = [1, 1]} : vector<128x56xi32> to vector<128x1xi32>
    %eq3A_302 = vector.broadcast %slice3A_301 : vector<128x1xi32> to vector<128x56xi32>
    %eq3A_303 = arith.cmpi eq, %get3A_1, %eq3A_302 : vector<128x56xi32>
    %lt3A_304 = arith.constant 38 : i32
    %lt3A_305 = vector.broadcast %lt3A_304 : i32 to vector<128x56xi32>
    %lt3A_306 = arith.cmpi slt, %iota3A, %lt3A_305 : vector<128x56xi32>
    %and3A_307 = arith.andi %eq3A_303, %lt3A_306 : vector<128x56xi1>
    %or3A_308 = arith.ori %or3A_300, %and3A_307 : vector<128x56xi1>
    %slice3A_309 = vector.extract_strided_slice %get3A_1 {offsets = [0, 39], sizes = [128, 1], strides = [1, 1]} : vector<128x56xi32> to vector<128x1xi32>
    %eq3A_310 = vector.broadcast %slice3A_309 : vector<128x1xi32> to vector<128x56xi32>
    %eq3A_311 = arith.cmpi eq, %get3A_1, %eq3A_310 : vector<128x56xi32>
    %lt3A_312 = arith.constant 39 : i32
    %lt3A_313 = vector.broadcast %lt3A_312 : i32 to vector<128x56xi32>
    %lt3A_314 = arith.cmpi slt, %iota3A, %lt3A_313 : vector<128x56xi32>
    %and3A_315 = arith.andi %eq3A_311, %lt3A_314 : vector<128x56xi1>
    %or3A_316 = arith.ori %or3A_308, %and3A_315 : vector<128x56xi1>
    %slice3A_317 = vector.extract_strided_slice %get3A_1 {offsets = [0, 40], sizes = [128, 1], strides = [1, 1]} : vector<128x56xi32> to vector<128x1xi32>
    %eq3A_318 = vector.broadcast %slice3A_317 : vector<128x1xi32> to vector<128x56xi32>
    %eq3A_319 = arith.cmpi eq, %get3A_1, %eq3A_318 : vector<128x56xi32>
    %lt3A_320 = arith.constant 40 : i32
    %lt3A_321 = vector.broadcast %lt3A_320 : i32 to vector<128x56xi32>
    %lt3A_322 = arith.cmpi slt, %iota3A, %lt3A_321 : vector<128x56xi32>
    %and3A_323 = arith.andi %eq3A_319, %lt3A_322 : vector<128x56xi1>
    %or3A_324 = arith.ori %or3A_316, %and3A_323 : vector<128x56xi1>
    %slice3A_325 = vector.extract_strided_slice %get3A_1 {offsets = [0, 41], sizes = [128, 1], strides = [1, 1]} : vector<128x56xi32> to vector<128x1xi32>
    %eq3A_326 = vector.broadcast %slice3A_325 : vector<128x1xi32> to vector<128x56xi32>
    %eq3A_327 = arith.cmpi eq, %get3A_1, %eq3A_326 : vector<128x56xi32>
    %lt3A_328 = arith.constant 41 : i32
    %lt3A_329 = vector.broadcast %lt3A_328 : i32 to vector<128x56xi32>
    %lt3A_330 = arith.cmpi slt, %iota3A, %lt3A_329 : vector<128x56xi32>
    %and3A_331 = arith.andi %eq3A_327, %lt3A_330 : vector<128x56xi1>
    %or3A_332 = arith.ori %or3A_324, %and3A_331 : vector<128x56xi1>
    %slice3A_333 = vector.extract_strided_slice %get3A_1 {offsets = [0, 42], sizes = [128, 1], strides = [1, 1]} : vector<128x56xi32> to vector<128x1xi32>
    %eq3A_334 = vector.broadcast %slice3A_333 : vector<128x1xi32> to vector<128x56xi32>
    %eq3A_335 = arith.cmpi eq, %get3A_1, %eq3A_334 : vector<128x56xi32>
    %lt3A_336 = arith.constant 42 : i32
    %lt3A_337 = vector.broadcast %lt3A_336 : i32 to vector<128x56xi32>
    %lt3A_338 = arith.cmpi slt, %iota3A, %lt3A_337 : vector<128x56xi32>
    %and3A_339 = arith.andi %eq3A_335, %lt3A_338 : vector<128x56xi1>
    %or3A_340 = arith.ori %or3A_332, %and3A_339 : vector<128x56xi1>
    %slice3A_341 = vector.extract_strided_slice %get3A_1 {offsets = [0, 43], sizes = [128, 1], strides = [1, 1]} : vector<128x56xi32> to vector<128x1xi32>
    %eq3A_342 = vector.broadcast %slice3A_341 : vector<128x1xi32> to vector<128x56xi32>
    %eq3A_343 = arith.cmpi eq, %get3A_1, %eq3A_342 : vector<128x56xi32>
    %lt3A_344 = arith.constant 43 : i32
    %lt3A_345 = vector.broadcast %lt3A_344 : i32 to vector<128x56xi32>
    %lt3A_346 = arith.cmpi slt, %iota3A, %lt3A_345 : vector<128x56xi32>
    %and3A_347 = arith.andi %eq3A_343, %lt3A_346 : vector<128x56xi1>
    %or3A_348 = arith.ori %or3A_340, %and3A_347 : vector<128x56xi1>
    %slice3A_349 = vector.extract_strided_slice %get3A_1 {offsets = [0, 44], sizes = [128, 1], strides = [1, 1]} : vector<128x56xi32> to vector<128x1xi32>
    %eq3A_350 = vector.broadcast %slice3A_349 : vector<128x1xi32> to vector<128x56xi32>
    %eq3A_351 = arith.cmpi eq, %get3A_1, %eq3A_350 : vector<128x56xi32>
    %lt3A_352 = arith.constant 44 : i32
    %lt3A_353 = vector.broadcast %lt3A_352 : i32 to vector<128x56xi32>
    %lt3A_354 = arith.cmpi slt, %iota3A, %lt3A_353 : vector<128x56xi32>
    %and3A_355 = arith.andi %eq3A_351, %lt3A_354 : vector<128x56xi1>
    %or3A_356 = arith.ori %or3A_348, %and3A_355 : vector<128x56xi1>
    %slice3A_357 = vector.extract_strided_slice %get3A_1 {offsets = [0, 45], sizes = [128, 1], strides = [1, 1]} : vector<128x56xi32> to vector<128x1xi32>
    %eq3A_358 = vector.broadcast %slice3A_357 : vector<128x1xi32> to vector<128x56xi32>
    %eq3A_359 = arith.cmpi eq, %get3A_1, %eq3A_358 : vector<128x56xi32>
    %lt3A_360 = arith.constant 45 : i32
    %lt3A_361 = vector.broadcast %lt3A_360 : i32 to vector<128x56xi32>
    %lt3A_362 = arith.cmpi slt, %iota3A, %lt3A_361 : vector<128x56xi32>
    %and3A_363 = arith.andi %eq3A_359, %lt3A_362 : vector<128x56xi1>
    %or3A_364 = arith.ori %or3A_356, %and3A_363 : vector<128x56xi1>
    %slice3A_365 = vector.extract_strided_slice %get3A_1 {offsets = [0, 46], sizes = [128, 1], strides = [1, 1]} : vector<128x56xi32> to vector<128x1xi32>
    %eq3A_366 = vector.broadcast %slice3A_365 : vector<128x1xi32> to vector<128x56xi32>
    %eq3A_367 = arith.cmpi eq, %get3A_1, %eq3A_366 : vector<128x56xi32>
    %lt3A_368 = arith.constant 46 : i32
    %lt3A_369 = vector.broadcast %lt3A_368 : i32 to vector<128x56xi32>
    %lt3A_370 = arith.cmpi slt, %iota3A, %lt3A_369 : vector<128x56xi32>
    %and3A_371 = arith.andi %eq3A_367, %lt3A_370 : vector<128x56xi1>
    %or3A_372 = arith.ori %or3A_364, %and3A_371 : vector<128x56xi1>
    %slice3A_373 = vector.extract_strided_slice %get3A_1 {offsets = [0, 47], sizes = [128, 1], strides = [1, 1]} : vector<128x56xi32> to vector<128x1xi32>
    %eq3A_374 = vector.broadcast %slice3A_373 : vector<128x1xi32> to vector<128x56xi32>
    %eq3A_375 = arith.cmpi eq, %get3A_1, %eq3A_374 : vector<128x56xi32>
    %lt3A_376 = arith.constant 47 : i32
    %lt3A_377 = vector.broadcast %lt3A_376 : i32 to vector<128x56xi32>
    %lt3A_378 = arith.cmpi slt, %iota3A, %lt3A_377 : vector<128x56xi32>
    %and3A_379 = arith.andi %eq3A_375, %lt3A_378 : vector<128x56xi1>
    %or3A_380 = arith.ori %or3A_372, %and3A_379 : vector<128x56xi1>
    %slice3A_381 = vector.extract_strided_slice %get3A_1 {offsets = [0, 48], sizes = [128, 1], strides = [1, 1]} : vector<128x56xi32> to vector<128x1xi32>
    %eq3A_382 = vector.broadcast %slice3A_381 : vector<128x1xi32> to vector<128x56xi32>
    %eq3A_383 = arith.cmpi eq, %get3A_1, %eq3A_382 : vector<128x56xi32>
    %lt3A_384 = arith.constant 48 : i32
    %lt3A_385 = vector.broadcast %lt3A_384 : i32 to vector<128x56xi32>
    %lt3A_386 = arith.cmpi slt, %iota3A, %lt3A_385 : vector<128x56xi32>
    %and3A_387 = arith.andi %eq3A_383, %lt3A_386 : vector<128x56xi1>
    %or3A_388 = arith.ori %or3A_380, %and3A_387 : vector<128x56xi1>
    %slice3A_389 = vector.extract_strided_slice %get3A_1 {offsets = [0, 49], sizes = [128, 1], strides = [1, 1]} : vector<128x56xi32> to vector<128x1xi32>
    %eq3A_390 = vector.broadcast %slice3A_389 : vector<128x1xi32> to vector<128x56xi32>
    %eq3A_391 = arith.cmpi eq, %get3A_1, %eq3A_390 : vector<128x56xi32>
    %lt3A_392 = arith.constant 49 : i32
    %lt3A_393 = vector.broadcast %lt3A_392 : i32 to vector<128x56xi32>
    %lt3A_394 = arith.cmpi slt, %iota3A, %lt3A_393 : vector<128x56xi32>
    %and3A_395 = arith.andi %eq3A_391, %lt3A_394 : vector<128x56xi1>
    %or3A_396 = arith.ori %or3A_388, %and3A_395 : vector<128x56xi1>
    %jit3A = arith.constant 0.000000e+00 : f32
    %broadcast_in_dim3A_397 = vector.broadcast %jit3A : f32 to vector<128x56xf32>
    %select_n3A = arith.select %or3A_396, %broadcast_in_dim3A_397, %get3A_4 : vector<128x56xi1>, vector<128x56xf32>
    %broadcast_in_dim3A_398 = vector.shape_cast %select_n3A : vector<128x56xf32> to vector<128x56x1xf32>
    %mul3A = vector.broadcast %broadcast_in_dim3A_398 : vector<128x56x1xf32> to vector<128x56x64xf32>
    %mul3A_399 = arith.mulf %mul3A, %get3A_8 : vector<128x56x64xf32>
    %reduce_sum3A = arith.constant dense<0.000000e+00> : vector<128x64xf32>
    %reduce_sum3A_400 = vector.multi_reduction <add>, %mul3A_399, %reduce_sum3A [1] : vector<128x56x64xf32> to vector<128x64xf32>
    %get3A_401 = arith.constant 0 : index
    %get3A_402 = arith.constant 0 : index
    %get3A_403 = vector.load %arg4[%get3A_401, %get3A_402] : memref<128x56xi32, #tpu.memory_space<vmem>>, vector<128x56xi32>
    %get3A_404 = arith.constant 0 : index
    %get3A_405 = arith.constant 0 : index
    %get3A_406 = vector.load %arg5[%get3A_404, %get3A_405] : memref<128x56xf32, #tpu.memory_space<vmem>>, vector<128x56xf32>
    %get3A_407 = arith.constant 0 : index
    %get3A_408 = arith.constant 0 : index
    %get3A_409 = arith.constant 0 : index
    %get3A_410 = vector.load %arg6[%get3A_407, %get3A_408, %get3A_409] : memref<128x56x64xf32, #tpu.memory_space<vmem>>, vector<128x56x64xf32>
    %broadcast_in_dim3A_411 = arith.constant false
    %broadcast_in_dim3A_412 = vector.broadcast %broadcast_in_dim3A_411 : i1 to vector<128x56xi1>
    %iota3A_413 = tpu.iota {dimensions = array<i32: 1>} : vector<128x56xi32>
    %slice3A_414 = vector.extract_strided_slice %get3A_403 {offsets = [0, 1], sizes = [128, 1], strides = [1, 1]} : vector<128x56xi32> to vector<128x1xi32>
    %eq3A_415 = vector.broadcast %slice3A_414 : vector<128x1xi32> to vector<128x56xi32>
    %eq3A_416 = arith.cmpi eq, %get3A_403, %eq3A_415 : vector<128x56xi32>
    %lt3A_417 = arith.constant 1 : i32
    %lt3A_418 = vector.broadcast %lt3A_417 : i32 to vector<128x56xi32>
    %lt3A_419 = arith.cmpi slt, %iota3A_413, %lt3A_418 : vector<128x56xi32>
    %and3A_420 = arith.andi %eq3A_416, %lt3A_419 : vector<128x56xi1>
    %or3A_421 = arith.ori %broadcast_in_dim3A_412, %and3A_420 : vector<128x56xi1>
    %slice3A_422 = vector.extract_strided_slice %get3A_403 {offsets = [0, 2], sizes = [128, 1], strides = [1, 1]} : vector<128x56xi32> to vector<128x1xi32>
    %eq3A_423 = vector.broadcast %slice3A_422 : vector<128x1xi32> to vector<128x56xi32>
    %eq3A_424 = arith.cmpi eq, %get3A_403, %eq3A_423 : vector<128x56xi32>
    %lt3A_425 = arith.constant 2 : i32
    %lt3A_426 = vector.broadcast %lt3A_425 : i32 to vector<128x56xi32>
    %lt3A_427 = arith.cmpi slt, %iota3A_413, %lt3A_426 : vector<128x56xi32>
    %and3A_428 = arith.andi %eq3A_424, %lt3A_427 : vector<128x56xi1>
    %or3A_429 = arith.ori %or3A_421, %and3A_428 : vector<128x56xi1>
    %slice3A_430 = vector.extract_strided_slice %get3A_403 {offsets = [0, 3], sizes = [128, 1], strides = [1, 1]} : vector<128x56xi32> to vector<128x1xi32>
    %eq3A_431 = vector.broadcast %slice3A_430 : vector<128x1xi32> to vector<128x56xi32>
    %eq3A_432 = arith.cmpi eq, %get3A_403, %eq3A_431 : vector<128x56xi32>
    %lt3A_433 = arith.constant 3 : i32
    %lt3A_434 = vector.broadcast %lt3A_433 : i32 to vector<128x56xi32>
    %lt3A_435 = arith.cmpi slt, %iota3A_413, %lt3A_434 : vector<128x56xi32>
    %and3A_436 = arith.andi %eq3A_432, %lt3A_435 : vector<128x56xi1>
    %or3A_437 = arith.ori %or3A_429, %and3A_436 : vector<128x56xi1>
    %slice3A_438 = vector.extract_strided_slice %get3A_403 {offsets = [0, 4], sizes = [128, 1], strides = [1, 1]} : vector<128x56xi32> to vector<128x1xi32>
    %eq3A_439 = vector.broadcast %slice3A_438 : vector<128x1xi32> to vector<128x56xi32>
    %eq3A_440 = arith.cmpi eq, %get3A_403, %eq3A_439 : vector<128x56xi32>
    %lt3A_441 = arith.constant 4 : i32
    %lt3A_442 = vector.broadcast %lt3A_441 : i32 to vector<128x56xi32>
    %lt3A_443 = arith.cmpi slt, %iota3A_413, %lt3A_442 : vector<128x56xi32>
    %and3A_444 = arith.andi %eq3A_440, %lt3A_443 : vector<128x56xi1>
    %or3A_445 = arith.ori %or3A_437, %and3A_444 : vector<128x56xi1>
    %slice3A_446 = vector.extract_strided_slice %get3A_403 {offsets = [0, 5], sizes = [128, 1], strides = [1, 1]} : vector<128x56xi32> to vector<128x1xi32>
    %eq3A_447 = vector.broadcast %slice3A_446 : vector<128x1xi32> to vector<128x56xi32>
    %eq3A_448 = arith.cmpi eq, %get3A_403, %eq3A_447 : vector<128x56xi32>
    %lt3A_449 = arith.constant 5 : i32
    %lt3A_450 = vector.broadcast %lt3A_449 : i32 to vector<128x56xi32>
    %lt3A_451 = arith.cmpi slt, %iota3A_413, %lt3A_450 : vector<128x56xi32>
    %and3A_452 = arith.andi %eq3A_448, %lt3A_451 : vector<128x56xi1>
    %or3A_453 = arith.ori %or3A_445, %and3A_452 : vector<128x56xi1>
    %slice3A_454 = vector.extract_strided_slice %get3A_403 {offsets = [0, 6], sizes = [128, 1], strides = [1, 1]} : vector<128x56xi32> to vector<128x1xi32>
    %eq3A_455 = vector.broadcast %slice3A_454 : vector<128x1xi32> to vector<128x56xi32>
    %eq3A_456 = arith.cmpi eq, %get3A_403, %eq3A_455 : vector<128x56xi32>
    %lt3A_457 = arith.constant 6 : i32
    %lt3A_458 = vector.broadcast %lt3A_457 : i32 to vector<128x56xi32>
    %lt3A_459 = arith.cmpi slt, %iota3A_413, %lt3A_458 : vector<128x56xi32>
    %and3A_460 = arith.andi %eq3A_456, %lt3A_459 : vector<128x56xi1>
    %or3A_461 = arith.ori %or3A_453, %and3A_460 : vector<128x56xi1>
    %slice3A_462 = vector.extract_strided_slice %get3A_403 {offsets = [0, 7], sizes = [128, 1], strides = [1, 1]} : vector<128x56xi32> to vector<128x1xi32>
    %eq3A_463 = vector.broadcast %slice3A_462 : vector<128x1xi32> to vector<128x56xi32>
    %eq3A_464 = arith.cmpi eq, %get3A_403, %eq3A_463 : vector<128x56xi32>
    %lt3A_465 = arith.constant 7 : i32
    %lt3A_466 = vector.broadcast %lt3A_465 : i32 to vector<128x56xi32>
    %lt3A_467 = arith.cmpi slt, %iota3A_413, %lt3A_466 : vector<128x56xi32>
    %and3A_468 = arith.andi %eq3A_464, %lt3A_467 : vector<128x56xi1>
    %or3A_469 = arith.ori %or3A_461, %and3A_468 : vector<128x56xi1>
    %slice3A_470 = vector.extract_strided_slice %get3A_403 {offsets = [0, 8], sizes = [128, 1], strides = [1, 1]} : vector<128x56xi32> to vector<128x1xi32>
    %eq3A_471 = vector.broadcast %slice3A_470 : vector<128x1xi32> to vector<128x56xi32>
    %eq3A_472 = arith.cmpi eq, %get3A_403, %eq3A_471 : vector<128x56xi32>
    %lt3A_473 = arith.constant 8 : i32
    %lt3A_474 = vector.broadcast %lt3A_473 : i32 to vector<128x56xi32>
    %lt3A_475 = arith.cmpi slt, %iota3A_413, %lt3A_474 : vector<128x56xi32>
    %and3A_476 = arith.andi %eq3A_472, %lt3A_475 : vector<128x56xi1>
    %or3A_477 = arith.ori %or3A_469, %and3A_476 : vector<128x56xi1>
    %slice3A_478 = vector.extract_strided_slice %get3A_403 {offsets = [0, 9], sizes = [128, 1], strides = [1, 1]} : vector<128x56xi32> to vector<128x1xi32>
    %eq3A_479 = vector.broadcast %slice3A_478 : vector<128x1xi32> to vector<128x56xi32>
    %eq3A_480 = arith.cmpi eq, %get3A_403, %eq3A_479 : vector<128x56xi32>
    %lt3A_481 = arith.constant 9 : i32
    %lt3A_482 = vector.broadcast %lt3A_481 : i32 to vector<128x56xi32>
    %lt3A_483 = arith.cmpi slt, %iota3A_413, %lt3A_482 : vector<128x56xi32>
    %and3A_484 = arith.andi %eq3A_480, %lt3A_483 : vector<128x56xi1>
    %or3A_485 = arith.ori %or3A_477, %and3A_484 : vector<128x56xi1>
    %slice3A_486 = vector.extract_strided_slice %get3A_403 {offsets = [0, 10], sizes = [128, 1], strides = [1, 1]} : vector<128x56xi32> to vector<128x1xi32>
    %eq3A_487 = vector.broadcast %slice3A_486 : vector<128x1xi32> to vector<128x56xi32>
    %eq3A_488 = arith.cmpi eq, %get3A_403, %eq3A_487 : vector<128x56xi32>
    %lt3A_489 = arith.constant 10 : i32
    %lt3A_490 = vector.broadcast %lt3A_489 : i32 to vector<128x56xi32>
    %lt3A_491 = arith.cmpi slt, %iota3A_413, %lt3A_490 : vector<128x56xi32>
    %and3A_492 = arith.andi %eq3A_488, %lt3A_491 : vector<128x56xi1>
    %or3A_493 = arith.ori %or3A_485, %and3A_492 : vector<128x56xi1>
    %slice3A_494 = vector.extract_strided_slice %get3A_403 {offsets = [0, 11], sizes = [128, 1], strides = [1, 1]} : vector<128x56xi32> to vector<128x1xi32>
    %eq3A_495 = vector.broadcast %slice3A_494 : vector<128x1xi32> to vector<128x56xi32>
    %eq3A_496 = arith.cmpi eq, %get3A_403, %eq3A_495 : vector<128x56xi32>
    %lt3A_497 = arith.constant 11 : i32
    %lt3A_498 = vector.broadcast %lt3A_497 : i32 to vector<128x56xi32>
    %lt3A_499 = arith.cmpi slt, %iota3A_413, %lt3A_498 : vector<128x56xi32>
    %and3A_500 = arith.andi %eq3A_496, %lt3A_499 : vector<128x56xi1>
    %or3A_501 = arith.ori %or3A_493, %and3A_500 : vector<128x56xi1>
    %slice3A_502 = vector.extract_strided_slice %get3A_403 {offsets = [0, 12], sizes = [128, 1], strides = [1, 1]} : vector<128x56xi32> to vector<128x1xi32>
    %eq3A_503 = vector.broadcast %slice3A_502 : vector<128x1xi32> to vector<128x56xi32>
    %eq3A_504 = arith.cmpi eq, %get3A_403, %eq3A_503 : vector<128x56xi32>
    %lt3A_505 = arith.constant 12 : i32
    %lt3A_506 = vector.broadcast %lt3A_505 : i32 to vector<128x56xi32>
    %lt3A_507 = arith.cmpi slt, %iota3A_413, %lt3A_506 : vector<128x56xi32>
    %and3A_508 = arith.andi %eq3A_504, %lt3A_507 : vector<128x56xi1>
    %or3A_509 = arith.ori %or3A_501, %and3A_508 : vector<128x56xi1>
    %slice3A_510 = vector.extract_strided_slice %get3A_403 {offsets = [0, 13], sizes = [128, 1], strides = [1, 1]} : vector<128x56xi32> to vector<128x1xi32>
    %eq3A_511 = vector.broadcast %slice3A_510 : vector<128x1xi32> to vector<128x56xi32>
    %eq3A_512 = arith.cmpi eq, %get3A_403, %eq3A_511 : vector<128x56xi32>
    %lt3A_513 = arith.constant 13 : i32
    %lt3A_514 = vector.broadcast %lt3A_513 : i32 to vector<128x56xi32>
    %lt3A_515 = arith.cmpi slt, %iota3A_413, %lt3A_514 : vector<128x56xi32>
    %and3A_516 = arith.andi %eq3A_512, %lt3A_515 : vector<128x56xi1>
    %or3A_517 = arith.ori %or3A_509, %and3A_516 : vector<128x56xi1>
    %slice3A_518 = vector.extract_strided_slice %get3A_403 {offsets = [0, 14], sizes = [128, 1], strides = [1, 1]} : vector<128x56xi32> to vector<128x1xi32>
    %eq3A_519 = vector.broadcast %slice3A_518 : vector<128x1xi32> to vector<128x56xi32>
    %eq3A_520 = arith.cmpi eq, %get3A_403, %eq3A_519 : vector<128x56xi32>
    %lt3A_521 = arith.constant 14 : i32
    %lt3A_522 = vector.broadcast %lt3A_521 : i32 to vector<128x56xi32>
    %lt3A_523 = arith.cmpi slt, %iota3A_413, %lt3A_522 : vector<128x56xi32>
    %and3A_524 = arith.andi %eq3A_520, %lt3A_523 : vector<128x56xi1>
    %or3A_525 = arith.ori %or3A_517, %and3A_524 : vector<128x56xi1>
    %slice3A_526 = vector.extract_strided_slice %get3A_403 {offsets = [0, 15], sizes = [128, 1], strides = [1, 1]} : vector<128x56xi32> to vector<128x1xi32>
    %eq3A_527 = vector.broadcast %slice3A_526 : vector<128x1xi32> to vector<128x56xi32>
    %eq3A_528 = arith.cmpi eq, %get3A_403, %eq3A_527 : vector<128x56xi32>
    %lt3A_529 = arith.constant 15 : i32
    %lt3A_530 = vector.broadcast %lt3A_529 : i32 to vector<128x56xi32>
    %lt3A_531 = arith.cmpi slt, %iota3A_413, %lt3A_530 : vector<128x56xi32>
    %and3A_532 = arith.andi %eq3A_528, %lt3A_531 : vector<128x56xi1>
    %or3A_533 = arith.ori %or3A_525, %and3A_532 : vector<128x56xi1>
    %slice3A_534 = vector.extract_strided_slice %get3A_403 {offsets = [0, 16], sizes = [128, 1], strides = [1, 1]} : vector<128x56xi32> to vector<128x1xi32>
    %eq3A_535 = vector.broadcast %slice3A_534 : vector<128x1xi32> to vector<128x56xi32>
    %eq3A_536 = arith.cmpi eq, %get3A_403, %eq3A_535 : vector<128x56xi32>
    %lt3A_537 = arith.constant 16 : i32
    %lt3A_538 = vector.broadcast %lt3A_537 : i32 to vector<128x56xi32>
    %lt3A_539 = arith.cmpi slt, %iota3A_413, %lt3A_538 : vector<128x56xi32>
    %and3A_540 = arith.andi %eq3A_536, %lt3A_539 : vector<128x56xi1>
    %or3A_541 = arith.ori %or3A_533, %and3A_540 : vector<128x56xi1>
    %slice3A_542 = vector.extract_strided_slice %get3A_403 {offsets = [0, 17], sizes = [128, 1], strides = [1, 1]} : vector<128x56xi32> to vector<128x1xi32>
    %eq3A_543 = vector.broadcast %slice3A_542 : vector<128x1xi32> to vector<128x56xi32>
    %eq3A_544 = arith.cmpi eq, %get3A_403, %eq3A_543 : vector<128x56xi32>
    %lt3A_545 = arith.constant 17 : i32
    %lt3A_546 = vector.broadcast %lt3A_545 : i32 to vector<128x56xi32>
    %lt3A_547 = arith.cmpi slt, %iota3A_413, %lt3A_546 : vector<128x56xi32>
    %and3A_548 = arith.andi %eq3A_544, %lt3A_547 : vector<128x56xi1>
    %or3A_549 = arith.ori %or3A_541, %and3A_548 : vector<128x56xi1>
    %slice3A_550 = vector.extract_strided_slice %get3A_403 {offsets = [0, 18], sizes = [128, 1], strides = [1, 1]} : vector<128x56xi32> to vector<128x1xi32>
    %eq3A_551 = vector.broadcast %slice3A_550 : vector<128x1xi32> to vector<128x56xi32>
    %eq3A_552 = arith.cmpi eq, %get3A_403, %eq3A_551 : vector<128x56xi32>
    %lt3A_553 = arith.constant 18 : i32
    %lt3A_554 = vector.broadcast %lt3A_553 : i32 to vector<128x56xi32>
    %lt3A_555 = arith.cmpi slt, %iota3A_413, %lt3A_554 : vector<128x56xi32>
    %and3A_556 = arith.andi %eq3A_552, %lt3A_555 : vector<128x56xi1>
    %or3A_557 = arith.ori %or3A_549, %and3A_556 : vector<128x56xi1>
    %slice3A_558 = vector.extract_strided_slice %get3A_403 {offsets = [0, 19], sizes = [128, 1], strides = [1, 1]} : vector<128x56xi32> to vector<128x1xi32>
    %eq3A_559 = vector.broadcast %slice3A_558 : vector<128x1xi32> to vector<128x56xi32>
    %eq3A_560 = arith.cmpi eq, %get3A_403, %eq3A_559 : vector<128x56xi32>
    %lt3A_561 = arith.constant 19 : i32
    %lt3A_562 = vector.broadcast %lt3A_561 : i32 to vector<128x56xi32>
    %lt3A_563 = arith.cmpi slt, %iota3A_413, %lt3A_562 : vector<128x56xi32>
    %and3A_564 = arith.andi %eq3A_560, %lt3A_563 : vector<128x56xi1>
    %or3A_565 = arith.ori %or3A_557, %and3A_564 : vector<128x56xi1>
    %slice3A_566 = vector.extract_strided_slice %get3A_403 {offsets = [0, 20], sizes = [128, 1], strides = [1, 1]} : vector<128x56xi32> to vector<128x1xi32>
    %eq3A_567 = vector.broadcast %slice3A_566 : vector<128x1xi32> to vector<128x56xi32>
    %eq3A_568 = arith.cmpi eq, %get3A_403, %eq3A_567 : vector<128x56xi32>
    %lt3A_569 = arith.constant 20 : i32
    %lt3A_570 = vector.broadcast %lt3A_569 : i32 to vector<128x56xi32>
    %lt3A_571 = arith.cmpi slt, %iota3A_413, %lt3A_570 : vector<128x56xi32>
    %and3A_572 = arith.andi %eq3A_568, %lt3A_571 : vector<128x56xi1>
    %or3A_573 = arith.ori %or3A_565, %and3A_572 : vector<128x56xi1>
    %slice3A_574 = vector.extract_strided_slice %get3A_403 {offsets = [0, 21], sizes = [128, 1], strides = [1, 1]} : vector<128x56xi32> to vector<128x1xi32>
    %eq3A_575 = vector.broadcast %slice3A_574 : vector<128x1xi32> to vector<128x56xi32>
    %eq3A_576 = arith.cmpi eq, %get3A_403, %eq3A_575 : vector<128x56xi32>
    %lt3A_577 = arith.constant 21 : i32
    %lt3A_578 = vector.broadcast %lt3A_577 : i32 to vector<128x56xi32>
    %lt3A_579 = arith.cmpi slt, %iota3A_413, %lt3A_578 : vector<128x56xi32>
    %and3A_580 = arith.andi %eq3A_576, %lt3A_579 : vector<128x56xi1>
    %or3A_581 = arith.ori %or3A_573, %and3A_580 : vector<128x56xi1>
    %slice3A_582 = vector.extract_strided_slice %get3A_403 {offsets = [0, 22], sizes = [128, 1], strides = [1, 1]} : vector<128x56xi32> to vector<128x1xi32>
    %eq3A_583 = vector.broadcast %slice3A_582 : vector<128x1xi32> to vector<128x56xi32>
    %eq3A_584 = arith.cmpi eq, %get3A_403, %eq3A_583 : vector<128x56xi32>
    %lt3A_585 = arith.constant 22 : i32
    %lt3A_586 = vector.broadcast %lt3A_585 : i32 to vector<128x56xi32>
    %lt3A_587 = arith.cmpi slt, %iota3A_413, %lt3A_586 : vector<128x56xi32>
    %and3A_588 = arith.andi %eq3A_584, %lt3A_587 : vector<128x56xi1>
    %or3A_589 = arith.ori %or3A_581, %and3A_588 : vector<128x56xi1>
    %slice3A_590 = vector.extract_strided_slice %get3A_403 {offsets = [0, 23], sizes = [128, 1], strides = [1, 1]} : vector<128x56xi32> to vector<128x1xi32>
    %eq3A_591 = vector.broadcast %slice3A_590 : vector<128x1xi32> to vector<128x56xi32>
    %eq3A_592 = arith.cmpi eq, %get3A_403, %eq3A_591 : vector<128x56xi32>
    %lt3A_593 = arith.constant 23 : i32
    %lt3A_594 = vector.broadcast %lt3A_593 : i32 to vector<128x56xi32>
    %lt3A_595 = arith.cmpi slt, %iota3A_413, %lt3A_594 : vector<128x56xi32>
    %and3A_596 = arith.andi %eq3A_592, %lt3A_595 : vector<128x56xi1>
    %or3A_597 = arith.ori %or3A_589, %and3A_596 : vector<128x56xi1>
    %slice3A_598 = vector.extract_strided_slice %get3A_403 {offsets = [0, 24], sizes = [128, 1], strides = [1, 1]} : vector<128x56xi32> to vector<128x1xi32>
    %eq3A_599 = vector.broadcast %slice3A_598 : vector<128x1xi32> to vector<128x56xi32>
    %eq3A_600 = arith.cmpi eq, %get3A_403, %eq3A_599 : vector<128x56xi32>
    %lt3A_601 = arith.constant 24 : i32
    %lt3A_602 = vector.broadcast %lt3A_601 : i32 to vector<128x56xi32>
    %lt3A_603 = arith.cmpi slt, %iota3A_413, %lt3A_602 : vector<128x56xi32>
    %and3A_604 = arith.andi %eq3A_600, %lt3A_603 : vector<128x56xi1>
    %or3A_605 = arith.ori %or3A_597, %and3A_604 : vector<128x56xi1>
    %slice3A_606 = vector.extract_strided_slice %get3A_403 {offsets = [0, 25], sizes = [128, 1], strides = [1, 1]} : vector<128x56xi32> to vector<128x1xi32>
    %eq3A_607 = vector.broadcast %slice3A_606 : vector<128x1xi32> to vector<128x56xi32>
    %eq3A_608 = arith.cmpi eq, %get3A_403, %eq3A_607 : vector<128x56xi32>
    %lt3A_609 = arith.constant 25 : i32
    %lt3A_610 = vector.broadcast %lt3A_609 : i32 to vector<128x56xi32>
    %lt3A_611 = arith.cmpi slt, %iota3A_413, %lt3A_610 : vector<128x56xi32>
    %and3A_612 = arith.andi %eq3A_608, %lt3A_611 : vector<128x56xi1>
    %or3A_613 = arith.ori %or3A_605, %and3A_612 : vector<128x56xi1>
    %slice3A_614 = vector.extract_strided_slice %get3A_403 {offsets = [0, 26], sizes = [128, 1], strides = [1, 1]} : vector<128x56xi32> to vector<128x1xi32>
    %eq3A_615 = vector.broadcast %slice3A_614 : vector<128x1xi32> to vector<128x56xi32>
    %eq3A_616 = arith.cmpi eq, %get3A_403, %eq3A_615 : vector<128x56xi32>
    %lt3A_617 = arith.constant 26 : i32
    %lt3A_618 = vector.broadcast %lt3A_617 : i32 to vector<128x56xi32>
    %lt3A_619 = arith.cmpi slt, %iota3A_413, %lt3A_618 : vector<128x56xi32>
    %and3A_620 = arith.andi %eq3A_616, %lt3A_619 : vector<128x56xi1>
    %or3A_621 = arith.ori %or3A_613, %and3A_620 : vector<128x56xi1>
    %slice3A_622 = vector.extract_strided_slice %get3A_403 {offsets = [0, 27], sizes = [128, 1], strides = [1, 1]} : vector<128x56xi32> to vector<128x1xi32>
    %eq3A_623 = vector.broadcast %slice3A_622 : vector<128x1xi32> to vector<128x56xi32>
    %eq3A_624 = arith.cmpi eq, %get3A_403, %eq3A_623 : vector<128x56xi32>
    %lt3A_625 = arith.constant 27 : i32
    %lt3A_626 = vector.broadcast %lt3A_625 : i32 to vector<128x56xi32>
    %lt3A_627 = arith.cmpi slt, %iota3A_413, %lt3A_626 : vector<128x56xi32>
    %and3A_628 = arith.andi %eq3A_624, %lt3A_627 : vector<128x56xi1>
    %or3A_629 = arith.ori %or3A_621, %and3A_628 : vector<128x56xi1>
    %slice3A_630 = vector.extract_strided_slice %get3A_403 {offsets = [0, 28], sizes = [128, 1], strides = [1, 1]} : vector<128x56xi32> to vector<128x1xi32>
    %eq3A_631 = vector.broadcast %slice3A_630 : vector<128x1xi32> to vector<128x56xi32>
    %eq3A_632 = arith.cmpi eq, %get3A_403, %eq3A_631 : vector<128x56xi32>
    %lt3A_633 = arith.constant 28 : i32
    %lt3A_634 = vector.broadcast %lt3A_633 : i32 to vector<128x56xi32>
    %lt3A_635 = arith.cmpi slt, %iota3A_413, %lt3A_634 : vector<128x56xi32>
    %and3A_636 = arith.andi %eq3A_632, %lt3A_635 : vector<128x56xi1>
    %or3A_637 = arith.ori %or3A_629, %and3A_636 : vector<128x56xi1>
    %slice3A_638 = vector.extract_strided_slice %get3A_403 {offsets = [0, 29], sizes = [128, 1], strides = [1, 1]} : vector<128x56xi32> to vector<128x1xi32>
    %eq3A_639 = vector.broadcast %slice3A_638 : vector<128x1xi32> to vector<128x56xi32>
    %eq3A_640 = arith.cmpi eq, %get3A_403, %eq3A_639 : vector<128x56xi32>
    %lt3A_641 = arith.constant 29 : i32
    %lt3A_642 = vector.broadcast %lt3A_641 : i32 to vector<128x56xi32>
    %lt3A_643 = arith.cmpi slt, %iota3A_413, %lt3A_642 : vector<128x56xi32>
    %and3A_644 = arith.andi %eq3A_640, %lt3A_643 : vector<128x56xi1>
    %or3A_645 = arith.ori %or3A_637, %and3A_644 : vector<128x56xi1>
    %slice3A_646 = vector.extract_strided_slice %get3A_403 {offsets = [0, 30], sizes = [128, 1], strides = [1, 1]} : vector<128x56xi32> to vector<128x1xi32>
    %eq3A_647 = vector.broadcast %slice3A_646 : vector<128x1xi32> to vector<128x56xi32>
    %eq3A_648 = arith.cmpi eq, %get3A_403, %eq3A_647 : vector<128x56xi32>
    %lt3A_649 = arith.constant 30 : i32
    %lt3A_650 = vector.broadcast %lt3A_649 : i32 to vector<128x56xi32>
    %lt3A_651 = arith.cmpi slt, %iota3A_413, %lt3A_650 : vector<128x56xi32>
    %and3A_652 = arith.andi %eq3A_648, %lt3A_651 : vector<128x56xi1>
    %or3A_653 = arith.ori %or3A_645, %and3A_652 : vector<128x56xi1>
    %slice3A_654 = vector.extract_strided_slice %get3A_403 {offsets = [0, 31], sizes = [128, 1], strides = [1, 1]} : vector<128x56xi32> to vector<128x1xi32>
    %eq3A_655 = vector.broadcast %slice3A_654 : vector<128x1xi32> to vector<128x56xi32>
    %eq3A_656 = arith.cmpi eq, %get3A_403, %eq3A_655 : vector<128x56xi32>
    %lt3A_657 = arith.constant 31 : i32
    %lt3A_658 = vector.broadcast %lt3A_657 : i32 to vector<128x56xi32>
    %lt3A_659 = arith.cmpi slt, %iota3A_413, %lt3A_658 : vector<128x56xi32>
    %and3A_660 = arith.andi %eq3A_656, %lt3A_659 : vector<128x56xi1>
    %or3A_661 = arith.ori %or3A_653, %and3A_660 : vector<128x56xi1>
    %slice3A_662 = vector.extract_strided_slice %get3A_403 {offsets = [0, 32], sizes = [128, 1], strides = [1, 1]} : vector<128x56xi32> to vector<128x1xi32>
    %eq3A_663 = vector.broadcast %slice3A_662 : vector<128x1xi32> to vector<128x56xi32>
    %eq3A_664 = arith.cmpi eq, %get3A_403, %eq3A_663 : vector<128x56xi32>
    %lt3A_665 = arith.constant 32 : i32
    %lt3A_666 = vector.broadcast %lt3A_665 : i32 to vector<128x56xi32>
    %lt3A_667 = arith.cmpi slt, %iota3A_413, %lt3A_666 : vector<128x56xi32>
    %and3A_668 = arith.andi %eq3A_664, %lt3A_667 : vector<128x56xi1>
    %or3A_669 = arith.ori %or3A_661, %and3A_668 : vector<128x56xi1>
    %slice3A_670 = vector.extract_strided_slice %get3A_403 {offsets = [0, 33], sizes = [128, 1], strides = [1, 1]} : vector<128x56xi32> to vector<128x1xi32>
    %eq3A_671 = vector.broadcast %slice3A_670 : vector<128x1xi32> to vector<128x56xi32>
    %eq3A_672 = arith.cmpi eq, %get3A_403, %eq3A_671 : vector<128x56xi32>
    %lt3A_673 = arith.constant 33 : i32
    %lt3A_674 = vector.broadcast %lt3A_673 : i32 to vector<128x56xi32>
    %lt3A_675 = arith.cmpi slt, %iota3A_413, %lt3A_674 : vector<128x56xi32>
    %and3A_676 = arith.andi %eq3A_672, %lt3A_675 : vector<128x56xi1>
    %or3A_677 = arith.ori %or3A_669, %and3A_676 : vector<128x56xi1>
    %slice3A_678 = vector.extract_strided_slice %get3A_403 {offsets = [0, 34], sizes = [128, 1], strides = [1, 1]} : vector<128x56xi32> to vector<128x1xi32>
    %eq3A_679 = vector.broadcast %slice3A_678 : vector<128x1xi32> to vector<128x56xi32>
    %eq3A_680 = arith.cmpi eq, %get3A_403, %eq3A_679 : vector<128x56xi32>
    %lt3A_681 = arith.constant 34 : i32
    %lt3A_682 = vector.broadcast %lt3A_681 : i32 to vector<128x56xi32>
    %lt3A_683 = arith.cmpi slt, %iota3A_413, %lt3A_682 : vector<128x56xi32>
    %and3A_684 = arith.andi %eq3A_680, %lt3A_683 : vector<128x56xi1>
    %or3A_685 = arith.ori %or3A_677, %and3A_684 : vector<128x56xi1>
    %slice3A_686 = vector.extract_strided_slice %get3A_403 {offsets = [0, 35], sizes = [128, 1], strides = [1, 1]} : vector<128x56xi32> to vector<128x1xi32>
    %eq3A_687 = vector.broadcast %slice3A_686 : vector<128x1xi32> to vector<128x56xi32>
    %eq3A_688 = arith.cmpi eq, %get3A_403, %eq3A_687 : vector<128x56xi32>
    %lt3A_689 = arith.constant 35 : i32
    %lt3A_690 = vector.broadcast %lt3A_689 : i32 to vector<128x56xi32>
    %lt3A_691 = arith.cmpi slt, %iota3A_413, %lt3A_690 : vector<128x56xi32>
    %and3A_692 = arith.andi %eq3A_688, %lt3A_691 : vector<128x56xi1>
    %or3A_693 = arith.ori %or3A_685, %and3A_692 : vector<128x56xi1>
    %slice3A_694 = vector.extract_strided_slice %get3A_403 {offsets = [0, 36], sizes = [128, 1], strides = [1, 1]} : vector<128x56xi32> to vector<128x1xi32>
    %eq3A_695 = vector.broadcast %slice3A_694 : vector<128x1xi32> to vector<128x56xi32>
    %eq3A_696 = arith.cmpi eq, %get3A_403, %eq3A_695 : vector<128x56xi32>
    %lt3A_697 = arith.constant 36 : i32
    %lt3A_698 = vector.broadcast %lt3A_697 : i32 to vector<128x56xi32>
    %lt3A_699 = arith.cmpi slt, %iota3A_413, %lt3A_698 : vector<128x56xi32>
    %and3A_700 = arith.andi %eq3A_696, %lt3A_699 : vector<128x56xi1>
    %or3A_701 = arith.ori %or3A_693, %and3A_700 : vector<128x56xi1>
    %slice3A_702 = vector.extract_strided_slice %get3A_403 {offsets = [0, 37], sizes = [128, 1], strides = [1, 1]} : vector<128x56xi32> to vector<128x1xi32>
    %eq3A_703 = vector.broadcast %slice3A_702 : vector<128x1xi32> to vector<128x56xi32>
    %eq3A_704 = arith.cmpi eq, %get3A_403, %eq3A_703 : vector<128x56xi32>
    %lt3A_705 = arith.constant 37 : i32
    %lt3A_706 = vector.broadcast %lt3A_705 : i32 to vector<128x56xi32>
    %lt3A_707 = arith.cmpi slt, %iota3A_413, %lt3A_706 : vector<128x56xi32>
    %and3A_708 = arith.andi %eq3A_704, %lt3A_707 : vector<128x56xi1>
    %or3A_709 = arith.ori %or3A_701, %and3A_708 : vector<128x56xi1>
    %slice3A_710 = vector.extract_strided_slice %get3A_403 {offsets = [0, 38], sizes = [128, 1], strides = [1, 1]} : vector<128x56xi32> to vector<128x1xi32>
    %eq3A_711 = vector.broadcast %slice3A_710 : vector<128x1xi32> to vector<128x56xi32>
    %eq3A_712 = arith.cmpi eq, %get3A_403, %eq3A_711 : vector<128x56xi32>
    %lt3A_713 = arith.constant 38 : i32
    %lt3A_714 = vector.broadcast %lt3A_713 : i32 to vector<128x56xi32>
    %lt3A_715 = arith.cmpi slt, %iota3A_413, %lt3A_714 : vector<128x56xi32>
    %and3A_716 = arith.andi %eq3A_712, %lt3A_715 : vector<128x56xi1>
    %or3A_717 = arith.ori %or3A_709, %and3A_716 : vector<128x56xi1>
    %slice3A_718 = vector.extract_strided_slice %get3A_403 {offsets = [0, 39], sizes = [128, 1], strides = [1, 1]} : vector<128x56xi32> to vector<128x1xi32>
    %eq3A_719 = vector.broadcast %slice3A_718 : vector<128x1xi32> to vector<128x56xi32>
    %eq3A_720 = arith.cmpi eq, %get3A_403, %eq3A_719 : vector<128x56xi32>
    %lt3A_721 = arith.constant 39 : i32
    %lt3A_722 = vector.broadcast %lt3A_721 : i32 to vector<128x56xi32>
    %lt3A_723 = arith.cmpi slt, %iota3A_413, %lt3A_722 : vector<128x56xi32>
    %and3A_724 = arith.andi %eq3A_720, %lt3A_723 : vector<128x56xi1>
    %or3A_725 = arith.ori %or3A_717, %and3A_724 : vector<128x56xi1>
    %slice3A_726 = vector.extract_strided_slice %get3A_403 {offsets = [0, 40], sizes = [128, 1], strides = [1, 1]} : vector<128x56xi32> to vector<128x1xi32>
    %eq3A_727 = vector.broadcast %slice3A_726 : vector<128x1xi32> to vector<128x56xi32>
    %eq3A_728 = arith.cmpi eq, %get3A_403, %eq3A_727 : vector<128x56xi32>
    %lt3A_729 = arith.constant 40 : i32
    %lt3A_730 = vector.broadcast %lt3A_729 : i32 to vector<128x56xi32>
    %lt3A_731 = arith.cmpi slt, %iota3A_413, %lt3A_730 : vector<128x56xi32>
    %and3A_732 = arith.andi %eq3A_728, %lt3A_731 : vector<128x56xi1>
    %or3A_733 = arith.ori %or3A_725, %and3A_732 : vector<128x56xi1>
    %slice3A_734 = vector.extract_strided_slice %get3A_403 {offsets = [0, 41], sizes = [128, 1], strides = [1, 1]} : vector<128x56xi32> to vector<128x1xi32>
    %eq3A_735 = vector.broadcast %slice3A_734 : vector<128x1xi32> to vector<128x56xi32>
    %eq3A_736 = arith.cmpi eq, %get3A_403, %eq3A_735 : vector<128x56xi32>
    %lt3A_737 = arith.constant 41 : i32
    %lt3A_738 = vector.broadcast %lt3A_737 : i32 to vector<128x56xi32>
    %lt3A_739 = arith.cmpi slt, %iota3A_413, %lt3A_738 : vector<128x56xi32>
    %and3A_740 = arith.andi %eq3A_736, %lt3A_739 : vector<128x56xi1>
    %or3A_741 = arith.ori %or3A_733, %and3A_740 : vector<128x56xi1>
    %slice3A_742 = vector.extract_strided_slice %get3A_403 {offsets = [0, 42], sizes = [128, 1], strides = [1, 1]} : vector<128x56xi32> to vector<128x1xi32>
    %eq3A_743 = vector.broadcast %slice3A_742 : vector<128x1xi32> to vector<128x56xi32>
    %eq3A_744 = arith.cmpi eq, %get3A_403, %eq3A_743 : vector<128x56xi32>
    %lt3A_745 = arith.constant 42 : i32
    %lt3A_746 = vector.broadcast %lt3A_745 : i32 to vector<128x56xi32>
    %lt3A_747 = arith.cmpi slt, %iota3A_413, %lt3A_746 : vector<128x56xi32>
    %and3A_748 = arith.andi %eq3A_744, %lt3A_747 : vector<128x56xi1>
    %or3A_749 = arith.ori %or3A_741, %and3A_748 : vector<128x56xi1>
    %slice3A_750 = vector.extract_strided_slice %get3A_403 {offsets = [0, 43], sizes = [128, 1], strides = [1, 1]} : vector<128x56xi32> to vector<128x1xi32>
    %eq3A_751 = vector.broadcast %slice3A_750 : vector<128x1xi32> to vector<128x56xi32>
    %eq3A_752 = arith.cmpi eq, %get3A_403, %eq3A_751 : vector<128x56xi32>
    %lt3A_753 = arith.constant 43 : i32
    %lt3A_754 = vector.broadcast %lt3A_753 : i32 to vector<128x56xi32>
    %lt3A_755 = arith.cmpi slt, %iota3A_413, %lt3A_754 : vector<128x56xi32>
    %and3A_756 = arith.andi %eq3A_752, %lt3A_755 : vector<128x56xi1>
    %or3A_757 = arith.ori %or3A_749, %and3A_756 : vector<128x56xi1>
    %slice3A_758 = vector.extract_strided_slice %get3A_403 {offsets = [0, 44], sizes = [128, 1], strides = [1, 1]} : vector<128x56xi32> to vector<128x1xi32>
    %eq3A_759 = vector.broadcast %slice3A_758 : vector<128x1xi32> to vector<128x56xi32>
    %eq3A_760 = arith.cmpi eq, %get3A_403, %eq3A_759 : vector<128x56xi32>
    %lt3A_761 = arith.constant 44 : i32
    %lt3A_762 = vector.broadcast %lt3A_761 : i32 to vector<128x56xi32>
    %lt3A_763 = arith.cmpi slt, %iota3A_413, %lt3A_762 : vector<128x56xi32>
    %and3A_764 = arith.andi %eq3A_760, %lt3A_763 : vector<128x56xi1>
    %or3A_765 = arith.ori %or3A_757, %and3A_764 : vector<128x56xi1>
    %slice3A_766 = vector.extract_strided_slice %get3A_403 {offsets = [0, 45], sizes = [128, 1], strides = [1, 1]} : vector<128x56xi32> to vector<128x1xi32>
    %eq3A_767 = vector.broadcast %slice3A_766 : vector<128x1xi32> to vector<128x56xi32>
    %eq3A_768 = arith.cmpi eq, %get3A_403, %eq3A_767 : vector<128x56xi32>
    %lt3A_769 = arith.constant 45 : i32
    %lt3A_770 = vector.broadcast %lt3A_769 : i32 to vector<128x56xi32>
    %lt3A_771 = arith.cmpi slt, %iota3A_413, %lt3A_770 : vector<128x56xi32>
    %and3A_772 = arith.andi %eq3A_768, %lt3A_771 : vector<128x56xi1>
    %or3A_773 = arith.ori %or3A_765, %and3A_772 : vector<128x56xi1>
    %slice3A_774 = vector.extract_strided_slice %get3A_403 {offsets = [0, 46], sizes = [128, 1], strides = [1, 1]} : vector<128x56xi32> to vector<128x1xi32>
    %eq3A_775 = vector.broadcast %slice3A_774 : vector<128x1xi32> to vector<128x56xi32>
    %eq3A_776 = arith.cmpi eq, %get3A_403, %eq3A_775 : vector<128x56xi32>
    %lt3A_777 = arith.constant 46 : i32
    %lt3A_778 = vector.broadcast %lt3A_777 : i32 to vector<128x56xi32>
    %lt3A_779 = arith.cmpi slt, %iota3A_413, %lt3A_778 : vector<128x56xi32>
    %and3A_780 = arith.andi %eq3A_776, %lt3A_779 : vector<128x56xi1>
    %or3A_781 = arith.ori %or3A_773, %and3A_780 : vector<128x56xi1>
    %slice3A_782 = vector.extract_strided_slice %get3A_403 {offsets = [0, 47], sizes = [128, 1], strides = [1, 1]} : vector<128x56xi32> to vector<128x1xi32>
    %eq3A_783 = vector.broadcast %slice3A_782 : vector<128x1xi32> to vector<128x56xi32>
    %eq3A_784 = arith.cmpi eq, %get3A_403, %eq3A_783 : vector<128x56xi32>
    %lt3A_785 = arith.constant 47 : i32
    %lt3A_786 = vector.broadcast %lt3A_785 : i32 to vector<128x56xi32>
    %lt3A_787 = arith.cmpi slt, %iota3A_413, %lt3A_786 : vector<128x56xi32>
    %and3A_788 = arith.andi %eq3A_784, %lt3A_787 : vector<128x56xi1>
    %or3A_789 = arith.ori %or3A_781, %and3A_788 : vector<128x56xi1>
    %slice3A_790 = vector.extract_strided_slice %get3A_403 {offsets = [0, 48], sizes = [128, 1], strides = [1, 1]} : vector<128x56xi32> to vector<128x1xi32>
    %eq3A_791 = vector.broadcast %slice3A_790 : vector<128x1xi32> to vector<128x56xi32>
    %eq3A_792 = arith.cmpi eq, %get3A_403, %eq3A_791 : vector<128x56xi32>
    %lt3A_793 = arith.constant 48 : i32
    %lt3A_794 = vector.broadcast %lt3A_793 : i32 to vector<128x56xi32>
    %lt3A_795 = arith.cmpi slt, %iota3A_413, %lt3A_794 : vector<128x56xi32>
    %and3A_796 = arith.andi %eq3A_792, %lt3A_795 : vector<128x56xi1>
    %or3A_797 = arith.ori %or3A_789, %and3A_796 : vector<128x56xi1>
    %slice3A_798 = vector.extract_strided_slice %get3A_403 {offsets = [0, 49], sizes = [128, 1], strides = [1, 1]} : vector<128x56xi32> to vector<128x1xi32>
    %eq3A_799 = vector.broadcast %slice3A_798 : vector<128x1xi32> to vector<128x56xi32>
    %eq3A_800 = arith.cmpi eq, %get3A_403, %eq3A_799 : vector<128x56xi32>
    %lt3A_801 = arith.constant 49 : i32
    %lt3A_802 = vector.broadcast %lt3A_801 : i32 to vector<128x56xi32>
    %lt3A_803 = arith.cmpi slt, %iota3A_413, %lt3A_802 : vector<128x56xi32>
    %and3A_804 = arith.andi %eq3A_800, %lt3A_803 : vector<128x56xi1>
    %or3A_805 = arith.ori %or3A_797, %and3A_804 : vector<128x56xi1>
    %jit3A_806 = arith.constant 0.000000e+00 : f32
    %broadcast_in_dim3A_807 = vector.broadcast %jit3A_806 : f32 to vector<128x56xf32>
    %select_n3A_808 = arith.select %or3A_805, %broadcast_in_dim3A_807, %get3A_406 : vector<128x56xi1>, vector<128x56xf32>
    %broadcast_in_dim3A_809 = vector.shape_cast %select_n3A_808 : vector<128x56xf32> to vector<128x56x1xf32>
    %mul3A_810 = vector.broadcast %broadcast_in_dim3A_809 : vector<128x56x1xf32> to vector<128x56x64xf32>
    %mul3A_811 = arith.mulf %mul3A_810, %get3A_410 : vector<128x56x64xf32>
    %reduce_sum3A_812 = arith.constant dense<0.000000e+00> : vector<128x64xf32>
    %reduce_sum3A_813 = vector.multi_reduction <add>, %mul3A_811, %reduce_sum3A_812 [1] : vector<128x56x64xf32> to vector<128x64xf32>
    %get3A_814 = arith.constant 0 : index
    %get3A_815 = arith.constant 0 : index
    %get3A_816 = vector.load %arg7[%get3A_814, %get3A_815] : memref<64x64xf32, #tpu.memory_space<vmem>>, vector<64x64xf32>
    %dot_general3A = arith.constant dense<0.000000e+00> : vector<128x64xf32>
    %dot_general3A_817 = tpu.matmul %reduce_sum3A_400, %get3A_816, %dot_general3A {dimension_numbers = #tpu.dot_dimension_numbers<[1], [0], [0], [1], [0, 0, 1, 1], [], []>, transpose_lhs_hint = false} : vector<128x64xf32>, vector<64x64xf32>, vector<128x64xf32> -> vector<128x64xf32>
    %get3A_818 = arith.constant 0 : index
    %get3A_819 = arith.constant 0 : index
    %get3A_820 = vector.load %arg8[%get3A_818, %get3A_819] : memref<1x64xf32, #tpu.memory_space<vmem>>, vector<1x64xf32>
    %add3A = vector.broadcast %get3A_820 : vector<1x64xf32> to vector<128x64xf32>
    %add3A_821 = arith.addf %dot_general3A_817, %add3A : vector<128x64xf32>
    %get3A_822 = arith.constant 0 : index
    %get3A_823 = arith.constant 0 : index
    %get3A_824 = vector.load %arg9[%get3A_822, %get3A_823] : memref<64x64xf32, #tpu.memory_space<vmem>>, vector<64x64xf32>
    %dot_general3A_825 = arith.constant dense<0.000000e+00> : vector<128x64xf32>
    %dot_general3A_826 = tpu.matmul %reduce_sum3A_813, %get3A_824, %dot_general3A_825 {dimension_numbers = #tpu.dot_dimension_numbers<[1], [0], [0], [1], [0, 0, 1, 1], [], []>, transpose_lhs_hint = false} : vector<128x64xf32>, vector<64x64xf32>, vector<128x64xf32> -> vector<128x64xf32>
    %get3A_827 = arith.constant 0 : index
    %get3A_828 = arith.constant 0 : index
    %get3A_829 = vector.load %arg10[%get3A_827, %get3A_828] : memref<1x64xf32, #tpu.memory_space<vmem>>, vector<1x64xf32>
    %add3A_830 = vector.broadcast %get3A_829 : vector<1x64xf32> to vector<128x64xf32>
    %add3A_831 = arith.addf %dot_general3A_826, %add3A_830 : vector<128x64xf32>
    %mul3A_832 = arith.mulf %add3A_821, %add3A_831 : vector<128x64xf32>
    %reduce_sum3A_833 = arith.constant dense<0.000000e+00> : vector<128xf32>
    %reduce_sum3A_834 = vector.multi_reduction <add>, %mul3A_832, %reduce_sum3A_833 [1] : vector<128x64xf32> to vector<128xf32>
    %logistic3A = arith.negf %reduce_sum3A_834 : vector<128xf32>
    %logistic3A_835 = math.exp %logistic3A : vector<128xf32>
    %logistic3A_836 = arith.constant 1.000000e+00 : f32
    %logistic3A_837 = vector.broadcast %logistic3A_836 : f32 to vector<128xf32>
    %logistic3A_838 = arith.addf %logistic3A_837, %logistic3A_835 : vector<128xf32>
    %logistic3A_839 = arith.divf %logistic3A_837, %logistic3A_838 : vector<128xf32>
    %swap3A = arith.constant 0 : index
    %swap3A_840 = arith.constant 0 : index
    %swap3A_841 = vector.load %arg11[%swap3A, %swap3A_840] : memref<1x128xf32, #tpu.memory_space<vmem>>, vector<1x128xf32>
    %swap3A_842 = vector.shape_cast %swap3A_841 : vector<1x128xf32> to vector<128xf32>
    %swap3A_843 = vector.shape_cast %logistic3A_839 : vector<128xf32> to vector<1x128xf32>
    tpu.vector_store %arg11[%swap3A, %swap3A_840], %swap3A_843 {strides = array<i32>} : memref<1x128xf32, #tpu.memory_space<vmem>>, vector<1x128xf32>,
    return
  }
  func.func @transform_0(%arg0: i32) -> (i32, i32) {
    %c0_i32 = arith.constant 0 : i32
    %c0_i32_0 = arith.constant 0 : i32
    return %arg0, %c0_i32 : i32, i32
  }
  func.func @transform_1(%arg0: i32) -> (i32, i32) {
    %c0_i32 = arith.constant 0 : i32
    %c0_i32_0 = arith.constant 0 : i32
    return %arg0, %c0_i32 : i32, i32
  }
  func.func @transform_2(%arg0: i32) -> (i32, i32, i32) {
    %c0_i32 = arith.constant 0 : i32
    %c0_i32_0 = arith.constant 0 : i32
    %c0_i32_1 = arith.constant 0 : i32
    return %arg0, %c0_i32, %c0_i32_0 : i32, i32, i32
  }
  func.func @transform_3(%arg0: i32) -> (i32, i32) {
    %c0_i32 = arith.constant 0 : i32
    %c0_i32_0 = arith.constant 0 : i32
    return %arg0, %c0_i32 : i32, i32
  }
  func.func @transform_4(%arg0: i32) -> (i32, i32) {
    %c0_i32 = arith.constant 0 : i32
    %c0_i32_0 = arith.constant 0 : i32
    return %arg0, %c0_i32 : i32, i32
  }
  func.func @transform_5(%arg0: i32) -> (i32, i32, i32) {
    %c0_i32 = arith.constant 0 : i32
    %c0_i32_0 = arith.constant 0 : i32
    %c0_i32_1 = arith.constant 0 : i32
    return %arg0, %c0_i32, %c0_i32_0 : i32, i32, i32
  }
  func.func @transform_6(%arg0: i32) -> (i32, i32) {
    %c0_i32 = arith.constant 0 : i32
    %c0_i32_0 = arith.constant 0 : i32
    %c0_i32_1 = arith.constant 0 : i32
    return %c0_i32, %c0_i32_0 : i32, i32
  }
  func.func @transform_7(%arg0: i32) -> (i32, i32) {
    %c0_i32 = arith.constant 0 : i32
    %c0_i32_0 = arith.constant 0 : i32
    %c0_i32_1 = arith.constant 0 : i32
    return %c0_i32, %c0_i32_0 : i32, i32
  }
  func.func @transform_8(%arg0: i32) -> (i32, i32) {
    %c0_i32 = arith.constant 0 : i32
    %c0_i32_0 = arith.constant 0 : i32
    %c0_i32_1 = arith.constant 0 : i32
    return %c0_i32, %c0_i32_0 : i32, i32
  }
  func.func @transform_9(%arg0: i32) -> (i32, i32) {
    %c0_i32 = arith.constant 0 : i32
    %c0_i32_0 = arith.constant 0 : i32
    %c0_i32_1 = arith.constant 0 : i32
    return %c0_i32, %c0_i32_0 : i32, i32
  }
  func.func @transform_10(%arg0: i32) -> (i32, i32) {
    %c0_i32 = arith.constant 0 : i32
    %c0_i32_0 = arith.constant 0 : i32
    return %c0_i32, %arg0 : i32, i32
  }
}

</mosaic_0001>

<sc_bundles>
// kernel: kernel.4.cloned.1.call-start
scs
__scs_entry_jumppad:
0x0: {  	(pc) =	sbr.rel $0x88, $3  }
0x1: {  	(tag) =	ssettag $0x0;
	lr =	simm.s32 $0x1  }
0x2: {  	[smem:$0x3F96] =	sst lr;
	_ =	strace $0xD0000000  }
0x3: {  	_ = 	snop  }
0x4: {  	_ = 	snop  }
0x5: {  	_ = 	snop  }
0x6: {  	_ = 	snop  }
0x7: {  	_ = 	snop  }
__scs_overlays_trampoline_lowered:
0x8: {  	[smem:$0x3FA5] =	sst s0  }
0x9: {  	[smem:$0x3FA6] =	sst s1  }
0xa: {  	[smem:$0x3FA7] =	sst s2  }
0xb: {  	[smem:$0x3FA8] =	sst s3  }
0xc: {  	[smem:$0x3FA9] =	sst s4  }
0xd: {  	[smem:$0x3FAA] =	sst s5  }
0xe: {  	[smem:$0x3FAB] =	sst s6  }
0xf: {  	[smem:$0x3FAC] =	sst s7  }
0x10: {  	[smem:$0x3FAD] =	sst s8  }
0x11: {  	[smem:$0x3FAE] =	sst s9;
	s0 =	simm.s32 @!p0 $0x0  }
0x12: {  	s1 =	sld [smem:$0x3F94];
	s0 =	simm.s32 @p0 $0x1  }
0x13: {  	[smem:$0x3FAF] =	sst s0;
	s0 =	simm.s32 @!p1 $0x0  }
0x14: {  	s2 =	sld [smem:$0x3F93];
	s0 =	simm.s32 @p1 $0x1  }
0x15: {  	[smem:$0x3FB0] =	sst s0;
	s0 =	simm.s32 @!p2 $0x0  }
0x16: {  	s3 =	sld [smem:$0x3FDB];
	s0 =	simm.s32 @p2 $0x1  }
0x17: {  	s4 =	simm.s32 $0x1BF5;
	[smem:$0x3FB2] =	sst s0  }
0x18: {  	s0 =	sld [smem:$0x3F95];
	_ =	swait.ge [sflag:s4], $0x0  }
0x19: {  	s7 =	sld [smem:$0x3F96]  }
0x1a: {  	s8 =	sadd.s32 $0xFFFFE003, lr  }
0x1b: {  	s9 =	sadd.s32 $0xFFFFFEF7, lr;
	s5 =	simm.s32 $0xFFFFFFFF;
	p2 =	slt.u32 s8, $0xFFFFF086  }
0x1c: {  	p1 =	slt.u32 s9, $0xF7A;
	s5 =	simm.s32 @!p2 $0x0  }
0x1d: {  	s5 =	simm.s32 @p1 $0x1;
	p0 =	seq.s32 s7, s2  }
0x1e: {  	s7 =	smul.u32 @!p0 $0xF7A, s2;
	p2 =	seq.s32 @!p0 s5, $0x0  }
0x1f: {  	s9 =	smul.u32 $0xF7A, s1;
	s8 =	simm.s32 @!p0 $0x1BF5;
	p2 =	por !p2, p0  }
0x20: {  	[sflag:s8] =	ssyncset.s32 @!p0 $0xFFFFF086;
	s6 =	sadd.s32 @!p0 s3, s7;
	s7 =	simm.s32 @!p0 $0x108  }
0x21: {  	s3 =	sadd.s32 s3, s9;
	s6 =	sadd.s32 @!p0 $0x88, s6;
	s7 =	simm.s32 @p2 $0x1082  }
0x22: {  	[simem:s7], [sflag:s8] =	dma.local @!p0 [hbm:s6], $0xF7A  }
0x23: {  	s9 =	sor.u32 $0xD0000000, s2;
	s6 =	simm.s32 $0x108;
	_ =	swait.ge @!p0 [sflag:s8], $0x0  }
0x24: {  	s3 =	sadd.s32 $0x88, s3;
	s6 =	simm.s32 @!p1 $0x1082;
	[sflag:s4] =	ssyncset.s32 $0xFFFFF086  }
0x25: {  	[simem:s6], [sflag:s4] =	dma.local [hbm:s3], $0xF7A  }
0x26: {  	[smem:$0x3F96] =	sst s1;
	(tag) =	ssettag s2;
	_ =	strace s9  }
0x27: {  	s1 =	sld [smem:$0x3FA6]  }
0x28: {  	s2 =	sld [smem:$0x3FA7]  }
0x29: {  	s4 =	sld [smem:$0x3FA9]  }
0x2a: {  	p0 =	seq.s32 s5, $0x0;
	s5 =	sld [smem:$0x3FAA]  }
0x2b: {  	s6 =	sld [smem:$0x3FAB]  }
0x2c: {  	s7 =	sld [smem:$0x3FAC]  }
0x2d: {  	s3 =	simm.s32 $0x108;
	s8 =	sld [smem:$0x3FAD]  }
0x2e: {  	s3 =	simm.s32 @!p0 $0x1082;
	s9 =	sld [smem:$0x3FAE]  }
0x2f: {  	lr =	sadd.s32 s0, s3;
	s0 =	sld [smem:$0x3FA5]  }
0x30: {  	s3 =	sld [smem:$0x3FA8]  }
0x31: {  	[smem:$0x3FB1] =	sst s10  }
0x32: {  	s10 =	sld [smem:$0x3FAF];
	_ =	sdelay $0x3  }
0x33: {  	p0 =	seq.s32 s10, $0x1;
	s10 =	sld [smem:$0x3FB1];
	_ =	sdelay $0x3  }
0x34: {  	[smem:$0x3FB1] =	sst s10  }
0x35: {  	s10 =	sld [smem:$0x3FB0];
	_ =	sdelay $0x3  }
0x36: {  	p1 =	seq.s32 s10, $0x1;
	s10 =	sld [smem:$0x3FB1];
	_ =	sdelay $0x3  }
0x37: {  	[smem:$0x3FB1] =	sst s10  }
0x38: {  	s10 =	sld [smem:$0x3FB2]  }
0x39: {  	_ = 	snop;
	(pc) =	sbr.ind lr, $3  }
0x3a: {  	_ = 	snop  }
0x3b: {  	_ = 	snop  }
0x3c: {  	p2 =	seq.s32 s10, $0x1;
	s10 =	sld [smem:$0x3FB1]  }
0x3d: {  	_ =	shalt  }
0x3e: {  	_ =	shalt  }
0x3f: {  	_ =	shalt  }
0x40: {  	_ =	shalt  }
0x41: {  	_ =	shalt  }
0x42: {  	_ =	shalt  }
0x43: {  	_ =	shalt  }
0x44: {  	_ =	shalt  }
0x45: {  	_ =	shalt  }
0x46: {  	_ =	shalt  }
0x47: {  	_ =	shalt  }
0x48: {  	_ =	shalt  }
0x49: {  	_ =	shalt  }
0x4a: {  	_ =	shalt  }
0x4b: {  	_ =	shalt  }
0x4c: {  	_ =	shalt  }
0x4d: {  	_ =	shalt  }
0x4e: {  	_ =	shalt  }
0x4f: {  	_ =	shalt  }
0x50: {  	_ =	shalt  }
0x51: {  	_ =	shalt  }
0x52: {  	_ =	shalt  }
0x53: {  	_ =	shalt  }
0x54: {  	_ =	shalt  }
0x55: {  	_ =	shalt  }
0x56: {  	_ =	shalt  }
0x57: {  	_ =	shalt  }
0x58: {  	_ =	shalt  }
0x59: {  	_ =	shalt  }
0x5a: {  	_ =	shalt  }
0x5b: {  	_ =	shalt  }
0x5c: {  	_ =	shalt  }
0x5d: {  	_ =	shalt  }
0x5e: {  	_ =	shalt  }
0x5f: {  	_ =	shalt  }
0x60: {  	_ =	shalt  }
0x61: {  	_ =	shalt  }
0x62: {  	_ =	shalt  }
0x63: {  	_ =	shalt  }
0x64: {  	_ =	shalt  }
0x65: {  	_ =	shalt  }
0x66: {  	_ =	shalt  }
0x67: {  	_ =	shalt  }
0x68: {  	_ =	shalt  }
0x69: {  	_ =	shalt  }
0x6a: {  	_ =	shalt  }
0x6b: {  	_ =	shalt  }
0x6c: {  	_ =	shalt  }
0x6d: {  	_ =	shalt  }
0x6e: {  	_ =	shalt  }
0x6f: {  	_ =	shalt  }
0x70: {  	_ =	shalt  }
0x71: {  	_ =	shalt  }
0x72: {  	_ =	shalt  }
0x73: {  	_ =	shalt  }
0x74: {  	_ =	shalt  }
0x75: {  	_ =	shalt  }
0x76: {  	_ =	shalt  }
0x77: {  	_ =	shalt  }
0x78: {  	_ =	shalt  }
0x79: {  	_ =	shalt  }
0x7a: {  	_ =	shalt  }
0x7b: {  	_ =	shalt  }
0x7c: {  	_ =	shalt  }
0x7d: {  	_ =	shalt  }
0x7e: {  	_ =	shalt  }
0x7f: {  	_ =	shalt  }
0x80: {  	_ =	shalt  }
0x81: {  	_ =	shalt  }
0x82: {  	_ =	shalt  }
0x83: {  	_ =	shalt  }
0x84: {  	_ =	shalt  }
0x85: {  	_ =	shalt  }
0x86: {  	_ =	shalt  }
0x87: {  	_ =	shalt  }
.Lfunc_end0:
.L_simem_size_0:
called_computation_lowered:
.L_overlay_start_0:
0x88: {  	s2 =	sld [smem:$0x3FD9]  }
0x89: {  	s3 =	sld [smem:$0x3FFE];
	_ =	sdelay $0x1  }
0x8a: {  	s1 =	srdreg.scid  }
0x8b: {  	s0 =	sand.u32 $0x1, s1  }
0x8c: {  	s17 =	sshll.u32 s0, $0xA;
	s2 =	sadd.s32 s3, s2  }
0x8d: {  	s2 =	sadd.s32 s2, s17  }
0x8e: {  	[smem:$0x3FBD] =	sst s2  }
0x8f: {  	_ = 	snop  }
0x90: {  	s2 =	sld [smem:$0x3FD0];
	(tm) =	ssettm $0x1  }
0x91: {  	s18 =	sld [smem:$0x3FFB];
	_ =	sdelay $0x3  }
0x92: {  	_ =	strace s18  }
0x93: {  	s3 =	sld [smem:$0x3FFC];
	_ =	sdelay $0x3  }
0x94: {  	_ =	strace s3  }
0x95: {  	s3 =	sld [smem:$0x3FFD];
	_ =	sdelay $0x3  }
0x96: {  	_ =	strace s3  }
0x97: {  	_ =	strace $0x8FFFFFFF  }
0x98: {  	s19 =	sld [smem:$0x3FDB];
	_ =	sdelay $0x1  }
0x99: {  	s4 =	simm.s32 $_scs_section_size  }
0x9a: {  	s5 =	simm.s32 $_size__tile_overlayer_lowered;
	s6 =	simm.s32 $_tile_overlayer_lowered  }
0x9b: {  	s22 =	simm.s32 $0x1BFF;
	s21 =	sshll.u32 s6, $0x1;
	s3 =	sadd.s32 s4, s19  }
0x9c: {  	s7 =	simm.s32 $0x0;
	s20 =	sshll.u32 s5, $0x1;
	s5 =	sadd.s32 s21, s3  }
0x9d: {  	[timem:s7], [sflag:s22] =	dma.local [hbm:s5], s20  }
0x9e: {  	_ =	swait.ge [sflag:s22], s20  }
0x9f: {  	s4 =	ssub.s32 $0x0, s20;
	[sflag:s22] =	ssyncset.done $0x0  }
0xa0: {  	[sflag:s22] =	ssyncadd.s32 s4;
	_ =	sdelay $0x1  }
0xa1: {  	s23 =	simm.s32 $0x1B8B  }
0xa2: {  	_ =	swait.ge [sflag:s23], $0x1  }
0xa3: {  	[sflag:s23] =	ssyncset.done $0x0  }
0xa4: {  	s25 =	simm.s32 $0x1B8E;
	s24 =	sld [smem:$0x3FFE];
	[sflag:s23] =	ssyncadd.s32 $0xFFFFFFFF  }
0xa5: {  	s26 =	simm.s32 $execute0_lowered;
	[smem:$0x3FD2] =	sst s25  }
0xa6: {  	s5 =	sshll.u32 s26, $0x1;
	_ =	strace $0x80000046;
	[dreg:$0x1] =	wrdreg $0xFFFFFFFF  }
0xa7: {  	s28 =	simm.s32 $_size_execute0_lowered;
	s3 =	sadd.s32 s3, s5;
	[dreg:$0x0] =	wrdreg $0x0  }
0xa8: {  	s5 =	sshll.u32 s28, $0x1;
	[dreg:$0x2] =	wrdreg s3  }
0xa9: {  	[dreg:$0x3] =	wrdreg s5  }
0xaa: {  	[dreg:$0x4] =	wrdreg $0xC0  }
0xab: {  	_ =	task [dreg:s7], $0x5FFFF  }
0xac: {  	[dreg:$0x1] =	wrdreg $0xFFFFFFFF  }
0xad: {  	[dreg:$0x0] =	wrdreg $0x60  }
0xae: {  	[dreg:$0x2] =	wrdreg s24  }
0xaf: {  	[dreg:$0x3] =	wrdreg s2  }
0xb0: {  	[dreg:$0x4] =	wrdreg $0x9  }
0xb1: {  	_ =	task.clear_ibuf [dreg:s7], $0x5FFFF;
	_ =	strace $0x90000046  }
0xb2: {  	s29 =	simm.s32 $0x9;
	_ =	strace $0x80000048  }
0xb3: {  	_ =	swait.ge [sflag:s29], $0x1  }
0xb4: {  	[sflag:s29] =	ssyncadd.s32 $0xFFFFFFFF  }
0xb5: {  	_ =	strace $0x90000048  }
0xb6: {  	_ =	sfence  }
0xb7: {  	s30 =	sld [smem:$0x0];
	_ =	sdelay $0x2  }
0xb8: {  	s31 =	sshll.u32 s1, $0xD;
	s1 =	sshrl.u32 s1, $0x2  }
0xb9: {  	s3 =	sand.u32 $0x4000, s31;
	s1 =	sadd.s32 s1, s30  }
0xba: {  	s0 =	sor.u32 s3, s0;
	s1 =	sshll.u32 s1, $0x11  }
0xbb: {  	s0 =	sor.u32 s1, s0  }
0xbc: {  	s0 =	sadd.s32 $0x8F2B, s0  }
0xbd: {  	[sflag:s0] =	ssyncadd.remote.s32 $0x1  }
0xbe: {  	_ =	sfence.sel $0xFFFF  }
0xbf: {  	[dreg:$0x0] =	wrdreg $0xFFFFFFFF;
	(pc) =	sbr.abs _section_cstart, $3  }
0xc0: {  	[dreg:$0x1] =	wrdreg $0xFFFFFFFF  }
0xc1: {  	_ =	task.clear_ibuf [dreg:s7], $0x2FFFF;
	_ =	strace $0x9FFFFFFF  }
0xc2: {  	(tm) =	ssettm $0x7FFFFFFF  }
0xc3: {  	_ =	shalt  }
tec
execute0_lowered:
.L_overlay_start_1:
0x0: {  	(tag) =	ssettag $0x1  }
0x1: {  	s0 =	rddreg [dreg:$0x0]  }
0x2: {  	s1 =	rddreg [dreg:$0x1];
	s2 =	simm.s32 $0x0  }
0x3: {  	s3 =	srdreg.scid;
	s4 =	stileid.u32;
	s28 =	simm.s32 $0x20  }
0x4: {  	s31 =	simm.s32 $0x720;
	p0 =	por $0x0, $0x0;
	s10 =	simm.s32 $0x9A20  }
0x5: {  	[smem:$0x7FF] =	sst s2;
	s3 =	sand.u32 $0x1, s3;
	s4 =	sshll.u32 s4, $0x6  }
0x6: {  	s6 =	sadd.s32 $0x236600, s0;
	s11 =	sadd.s32 $0xAFC00, s0;
	s13 =	sadd.s32 $0x4C00, s0  }
0x7: {  	s14 =	sadd.s32 $0x15AC00, s0;
	_ =	strace $0x80000047;
	[dreg:$0x3] =	wrdreg s6  }
0x8: {  	s15 =	sadd.s32 $0x2E1600, s0;
	s26 =	sadd.s32 $0x468000, s0;
	[dreg:$0x4] =	wrdreg s11  }
0x9: {  	s20 =	sadd.s32 $0x351600, s0;
	s5 =	sshll.u32 s3, $0x5;
	[dreg:$0x5] =	wrdreg s13  }
0xa: {  	[dreg:$0x6] =	wrdreg s14;
	s3 =	ssub.s32 $0x2, s3;
	s4 =	sor.u32 s5, s4  }
0xb: {  	s6 =	sadd.s32 $0x52B600, s0;
	s11 =	simm.s32 $0xA820;
	s7 =	smul.u32 $0x7, s4  }
0xc: {  	s13 =	simm.s32 $0xC420;
	s14 =	simm.s32 $0xD220;
	s9 =	smul.u32 $0xE00, s4  }
0xd: {  	s23 =	sshrl.u32 s3, $0x1;
	s12 =	sshrl.u32 s4, $0x3;
	s4 =	smul.u32 $0x1C0, s4  }
0xe: {  	s25 =	ssub.s32 s3, s23;
	s3 =	simm.s32 $0x2;
	s8 =	sadd.s32 s12, s0  }
0xf: {  	s1 =	sadd.s32 s1, s12;
	s29 =	smax.u32 s25, $0x1;
	s12 =	simm.s32 $0xB620  }
0x10: {  	s7 =	sadd.s32 s7, s0;
	s8 =	sadd.s32 $0x4A00, s8;
	s9 =	sshrl.u32 s9, $0x3  }
0x11: {  	s18 =	sadd.s32 s15, s4;
	[dreg:$0xc] =	wrdreg s1;
	s22 =	sadd.s32 s20, s4  }
0x12: {  	s4 =	simm.s32 $0x1;
	p1 =	sne.s32 s29, $0x1;
	[dreg:$0x7] =	wrdreg s8  }
0x13: {  	s23 =	sadd.s32 $0xFFFFFFFF, s29;
	s16 =	sadd.s32 $0x207800, s7;
	[dreg:$0xa] =	wrdreg s18  }
0x14: {  	s17 =	sadd.s32 $0x205C00, s7;
	s9 =	sadd.s32 $0x1C00, s9;
	[dreg:$0xf] =	wrdreg s22  }
0x15: {  	s19 =	sadd.s32 $0x209400, s7;
	s21 =	sadd.s32 $0x20B000, s7;
	[dreg:$0x8] =	wrdreg s16  }
0x16: {  	s7 =	simm.s32 $0x38;
	s18 =	simm.s32 $0x3820;
	[dreg:$0x9] =	wrdreg s17  }
0x17: {  	s22 =	simm.s32 $0x7020;
	s8 =	simm.s32 $0x7E20;
	[dreg:$0xd] =	wrdreg s19  }
.Ltmp0:
0x18: {  	s5 =	sadd.s32 s15, s9;
	[dreg:$0xe] =	wrdreg s21;
	(pc) =	sbr.rel @!p1 .LBB2_5-.Ltmp0, $4  }
0x19: {  	s24 =	sadd.s32 s20, s9;
	s16 =	simm.s32 $0x1C20;
	s17 =	simm.s32 $0x2A20  }
0x1a: {  	s19 =	simm.s32 $0x4620;
	s20 =	simm.s32 $0x5420;
	s30 =	rddreg [dreg:$0x7]  }
0x1b: {  	s21 =	simm.s32 $0x6220;
	s9 =	simm.s32 $0x8C20;
	[dreg:$0xb] =	wrdreg s5  }
0x1c: {  	s15 =	simm.s32 $0xE020;
	[dreg:$0x10] =	wrdreg s24;
	s5 =	simm.s32 $0xE20  }
0x1d: {  	[tilespmem:s2], [sflag:$0x2] =	stream.linear.gather [hbm4b:s30+s2], $0x20, $0x38;
	[tilespmem:$0xEE20] =	vst v63  }
0x1e: {  	_ =	swait.ge [sflag:s3], $0x20  }
0x1f: {  	[sflag:s3] =	ssyncset.done $0x0  }
0x20: {  	s30 =	rddreg [dreg:$0x3];
	[sflag:s3] =	ssyncadd.s32 $0xFFFFFFE0  }
0x21: {  	[tilespmem:s28], [sflag:$0x1] =	stream.indirect.gather [hbm4b:s30+s28], $0x38, s2, s28, $0xb8;
	[tilespmem:$0xEE20] =	vst v63  }
0x22: {  	_ =	swait.ge [sflag:s4], $0x700  }
0x23: {  	[sflag:s4] =	ssyncset.done $0x0  }
0x24: {  	s30 =	rddreg [dreg:$0x4];
	[sflag:s4] =	ssyncadd.s32 $0xFFFFF900  }
0x25: {  	[tilespmem:s31], [sflag:$0x1] =	stream.indirect.gather [hbm4b:s30+s28], $0x38, s2, s28, $0xb8;
	[tilespmem:$0xEE20] =	vst v63  }
0x26: {  	_ =	swait.ge [sflag:s4], $0x700  }
0x27: {  	[sflag:s4] =	ssyncset.done $0x0  }
0x28: {  	s30 =	rddreg [dreg:$0x8];
	[sflag:s4] =	ssyncadd.s32 $0xFFFFF900  }
0x29: {  	[hbm4b:s30+s2] =	stream.linear.scatter [tilespmem:s28], [sflag:$0x2], $0x700, $0x38;
	[tilespmem:$0xEE20] =	vst v63  }
0x2a: {  	_ =	swait.ge [sflag:s3], $0x700  }
0x2b: {  	[sflag:s3] =	ssyncset.done $0x0  }
0x2c: {  	s30 =	rddreg [dreg:$0x9];
	[sflag:s3] =	ssyncadd.s32 $0xFFFFF900  }
0x2d: {  	[hbm4b:s30+s2] =	stream.linear.scatter [tilespmem:s31], [sflag:$0x2], $0x700, $0x38;
	[tilespmem:$0xEE20] =	vst v63  }
0x2e: {  	_ =	swait.ge [sflag:s3], $0x700  }
0x2f: {  	[sflag:s3] =	ssyncset.done $0x0  }
0x30: {  	[sflag:s3] =	ssyncadd.s32 $0xFFFFF900  }
0x31: {  	[tilespmem:s5], [sflag:$0x1] =	stream.indirect.gather [hbm4b:s26+s7], $0x40, s28, s7, $0xb8;
	[tilespmem:$0xEE20] =	vst v63  }
0x32: {  	s11 =	simm.s32 $0x58  }
0x33: {  	[tilespmem:s16], [sflag:$0x1] =	stream.indirect.gather [hbm4b:s26+s7], $0x40, s11, s7, $0xb8;
	[tilespmem:$0xEE20] =	vst v63  }
0x34: {  	s14 =	simm.s32 $0x90  }
0x35: {  	[tilespmem:s17], [sflag:$0x1] =	stream.indirect.gather [hbm4b:s26+s7], $0x40, s14, s7, $0xb8;
	[tilespmem:$0xEE20] =	vst v63  }
0x36: {  	s1 =	simm.s32 $0xC8  }
0x37: {  	[tilespmem:s18], [sflag:$0x1] =	stream.indirect.gather [hbm4b:s26+s7], $0x40, s1, s7, $0xb8;
	[tilespmem:$0xEE20] =	vst v63  }
0x38: {  	s24 =	simm.s32 $0x100  }
0x39: {  	[tilespmem:s19], [sflag:$0x1] =	stream.indirect.gather [hbm4b:s26+s7], $0x40, s24, s7, $0xb8;
	[tilespmem:$0xEE20] =	vst v63  }
0x3a: {  	s25 =	simm.s32 $0x138  }
0x3b: {  	[tilespmem:s20], [sflag:$0x1] =	stream.indirect.gather [hbm4b:s26+s7], $0x40, s25, s7, $0xb8;
	[tilespmem:$0xEE20] =	vst v63  }
0x3c: {  	s31 =	simm.s32 $0x170  }
0x3d: {  	[tilespmem:s21], [sflag:$0x1] =	stream.indirect.gather [hbm4b:s26+s7], $0x40, s31, s7, $0xb8;
	[tilespmem:$0xEE20] =	vst v63  }
0x3e: {  	s9 =	simm.s32 $0x1A8  }
0x3f: {  	[tilespmem:s22], [sflag:$0x1] =	stream.indirect.gather [hbm4b:s26+s7], $0x40, s9, s7, $0xb8;
	[tilespmem:$0xEE20] =	vst v63  }
0x40: {  	_ =	swait.ge [sflag:s4], $0xE00  }
0x41: {  	[sflag:s4] =	ssyncset.done $0x0  }
0x42: {  	[sflag:s4] =	ssyncadd.s32 $0xFFFFF200  }
0x43: {  	_ =	swait.ge [sflag:s4], $0xE00  }
0x44: {  	[sflag:s4] =	ssyncset.done $0x0  }
0x45: {  	[sflag:s4] =	ssyncadd.s32 $0xFFFFF200  }
0x46: {  	_ =	swait.ge [sflag:s4], $0xE00  }
0x47: {  	[sflag:s4] =	ssyncset.done $0x0  }
0x48: {  	[sflag:s4] =	ssyncadd.s32 $0xFFFFF200  }
0x49: {  	_ =	swait.ge [sflag:s4], $0xE00  }
0x4a: {  	[sflag:s4] =	ssyncset.done $0x0  }
0x4b: {  	[sflag:s4] =	ssyncadd.s32 $0xFFFFF200  }
0x4c: {  	_ =	swait.ge [sflag:s4], $0xE00  }
0x4d: {  	[sflag:s4] =	ssyncset.done $0x0  }
0x4e: {  	[sflag:s4] =	ssyncadd.s32 $0xFFFFF200  }
0x4f: {  	_ =	swait.ge [sflag:s4], $0xE00  }
0x50: {  	[sflag:s4] =	ssyncset.done $0x0  }
0x51: {  	[sflag:s4] =	ssyncadd.s32 $0xFFFFF200  }
0x52: {  	_ =	swait.ge [sflag:s4], $0xE00  }
0x53: {  	[sflag:s4] =	ssyncset.done $0x0  }
0x54: {  	[sflag:s4] =	ssyncadd.s32 $0xFFFFF200  }
0x55: {  	_ =	swait.ge [sflag:s4], $0xE00  }
0x56: {  	[sflag:s4] =	ssyncset.done $0x0  }
0x57: {  	s0 =	simm.s32 $0x1E0;
	[sflag:s4] =	ssyncadd.s32 $0xFFFFF200  }
0x58: {  	[tilespmem:s8], [sflag:$0x1] =	stream.indirect.gather [hbm4b:s26+s7], $0x40, s0, s7, $0xb8;
	[tilespmem:$0xEE20] =	vst v63  }
0x59: {  	s10 =	simm.s32 $0x8C20;
	s8 =	simm.s32 $0x218  }
0x5a: {  	[tilespmem:s10], [sflag:$0x1] =	stream.indirect.gather [hbm4b:s26+s7], $0x40, s8, s7, $0xb8;
	[tilespmem:$0xEE20] =	vst v63  }
0x5b: {  	s30 =	simm.s32 $0x9A20;
	s17 =	simm.s32 $0x250  }
0x5c: {  	[tilespmem:s30], [sflag:$0x1] =	stream.indirect.gather [hbm4b:s26+s7], $0x40, s17, s7, $0xb8;
	[tilespmem:$0xEE20] =	vst v63  }
0x5d: {  	s12 =	simm.s32 $0xA820;
	s22 =	simm.s32 $0x288  }
0x5e: {  	[tilespmem:s12], [sflag:$0x1] =	stream.indirect.gather [hbm4b:s26+s7], $0x40, s22, s7, $0xb8;
	[tilespmem:$0xEE20] =	vst v63  }
0x5f: {  	s13 =	simm.s32 $0xB620;
	s24 =	simm.s32 $0x2C0  }
0x60: {  	[tilespmem:s13], [sflag:$0x1] =	stream.indirect.gather [hbm4b:s26+s7], $0x40, s24, s7, $0xb8;
	[tilespmem:$0xEE20] =	vst v63  }
0x61: {  	s20 =	simm.s32 $0x2F8;
	s13 =	simm.s32 $0xC420  }
0x62: {  	[tilespmem:s13], [sflag:$0x1] =	stream.indirect.gather [hbm4b:s26+s7], $0x40, s20, s7, $0xb8;
	[tilespmem:$0xEE20] =	vst v63  }
0x63: {  	s15 =	simm.s32 $0xD220;
	s25 =	simm.s32 $0x330  }
0x64: {  	[tilespmem:s15], [sflag:$0x1] =	stream.indirect.gather [hbm4b:s26+s7], $0x40, s25, s7, $0xb8;
	[tilespmem:$0xEE20] =	vst v63  }
0x65: {  	s29 =	simm.s32 $0x368;
	s28 =	simm.s32 $0xE020  }
0x66: {  	[tilespmem:s28], [sflag:$0x1] =	stream.indirect.gather [hbm4b:s26+s7], $0x40, s29, s7, $0xb8;
	[tilespmem:$0xEE20] =	vst v63  }
0x67: {  	_ =	swait.ge [sflag:s4], $0xE00  }
0x68: {  	[sflag:s4] =	ssyncset.done $0x0  }
0x69: {  	[sflag:s4] =	ssyncadd.s32 $0xFFFFF200  }
0x6a: {  	_ =	swait.ge [sflag:s4], $0xE00  }
0x6b: {  	[sflag:s4] =	ssyncset.done $0x0  }
0x6c: {  	[sflag:s4] =	ssyncadd.s32 $0xFFFFF200  }
0x6d: {  	_ =	swait.ge [sflag:s4], $0xE00  }
0x6e: {  	[sflag:s4] =	ssyncset.done $0x0  }
0x6f: {  	[sflag:s4] =	ssyncadd.s32 $0xFFFFF200  }
0x70: {  	_ =	swait.ge [sflag:s4], $0xE00  }
0x71: {  	[sflag:s4] =	ssyncset.done $0x0  }
0x72: {  	[sflag:s4] =	ssyncadd.s32 $0xFFFFF200  }
0x73: {  	_ =	swait.ge [sflag:s4], $0xE00  }
0x74: {  	[sflag:s4] =	ssyncset.done $0x0  }
0x75: {  	[sflag:s4] =	ssyncadd.s32 $0xFFFFF200  }
0x76: {  	_ =	swait.ge [sflag:s4], $0xE00  }
0x77: {  	[sflag:s4] =	ssyncset.done $0x0  }
0x78: {  	[sflag:s4] =	ssyncadd.s32 $0xFFFFF200  }
0x79: {  	_ =	swait.ge [sflag:s4], $0xE00  }
0x7a: {  	[sflag:s4] =	ssyncset.done $0x0  }
0x7b: {  	[sflag:s4] =	ssyncadd.s32 $0xFFFFF200  }
0x7c: {  	_ =	swait.ge [sflag:s4], $0xE00  }
0x7d: {  	[sflag:s4] =	ssyncset.done $0x0  }
0x7e: {  	s30 =	rddreg [dreg:$0xa];
	[sflag:s4] =	ssyncadd.s32 $0xFFFFF200  }
0x7f: {  	[hbm4b:s30+s2] =	stream.linear.scatter [tilespmem:s5], [sflag:$0x2], $0xE000, $0x38;
	[tilespmem:$0xEE20] =	vst v63  }
0x80: {  	_ =	swait.ge [sflag:s3], $0xE000  }
0x81: {  	[sflag:s3] =	ssyncset.done $0x0  }
0x82: {  	s0 =	simm.s32 $0x3A0;
	[sflag:s3] =	ssyncadd.s32 $0xFFFF2000  }
0x83: {  	[tilespmem:s5], [sflag:$0x1] =	stream.indirect.gather [hbm4b:s26+s7], $0x40, s0, s7, $0xb8;
	[tilespmem:$0xEE20] =	vst v63  }
0x84: {  	s16 =	simm.s32 $0x1C20;
	s5 =	simm.s32 $0x3D8  }
0x85: {  	[tilespmem:s16], [sflag:$0x1] =	stream.indirect.gather [hbm4b:s26+s7], $0x40, s5, s7, $0xb8;
	[tilespmem:$0xEE20] =	vst v63  }
0x86: {  	s18 =	simm.s32 $0x2A20;
	s0 =	simm.s32 $0x410  }
0x87: {  	[tilespmem:s18], [sflag:$0x1] =	stream.indirect.gather [hbm4b:s26+s7], $0x40, s0, s7, $0xb8;
	[tilespmem:$0xEE20] =	vst v63  }
0x88: {  	s19 =	simm.s32 $0x3820;
	s0 =	simm.s32 $0x448  }
0x89: {  	[tilespmem:s19], [sflag:$0x1] =	stream.indirect.gather [hbm4b:s26+s7], $0x40, s0, s7, $0xb8;
	[tilespmem:$0xEE20] =	vst v63  }
0x8a: {  	s19 =	simm.s32 $0x4620;
	s0 =	simm.s32 $0x480  }
0x8b: {  	[tilespmem:s19], [sflag:$0x1] =	stream.indirect.gather [hbm4b:s26+s7], $0x40, s0, s7, $0xb8;
	[tilespmem:$0xEE20] =	vst v63  }
0x8c: {  	s21 =	simm.s32 $0x5420;
	s0 =	simm.s32 $0x4B8  }
0x8d: {  	[tilespmem:s21], [sflag:$0x1] =	stream.indirect.gather [hbm4b:s26+s7], $0x40, s0, s7, $0xb8;
	[tilespmem:$0xEE20] =	vst v63  }
0x8e: {  	s30 =	simm.s32 $0x6220;
	s0 =	simm.s32 $0x4F0  }
0x8f: {  	[tilespmem:s30], [sflag:$0x1] =	stream.indirect.gather [hbm4b:s26+s7], $0x40, s0, s7, $0xb8;
	[tilespmem:$0xEE20] =	vst v63  }
0x90: {  	s31 =	simm.s32 $0x7020;
	s0 =	simm.s32 $0x528  }
0x91: {  	[tilespmem:s31], [sflag:$0x1] =	stream.indirect.gather [hbm4b:s26+s7], $0x40, s0, s7, $0xb8;
	[tilespmem:$0xEE20] =	vst v63  }
0x92: {  	_ =	swait.ge [sflag:s4], $0xE00  }
0x93: {  	[sflag:s4] =	ssyncset.done $0x0  }
0x94: {  	[sflag:s4] =	ssyncadd.s32 $0xFFFFF200  }
0x95: {  	_ =	swait.ge [sflag:s4], $0xE00  }
0x96: {  	[sflag:s4] =	ssyncset.done $0x0  }
0x97: {  	[sflag:s4] =	ssyncadd.s32 $0xFFFFF200  }
0x98: {  	_ =	swait.ge [sflag:s4], $0xE00  }
0x99: {  	[sflag:s4] =	ssyncset.done $0x0  }
0x9a: {  	[sflag:s4] =	ssyncadd.s32 $0xFFFFF200  }
0x9b: {  	_ =	swait.ge [sflag:s4], $0xE00  }
0x9c: {  	[sflag:s4] =	ssyncset.done $0x0  }
0x9d: {  	[sflag:s4] =	ssyncadd.s32 $0xFFFFF200  }
0x9e: {  	_ =	swait.ge [sflag:s4], $0xE00  }
0x9f: {  	[sflag:s4] =	ssyncset.done $0x0  }
0xa0: {  	[sflag:s4] =	ssyncadd.s32 $0xFFFFF200  }
0xa1: {  	_ =	swait.ge [sflag:s4], $0xE00  }
0xa2: {  	[sflag:s4] =	ssyncset.done $0x0  }
0xa3: {  	[sflag:s4] =	ssyncadd.s32 $0xFFFFF200  }
0xa4: {  	_ =	swait.ge [sflag:s4], $0xE00  }
0xa5: {  	[sflag:s4] =	ssyncset.done $0x0  }
0xa6: {  	[sflag:s4] =	ssyncadd.s32 $0xFFFFF200  }
0xa7: {  	_ =	swait.ge [sflag:s4], $0xE00  }
0xa8: {  	[sflag:s4] =	ssyncset.done $0x0  }
0xa9: {  	s30 =	simm.s32 $0x7E20;
	s0 =	simm.s32 $0x560;
	[sflag:s4] =	ssyncadd.s32 $0xFFFFF200  }
0xaa: {  	[tilespmem:s30], [sflag:$0x1] =	stream.indirect.gather [hbm4b:s26+s7], $0x40, s0, s7, $0xb8;
	[tilespmem:$0xEE20] =	vst v63  }
0xab: {  	s0 =	simm.s32 $0x598  }
0xac: {  	[tilespmem:s10], [sflag:$0x1] =	stream.indirect.gather [hbm4b:s26+s7], $0x40, s0, s7, $0xb8;
	[tilespmem:$0xEE20] =	vst v63  }
0xad: {  	s30 =	simm.s32 $0x5D0;
	s10 =	simm.s32 $0x9A20  }
0xae: {  	[tilespmem:s10], [sflag:$0x1] =	stream.indirect.gather [hbm4b:s26+s7], $0x40, s30, s7, $0xb8;
	[tilespmem:$0xEE20] =	vst v63  }
0xaf: {  	s30 =	simm.s32 $0x608  }
0xb0: {  	[tilespmem:s12], [sflag:$0x1] =	stream.indirect.gather [hbm4b:s26+s7], $0x40, s30, s7, $0xb8;
	[tilespmem:$0xEE20] =	vst v63  }
0xb1: {  	s12 =	simm.s32 $0xB620;
	s30 =	simm.s32 $0x640  }
0xb2: {  	[tilespmem:s12], [sflag:$0x1] =	stream.indirect.gather [hbm4b:s26+s7], $0x40, s30, s7, $0xb8;
	[tilespmem:$0xEE20] =	vst v63  }
0xb3: {  	s30 =	simm.s32 $0x678  }
0xb4: {  	[tilespmem:s13], [sflag:$0x1] =	stream.indirect.gather [hbm4b:s26+s7], $0x40, s30, s7, $0xb8;
	[tilespmem:$0xEE20] =	vst v63  }
0xb5: {  	s30 =	simm.s32 $0x6B0  }
0xb6: {  	[tilespmem:s15], [sflag:$0x1] =	stream.indirect.gather [hbm4b:s26+s7], $0x40, s30, s7, $0xb8;
	[tilespmem:$0xEE20] =	vst v63  }
0xb7: {  	s15 =	simm.s32 $0xE020;
	s30 =	simm.s32 $0x6E8  }
0xb8: {  	[tilespmem:s15], [sflag:$0x1] =	stream.indirect.gather [hbm4b:s26+s7], $0x40, s30, s7, $0xb8;
	[tilespmem:$0xEE20] =	vst v63  }
0xb9: {  	_ =	swait.ge [sflag:s4], $0xE00  }
0xba: {  	[sflag:s4] =	ssyncset.done $0x0  }
0xbb: {  	[sflag:s4] =	ssyncadd.s32 $0xFFFFF200  }
0xbc: {  	_ =	swait.ge [sflag:s4], $0xE00  }
0xbd: {  	[sflag:s4] =	ssyncset.done $0x0  }
0xbe: {  	[sflag:s4] =	ssyncadd.s32 $0xFFFFF200  }
0xbf: {  	_ =	swait.ge [sflag:s4], $0xE00  }
0xc0: {  	[sflag:s4] =	ssyncset.done $0x0  }
0xc1: {  	[sflag:s4] =	ssyncadd.s32 $0xFFFFF200  }
0xc2: {  	_ =	swait.ge [sflag:s4], $0xE00  }
0xc3: {  	[sflag:s4] =	ssyncset.done $0x0  }
0xc4: {  	[sflag:s4] =	ssyncadd.s32 $0xFFFFF200  }
0xc5: {  	_ =	swait.ge [sflag:s4], $0xE00  }
0xc6: {  	[sflag:s4] =	ssyncset.done $0x0  }
0xc7: {  	[sflag:s4] =	ssyncadd.s32 $0xFFFFF200  }
0xc8: {  	_ =	swait.ge [sflag:s4], $0xE00  }
0xc9: {  	[sflag:s4] =	ssyncset.done $0x0  }
0xca: {  	[sflag:s4] =	ssyncadd.s32 $0xFFFFF200  }
0xcb: {  	_ =	swait.ge [sflag:s4], $0xE00  }
0xcc: {  	[sflag:s4] =	ssyncset.done $0x0  }
0xcd: {  	[sflag:s4] =	ssyncadd.s32 $0xFFFFF200  }
0xce: {  	_ =	swait.ge [sflag:s4], $0xE00  }
0xcf: {  	[sflag:s4] =	ssyncset.done $0x0  }
0xd0: {  	s28 =	simm.s32 $0xE20;
	s30 =	rddreg [dreg:$0xb];
	[sflag:s4] =	ssyncadd.s32 $0xFFFFF200  }
0xd1: {  	[hbm4b:s30+s2] =	stream.linear.scatter [tilespmem:s28], [sflag:$0x2], $0xE000, $0x38;
	[tilespmem:$0xEE20] =	vst v63  }
0xd2: {  	_ =	swait.ge [sflag:s3], $0xE000  }
0xd3: {  	[sflag:s3] =	ssyncset.done $0x0  }
0xd4: {  	s30 =	rddreg [dreg:$0xc];
	[sflag:s3] =	ssyncadd.s32 $0xFFFF2000  }
0xd5: {  	[tilespmem:s2], [sflag:$0x2] =	stream.linear.gather [hbm4b:s30+s2], $0x20, $0x38;
	[tilespmem:$0xEE20] =	vst v63  }
0xd6: {  	_ =	swait.ge [sflag:s3], $0x20  }
0xd7: {  	[sflag:s3] =	ssyncset.done $0x0  }
0xd8: {  	s1 =	simm.s32 $0x20;
	s30 =	rddreg [dreg:$0x5];
	[sflag:s3] =	ssyncadd.s32 $0xFFFFFFE0  }
0xd9: {  	[tilespmem:s1], [sflag:$0x1] =	stream.indirect.gather [hbm4b:s30+s1], $0x38, s2, s1, $0xb8;
	[tilespmem:$0xEE20] =	vst v63  }
0xda: {  	_ =	swait.ge [sflag:s4], $0x700  }
0xdb: {  	[sflag:s4] =	ssyncset.done $0x0  }
0xdc: {  	s8 =	simm.s32 $0x720;
	s30 =	rddreg [dreg:$0x6];
	[sflag:s4] =	ssyncadd.s32 $0xFFFFF900  }
0xdd: {  	[tilespmem:s8], [sflag:$0x1] =	stream.indirect.gather [hbm4b:s30+s1], $0x38, s2, s1, $0xb8;
	[tilespmem:$0xEE20] =	vst v63  }
0xde: {  	_ =	swait.ge [sflag:s4], $0x700  }
0xdf: {  	[sflag:s4] =	ssyncset.done $0x0  }
0xe0: {  	s30 =	rddreg [dreg:$0xd];
	[sflag:s4] =	ssyncadd.s32 $0xFFFFF900  }
0xe1: {  	[hbm4b:s30+s2] =	stream.linear.scatter [tilespmem:s1], [sflag:$0x2], $0x700, $0x38;
	[tilespmem:$0xEE20] =	vst v63  }
0xe2: {  	_ =	swait.ge [sflag:s3], $0x700  }
0xe3: {  	[sflag:s3] =	ssyncset.done $0x0  }
0xe4: {  	s30 =	rddreg [dreg:$0xe];
	[sflag:s3] =	ssyncadd.s32 $0xFFFFF900  }
0xe5: {  	[hbm4b:s30+s2] =	stream.linear.scatter [tilespmem:s8], [sflag:$0x2], $0x700, $0x38;
	[tilespmem:$0xEE20] =	vst v63  }
0xe6: {  	_ =	swait.ge [sflag:s3], $0x700  }
0xe7: {  	[sflag:s3] =	ssyncset.done $0x0  }
0xe8: {  	[sflag:s3] =	ssyncadd.s32 $0xFFFFF900  }
0xe9: {  	[tilespmem:s28], [sflag:$0x1] =	stream.indirect.gather [hbm4b:s6+s7], $0x40, s1, s7, $0xb8;
	[tilespmem:$0xEE20] =	vst v63  }
0xea: {  	_ = 	snop  }
0xeb: {  	[tilespmem:s16], [sflag:$0x1] =	stream.indirect.gather [hbm4b:s6+s7], $0x40, s11, s7, $0xb8;
	[tilespmem:$0xEE20] =	vst v63  }
0xec: {  	_ = 	snop  }
0xed: {  	[tilespmem:s18], [sflag:$0x1] =	stream.indirect.gather [hbm4b:s6+s7], $0x40, s14, s7, $0xb8;
	[tilespmem:$0xEE20] =	vst v63  }
0xee: {  	s11 =	simm.s32 $0xC8;
	s18 =	simm.s32 $0x3820  }
0xef: {  	[tilespmem:s18], [sflag:$0x1] =	stream.indirect.gather [hbm4b:s6+s7], $0x40, s11, s7, $0xb8;
	[tilespmem:$0xEE20] =	vst v63  }
0xf0: {  	s14 =	simm.s32 $0x100  }
0xf1: {  	[tilespmem:s19], [sflag:$0x1] =	stream.indirect.gather [hbm4b:s6+s7], $0x40, s14, s7, $0xb8;
	[tilespmem:$0xEE20] =	vst v63  }
0xf2: {  	s11 =	simm.s32 $0x138  }
0xf3: {  	[tilespmem:s21], [sflag:$0x1] =	stream.indirect.gather [hbm4b:s6+s7], $0x40, s11, s7, $0xb8;
	[tilespmem:$0xEE20] =	vst v63  }
0xf4: {  	s14 =	simm.s32 $0x170;
	s21 =	simm.s32 $0x6220  }
0xf5: {  	[tilespmem:s21], [sflag:$0x1] =	stream.indirect.gather [hbm4b:s6+s7], $0x40, s14, s7, $0xb8;
	[tilespmem:$0xEE20] =	vst v63  }
0xf6: {  	_ = 	snop  }
0xf7: {  	[tilespmem:s31], [sflag:$0x1] =	stream.indirect.gather [hbm4b:s6+s7], $0x40, s9, s7, $0xb8;
	[tilespmem:$0xEE20] =	vst v63  }
0xf8: {  	_ =	swait.ge [sflag:s4], $0xE00  }
0xf9: {  	[sflag:s4] =	ssyncset.done $0x0  }
0xfa: {  	[sflag:s4] =	ssyncadd.s32 $0xFFFFF200  }
0xfb: {  	_ =	swait.ge [sflag:s4], $0xE00  }
0xfc: {  	[sflag:s4] =	ssyncset.done $0x0  }
0xfd: {  	[sflag:s4] =	ssyncadd.s32 $0xFFFFF200  }
0xfe: {  	_ =	swait.ge [sflag:s4], $0xE00  }
0xff: {  	[sflag:s4] =	ssyncset.done $0x0  }
0x100: {  	[sflag:s4] =	ssyncadd.s32 $0xFFFFF200  }
0x101: {  	_ =	swait.ge [sflag:s4], $0xE00  }
0x102: {  	[sflag:s4] =	ssyncset.done $0x0  }
0x103: {  	[sflag:s4] =	ssyncadd.s32 $0xFFFFF200  }
0x104: {  	_ =	swait.ge [sflag:s4], $0xE00  }
0x105: {  	[sflag:s4] =	ssyncset.done $0x0  }
0x106: {  	[sflag:s4] =	ssyncadd.s32 $0xFFFFF200  }
0x107: {  	_ =	swait.ge [sflag:s4], $0xE00  }
0x108: {  	[sflag:s4] =	ssyncset.done $0x0  }
0x109: {  	[sflag:s4] =	ssyncadd.s32 $0xFFFFF200  }
0x10a: {  	_ =	swait.ge [sflag:s4], $0xE00  }
0x10b: {  	[sflag:s4] =	ssyncset.done $0x0  }
0x10c: {  	[sflag:s4] =	ssyncadd.s32 $0xFFFFF200  }
0x10d: {  	_ =	swait.ge [sflag:s4], $0xE00  }
0x10e: {  	[sflag:s4] =	ssyncset.done $0x0  }
0x10f: {  	s9 =	simm.s32 $0x7E20;
	s31 =	simm.s32 $0x1E0;
	[sflag:s4] =	ssyncadd.s32 $0xFFFFF200  }
0x110: {  	[tilespmem:s9], [sflag:$0x1] =	stream.indirect.gather [hbm4b:s6+s7], $0x40, s31, s7, $0xb8;
	[tilespmem:$0xEE20] =	vst v63  }
0x111: {  	s9 =	simm.s32 $0x8C20;
	s31 =	simm.s32 $0x218  }
0x112: {  	[tilespmem:s9], [sflag:$0x1] =	stream.indirect.gather [hbm4b:s6+s7], $0x40, s31, s7, $0xb8;
	[tilespmem:$0xEE20] =	vst v63  }
0x113: {  	_ = 	snop  }
0x114: {  	[tilespmem:s10], [sflag:$0x1] =	stream.indirect.gather [hbm4b:s6+s7], $0x40, s17, s7, $0xb8;
	[tilespmem:$0xEE20] =	vst v63  }
0x115: {  	s11 =	simm.s32 $0xA820  }
0x116: {  	[tilespmem:s11], [sflag:$0x1] =	stream.indirect.gather [hbm4b:s6+s7], $0x40, s22, s7, $0xb8;
	[tilespmem:$0xEE20] =	vst v63  }
0x117: {  	_ = 	snop  }
0x118: {  	[tilespmem:s12], [sflag:$0x1] =	stream.indirect.gather [hbm4b:s6+s7], $0x40, s24, s7, $0xb8;
	[tilespmem:$0xEE20] =	vst v63  }
0x119: {  	_ = 	snop  }
0x11a: {  	[tilespmem:s13], [sflag:$0x1] =	stream.indirect.gather [hbm4b:s6+s7], $0x40, s20, s7, $0xb8;
	[tilespmem:$0xEE20] =	vst v63  }
0x11b: {  	s14 =	simm.s32 $0xD220  }
0x11c: {  	[tilespmem:s14], [sflag:$0x1] =	stream.indirect.gather [hbm4b:s6+s7], $0x40, s25, s7, $0xb8;
	[tilespmem:$0xEE20] =	vst v63  }
0x11d: {  	_ = 	snop  }
0x11e: {  	[tilespmem:s15], [sflag:$0x1] =	stream.indirect.gather [hbm4b:s6+s7], $0x40, s29, s7, $0xb8;
	[tilespmem:$0xEE20] =	vst v63  }
0x11f: {  	_ =	swait.ge [sflag:s4], $0xE00  }
0x120: {  	[sflag:s4] =	ssyncset.done $0x0  }
0x121: {  	[sflag:s4] =	ssyncadd.s32 $0xFFFFF200  }
0x122: {  	_ =	swait.ge [sflag:s4], $0xE00  }
0x123: {  	[sflag:s4] =	ssyncset.done $0x0  }
0x124: {  	[sflag:s4] =	ssyncadd.s32 $0xFFFFF200  }
0x125: {  	_ =	swait.ge [sflag:s4], $0xE00  }
0x126: {  	[sflag:s4] =	ssyncset.done $0x0  }
0x127: {  	[sflag:s4] =	ssyncadd.s32 $0xFFFFF200  }
0x128: {  	_ =	swait.ge [sflag:s4], $0xE00  }
0x129: {  	[sflag:s4] =	ssyncset.done $0x0  }
0x12a: {  	[sflag:s4] =	ssyncadd.s32 $0xFFFFF200  }
0x12b: {  	_ =	swait.ge [sflag:s4], $0xE00  }
0x12c: {  	[sflag:s4] =	ssyncset.done $0x0  }
0x12d: {  	[sflag:s4] =	ssyncadd.s32 $0xFFFFF200  }
0x12e: {  	_ =	swait.ge [sflag:s4], $0xE00  }
0x12f: {  	[sflag:s4] =	ssyncset.done $0x0  }
0x130: {  	[sflag:s4] =	ssyncadd.s32 $0xFFFFF200  }
0x131: {  	_ =	swait.ge [sflag:s4], $0xE00  }
0x132: {  	[sflag:s4] =	ssyncset.done $0x0  }
0x133: {  	[sflag:s4] =	ssyncadd.s32 $0xFFFFF200  }
0x134: {  	_ =	swait.ge [sflag:s4], $0xE00  }
0x135: {  	[sflag:s4] =	ssyncset.done $0x0  }
0x136: {  	s30 =	rddreg [dreg:$0xf];
	[sflag:s4] =	ssyncadd.s32 $0xFFFFF200  }
0x137: {  	[hbm4b:s30+s2] =	stream.linear.scatter [tilespmem:s28], [sflag:$0x2], $0xE000, $0x38;
	[tilespmem:$0xEE20] =	vst v63  }
0x138: {  	_ =	swait.ge [sflag:s3], $0xE000  }
0x139: {  	[sflag:s3] =	ssyncset.done $0x0  }
0x13a: {  	s24 =	simm.s32 $0x3A0;
	[sflag:s3] =	ssyncadd.s32 $0xFFFF2000  }
0x13b: {  	[tilespmem:s28], [sflag:$0x1] =	stream.indirect.gather [hbm4b:s6+s7], $0x40, s24, s7, $0xb8;
	[tilespmem:$0xEE20] =	vst v63  }
0x13c: {  	_ = 	snop  }
0x13d: {  	[tilespmem:s16], [sflag:$0x1] =	stream.indirect.gather [hbm4b:s6+s7], $0x40, s5, s7, $0xb8;
	[tilespmem:$0xEE20] =	vst v63  }
0x13e: {  	s17 =	simm.s32 $0x2A20;
	s25 =	simm.s32 $0x410  }
0x13f: {  	[tilespmem:s17], [sflag:$0x1] =	stream.indirect.gather [hbm4b:s6+s7], $0x40, s25, s7, $0xb8;
	[tilespmem:$0xEE20] =	vst v63  }
0x140: {  	s28 =	simm.s32 $0x448  }
0x141: {  	[tilespmem:s18], [sflag:$0x1] =	stream.indirect.gather [hbm4b:s6+s7], $0x40, s28, s7, $0xb8;
	[tilespmem:$0xEE20] =	vst v63  }
0x142: {  	s31 =	simm.s32 $0x480  }
0x143: {  	[tilespmem:s19], [sflag:$0x1] =	stream.indirect.gather [hbm4b:s6+s7], $0x40, s31, s7, $0xb8;
	[tilespmem:$0xEE20] =	vst v63  }
0x144: {  	s20 =	simm.s32 $0x5420;
	s25 =	simm.s32 $0x4B8  }
0x145: {  	[tilespmem:s20], [sflag:$0x1] =	stream.indirect.gather [hbm4b:s6+s7], $0x40, s25, s7, $0xb8;
	[tilespmem:$0xEE20] =	vst v63  }
0x146: {  	s28 =	simm.s32 $0x4F0  }
0x147: {  	[tilespmem:s21], [sflag:$0x1] =	stream.indirect.gather [hbm4b:s6+s7], $0x40, s28, s7, $0xb8;
	[tilespmem:$0xEE20] =	vst v63  }
0x148: {  	s22 =	simm.s32 $0x7020;
	s31 =	simm.s32 $0x528  }
0x149: {  	[tilespmem:s22], [sflag:$0x1] =	stream.indirect.gather [hbm4b:s6+s7], $0x40, s31, s7, $0xb8;
	[tilespmem:$0xEE20] =	vst v63  }
0x14a: {  	_ =	swait.ge [sflag:s4], $0xE00  }
0x14b: {  	[sflag:s4] =	ssyncset.done $0x0  }
0x14c: {  	[sflag:s4] =	ssyncadd.s32 $0xFFFFF200  }
0x14d: {  	_ =	swait.ge [sflag:s4], $0xE00  }
0x14e: {  	[sflag:s4] =	ssyncset.done $0x0  }
0x14f: {  	[sflag:s4] =	ssyncadd.s32 $0xFFFFF200  }
0x150: {  	_ =	swait.ge [sflag:s4], $0xE00  }
0x151: {  	[sflag:s4] =	ssyncset.done $0x0  }
0x152: {  	[sflag:s4] =	ssyncadd.s32 $0xFFFFF200  }
0x153: {  	_ =	swait.ge [sflag:s4], $0xE00  }
0x154: {  	[sflag:s4] =	ssyncset.done $0x0  }
0x155: {  	[sflag:s4] =	ssyncadd.s32 $0xFFFFF200  }
0x156: {  	_ =	swait.ge [sflag:s4], $0xE00  }
0x157: {  	[sflag:s4] =	ssyncset.done $0x0  }
0x158: {  	[sflag:s4] =	ssyncadd.s32 $0xFFFFF200  }
0x159: {  	_ =	swait.ge [sflag:s4], $0xE00  }
0x15a: {  	[sflag:s4] =	ssyncset.done $0x0  }
0x15b: {  	[sflag:s4] =	ssyncadd.s32 $0xFFFFF200  }
0x15c: {  	_ =	swait.ge [sflag:s4], $0xE00  }
0x15d: {  	[sflag:s4] =	ssyncset.done $0x0  }
0x15e: {  	[sflag:s4] =	ssyncadd.s32 $0xFFFFF200  }
0x15f: {  	_ =	swait.ge [sflag:s4], $0xE00  }
0x160: {  	[sflag:s4] =	ssyncset.done $0x0  }
0x161: {  	s8 =	simm.s32 $0x7E20;
	s25 =	simm.s32 $0x560;
	[sflag:s4] =	ssyncadd.s32 $0xFFFFF200  }
0x162: {  	[tilespmem:s8], [sflag:$0x1] =	stream.indirect.gather [hbm4b:s6+s7], $0x40, s25, s7, $0xb8;
	[tilespmem:$0xEE20] =	vst v63  }
0x163: {  	_ = 	snop  }
0x164: {  	[tilespmem:s9], [sflag:$0x1] =	stream.indirect.gather [hbm4b:s6+s7], $0x40, s0, s7, $0xb8;
	[tilespmem:$0xEE20] =	vst v63  }
0x165: {  	s28 =	simm.s32 $0x5D0  }
0x166: {  	[tilespmem:s10], [sflag:$0x1] =	stream.indirect.gather [hbm4b:s6+s7], $0x40, s28, s7, $0xb8;
	[tilespmem:$0xEE20] =	vst v63  }
0x167: {  	s31 =	simm.s32 $0x608  }
0x168: {  	[tilespmem:s11], [sflag:$0x1] =	stream.indirect.gather [hbm4b:s6+s7], $0x40, s31, s7, $0xb8;
	[tilespmem:$0xEE20] =	vst v63  }
0x169: {  	s24 =	simm.s32 $0x640  }
0x16a: {  	[tilespmem:s12], [sflag:$0x1] =	stream.indirect.gather [hbm4b:s6+s7], $0x40, s24, s7, $0xb8;
	[tilespmem:$0xEE20] =	vst v63  }
0x16b: {  	s25 =	simm.s32 $0x678  }
0x16c: {  	[tilespmem:s13], [sflag:$0x1] =	stream.indirect.gather [hbm4b:s6+s7], $0x40, s25, s7, $0xb8;
	[tilespmem:$0xEE20] =	vst v63  }
0x16d: {  	s28 =	simm.s32 $0x6B0  }
0x16e: {  	[tilespmem:s14], [sflag:$0x1] =	stream.indirect.gather [hbm4b:s6+s7], $0x40, s28, s7, $0xb8;
	[tilespmem:$0xEE20] =	vst v63  }
0x16f: {  	s31 =	simm.s32 $0x6E8  }
0x170: {  	[tilespmem:s15], [sflag:$0x1] =	stream.indirect.gather [hbm4b:s6+s7], $0x40, s31, s7, $0xb8;
	[tilespmem:$0xEE20] =	vst v63  }
0x171: {  	_ =	swait.ge [sflag:s4], $0xE00  }
0x172: {  	[sflag:s4] =	ssyncset.done $0x0  }
0x173: {  	[sflag:s4] =	ssyncadd.s32 $0xFFFFF200  }
0x174: {  	_ =	swait.ge [sflag:s4], $0xE00  }
0x175: {  	[sflag:s4] =	ssyncset.done $0x0  }
0x176: {  	[sflag:s4] =	ssyncadd.s32 $0xFFFFF200  }
0x177: {  	_ =	swait.ge [sflag:s4], $0xE00  }
0x178: {  	[sflag:s4] =	ssyncset.done $0x0  }
0x179: {  	[sflag:s4] =	ssyncadd.s32 $0xFFFFF200  }
0x17a: {  	_ =	swait.ge [sflag:s4], $0xE00  }
0x17b: {  	[sflag:s4] =	ssyncset.done $0x0  }
0x17c: {  	[sflag:s4] =	ssyncadd.s32 $0xFFFFF200  }
0x17d: {  	_ =	swait.ge [sflag:s4], $0xE00  }
0x17e: {  	[sflag:s4] =	ssyncset.done $0x0  }
0x17f: {  	[sflag:s4] =	ssyncadd.s32 $0xFFFFF200  }
0x180: {  	_ =	swait.ge [sflag:s4], $0xE00  }
0x181: {  	[sflag:s4] =	ssyncset.done $0x0  }
0x182: {  	[sflag:s4] =	ssyncadd.s32 $0xFFFFF200  }
0x183: {  	_ =	swait.ge [sflag:s4], $0xE00  }
0x184: {  	[sflag:s4] =	ssyncset.done $0x0  }
0x185: {  	[sflag:s4] =	ssyncadd.s32 $0xFFFFF200  }
0x186: {  	p1 =	sne.s32 s23, $0x1;
	_ =	swait.ge [sflag:s4], $0xE00  }
.Ltmp1:
0x187: {  	[sflag:s4] =	ssyncset.done $0x0;
	(pc) =	sbr.rel @!p1 .LBB2_6-.Ltmp1, $4  }
0x188: {  	s5 =	simm.s32 $0xE20;
	s30 =	rddreg [dreg:$0x10];
	[sflag:s4] =	ssyncadd.s32 $0xFFFFF200  }
0x189: {  	[hbm4b:s30+s2] =	stream.linear.scatter [tilespmem:s5], [sflag:$0x2], $0xE000, $0x38;
	[tilespmem:$0xEE20] =	vst v63  }
0x18a: {  	p0 =	por $0x1, $0x1;
	_ =	swait.ge [sflag:s3], $0xE000  }
0x18b: {  	s29 =	sadd.s32 $0xFFFFFFFF, s23;
	s30 =	rddreg [dreg:$0x7];
	[sflag:s3] =	ssyncset.done $0x0  }
0x18c: {  	s24 =	simm.s32 $0x90;
	s25 =	simm.s32 $0xC8  }
0x18d: {  	s23 =	simm.s32 $0x1E0;
	s31 =	simm.s32 $0x7020;
	s28 =	simm.s32 $0xE20  }
.LBB2_3:
0x18e: {  	[sflag:s3] =	ssyncadd.s32 $0xFFFF2000  }
0x18f: {  	[tilespmem:s2], [sflag:$0x2] =	stream.linear.gather [hbm4b:s30+s2], $0x20, $0x38;
	[tilespmem:$0xEE20] =	vst v63  }
0x190: {  	_ =	swait.ge [sflag:s3], $0x20  }
0x191: {  	[sflag:s3] =	ssyncset.done $0x0  }
0x192: {  	s30 =	rddreg [dreg:$0x3];
	[sflag:s3] =	ssyncadd.s32 $0xFFFFFFE0  }
0x193: {  	[tilespmem:s1], [sflag:$0x1] =	stream.indirect.gather [hbm4b:s30+s1], $0x38, s2, s1, $0xb8;
	[tilespmem:$0xEE20] =	vst v63  }
0x194: {  	_ =	swait.ge [sflag:s4], $0x700  }
0x195: {  	[sflag:s4] =	ssyncset.done $0x0  }
0x196: {  	s0 =	simm.s32 $0x720;
	s30 =	rddreg [dreg:$0x4];
	[sflag:s4] =	ssyncadd.s32 $0xFFFFF900  }
0x197: {  	[tilespmem:s0], [sflag:$0x1] =	stream.indirect.gather [hbm4b:s30+s1], $0x38, s2, s1, $0xb8;
	[tilespmem:$0xEE20] =	vst v63  }
0x198: {  	_ =	swait.ge [sflag:s4], $0x700  }
0x199: {  	[sflag:s4] =	ssyncset.done $0x0  }
0x19a: {  	s30 =	rddreg [dreg:$0x8];
	[sflag:s4] =	ssyncadd.s32 $0xFFFFF900  }
0x19b: {  	[hbm4b:s30+s2] =	stream.linear.scatter [tilespmem:s1], [sflag:$0x2], $0x700, $0x38;
	[tilespmem:$0xEE20] =	vst v63  }
0x19c: {  	_ =	swait.ge [sflag:s3], $0x700  }
0x19d: {  	[sflag:s3] =	ssyncset.done $0x0  }
0x19e: {  	s30 =	rddreg [dreg:$0x9];
	[sflag:s3] =	ssyncadd.s32 $0xFFFFF900  }
0x19f: {  	[hbm4b:s30+s2] =	stream.linear.scatter [tilespmem:s0], [sflag:$0x2], $0x700, $0x38;
	[tilespmem:$0xEE20] =	vst v63  }
0x1a0: {  	_ =	swait.ge [sflag:s3], $0x700  }
0x1a1: {  	[sflag:s3] =	ssyncset.done $0x0  }
0x1a2: {  	[sflag:s3] =	ssyncadd.s32 $0xFFFFF900  }
0x1a3: {  	[tilespmem:s5], [sflag:$0x1] =	stream.indirect.gather [hbm4b:s26+s7], $0x40, s1, s7, $0xb8;
	[tilespmem:$0xEE20] =	vst v63  }
0x1a4: {  	s9 =	simm.s32 $0x58  }
0x1a5: {  	[tilespmem:s16], [sflag:$0x1] =	stream.indirect.gather [hbm4b:s26+s7], $0x40, s9, s7, $0xb8;
	[tilespmem:$0xEE20] =	vst v63  }
0x1a6: {  	_ = 	snop  }
0x1a7: {  	[tilespmem:s17], [sflag:$0x1] =	stream.indirect.gather [hbm4b:s26+s7], $0x40, s24, s7, $0xb8;
	[tilespmem:$0xEE20] =	vst v63  }
0x1a8: {  	_ = 	snop  }
0x1a9: {  	[tilespmem:s18], [sflag:$0x1] =	stream.indirect.gather [hbm4b:s26+s7], $0x40, s25, s7, $0xb8;
	[tilespmem:$0xEE20] =	vst v63  }
0x1aa: {  	s18 =	simm.s32 $0x100  }
0x1ab: {  	[tilespmem:s19], [sflag:$0x1] =	stream.indirect.gather [hbm4b:s26+s7], $0x40, s18, s7, $0xb8;
	[tilespmem:$0xEE20] =	vst v63  }
0x1ac: {  	s11 =	simm.s32 $0x138  }
0x1ad: {  	[tilespmem:s20], [sflag:$0x1] =	stream.indirect.gather [hbm4b:s26+s7], $0x40, s11, s7, $0xb8;
	[tilespmem:$0xEE20] =	vst v63  }
0x1ae: {  	s14 =	simm.s32 $0x170  }
0x1af: {  	[tilespmem:s21], [sflag:$0x1] =	stream.indirect.gather [hbm4b:s26+s7], $0x40, s14, s7, $0xb8;
	[tilespmem:$0xEE20] =	vst v63  }
0x1b0: {  	s20 =	simm.s32 $0x1A8  }
0x1b1: {  	[tilespmem:s22], [sflag:$0x1] =	stream.indirect.gather [hbm4b:s26+s7], $0x40, s20, s7, $0xb8;
	[tilespmem:$0xEE20] =	vst v63  }
0x1b2: {  	_ =	swait.ge [sflag:s4], $0xE00  }
0x1b3: {  	[sflag:s4] =	ssyncset.done $0x0  }
0x1b4: {  	[sflag:s4] =	ssyncadd.s32 $0xFFFFF200  }
0x1b5: {  	_ =	swait.ge [sflag:s4], $0xE00  }
0x1b6: {  	[sflag:s4] =	ssyncset.done $0x0  }
0x1b7: {  	[sflag:s4] =	ssyncadd.s32 $0xFFFFF200  }
0x1b8: {  	_ =	swait.ge [sflag:s4], $0xE00  }
0x1b9: {  	[sflag:s4] =	ssyncset.done $0x0  }
0x1ba: {  	[sflag:s4] =	ssyncadd.s32 $0xFFFFF200  }
0x1bb: {  	_ =	swait.ge [sflag:s4], $0xE00  }
0x1bc: {  	[sflag:s4] =	ssyncset.done $0x0  }
0x1bd: {  	[sflag:s4] =	ssyncadd.s32 $0xFFFFF200  }
0x1be: {  	_ =	swait.ge [sflag:s4], $0xE00  }
0x1bf: {  	[sflag:s4] =	ssyncset.done $0x0  }
0x1c0: {  	[sflag:s4] =	ssyncadd.s32 $0xFFFFF200  }
0x1c1: {  	_ =	swait.ge [sflag:s4], $0xE00  }
0x1c2: {  	[sflag:s4] =	ssyncset.done $0x0  }
0x1c3: {  	[sflag:s4] =	ssyncadd.s32 $0xFFFFF200  }
0x1c4: {  	_ =	swait.ge [sflag:s4], $0xE00  }
0x1c5: {  	[sflag:s4] =	ssyncset.done $0x0  }
0x1c6: {  	[sflag:s4] =	ssyncadd.s32 $0xFFFFF200  }
0x1c7: {  	_ =	swait.ge [sflag:s4], $0xE00  }
0x1c8: {  	[sflag:s4] =	ssyncset.done $0x0  }
0x1c9: {  	[sflag:s4] =	ssyncadd.s32 $0xFFFFF200  }
0x1ca: {  	[tilespmem:s8], [sflag:$0x1] =	stream.indirect.gather [hbm4b:s26+s7], $0x40, s23, s7, $0xb8;
	[tilespmem:$0xEE20] =	vst v63  }
0x1cb: {  	s10 =	simm.s32 $0x8C20;
	s8 =	simm.s32 $0x218  }
0x1cc: {  	[tilespmem:s10], [sflag:$0x1] =	stream.indirect.gather [hbm4b:s26+s7], $0x40, s8, s7, $0xb8;
	[tilespmem:$0xEE20] =	vst v63  }
0x1cd: {  	s30 =	simm.s32 $0x9A20;
	s17 =	simm.s32 $0x250  }
0x1ce: {  	[tilespmem:s30], [sflag:$0x1] =	stream.indirect.gather [hbm4b:s26+s7], $0x40, s17, s7, $0xb8;
	[tilespmem:$0xEE20] =	vst v63  }
0x1cf: {  	s12 =	simm.s32 $0xA820;
	s22 =	simm.s32 $0x288  }
0x1d0: {  	[tilespmem:s12], [sflag:$0x1] =	stream.indirect.gather [hbm4b:s26+s7], $0x40, s22, s7, $0xb8;
	[tilespmem:$0xEE20] =	vst v63  }
0x1d1: {  	s13 =	simm.s32 $0xB620;
	s21 =	simm.s32 $0x2C0  }
0x1d2: {  	[tilespmem:s13], [sflag:$0x1] =	stream.indirect.gather [hbm4b:s26+s7], $0x40, s21, s7, $0xb8;
	[tilespmem:$0xEE20] =	vst v63  }
0x1d3: {  	s13 =	simm.s32 $0xC420;
	s21 =	simm.s32 $0x2F8  }
0x1d4: {  	[tilespmem:s13], [sflag:$0x1] =	stream.indirect.gather [hbm4b:s26+s7], $0x40, s21, s7, $0xb8;
	[tilespmem:$0xEE20] =	vst v63  }
0x1d5: {  	s15 =	simm.s32 $0xD220;
	s21 =	simm.s32 $0x330  }
0x1d6: {  	[tilespmem:s15], [sflag:$0x1] =	stream.indirect.gather [hbm4b:s26+s7], $0x40, s21, s7, $0xb8;
	[tilespmem:$0xEE20] =	vst v63  }
0x1d7: {  	s16 =	simm.s32 $0xE020;
	s21 =	simm.s32 $0x368  }
0x1d8: {  	[tilespmem:s16], [sflag:$0x1] =	stream.indirect.gather [hbm4b:s26+s7], $0x40, s21, s7, $0xb8;
	[tilespmem:$0xEE20] =	vst v63  }
0x1d9: {  	_ =	swait.ge [sflag:s4], $0xE00  }
0x1da: {  	[sflag:s4] =	ssyncset.done $0x0  }
0x1db: {  	[sflag:s4] =	ssyncadd.s32 $0xFFFFF200  }
0x1dc: {  	_ =	swait.ge [sflag:s4], $0xE00  }
0x1dd: {  	[sflag:s4] =	ssyncset.done $0x0  }
0x1de: {  	[sflag:s4] =	ssyncadd.s32 $0xFFFFF200  }
0x1df: {  	_ =	swait.ge [sflag:s4], $0xE00  }
0x1e0: {  	[sflag:s4] =	ssyncset.done $0x0  }
0x1e1: {  	[sflag:s4] =	ssyncadd.s32 $0xFFFFF200  }
0x1e2: {  	_ =	swait.ge [sflag:s4], $0xE00  }
0x1e3: {  	[sflag:s4] =	ssyncset.done $0x0  }
0x1e4: {  	[sflag:s4] =	ssyncadd.s32 $0xFFFFF200  }
0x1e5: {  	_ =	swait.ge [sflag:s4], $0xE00  }
0x1e6: {  	[sflag:s4] =	ssyncset.done $0x0  }
0x1e7: {  	[sflag:s4] =	ssyncadd.s32 $0xFFFFF200  }
0x1e8: {  	_ =	swait.ge [sflag:s4], $0xE00  }
0x1e9: {  	[sflag:s4] =	ssyncset.done $0x0  }
0x1ea: {  	[sflag:s4] =	ssyncadd.s32 $0xFFFFF200  }
0x1eb: {  	_ =	swait.ge [sflag:s4], $0xE00  }
0x1ec: {  	[sflag:s4] =	ssyncset.done $0x0  }
0x1ed: {  	[sflag:s4] =	ssyncadd.s32 $0xFFFFF200  }
0x1ee: {  	_ =	swait.ge [sflag:s4], $0xE00  }
0x1ef: {  	[sflag:s4] =	ssyncset.done $0x0  }
0x1f0: {  	s30 =	rddreg [dreg:$0xa];
	[sflag:s4] =	ssyncadd.s32 $0xFFFFF200  }
0x1f1: {  	[hbm4b:s30+s2] =	stream.linear.scatter [tilespmem:s5], [sflag:$0x2], $0xE000, $0x38;
	[tilespmem:$0xEE20] =	vst v63  }
0x1f2: {  	_ =	swait.ge [sflag:s3], $0xE000  }
0x1f3: {  	[sflag:s3] =	ssyncset.done $0x0  }
0x1f4: {  	s20 =	simm.s32 $0x3A0;
	[sflag:s3] =	ssyncadd.s32 $0xFFFF2000  }
0x1f5: {  	[tilespmem:s5], [sflag:$0x1] =	stream.indirect.gather [hbm4b:s26+s7], $0x40, s20, s7, $0xb8;
	[tilespmem:$0xEE20] =	vst v63  }
0x1f6: {  	s16 =	simm.s32 $0x1C20;
	s5 =	simm.s32 $0x3D8  }
0x1f7: {  	[tilespmem:s16], [sflag:$0x1] =	stream.indirect.gather [hbm4b:s26+s7], $0x40, s5, s7, $0xb8;
	[tilespmem:$0xEE20] =	vst v63  }
0x1f8: {  	s18 =	simm.s32 $0x2A20;
	s5 =	simm.s32 $0x410  }
0x1f9: {  	[tilespmem:s18], [sflag:$0x1] =	stream.indirect.gather [hbm4b:s26+s7], $0x40, s5, s7, $0xb8;
	[tilespmem:$0xEE20] =	vst v63  }
0x1fa: {  	s19 =	simm.s32 $0x3820;
	s5 =	simm.s32 $0x448  }
0x1fb: {  	[tilespmem:s19], [sflag:$0x1] =	stream.indirect.gather [hbm4b:s26+s7], $0x40, s5, s7, $0xb8;
	[tilespmem:$0xEE20] =	vst v63  }
0x1fc: {  	s19 =	simm.s32 $0x4620;
	s5 =	simm.s32 $0x480  }
0x1fd: {  	[tilespmem:s19], [sflag:$0x1] =	stream.indirect.gather [hbm4b:s26+s7], $0x40, s5, s7, $0xb8;
	[tilespmem:$0xEE20] =	vst v63  }
0x1fe: {  	s21 =	simm.s32 $0x5420;
	s5 =	simm.s32 $0x4B8  }
0x1ff: {  	[tilespmem:s21], [sflag:$0x1] =	stream.indirect.gather [hbm4b:s26+s7], $0x40, s5, s7, $0xb8;
	[tilespmem:$0xEE20] =	vst v63  }
0x200: {  	s30 =	simm.s32 $0x6220;
	s5 =	simm.s32 $0x4F0  }
0x201: {  	[tilespmem:s30], [sflag:$0x1] =	stream.indirect.gather [hbm4b:s26+s7], $0x40, s5, s7, $0xb8;
	[tilespmem:$0xEE20] =	vst v63  }
0x202: {  	s5 =	simm.s32 $0x528  }
0x203: {  	[tilespmem:s31], [sflag:$0x1] =	stream.indirect.gather [hbm4b:s26+s7], $0x40, s5, s7, $0xb8;
	[tilespmem:$0xEE20] =	vst v63  }
0x204: {  	_ =	swait.ge [sflag:s4], $0xE00  }
0x205: {  	[sflag:s4] =	ssyncset.done $0x0  }
0x206: {  	[sflag:s4] =	ssyncadd.s32 $0xFFFFF200  }
0x207: {  	_ =	swait.ge [sflag:s4], $0xE00  }
0x208: {  	[sflag:s4] =	ssyncset.done $0x0  }
0x209: {  	[sflag:s4] =	ssyncadd.s32 $0xFFFFF200  }
0x20a: {  	_ =	swait.ge [sflag:s4], $0xE00  }
0x20b: {  	[sflag:s4] =	ssyncset.done $0x0  }
0x20c: {  	[sflag:s4] =	ssyncadd.s32 $0xFFFFF200  }
0x20d: {  	_ =	swait.ge [sflag:s4], $0xE00  }
0x20e: {  	[sflag:s4] =	ssyncset.done $0x0  }
0x20f: {  	[sflag:s4] =	ssyncadd.s32 $0xFFFFF200  }
0x210: {  	_ =	swait.ge [sflag:s4], $0xE00  }
0x211: {  	[sflag:s4] =	ssyncset.done $0x0  }
0x212: {  	[sflag:s4] =	ssyncadd.s32 $0xFFFFF200  }
0x213: {  	_ =	swait.ge [sflag:s4], $0xE00  }
0x214: {  	[sflag:s4] =	ssyncset.done $0x0  }
0x215: {  	[sflag:s4] =	ssyncadd.s32 $0xFFFFF200  }
0x216: {  	_ =	swait.ge [sflag:s4], $0xE00  }
0x217: {  	[sflag:s4] =	ssyncset.done $0x0  }
0x218: {  	[sflag:s4] =	ssyncadd.s32 $0xFFFFF200  }
0x219: {  	_ =	swait.ge [sflag:s4], $0xE00  }
0x21a: {  	[sflag:s4] =	ssyncset.done $0x0  }
0x21b: {  	s9 =	simm.s32 $0x7E20;
	s30 =	simm.s32 $0x560;
	[sflag:s4] =	ssyncadd.s32 $0xFFFFF200  }
0x21c: {  	[tilespmem:s9], [sflag:$0x1] =	stream.indirect.gather [hbm4b:s26+s7], $0x40, s30, s7, $0xb8;
	[tilespmem:$0xEE20] =	vst v63  }
0x21d: {  	s5 =	simm.s32 $0x598  }
0x21e: {  	[tilespmem:s10], [sflag:$0x1] =	stream.indirect.gather [hbm4b:s26+s7], $0x40, s5, s7, $0xb8;
	[tilespmem:$0xEE20] =	vst v63  }
0x21f: {  	s10 =	simm.s32 $0x9A20;
	s5 =	simm.s32 $0x5D0  }
0x220: {  	[tilespmem:s10], [sflag:$0x1] =	stream.indirect.gather [hbm4b:s26+s7], $0x40, s5, s7, $0xb8;
	[tilespmem:$0xEE20] =	vst v63  }
0x221: {  	s5 =	simm.s32 $0x608  }
0x222: {  	[tilespmem:s12], [sflag:$0x1] =	stream.indirect.gather [hbm4b:s26+s7], $0x40, s5, s7, $0xb8;
	[tilespmem:$0xEE20] =	vst v63  }
0x223: {  	s12 =	simm.s32 $0xB620;
	s5 =	simm.s32 $0x640  }
0x224: {  	[tilespmem:s12], [sflag:$0x1] =	stream.indirect.gather [hbm4b:s26+s7], $0x40, s5, s7, $0xb8;
	[tilespmem:$0xEE20] =	vst v63  }
0x225: {  	s5 =	simm.s32 $0x678  }
0x226: {  	[tilespmem:s13], [sflag:$0x1] =	stream.indirect.gather [hbm4b:s26+s7], $0x40, s5, s7, $0xb8;
	[tilespmem:$0xEE20] =	vst v63  }
0x227: {  	s5 =	simm.s32 $0x6B0  }
0x228: {  	[tilespmem:s15], [sflag:$0x1] =	stream.indirect.gather [hbm4b:s26+s7], $0x40, s5, s7, $0xb8;
	[tilespmem:$0xEE20] =	vst v63  }
0x229: {  	s15 =	simm.s32 $0xE020;
	s5 =	simm.s32 $0x6E8  }
0x22a: {  	[tilespmem:s15], [sflag:$0x1] =	stream.indirect.gather [hbm4b:s26+s7], $0x40, s5, s7, $0xb8;
	[tilespmem:$0xEE20] =	vst v63  }
0x22b: {  	_ =	swait.ge [sflag:s4], $0xE00  }
0x22c: {  	[sflag:s4] =	ssyncset.done $0x0  }
0x22d: {  	[sflag:s4] =	ssyncadd.s32 $0xFFFFF200  }
0x22e: {  	_ =	swait.ge [sflag:s4], $0xE00  }
0x22f: {  	[sflag:s4] =	ssyncset.done $0x0  }
0x230: {  	[sflag:s4] =	ssyncadd.s32 $0xFFFFF200  }
0x231: {  	_ =	swait.ge [sflag:s4], $0xE00  }
0x232: {  	[sflag:s4] =	ssyncset.done $0x0  }
0x233: {  	[sflag:s4] =	ssyncadd.s32 $0xFFFFF200  }
0x234: {  	_ =	swait.ge [sflag:s4], $0xE00  }
0x235: {  	[sflag:s4] =	ssyncset.done $0x0  }
0x236: {  	[sflag:s4] =	ssyncadd.s32 $0xFFFFF200  }
0x237: {  	_ =	swait.ge [sflag:s4], $0xE00  }
0x238: {  	[sflag:s4] =	ssyncset.done $0x0  }
0x239: {  	[sflag:s4] =	ssyncadd.s32 $0xFFFFF200  }
0x23a: {  	_ =	swait.ge [sflag:s4], $0xE00  }
0x23b: {  	[sflag:s4] =	ssyncset.done $0x0  }
0x23c: {  	[sflag:s4] =	ssyncadd.s32 $0xFFFFF200  }
0x23d: {  	_ =	swait.ge [sflag:s4], $0xE00  }
0x23e: {  	[sflag:s4] =	ssyncset.done $0x0  }
0x23f: {  	[sflag:s4] =	ssyncadd.s32 $0xFFFFF200  }
0x240: {  	_ =	swait.ge [sflag:s4], $0xE00  }
0x241: {  	[sflag:s4] =	ssyncset.done $0x0  }
0x242: {  	s30 =	rddreg [dreg:$0xb];
	[sflag:s4] =	ssyncadd.s32 $0xFFFFF200  }
0x243: {  	[hbm4b:s30+s2] =	stream.linear.scatter [tilespmem:s28], [sflag:$0x2], $0xE000, $0x38;
	[tilespmem:$0xEE20] =	vst v63  }
0x244: {  	_ =	swait.ge [sflag:s3], $0xE000  }
0x245: {  	[sflag:s3] =	ssyncset.done $0x0  }
0x246: {  	s30 =	rddreg [dreg:$0xc];
	[sflag:s3] =	ssyncadd.s32 $0xFFFF2000  }
0x247: {  	[tilespmem:s2], [sflag:$0x2] =	stream.linear.gather [hbm4b:s30+s2], $0x20, $0x38;
	[tilespmem:$0xEE20] =	vst v63  }
0x248: {  	_ =	swait.ge [sflag:s3], $0x20  }
0x249: {  	[sflag:s3] =	ssyncset.done $0x0  }
0x24a: {  	s30 =	rddreg [dreg:$0x5];
	[sflag:s3] =	ssyncadd.s32 $0xFFFFFFE0  }
0x24b: {  	[tilespmem:s1], [sflag:$0x1] =	stream.indirect.gather [hbm4b:s30+s1], $0x38, s2, s1, $0xb8;
	[tilespmem:$0xEE20] =	vst v63  }
0x24c: {  	_ =	swait.ge [sflag:s4], $0x700  }
0x24d: {  	[sflag:s4] =	ssyncset.done $0x0  }
0x24e: {  	s30 =	rddreg [dreg:$0x6];
	[sflag:s4] =	ssyncadd.s32 $0xFFFFF900  }
0x24f: {  	[tilespmem:s0], [sflag:$0x1] =	stream.indirect.gather [hbm4b:s30+s1], $0x38, s2, s1, $0xb8;
	[tilespmem:$0xEE20] =	vst v63  }
0x250: {  	_ =	swait.ge [sflag:s4], $0x700  }
0x251: {  	[sflag:s4] =	ssyncset.done $0x0  }
0x252: {  	s30 =	rddreg [dreg:$0xd];
	[sflag:s4] =	ssyncadd.s32 $0xFFFFF900  }
0x253: {  	[hbm4b:s30+s2] =	stream.linear.scatter [tilespmem:s1], [sflag:$0x2], $0x700, $0x38;
	[tilespmem:$0xEE20] =	vst v63  }
0x254: {  	_ =	swait.ge [sflag:s3], $0x700  }
0x255: {  	[sflag:s3] =	ssyncset.done $0x0  }
0x256: {  	s30 =	rddreg [dreg:$0xe];
	[sflag:s3] =	ssyncadd.s32 $0xFFFFF900  }
0x257: {  	[hbm4b:s30+s2] =	stream.linear.scatter [tilespmem:s0], [sflag:$0x2], $0x700, $0x38;
	[tilespmem:$0xEE20] =	vst v63  }
0x258: {  	_ =	swait.ge [sflag:s3], $0x700  }
0x259: {  	[sflag:s3] =	ssyncset.done $0x0  }
0x25a: {  	[sflag:s3] =	ssyncadd.s32 $0xFFFFF900  }
0x25b: {  	[tilespmem:s28], [sflag:$0x1] =	stream.indirect.gather [hbm4b:s6+s7], $0x40, s1, s7, $0xb8;
	[tilespmem:$0xEE20] =	vst v63  }
0x25c: {  	s5 =	simm.s32 $0x58  }
0x25d: {  	[tilespmem:s16], [sflag:$0x1] =	stream.indirect.gather [hbm4b:s6+s7], $0x40, s5, s7, $0xb8;
	[tilespmem:$0xEE20] =	vst v63  }
0x25e: {  	_ = 	snop  }
0x25f: {  	[tilespmem:s18], [sflag:$0x1] =	stream.indirect.gather [hbm4b:s6+s7], $0x40, s24, s7, $0xb8;
	[tilespmem:$0xEE20] =	vst v63  }
0x260: {  	s18 =	simm.s32 $0x3820  }
0x261: {  	[tilespmem:s18], [sflag:$0x1] =	stream.indirect.gather [hbm4b:s6+s7], $0x40, s25, s7, $0xb8;
	[tilespmem:$0xEE20] =	vst v63  }
0x262: {  	s5 =	simm.s32 $0x100  }
0x263: {  	[tilespmem:s19], [sflag:$0x1] =	stream.indirect.gather [hbm4b:s6+s7], $0x40, s5, s7, $0xb8;
	[tilespmem:$0xEE20] =	vst v63  }
0x264: {  	_ = 	snop  }
0x265: {  	[tilespmem:s21], [sflag:$0x1] =	stream.indirect.gather [hbm4b:s6+s7], $0x40, s11, s7, $0xb8;
	[tilespmem:$0xEE20] =	vst v63  }
0x266: {  	s21 =	simm.s32 $0x6220  }
0x267: {  	[tilespmem:s21], [sflag:$0x1] =	stream.indirect.gather [hbm4b:s6+s7], $0x40, s14, s7, $0xb8;
	[tilespmem:$0xEE20] =	vst v63  }
0x268: {  	s5 =	simm.s32 $0x1A8  }
0x269: {  	[tilespmem:s31], [sflag:$0x1] =	stream.indirect.gather [hbm4b:s6+s7], $0x40, s5, s7, $0xb8;
	[tilespmem:$0xEE20] =	vst v63  }
0x26a: {  	_ =	swait.ge [sflag:s4], $0xE00  }
0x26b: {  	[sflag:s4] =	ssyncset.done $0x0  }
0x26c: {  	[sflag:s4] =	ssyncadd.s32 $0xFFFFF200  }
0x26d: {  	_ =	swait.ge [sflag:s4], $0xE00  }
0x26e: {  	[sflag:s4] =	ssyncset.done $0x0  }
0x26f: {  	[sflag:s4] =	ssyncadd.s32 $0xFFFFF200  }
0x270: {  	_ =	swait.ge [sflag:s4], $0xE00  }
0x271: {  	[sflag:s4] =	ssyncset.done $0x0  }
0x272: {  	[sflag:s4] =	ssyncadd.s32 $0xFFFFF200  }
0x273: {  	_ =	swait.ge [sflag:s4], $0xE00  }
0x274: {  	[sflag:s4] =	ssyncset.done $0x0  }
0x275: {  	[sflag:s4] =	ssyncadd.s32 $0xFFFFF200  }
0x276: {  	_ =	swait.ge [sflag:s4], $0xE00  }
0x277: {  	[sflag:s4] =	ssyncset.done $0x0  }
0x278: {  	[sflag:s4] =	ssyncadd.s32 $0xFFFFF200  }
0x279: {  	_ =	swait.ge [sflag:s4], $0xE00  }
0x27a: {  	[sflag:s4] =	ssyncset.done $0x0  }
0x27b: {  	[sflag:s4] =	ssyncadd.s32 $0xFFFFF200  }
0x27c: {  	_ =	swait.ge [sflag:s4], $0xE00  }
0x27d: {  	[sflag:s4] =	ssyncset.done $0x0  }
0x27e: {  	[sflag:s4] =	ssyncadd.s32 $0xFFFFF200  }
0x27f: {  	_ =	swait.ge [sflag:s4], $0xE00  }
0x280: {  	[sflag:s4] =	ssyncset.done $0x0  }
0x281: {  	[sflag:s4] =	ssyncadd.s32 $0xFFFFF200  }
0x282: {  	[tilespmem:s9], [sflag:$0x1] =	stream.indirect.gather [hbm4b:s6+s7], $0x40, s23, s7, $0xb8;
	[tilespmem:$0xEE20] =	vst v63  }
0x283: {  	s9 =	simm.s32 $0x8C20  }
0x284: {  	[tilespmem:s9], [sflag:$0x1] =	stream.indirect.gather [hbm4b:s6+s7], $0x40, s8, s7, $0xb8;
	[tilespmem:$0xEE20] =	vst v63  }
0x285: {  	_ = 	snop  }
0x286: {  	[tilespmem:s10], [sflag:$0x1] =	stream.indirect.gather [hbm4b:s6+s7], $0x40, s17, s7, $0xb8;
	[tilespmem:$0xEE20] =	vst v63  }
0x287: {  	s11 =	simm.s32 $0xA820  }
0x288: {  	[tilespmem:s11], [sflag:$0x1] =	stream.indirect.gather [hbm4b:s6+s7], $0x40, s22, s7, $0xb8;
	[tilespmem:$0xEE20] =	vst v63  }
0x289: {  	s5 =	simm.s32 $0x2C0  }
0x28a: {  	[tilespmem:s12], [sflag:$0x1] =	stream.indirect.gather [hbm4b:s6+s7], $0x40, s5, s7, $0xb8;
	[tilespmem:$0xEE20] =	vst v63  }
0x28b: {  	s5 =	simm.s32 $0x2F8  }
0x28c: {  	[tilespmem:s13], [sflag:$0x1] =	stream.indirect.gather [hbm4b:s6+s7], $0x40, s5, s7, $0xb8;
	[tilespmem:$0xEE20] =	vst v63  }
0x28d: {  	s14 =	simm.s32 $0xD220;
	s5 =	simm.s32 $0x330  }
0x28e: {  	[tilespmem:s14], [sflag:$0x1] =	stream.indirect.gather [hbm4b:s6+s7], $0x40, s5, s7, $0xb8;
	[tilespmem:$0xEE20] =	vst v63  }
0x28f: {  	s5 =	simm.s32 $0x368  }
0x290: {  	[tilespmem:s15], [sflag:$0x1] =	stream.indirect.gather [hbm4b:s6+s7], $0x40, s5, s7, $0xb8;
	[tilespmem:$0xEE20] =	vst v63  }
0x291: {  	_ =	swait.ge [sflag:s4], $0xE00  }
0x292: {  	[sflag:s4] =	ssyncset.done $0x0  }
0x293: {  	[sflag:s4] =	ssyncadd.s32 $0xFFFFF200  }
0x294: {  	_ =	swait.ge [sflag:s4], $0xE00  }
0x295: {  	[sflag:s4] =	ssyncset.done $0x0  }
0x296: {  	[sflag:s4] =	ssyncadd.s32 $0xFFFFF200  }
0x297: {  	_ =	swait.ge [sflag:s4], $0xE00  }
0x298: {  	[sflag:s4] =	ssyncset.done $0x0  }
0x299: {  	[sflag:s4] =	ssyncadd.s32 $0xFFFFF200  }
0x29a: {  	_ =	swait.ge [sflag:s4], $0xE00  }
0x29b: {  	[sflag:s4] =	ssyncset.done $0x0  }
0x29c: {  	[sflag:s4] =	ssyncadd.s32 $0xFFFFF200  }
0x29d: {  	_ =	swait.ge [sflag:s4], $0xE00  }
0x29e: {  	[sflag:s4] =	ssyncset.done $0x0  }
0x29f: {  	[sflag:s4] =	ssyncadd.s32 $0xFFFFF200  }
0x2a0: {  	_ =	swait.ge [sflag:s4], $0xE00  }
0x2a1: {  	[sflag:s4] =	ssyncset.done $0x0  }
0x2a2: {  	[sflag:s4] =	ssyncadd.s32 $0xFFFFF200  }
0x2a3: {  	_ =	swait.ge [sflag:s4], $0xE00  }
0x2a4: {  	[sflag:s4] =	ssyncset.done $0x0  }
0x2a5: {  	[sflag:s4] =	ssyncadd.s32 $0xFFFFF200  }
0x2a6: {  	_ =	swait.ge [sflag:s4], $0xE00  }
0x2a7: {  	[sflag:s4] =	ssyncset.done $0x0  }
0x2a8: {  	s30 =	rddreg [dreg:$0xf];
	[sflag:s4] =	ssyncadd.s32 $0xFFFFF200  }
0x2a9: {  	[hbm4b:s30+s2] =	stream.linear.scatter [tilespmem:s28], [sflag:$0x2], $0xE000, $0x38;
	[tilespmem:$0xEE20] =	vst v63  }
0x2aa: {  	_ =	swait.ge [sflag:s3], $0xE000  }
0x2ab: {  	[sflag:s3] =	ssyncset.done $0x0  }
0x2ac: {  	[sflag:s3] =	ssyncadd.s32 $0xFFFF2000  }
0x2ad: {  	[tilespmem:s28], [sflag:$0x1] =	stream.indirect.gather [hbm4b:s6+s7], $0x40, s20, s7, $0xb8;
	[tilespmem:$0xEE20] =	vst v63  }
0x2ae: {  	s5 =	simm.s32 $0x3D8  }
0x2af: {  	[tilespmem:s16], [sflag:$0x1] =	stream.indirect.gather [hbm4b:s6+s7], $0x40, s5, s7, $0xb8;
	[tilespmem:$0xEE20] =	vst v63  }
0x2b0: {  	s0 =	simm.s32 $0x410;
	s17 =	simm.s32 $0x2A20  }
0x2b1: {  	[tilespmem:s17], [sflag:$0x1] =	stream.indirect.gather [hbm4b:s6+s7], $0x40, s0, s7, $0xb8;
	[tilespmem:$0xEE20] =	vst v63  }
0x2b2: {  	s0 =	simm.s32 $0x448  }
0x2b3: {  	[tilespmem:s18], [sflag:$0x1] =	stream.indirect.gather [hbm4b:s6+s7], $0x40, s0, s7, $0xb8;
	[tilespmem:$0xEE20] =	vst v63  }
0x2b4: {  	s0 =	simm.s32 $0x480  }
0x2b5: {  	[tilespmem:s19], [sflag:$0x1] =	stream.indirect.gather [hbm4b:s6+s7], $0x40, s0, s7, $0xb8;
	[tilespmem:$0xEE20] =	vst v63  }
0x2b6: {  	s20 =	simm.s32 $0x5420;
	s0 =	simm.s32 $0x4B8  }
0x2b7: {  	[tilespmem:s20], [sflag:$0x1] =	stream.indirect.gather [hbm4b:s6+s7], $0x40, s0, s7, $0xb8;
	[tilespmem:$0xEE20] =	vst v63  }
0x2b8: {  	s0 =	simm.s32 $0x4F0  }
0x2b9: {  	[tilespmem:s21], [sflag:$0x1] =	stream.indirect.gather [hbm4b:s6+s7], $0x40, s0, s7, $0xb8;
	[tilespmem:$0xEE20] =	vst v63  }
0x2ba: {  	s22 =	simm.s32 $0x7020;
	s0 =	simm.s32 $0x528  }
0x2bb: {  	[tilespmem:s22], [sflag:$0x1] =	stream.indirect.gather [hbm4b:s6+s7], $0x40, s0, s7, $0xb8;
	[tilespmem:$0xEE20] =	vst v63  }
0x2bc: {  	_ =	swait.ge [sflag:s4], $0xE00  }
0x2bd: {  	[sflag:s4] =	ssyncset.done $0x0  }
0x2be: {  	[sflag:s4] =	ssyncadd.s32 $0xFFFFF200  }
0x2bf: {  	_ =	swait.ge [sflag:s4], $0xE00  }
0x2c0: {  	[sflag:s4] =	ssyncset.done $0x0  }
0x2c1: {  	[sflag:s4] =	ssyncadd.s32 $0xFFFFF200  }
0x2c2: {  	_ =	swait.ge [sflag:s4], $0xE00  }
0x2c3: {  	[sflag:s4] =	ssyncset.done $0x0  }
0x2c4: {  	[sflag:s4] =	ssyncadd.s32 $0xFFFFF200  }
0x2c5: {  	_ =	swait.ge [sflag:s4], $0xE00  }
0x2c6: {  	[sflag:s4] =	ssyncset.done $0x0  }
0x2c7: {  	[sflag:s4] =	ssyncadd.s32 $0xFFFFF200  }
0x2c8: {  	_ =	swait.ge [sflag:s4], $0xE00  }
0x2c9: {  	[sflag:s4] =	ssyncset.done $0x0  }
0x2ca: {  	[sflag:s4] =	ssyncadd.s32 $0xFFFFF200  }
0x2cb: {  	_ =	swait.ge [sflag:s4], $0xE00  }
0x2cc: {  	[sflag:s4] =	ssyncset.done $0x0  }
0x2cd: {  	[sflag:s4] =	ssyncadd.s32 $0xFFFFF200  }
0x2ce: {  	_ =	swait.ge [sflag:s4], $0xE00  }
0x2cf: {  	[sflag:s4] =	ssyncset.done $0x0  }
0x2d0: {  	[sflag:s4] =	ssyncadd.s32 $0xFFFFF200  }
0x2d1: {  	_ =	swait.ge [sflag:s4], $0xE00  }
0x2d2: {  	[sflag:s4] =	ssyncset.done $0x0  }
0x2d3: {  	s8 =	simm.s32 $0x7E20;
	s0 =	simm.s32 $0x560;
	[sflag:s4] =	ssyncadd.s32 $0xFFFFF200  }
0x2d4: {  	[tilespmem:s8], [sflag:$0x1] =	stream.indirect.gather [hbm4b:s6+s7], $0x40, s0, s7, $0xb8;
	[tilespmem:$0xEE20] =	vst v63  }
0x2d5: {  	s0 =	simm.s32 $0x598  }
0x2d6: {  	[tilespmem:s9], [sflag:$0x1] =	stream.indirect.gather [hbm4b:s6+s7], $0x40, s0, s7, $0xb8;
	[tilespmem:$0xEE20] =	vst v63  }
0x2d7: {  	s0 =	simm.s32 $0x5D0  }
0x2d8: {  	[tilespmem:s10], [sflag:$0x1] =	stream.indirect.gather [hbm4b:s6+s7], $0x40, s0, s7, $0xb8;
	[tilespmem:$0xEE20] =	vst v63  }
0x2d9: {  	s0 =	simm.s32 $0x608  }
0x2da: {  	[tilespmem:s11], [sflag:$0x1] =	stream.indirect.gather [hbm4b:s6+s7], $0x40, s0, s7, $0xb8;
	[tilespmem:$0xEE20] =	vst v63  }
0x2db: {  	s0 =	simm.s32 $0x640  }
0x2dc: {  	[tilespmem:s12], [sflag:$0x1] =	stream.indirect.gather [hbm4b:s6+s7], $0x40, s0, s7, $0xb8;
	[tilespmem:$0xEE20] =	vst v63  }
0x2dd: {  	s0 =	simm.s32 $0x678  }
0x2de: {  	[tilespmem:s13], [sflag:$0x1] =	stream.indirect.gather [hbm4b:s6+s7], $0x40, s0, s7, $0xb8;
	[tilespmem:$0xEE20] =	vst v63  }
0x2df: {  	s0 =	simm.s32 $0x6B0  }
0x2e0: {  	[tilespmem:s14], [sflag:$0x1] =	stream.indirect.gather [hbm4b:s6+s7], $0x40, s0, s7, $0xb8;
	[tilespmem:$0xEE20] =	vst v63  }
0x2e1: {  	s0 =	simm.s32 $0x6E8  }
0x2e2: {  	[tilespmem:s15], [sflag:$0x1] =	stream.indirect.gather [hbm4b:s6+s7], $0x40, s0, s7, $0xb8;
	[tilespmem:$0xEE20] =	vst v63  }
0x2e3: {  	_ =	swait.ge [sflag:s4], $0xE00  }
0x2e4: {  	[sflag:s4] =	ssyncset.done $0x0  }
0x2e5: {  	[sflag:s4] =	ssyncadd.s32 $0xFFFFF200  }
0x2e6: {  	_ =	swait.ge [sflag:s4], $0xE00  }
0x2e7: {  	[sflag:s4] =	ssyncset.done $0x0  }
0x2e8: {  	[sflag:s4] =	ssyncadd.s32 $0xFFFFF200  }
0x2e9: {  	_ =	swait.ge [sflag:s4], $0xE00  }
0x2ea: {  	[sflag:s4] =	ssyncset.done $0x0  }
0x2eb: {  	[sflag:s4] =	ssyncadd.s32 $0xFFFFF200  }
0x2ec: {  	_ =	swait.ge [sflag:s4], $0xE00  }
0x2ed: {  	[sflag:s4] =	ssyncset.done $0x0  }
0x2ee: {  	[sflag:s4] =	ssyncadd.s32 $0xFFFFF200  }
0x2ef: {  	_ =	swait.ge [sflag:s4], $0xE00  }
0x2f0: {  	[sflag:s4] =	ssyncset.done $0x0  }
0x2f1: {  	[sflag:s4] =	ssyncadd.s32 $0xFFFFF200  }
0x2f2: {  	_ =	swait.ge [sflag:s4], $0xE00  }
0x2f3: {  	[sflag:s4] =	ssyncset.done $0x0  }
0x2f4: {  	[sflag:s4] =	ssyncadd.s32 $0xFFFFF200  }
0x2f5: {  	_ =	swait.ge [sflag:s4], $0xE00  }
0x2f6: {  	[sflag:s4] =	ssyncset.done $0x0  }
0x2f7: {  	[sflag:s4] =	ssyncadd.s32 $0xFFFFF200  }
0x2f8: {  	p1 =	sne.s32 s29, $0x1;
	_ =	swait.ge [sflag:s4], $0xE00  }
.Ltmp2:
0x2f9: {  	[sflag:s4] =	ssyncset.done $0x0;
	(pc) =	sbr.rel @p1 .LBB2_3-.Ltmp2, $4  }
0x2fa: {  	s5 =	simm.s32 $0xE20;
	s30 =	rddreg [dreg:$0x10];
	[sflag:s4] =	ssyncadd.s32 $0xFFFFF200  }
0x2fb: {  	[hbm4b:s30+s2] =	stream.linear.scatter [tilespmem:s5], [sflag:$0x2], $0xE000, $0x38;
	[tilespmem:$0xEE20] =	vst v63  }
0x2fc: {  	_ =	swait.ge [sflag:s3], $0xE000  }
0x2fd: {  	s29 =	sadd.s32 $0xFFFFFFFF, s29;
	s30 =	rddreg [dreg:$0x7];
	[sflag:s3] =	ssyncset.done $0x0  }
0x2fe: {  	s31 =	simm.s32 $0x720;
	s28 =	simm.s32 $0x20  }
.LBB2_5:
0x2ff: {  	[sflag:s3] =	ssyncadd.s32 @p0 $0xFFFF2000  }
0x300: {  	[tilespmem:s2], [sflag:$0x2] =	stream.linear.gather [hbm4b:s30+s2], $0x20, $0x38;
	[tilespmem:$0xEE20] =	vst v63  }
0x301: {  	_ =	swait.ge [sflag:s3], $0x20  }
0x302: {  	[sflag:s3] =	ssyncset.done $0x0  }
0x303: {  	s29 =	rddreg [dreg:$0x3];
	[sflag:s3] =	ssyncadd.s32 $0xFFFFFFE0  }
0x304: {  	[tilespmem:s28], [sflag:$0x1] =	stream.indirect.gather [hbm4b:s29+s28], $0x38, s2, s28, $0xb8;
	[tilespmem:$0xEE20] =	vst v63  }
0x305: {  	_ =	swait.ge [sflag:s4], $0x700  }
0x306: {  	[sflag:s4] =	ssyncset.done $0x0  }
0x307: {  	s0 =	rddreg [dreg:$0x4];
	[sflag:s4] =	ssyncadd.s32 $0xFFFFF900  }
0x308: {  	[tilespmem:s31], [sflag:$0x1] =	stream.indirect.gather [hbm4b:s0+s28], $0x38, s2, s28, $0xb8;
	[tilespmem:$0xEE20] =	vst v63  }
0x309: {  	_ =	swait.ge [sflag:s4], $0x700  }
0x30a: {  	[sflag:s4] =	ssyncset.done $0x0  }
0x30b: {  	s1 =	rddreg [dreg:$0x8];
	[sflag:s4] =	ssyncadd.s32 $0xFFFFF900  }
0x30c: {  	[hbm4b:s1+s2] =	stream.linear.scatter [tilespmem:s28], [sflag:$0x2], $0x700, $0x38;
	[tilespmem:$0xEE20] =	vst v63  }
0x30d: {  	_ =	swait.ge [sflag:s3], $0x700  }
0x30e: {  	[sflag:s3] =	ssyncset.done $0x0  }
0x30f: {  	s23 =	rddreg [dreg:$0x9];
	[sflag:s3] =	ssyncadd.s32 $0xFFFFF900  }
0x310: {  	[hbm4b:s23+s2] =	stream.linear.scatter [tilespmem:s31], [sflag:$0x2], $0x700, $0x38;
	[tilespmem:$0xEE20] =	vst v63  }
0x311: {  	_ =	swait.ge [sflag:s3], $0x700  }
0x312: {  	[sflag:s3] =	ssyncset.done $0x0  }
0x313: {  	[sflag:s3] =	ssyncadd.s32 $0xFFFFF900  }
0x314: {  	[tilespmem:s5], [sflag:$0x1] =	stream.indirect.gather [hbm4b:s26+s7], $0x40, s28, s7, $0xb8;
	[tilespmem:$0xEE20] =	vst v63  }
0x315: {  	s0 =	simm.s32 $0x58  }
0x316: {  	[tilespmem:s16], [sflag:$0x1] =	stream.indirect.gather [hbm4b:s26+s7], $0x40, s0, s7, $0xb8;
	[tilespmem:$0xEE20] =	vst v63  }
0x317: {  	s24 =	simm.s32 $0x90  }
0x318: {  	[tilespmem:s17], [sflag:$0x1] =	stream.indirect.gather [hbm4b:s26+s7], $0x40, s24, s7, $0xb8;
	[tilespmem:$0xEE20] =	vst v63  }
0x319: {  	s25 =	simm.s32 $0xC8  }
0x31a: {  	[tilespmem:s18], [sflag:$0x1] =	stream.indirect.gather [hbm4b:s26+s7], $0x40, s25, s7, $0xb8;
	[tilespmem:$0xEE20] =	vst v63  }
0x31b: {  	s29 =	simm.s32 $0x100  }
0x31c: {  	[tilespmem:s19], [sflag:$0x1] =	stream.indirect.gather [hbm4b:s26+s7], $0x40, s29, s7, $0xb8;
	[tilespmem:$0xEE20] =	vst v63  }
0x31d: {  	s1 =	simm.s32 $0x138  }
0x31e: {  	[tilespmem:s20], [sflag:$0x1] =	stream.indirect.gather [hbm4b:s26+s7], $0x40, s1, s7, $0xb8;
	[tilespmem:$0xEE20] =	vst v63  }
0x31f: {  	s23 =	simm.s32 $0x170  }
0x320: {  	[tilespmem:s21], [sflag:$0x1] =	stream.indirect.gather [hbm4b:s26+s7], $0x40, s23, s7, $0xb8;
	[tilespmem:$0xEE20] =	vst v63  }
0x321: {  	s0 =	simm.s32 $0x1A8  }
0x322: {  	[tilespmem:s22], [sflag:$0x1] =	stream.indirect.gather [hbm4b:s26+s7], $0x40, s0, s7, $0xb8;
	[tilespmem:$0xEE20] =	vst v63  }
0x323: {  	_ =	swait.ge [sflag:s4], $0xE00  }
0x324: {  	[sflag:s4] =	ssyncset.done $0x0  }
0x325: {  	[sflag:s4] =	ssyncadd.s32 $0xFFFFF200  }
0x326: {  	_ =	swait.ge [sflag:s4], $0xE00  }
0x327: {  	[sflag:s4] =	ssyncset.done $0x0  }
0x328: {  	[sflag:s4] =	ssyncadd.s32 $0xFFFFF200  }
0x329: {  	_ =	swait.ge [sflag:s4], $0xE00  }
0x32a: {  	[sflag:s4] =	ssyncset.done $0x0  }
0x32b: {  	[sflag:s4] =	ssyncadd.s32 $0xFFFFF200  }
0x32c: {  	_ =	swait.ge [sflag:s4], $0xE00  }
0x32d: {  	[sflag:s4] =	ssyncset.done $0x0  }
0x32e: {  	[sflag:s4] =	ssyncadd.s32 $0xFFFFF200  }
0x32f: {  	_ =	swait.ge [sflag:s4], $0xE00  }
0x330: {  	[sflag:s4] =	ssyncset.done $0x0  }
0x331: {  	[sflag:s4] =	ssyncadd.s32 $0xFFFFF200  }
0x332: {  	_ =	swait.ge [sflag:s4], $0xE00  }
0x333: {  	[sflag:s4] =	ssyncset.done $0x0  }
0x334: {  	[sflag:s4] =	ssyncadd.s32 $0xFFFFF200  }
0x335: {  	_ =	swait.ge [sflag:s4], $0xE00  }
0x336: {  	[sflag:s4] =	ssyncset.done $0x0  }
0x337: {  	[sflag:s4] =	ssyncadd.s32 $0xFFFFF200  }
0x338: {  	_ =	swait.ge [sflag:s4], $0xE00  }
0x339: {  	[sflag:s4] =	ssyncset.done $0x0  }
0x33a: {  	s24 =	simm.s32 $0x1E0;
	[sflag:s4] =	ssyncadd.s32 $0xFFFFF200  }
0x33b: {  	[tilespmem:s8], [sflag:$0x1] =	stream.indirect.gather [hbm4b:s26+s7], $0x40, s24, s7, $0xb8;
	[tilespmem:$0xEE20] =	vst v63  }
0x33c: {  	s30 =	simm.s32 $0x218  }
0x33d: {  	[tilespmem:s9], [sflag:$0x1] =	stream.indirect.gather [hbm4b:s26+s7], $0x40, s30, s7, $0xb8;
	[tilespmem:$0xEE20] =	vst v63  }
0x33e: {  	s25 =	simm.s32 $0x250  }
0x33f: {  	[tilespmem:s10], [sflag:$0x1] =	stream.indirect.gather [hbm4b:s26+s7], $0x40, s25, s7, $0xb8;
	[tilespmem:$0xEE20] =	vst v63  }
0x340: {  	s29 =	simm.s32 $0x288  }
0x341: {  	[tilespmem:s11], [sflag:$0x1] =	stream.indirect.gather [hbm4b:s26+s7], $0x40, s29, s7, $0xb8;
	[tilespmem:$0xEE20] =	vst v63  }
0x342: {  	s30 =	simm.s32 $0x2C0  }
0x343: {  	[tilespmem:s12], [sflag:$0x1] =	stream.indirect.gather [hbm4b:s26+s7], $0x40, s30, s7, $0xb8;
	[tilespmem:$0xEE20] =	vst v63  }
0x344: {  	s25 =	simm.s32 $0x2F8  }
0x345: {  	[tilespmem:s13], [sflag:$0x1] =	stream.indirect.gather [hbm4b:s26+s7], $0x40, s25, s7, $0xb8;
	[tilespmem:$0xEE20] =	vst v63  }
0x346: {  	s29 =	simm.s32 $0x330  }
0x347: {  	[tilespmem:s14], [sflag:$0x1] =	stream.indirect.gather [hbm4b:s26+s7], $0x40, s29, s7, $0xb8;
	[tilespmem:$0xEE20] =	vst v63  }
0x348: {  	s30 =	simm.s32 $0x368  }
0x349: {  	[tilespmem:s15], [sflag:$0x1] =	stream.indirect.gather [hbm4b:s26+s7], $0x40, s30, s7, $0xb8;
	[tilespmem:$0xEE20] =	vst v63  }
0x34a: {  	_ =	swait.ge [sflag:s4], $0xE00  }
0x34b: {  	[sflag:s4] =	ssyncset.done $0x0  }
0x34c: {  	[sflag:s4] =	ssyncadd.s32 $0xFFFFF200  }
0x34d: {  	_ =	swait.ge [sflag:s4], $0xE00  }
0x34e: {  	[sflag:s4] =	ssyncset.done $0x0  }
0x34f: {  	[sflag:s4] =	ssyncadd.s32 $0xFFFFF200  }
0x350: {  	_ =	swait.ge [sflag:s4], $0xE00  }
0x351: {  	[sflag:s4] =	ssyncset.done $0x0  }
0x352: {  	[sflag:s4] =	ssyncadd.s32 $0xFFFFF200  }
0x353: {  	_ =	swait.ge [sflag:s4], $0xE00  }
0x354: {  	[sflag:s4] =	ssyncset.done $0x0  }
0x355: {  	[sflag:s4] =	ssyncadd.s32 $0xFFFFF200  }
0x356: {  	_ =	swait.ge [sflag:s4], $0xE00  }
0x357: {  	[sflag:s4] =	ssyncset.done $0x0  }
0x358: {  	[sflag:s4] =	ssyncadd.s32 $0xFFFFF200  }
0x359: {  	_ =	swait.ge [sflag:s4], $0xE00  }
0x35a: {  	[sflag:s4] =	ssyncset.done $0x0  }
0x35b: {  	[sflag:s4] =	ssyncadd.s32 $0xFFFFF200  }
0x35c: {  	_ =	swait.ge [sflag:s4], $0xE00  }
0x35d: {  	[sflag:s4] =	ssyncset.done $0x0  }
0x35e: {  	[sflag:s4] =	ssyncadd.s32 $0xFFFFF200  }
0x35f: {  	_ =	swait.ge [sflag:s4], $0xE00  }
0x360: {  	[sflag:s4] =	ssyncset.done $0x0  }
0x361: {  	s25 =	rddreg [dreg:$0xa];
	[sflag:s4] =	ssyncadd.s32 $0xFFFFF200  }
0x362: {  	[hbm4b:s25+s2] =	stream.linear.scatter [tilespmem:s5], [sflag:$0x2], $0xE000, $0x38;
	[tilespmem:$0xEE20] =	vst v63  }
0x363: {  	_ =	swait.ge [sflag:s3], $0xE000  }
0x364: {  	[sflag:s3] =	ssyncset.done $0x0  }
0x365: {  	s29 =	simm.s32 $0x3A0;
	[sflag:s3] =	ssyncadd.s32 $0xFFFF2000  }
0x366: {  	[tilespmem:s5], [sflag:$0x1] =	stream.indirect.gather [hbm4b:s26+s7], $0x40, s29, s7, $0xb8;
	[tilespmem:$0xEE20] =	vst v63  }
0x367: {  	s30 =	simm.s32 $0x3D8  }
0x368: {  	[tilespmem:s16], [sflag:$0x1] =	stream.indirect.gather [hbm4b:s26+s7], $0x40, s30, s7, $0xb8;
	[tilespmem:$0xEE20] =	vst v63  }
0x369: {  	s25 =	simm.s32 $0x410  }
0x36a: {  	[tilespmem:s17], [sflag:$0x1] =	stream.indirect.gather [hbm4b:s26+s7], $0x40, s25, s7, $0xb8;
	[tilespmem:$0xEE20] =	vst v63  }
0x36b: {  	s29 =	simm.s32 $0x448  }
0x36c: {  	[tilespmem:s18], [sflag:$0x1] =	stream.indirect.gather [hbm4b:s26+s7], $0x40, s29, s7, $0xb8;
	[tilespmem:$0xEE20] =	vst v63  }
0x36d: {  	s30 =	simm.s32 $0x480  }
0x36e: {  	[tilespmem:s19], [sflag:$0x1] =	stream.indirect.gather [hbm4b:s26+s7], $0x40, s30, s7, $0xb8;
	[tilespmem:$0xEE20] =	vst v63  }
0x36f: {  	s25 =	simm.s32 $0x4B8  }
0x370: {  	[tilespmem:s20], [sflag:$0x1] =	stream.indirect.gather [hbm4b:s26+s7], $0x40, s25, s7, $0xb8;
	[tilespmem:$0xEE20] =	vst v63  }
0x371: {  	s29 =	simm.s32 $0x4F0  }
0x372: {  	[tilespmem:s21], [sflag:$0x1] =	stream.indirect.gather [hbm4b:s26+s7], $0x40, s29, s7, $0xb8;
	[tilespmem:$0xEE20] =	vst v63  }
0x373: {  	s30 =	simm.s32 $0x528  }
0x374: {  	[tilespmem:s22], [sflag:$0x1] =	stream.indirect.gather [hbm4b:s26+s7], $0x40, s30, s7, $0xb8;
	[tilespmem:$0xEE20] =	vst v63  }
0x375: {  	_ =	swait.ge [sflag:s4], $0xE00  }
0x376: {  	[sflag:s4] =	ssyncset.done $0x0  }
0x377: {  	[sflag:s4] =	ssyncadd.s32 $0xFFFFF200  }
0x378: {  	_ =	swait.ge [sflag:s4], $0xE00  }
0x379: {  	[sflag:s4] =	ssyncset.done $0x0  }
0x37a: {  	[sflag:s4] =	ssyncadd.s32 $0xFFFFF200  }
0x37b: {  	_ =	swait.ge [sflag:s4], $0xE00  }
0x37c: {  	[sflag:s4] =	ssyncset.done $0x0  }
0x37d: {  	[sflag:s4] =	ssyncadd.s32 $0xFFFFF200  }
0x37e: {  	_ =	swait.ge [sflag:s4], $0xE00  }
0x37f: {  	[sflag:s4] =	ssyncset.done $0x0  }
0x380: {  	[sflag:s4] =	ssyncadd.s32 $0xFFFFF200  }
0x381: {  	_ =	swait.ge [sflag:s4], $0xE00  }
0x382: {  	[sflag:s4] =	ssyncset.done $0x0  }
0x383: {  	[sflag:s4] =	ssyncadd.s32 $0xFFFFF200  }
0x384: {  	_ =	swait.ge [sflag:s4], $0xE00  }
0x385: {  	[sflag:s4] =	ssyncset.done $0x0  }
0x386: {  	[sflag:s4] =	ssyncadd.s32 $0xFFFFF200  }
0x387: {  	_ =	swait.ge [sflag:s4], $0xE00  }
0x388: {  	[sflag:s4] =	ssyncset.done $0x0  }
0x389: {  	[sflag:s4] =	ssyncadd.s32 $0xFFFFF200  }
0x38a: {  	_ =	swait.ge [sflag:s4], $0xE00  }
0x38b: {  	[sflag:s4] =	ssyncset.done $0x0  }
0x38c: {  	s29 =	simm.s32 $0x560;
	[sflag:s4] =	ssyncadd.s32 $0xFFFFF200  }
0x38d: {  	[tilespmem:s8], [sflag:$0x1] =	stream.indirect.gather [hbm4b:s26+s7], $0x40, s29, s7, $0xb8;
	[tilespmem:$0xEE20] =	vst v63  }
0x38e: {  	s25 =	simm.s32 $0x598  }
0x38f: {  	[tilespmem:s9], [sflag:$0x1] =	stream.indirect.gather [hbm4b:s26+s7], $0x40, s25, s7, $0xb8;
	[tilespmem:$0xEE20] =	vst v63  }
0x390: {  	s30 =	simm.s32 $0x5D0  }
0x391: {  	[tilespmem:s10], [sflag:$0x1] =	stream.indirect.gather [hbm4b:s26+s7], $0x40, s30, s7, $0xb8;
	[tilespmem:$0xEE20] =	vst v63  }
0x392: {  	s25 =	simm.s32 $0x608  }
0x393: {  	[tilespmem:s11], [sflag:$0x1] =	stream.indirect.gather [hbm4b:s26+s7], $0x40, s25, s7, $0xb8;
	[tilespmem:$0xEE20] =	vst v63  }
0x394: {  	s25 =	simm.s32 $0x640  }
0x395: {  	[tilespmem:s12], [sflag:$0x1] =	stream.indirect.gather [hbm4b:s26+s7], $0x40, s25, s7, $0xb8;
	[tilespmem:$0xEE20] =	vst v63  }
0x396: {  	s30 =	simm.s32 $0x678  }
0x397: {  	[tilespmem:s13], [sflag:$0x1] =	stream.indirect.gather [hbm4b:s26+s7], $0x40, s30, s7, $0xb8;
	[tilespmem:$0xEE20] =	vst v63  }
0x398: {  	s24 =	simm.s32 $0x6B0  }
0x399: {  	[tilespmem:s14], [sflag:$0x1] =	stream.indirect.gather [hbm4b:s26+s7], $0x40, s24, s7, $0xb8;
	[tilespmem:$0xEE20] =	vst v63  }
0x39a: {  	s24 =	simm.s32 $0x6E8  }
0x39b: {  	[tilespmem:s15], [sflag:$0x1] =	stream.indirect.gather [hbm4b:s26+s7], $0x40, s24, s7, $0xb8;
	[tilespmem:$0xEE20] =	vst v63  }
0x39c: {  	_ =	swait.ge [sflag:s4], $0xE00  }
0x39d: {  	[sflag:s4] =	ssyncset.done $0x0  }
0x39e: {  	[sflag:s4] =	ssyncadd.s32 $0xFFFFF200  }
0x39f: {  	_ =	swait.ge [sflag:s4], $0xE00  }
0x3a0: {  	[sflag:s4] =	ssyncset.done $0x0  }
0x3a1: {  	[sflag:s4] =	ssyncadd.s32 $0xFFFFF200  }
0x3a2: {  	_ =	swait.ge [sflag:s4], $0xE00  }
0x3a3: {  	[sflag:s4] =	ssyncset.done $0x0  }
0x3a4: {  	[sflag:s4] =	ssyncadd.s32 $0xFFFFF200  }
0x3a5: {  	_ =	swait.ge [sflag:s4], $0xE00  }
0x3a6: {  	[sflag:s4] =	ssyncset.done $0x0  }
0x3a7: {  	[sflag:s4] =	ssyncadd.s32 $0xFFFFF200  }
0x3a8: {  	_ =	swait.ge [sflag:s4], $0xE00  }
0x3a9: {  	[sflag:s4] =	ssyncset.done $0x0  }
0x3aa: {  	[sflag:s4] =	ssyncadd.s32 $0xFFFFF200  }
0x3ab: {  	_ =	swait.ge [sflag:s4], $0xE00  }
0x3ac: {  	[sflag:s4] =	ssyncset.done $0x0  }
0x3ad: {  	[sflag:s4] =	ssyncadd.s32 $0xFFFFF200  }
0x3ae: {  	_ =	swait.ge [sflag:s4], $0xE00  }
0x3af: {  	[sflag:s4] =	ssyncset.done $0x0  }
0x3b0: {  	[sflag:s4] =	ssyncadd.s32 $0xFFFFF200  }
0x3b1: {  	_ =	swait.ge [sflag:s4], $0xE00  }
0x3b2: {  	[sflag:s4] =	ssyncset.done $0x0  }
0x3b3: {  	s26 =	rddreg [dreg:$0xb];
	[sflag:s4] =	ssyncadd.s32 $0xFFFFF200  }
0x3b4: {  	[hbm4b:s26+s2] =	stream.linear.scatter [tilespmem:s5], [sflag:$0x2], $0xE000, $0x38;
	[tilespmem:$0xEE20] =	vst v63  }
0x3b5: {  	_ =	swait.ge [sflag:s3], $0xE000  }
0x3b6: {  	[sflag:s3] =	ssyncset.done $0x0  }
0x3b7: {  	s26 =	rddreg [dreg:$0xc];
	[sflag:s3] =	ssyncadd.s32 $0xFFFF2000  }
0x3b8: {  	[tilespmem:s2], [sflag:$0x2] =	stream.linear.gather [hbm4b:s26+s2], $0x20, $0x38;
	[tilespmem:$0xEE20] =	vst v63  }
0x3b9: {  	_ =	swait.ge [sflag:s3], $0x20  }
0x3ba: {  	[sflag:s3] =	ssyncset.done $0x0  }
0x3bb: {  	s26 =	rddreg [dreg:$0x5];
	[sflag:s3] =	ssyncadd.s32 $0xFFFFFFE0  }
0x3bc: {  	[tilespmem:s28], [sflag:$0x1] =	stream.indirect.gather [hbm4b:s26+s28], $0x38, s2, s28, $0xb8;
	[tilespmem:$0xEE20] =	vst v63  }
0x3bd: {  	_ =	swait.ge [sflag:s4], $0x700  }
0x3be: {  	[sflag:s4] =	ssyncset.done $0x0  }
0x3bf: {  	s26 =	rddreg [dreg:$0x6];
	[sflag:s4] =	ssyncadd.s32 $0xFFFFF900  }
0x3c0: {  	[tilespmem:s31], [sflag:$0x1] =	stream.indirect.gather [hbm4b:s26+s28], $0x38, s2, s28, $0xb8;
	[tilespmem:$0xEE20] =	vst v63  }
0x3c1: {  	_ =	swait.ge [sflag:s4], $0x700  }
0x3c2: {  	[sflag:s4] =	ssyncset.done $0x0  }
0x3c3: {  	s26 =	rddreg [dreg:$0xd];
	[sflag:s4] =	ssyncadd.s32 $0xFFFFF900  }
0x3c4: {  	[hbm4b:s26+s2] =	stream.linear.scatter [tilespmem:s28], [sflag:$0x2], $0x700, $0x38;
	[tilespmem:$0xEE20] =	vst v63  }
0x3c5: {  	_ =	swait.ge [sflag:s3], $0x700  }
0x3c6: {  	[sflag:s3] =	ssyncset.done $0x0  }
0x3c7: {  	s26 =	rddreg [dreg:$0xe];
	[sflag:s3] =	ssyncadd.s32 $0xFFFFF900  }
0x3c8: {  	[hbm4b:s26+s2] =	stream.linear.scatter [tilespmem:s31], [sflag:$0x2], $0x700, $0x38;
	[tilespmem:$0xEE20] =	vst v63  }
0x3c9: {  	_ =	swait.ge [sflag:s3], $0x700  }
0x3ca: {  	[sflag:s3] =	ssyncset.done $0x0  }
0x3cb: {  	[sflag:s3] =	ssyncadd.s32 $0xFFFFF900  }
0x3cc: {  	[tilespmem:s5], [sflag:$0x1] =	stream.indirect.gather [hbm4b:s6+s7], $0x40, s28, s7, $0xb8;
	[tilespmem:$0xEE20] =	vst v63  }
0x3cd: {  	s28 =	simm.s32 $0x58  }
0x3ce: {  	[tilespmem:s16], [sflag:$0x1] =	stream.indirect.gather [hbm4b:s6+s7], $0x40, s28, s7, $0xb8;
	[tilespmem:$0xEE20] =	vst v63  }
0x3cf: {  	s31 =	simm.s32 $0x90  }
0x3d0: {  	[tilespmem:s17], [sflag:$0x1] =	stream.indirect.gather [hbm4b:s6+s7], $0x40, s31, s7, $0xb8;
	[tilespmem:$0xEE20] =	vst v63  }
0x3d1: {  	s28 =	simm.s32 $0xC8  }
0x3d2: {  	[tilespmem:s18], [sflag:$0x1] =	stream.indirect.gather [hbm4b:s6+s7], $0x40, s28, s7, $0xb8;
	[tilespmem:$0xEE20] =	vst v63  }
0x3d3: {  	s31 =	simm.s32 $0x100  }
0x3d4: {  	[tilespmem:s19], [sflag:$0x1] =	stream.indirect.gather [hbm4b:s6+s7], $0x40, s31, s7, $0xb8;
	[tilespmem:$0xEE20] =	vst v63  }
0x3d5: {  	_ = 	snop  }
0x3d6: {  	[tilespmem:s20], [sflag:$0x1] =	stream.indirect.gather [hbm4b:s6+s7], $0x40, s1, s7, $0xb8;
	[tilespmem:$0xEE20] =	vst v63  }
0x3d7: {  	_ = 	snop  }
0x3d8: {  	[tilespmem:s21], [sflag:$0x1] =	stream.indirect.gather [hbm4b:s6+s7], $0x40, s23, s7, $0xb8;
	[tilespmem:$0xEE20] =	vst v63  }
0x3d9: {  	_ = 	snop  }
0x3da: {  	[tilespmem:s22], [sflag:$0x1] =	stream.indirect.gather [hbm4b:s6+s7], $0x40, s0, s7, $0xb8;
	[tilespmem:$0xEE20] =	vst v63  }
0x3db: {  	_ =	swait.ge [sflag:s4], $0xE00  }
0x3dc: {  	[sflag:s4] =	ssyncset.done $0x0  }
0x3dd: {  	[sflag:s4] =	ssyncadd.s32 $0xFFFFF200  }
0x3de: {  	_ =	swait.ge [sflag:s4], $0xE00  }
0x3df: {  	[sflag:s4] =	ssyncset.done $0x0  }
0x3e0: {  	[sflag:s4] =	ssyncadd.s32 $0xFFFFF200  }
0x3e1: {  	_ =	swait.ge [sflag:s4], $0xE00  }
0x3e2: {  	[sflag:s4] =	ssyncset.done $0x0  }
0x3e3: {  	[sflag:s4] =	ssyncadd.s32 $0xFFFFF200  }
0x3e4: {  	_ =	swait.ge [sflag:s4], $0xE00  }
0x3e5: {  	[sflag:s4] =	ssyncset.done $0x0  }
0x3e6: {  	[sflag:s4] =	ssyncadd.s32 $0xFFFFF200  }
0x3e7: {  	_ =	swait.ge [sflag:s4], $0xE00  }
0x3e8: {  	[sflag:s4] =	ssyncset.done $0x0  }
0x3e9: {  	[sflag:s4] =	ssyncadd.s32 $0xFFFFF200  }
0x3ea: {  	_ =	swait.ge [sflag:s4], $0xE00  }
0x3eb: {  	[sflag:s4] =	ssyncset.done $0x0  }
0x3ec: {  	[sflag:s4] =	ssyncadd.s32 $0xFFFFF200  }
0x3ed: {  	_ =	swait.ge [sflag:s4], $0xE00  }
0x3ee: {  	[sflag:s4] =	ssyncset.done $0x0  }
0x3ef: {  	[sflag:s4] =	ssyncadd.s32 $0xFFFFF200  }
0x3f0: {  	_ =	swait.ge [sflag:s4], $0xE00  }
0x3f1: {  	[sflag:s4] =	ssyncset.done $0x0  }
0x3f2: {  	s1 =	simm.s32 $0x1E0;
	[sflag:s4] =	ssyncadd.s32 $0xFFFFF200  }
0x3f3: {  	[tilespmem:s8], [sflag:$0x1] =	stream.indirect.gather [hbm4b:s6+s7], $0x40, s1, s7, $0xb8;
	[tilespmem:$0xEE20] =	vst v63  }
0x3f4: {  	s23 =	simm.s32 $0x218  }
0x3f5: {  	[tilespmem:s9], [sflag:$0x1] =	stream.indirect.gather [hbm4b:s6+s7], $0x40, s23, s7, $0xb8;
	[tilespmem:$0xEE20] =	vst v63  }
0x3f6: {  	s26 =	simm.s32 $0x250  }
0x3f7: {  	[tilespmem:s10], [sflag:$0x1] =	stream.indirect.gather [hbm4b:s6+s7], $0x40, s26, s7, $0xb8;
	[tilespmem:$0xEE20] =	vst v63  }
0x3f8: {  	s28 =	simm.s32 $0x288  }
0x3f9: {  	[tilespmem:s11], [sflag:$0x1] =	stream.indirect.gather [hbm4b:s6+s7], $0x40, s28, s7, $0xb8;
	[tilespmem:$0xEE20] =	vst v63  }
0x3fa: {  	s31 =	simm.s32 $0x2C0  }
0x3fb: {  	[tilespmem:s12], [sflag:$0x1] =	stream.indirect.gather [hbm4b:s6+s7], $0x40, s31, s7, $0xb8;
	[tilespmem:$0xEE20] =	vst v63  }
0x3fc: {  	s1 =	simm.s32 $0x2F8  }
0x3fd: {  	[tilespmem:s13], [sflag:$0x1] =	stream.indirect.gather [hbm4b:s6+s7], $0x40, s1, s7, $0xb8;
	[tilespmem:$0xEE20] =	vst v63  }
0x3fe: {  	s23 =	simm.s32 $0x330  }
0x3ff: {  	[tilespmem:s14], [sflag:$0x1] =	stream.indirect.gather [hbm4b:s6+s7], $0x40, s23, s7, $0xb8;
	[tilespmem:$0xEE20] =	vst v63  }
0x400: {  	s26 =	simm.s32 $0x368  }
0x401: {  	[tilespmem:s15], [sflag:$0x1] =	stream.indirect.gather [hbm4b:s6+s7], $0x40, s26, s7, $0xb8;
	[tilespmem:$0xEE20] =	vst v63  }
0x402: {  	_ =	swait.ge [sflag:s4], $0xE00  }
0x403: {  	[sflag:s4] =	ssyncset.done $0x0  }
0x404: {  	[sflag:s4] =	ssyncadd.s32 $0xFFFFF200  }
0x405: {  	_ =	swait.ge [sflag:s4], $0xE00  }
0x406: {  	[sflag:s4] =	ssyncset.done $0x0  }
0x407: {  	[sflag:s4] =	ssyncadd.s32 $0xFFFFF200  }
0x408: {  	_ =	swait.ge [sflag:s4], $0xE00  }
0x409: {  	[sflag:s4] =	ssyncset.done $0x0  }
0x40a: {  	[sflag:s4] =	ssyncadd.s32 $0xFFFFF200  }
0x40b: {  	_ =	swait.ge [sflag:s4], $0xE00  }
0x40c: {  	[sflag:s4] =	ssyncset.done $0x0  }
0x40d: {  	[sflag:s4] =	ssyncadd.s32 $0xFFFFF200  }
0x40e: {  	_ =	swait.ge [sflag:s4], $0xE00  }
0x40f: {  	[sflag:s4] =	ssyncset.done $0x0  }
0x410: {  	[sflag:s4] =	ssyncadd.s32 $0xFFFFF200  }
0x411: {  	_ =	swait.ge [sflag:s4], $0xE00  }
0x412: {  	[sflag:s4] =	ssyncset.done $0x0  }
0x413: {  	[sflag:s4] =	ssyncadd.s32 $0xFFFFF200  }
0x414: {  	_ =	swait.ge [sflag:s4], $0xE00  }
0x415: {  	[sflag:s4] =	ssyncset.done $0x0  }
0x416: {  	[sflag:s4] =	ssyncadd.s32 $0xFFFFF200  }
0x417: {  	_ =	swait.ge [sflag:s4], $0xE00  }
0x418: {  	[sflag:s4] =	ssyncset.done $0x0  }
0x419: {  	s28 =	rddreg [dreg:$0xf];
	[sflag:s4] =	ssyncadd.s32 $0xFFFFF200  }
0x41a: {  	[hbm4b:s28+s2] =	stream.linear.scatter [tilespmem:s5], [sflag:$0x2], $0xE000, $0x38;
	[tilespmem:$0xEE20] =	vst v63  }
0x41b: {  	_ =	swait.ge [sflag:s3], $0xE000  }
0x41c: {  	[sflag:s3] =	ssyncset.done $0x0  }
0x41d: {  	s31 =	simm.s32 $0x3A0;
	[sflag:s3] =	ssyncadd.s32 $0xFFFF2000  }
0x41e: {  	[tilespmem:s5], [sflag:$0x1] =	stream.indirect.gather [hbm4b:s6+s7], $0x40, s31, s7, $0xb8;
	[tilespmem:$0xEE20] =	vst v63  }
0x41f: {  	s1 =	simm.s32 $0x3D8  }
0x420: {  	[tilespmem:s16], [sflag:$0x1] =	stream.indirect.gather [hbm4b:s6+s7], $0x40, s1, s7, $0xb8;
	[tilespmem:$0xEE20] =	vst v63  }
0x421: {  	s16 =	simm.s32 $0x410  }
0x422: {  	[tilespmem:s17], [sflag:$0x1] =	stream.indirect.gather [hbm4b:s6+s7], $0x40, s16, s7, $0xb8;
	[tilespmem:$0xEE20] =	vst v63  }
0x423: {  	s17 =	simm.s32 $0x448  }
0x424: {  	[tilespmem:s18], [sflag:$0x1] =	stream.indirect.gather [hbm4b:s6+s7], $0x40, s17, s7, $0xb8;
	[tilespmem:$0xEE20] =	vst v63  }
0x425: {  	s18 =	simm.s32 $0x480  }
0x426: {  	[tilespmem:s19], [sflag:$0x1] =	stream.indirect.gather [hbm4b:s6+s7], $0x40, s18, s7, $0xb8;
	[tilespmem:$0xEE20] =	vst v63  }
0x427: {  	s19 =	simm.s32 $0x4B8  }
0x428: {  	[tilespmem:s20], [sflag:$0x1] =	stream.indirect.gather [hbm4b:s6+s7], $0x40, s19, s7, $0xb8;
	[tilespmem:$0xEE20] =	vst v63  }
0x429: {  	s20 =	simm.s32 $0x4F0  }
0x42a: {  	[tilespmem:s21], [sflag:$0x1] =	stream.indirect.gather [hbm4b:s6+s7], $0x40, s20, s7, $0xb8;
	[tilespmem:$0xEE20] =	vst v63  }
0x42b: {  	s21 =	simm.s32 $0x528  }
0x42c: {  	[tilespmem:s22], [sflag:$0x1] =	stream.indirect.gather [hbm4b:s6+s7], $0x40, s21, s7, $0xb8;
	[tilespmem:$0xEE20] =	vst v63  }
0x42d: {  	_ =	swait.ge [sflag:s4], $0xE00  }
0x42e: {  	[sflag:s4] =	ssyncset.done $0x0  }
0x42f: {  	[sflag:s4] =	ssyncadd.s32 $0xFFFFF200  }
0x430: {  	_ =	swait.ge [sflag:s4], $0xE00  }
0x431: {  	[sflag:s4] =	ssyncset.done $0x0  }
0x432: {  	[sflag:s4] =	ssyncadd.s32 $0xFFFFF200  }
0x433: {  	_ =	swait.ge [sflag:s4], $0xE00  }
0x434: {  	[sflag:s4] =	ssyncset.done $0x0  }
0x435: {  	[sflag:s4] =	ssyncadd.s32 $0xFFFFF200  }
0x436: {  	_ =	swait.ge [sflag:s4], $0xE00  }
0x437: {  	[sflag:s4] =	ssyncset.done $0x0  }
0x438: {  	[sflag:s4] =	ssyncadd.s32 $0xFFFFF200  }
0x439: {  	_ =	swait.ge [sflag:s4], $0xE00  }
0x43a: {  	[sflag:s4] =	ssyncset.done $0x0  }
0x43b: {  	[sflag:s4] =	ssyncadd.s32 $0xFFFFF200  }
0x43c: {  	_ =	swait.ge [sflag:s4], $0xE00  }
0x43d: {  	[sflag:s4] =	ssyncset.done $0x0  }
0x43e: {  	[sflag:s4] =	ssyncadd.s32 $0xFFFFF200  }
0x43f: {  	_ =	swait.ge [sflag:s4], $0xE00  }
0x440: {  	[sflag:s4] =	ssyncset.done $0x0  }
0x441: {  	[sflag:s4] =	ssyncadd.s32 $0xFFFFF200  }
0x442: {  	_ =	swait.ge [sflag:s4], $0xE00  }
0x443: {  	[sflag:s4] =	ssyncset.done $0x0  }
0x444: {  	[sflag:s4] =	ssyncadd.s32 $0xFFFFF200  }
0x445: {  	[tilespmem:s8], [sflag:$0x1] =	stream.indirect.gather [hbm4b:s6+s7], $0x40, s29, s7, $0xb8;
	[tilespmem:$0xEE20] =	vst v63  }
0x446: {  	s23 =	simm.s32 $0x598  }
0x447: {  	[tilespmem:s9], [sflag:$0x1] =	stream.indirect.gather [hbm4b:s6+s7], $0x40, s23, s7, $0xb8;
	[tilespmem:$0xEE20] =	vst v63  }
0x448: {  	s26 =	simm.s32 $0x5D0  }
0x449: {  	[tilespmem:s10], [sflag:$0x1] =	stream.indirect.gather [hbm4b:s6+s7], $0x40, s26, s7, $0xb8;
	[tilespmem:$0xEE20] =	vst v63  }
0x44a: {  	s28 =	simm.s32 $0x608  }
0x44b: {  	[tilespmem:s11], [sflag:$0x1] =	stream.indirect.gather [hbm4b:s6+s7], $0x40, s28, s7, $0xb8;
	[tilespmem:$0xEE20] =	vst v63  }
0x44c: {  	_ = 	snop  }
0x44d: {  	[tilespmem:s12], [sflag:$0x1] =	stream.indirect.gather [hbm4b:s6+s7], $0x40, s25, s7, $0xb8;
	[tilespmem:$0xEE20] =	vst v63  }
0x44e: {  	_ = 	snop  }
0x44f: {  	[tilespmem:s13], [sflag:$0x1] =	stream.indirect.gather [hbm4b:s6+s7], $0x40, s30, s7, $0xb8;
	[tilespmem:$0xEE20] =	vst v63  }
0x450: {  	s29 =	simm.s32 $0x6B0  }
0x451: {  	[tilespmem:s14], [sflag:$0x1] =	stream.indirect.gather [hbm4b:s6+s7], $0x40, s29, s7, $0xb8;
	[tilespmem:$0xEE20] =	vst v63  }
0x452: {  	_ = 	snop  }
0x453: {  	[tilespmem:s15], [sflag:$0x1] =	stream.indirect.gather [hbm4b:s6+s7], $0x40, s24, s7, $0xb8;
	[tilespmem:$0xEE20] =	vst v63  }
0x454: {  	_ =	swait.ge [sflag:s4], $0xE00  }
0x455: {  	[sflag:s4] =	ssyncset.done $0x0  }
0x456: {  	[sflag:s4] =	ssyncadd.s32 $0xFFFFF200  }
0x457: {  	_ =	swait.ge [sflag:s4], $0xE00  }
0x458: {  	[sflag:s4] =	ssyncset.done $0x0  }
0x459: {  	[sflag:s4] =	ssyncadd.s32 $0xFFFFF200  }
0x45a: {  	_ =	swait.ge [sflag:s4], $0xE00  }
0x45b: {  	[sflag:s4] =	ssyncset.done $0x0  }
0x45c: {  	[sflag:s4] =	ssyncadd.s32 $0xFFFFF200  }
0x45d: {  	_ =	swait.ge [sflag:s4], $0xE00  }
0x45e: {  	[sflag:s4] =	ssyncset.done $0x0  }
0x45f: {  	[sflag:s4] =	ssyncadd.s32 $0xFFFFF200  }
0x460: {  	_ =	swait.ge [sflag:s4], $0xE00  }
0x461: {  	[sflag:s4] =	ssyncset.done $0x0  }
0x462: {  	[sflag:s4] =	ssyncadd.s32 $0xFFFFF200  }
0x463: {  	_ =	swait.ge [sflag:s4], $0xE00  }
0x464: {  	[sflag:s4] =	ssyncset.done $0x0  }
0x465: {  	[sflag:s4] =	ssyncadd.s32 $0xFFFFF200  }
0x466: {  	_ =	swait.ge [sflag:s4], $0xE00  }
0x467: {  	[sflag:s4] =	ssyncset.done $0x0  }
0x468: {  	[sflag:s4] =	ssyncadd.s32 $0xFFFFF200  }
0x469: {  	_ =	swait.ge [sflag:s4], $0xE00  }
0x46a: {  	[sflag:s4] =	ssyncset.done $0x0  }
0x46b: {  	s30 =	rddreg [dreg:$0x10];
	[sflag:s4] =	ssyncadd.s32 $0xFFFFF200  }
0x46c: {  	[hbm4b:s30+s2] =	stream.linear.scatter [tilespmem:s5], [sflag:$0x2], $0xE000, $0x38;
	[tilespmem:$0xEE20] =	vst v63  }
0x46d: {  	_ =	swait.ge [sflag:s3], $0xE000  }
0x46e: {  	[sflag:s3] =	ssyncset.done $0x0  }
0x46f: {  	[sflag:s3] =	ssyncadd.s32 $0xFFFF2000  }
0x470: {  	_ =	sfence.sel $0x180000  }
0x471: {  	[bflag:$0x0] =	sbarrier.arrive $0xFFFF  }
0x472: {  	_ =	strace $0x90000047  }
0x473: {  	s31 =	stileid.u32;
	[bflag:$0x2] =	sbarrier.arrive $0xFFFF  }
0x474: {  	p0 =	sne.s32 s31, $0x0;
	s0 =	rddreg [dreg:$0x2]  }
0x475: {  	s0 =	sadd.s32 @!p0 $0x100000, s0  }
0x476: {  	[sflag:s0] =	ssyncadd.tile.s32 @!p0 $0x1;
	_ =	shalt  }
.LBB2_6:
.Ltmp3:
0x477: {  	(pc) =	sbr.rel .LBB2_5-.Ltmp3, $2  }
0x478: {  	_ =	sdelay $0x2  }
0x479: {  	s31 =	simm.s32 $0x720;
	s28 =	simm.s32 $0x20  }
.Lfunc_end2:
_tile_overlayer_lowered:
.L_overlay_start_2:
0x47a: {  	(tag) =	ssettag $0x2  }
0x47b: {  	s0 =	rddreg [dreg:$0x0];
	s2 =	stileid.u32  }
0x47c: {  	s1 =	rddreg [dreg:$0x1];
	p0 =	sne.s32 s2, $0x0  }
0x47d: {  	s3 =	rddreg [dreg:$0x2];
	[bflag:$0x3] =	sbarrier.arrive $0xFFFF;
	s2 =	simm.s32 @!p0 $0x1C02  }
0x47e: {  	[timem:s3], [sflag:s2] =	dma.local @!p0 [hbm:s0], s1  }
0x47f: {  	s0 =	simm.s32 @!p0 $0x2  }
0x480: {  	_ =	swait.ge @!p0 [sflag:s0], s1  }
0x481: {  	s1 =	ssub.s32 @!p0 $0x0, s1;
	[sflag:s0] =	ssyncset.done @!p0 $0x0  }
0x482: {  	[sflag:s0] =	ssyncadd.s32 @!p0 s1  }
0x483: {  	[bflag:$0x3] =	sbarrier.arrive $0xFFFF  }
0x484: {  	_ =	shalt  }

</sc_bundles>
